<compile_context>
chip_gen: v7x
topology: tpu7x:2x2x1
jax: 0.10.2.dev20260603
libtpu: 0.0.44.dev20260713+nightly
codegen_flags: <defaults>
</compile_context>

<pallas_src>
import jax
import jax.numpy as jnp
from jax import lax
from jax.experimental import pallas as pl
from jax.experimental.pallas import tpu as pltpu
from jax.experimental.pallas import tpu_sc as plsc

NUM_USERS = 50000
NUM_ITEMS = 50000
N_NODES = NUM_USERS + NUM_ITEMS
N_EDGES = 1600000
D = 32
H = 16
N_LAYERS = 3
B = 4096

NC = 2
NS = 16
EPT = N_EDGES // NS
BLK = 400
NBLK = EPT // BLK
NB2 = NBLK // 2
N_PAD = 100096
STRIPE = N_PAD // NS
GB = (2 * B) // NS


def _sc_body(emb0, src, dst, w, uidx, iidx, zeros_h, e1, e2, e3, out,
             acc, sidx_a, sidx_b, didx, w_a, w_b, rows_a, rows_b,
             semi_a, semi_b, semg_a, semg_b, sems_a, sems_b):
    cid = lax.axis_index("c")
    sid = lax.axis_index("s")
    stripe_base = sid * STRIPE

    def issue_idx(n, sidx_s, w_s, semi_s):
        ebase = sid * EPT + n * BLK
        pltpu.async_copy(src.at[pl.ds(ebase, BLK)], sidx_s, semi_s)
        pltpu.async_copy(dst.at[pl.ds(ebase, BLK)], didx.at[lax.rem(n, 4)],
                         semi_s)
        pltpu.async_copy(w.at[pl.ds(ebase, BLK)], w_s.at[pl.ds(0, BLK)],
                         semi_s)

    def wait_idx(n, sidx_s, w_s, semi_s):
        ebase = sid * EPT + n * BLK
        pltpu.make_async_copy(src.at[pl.ds(ebase, BLK)], sidx_s,
                              semi_s).wait()
        pltpu.make_async_copy(dst.at[pl.ds(ebase, BLK)],
                              didx.at[lax.rem(n, 4)], semi_s).wait()
        pltpu.make_async_copy(w.at[pl.ds(ebase, BLK)],
                              w_s.at[pl.ds(0, BLK)], semi_s).wait()

    HB = BLK // 2

    def issue_gather(tin, sidx_s, rows_s, semg_s):
        pltpu.async_copy(tin.at[cid].at[sidx_s.at[pl.ds(0, HB)]],
                         rows_s.at[pl.ds(0, HB)], semg_s)
        pltpu.async_copy(tin.at[cid].at[sidx_s.at[pl.ds(HB, HB)]],
                         rows_s.at[pl.ds(HB, HB)], semg_s)

    def wait_gather(tin, sidx_s, rows_s, semg_s):
        pltpu.make_async_copy(tin.at[cid].at[sidx_s.at[pl.ds(0, HB)]],
                              rows_s.at[pl.ds(0, HB)], semg_s).wait()
        pltpu.make_async_copy(tin.at[cid].at[sidx_s.at[pl.ds(HB, HB)]],
                              rows_s.at[pl.ds(HB, HB)], semg_s).wait()

    def issue_scatter(n, rows_s, sems_s):
        pltpu.async_copy(rows_s, acc.at[didx.at[lax.rem(n, 4)]], sems_s,
                         add=True)

    def wait_scatter(n, rows_s, sems_s):
        pltpu.make_async_copy(rows_s, acc.at[didx.at[lax.rem(n, 4)]],
                              sems_s).wait()

    def multiply(rows_s, w_s):
        @plsc.parallel_loop(0, BLK // 16)
        def _mul(g):
            base = g * 16
            wv = w_s[pl.ds(base, 16)]
            for i in range(16):
                rows_s[base + i, :] = rows_s[base + i, :] * wv[i]

    for tin, tout in ((emb0, e1), (e1, e2), (e2, e3)):
        pltpu.sync_copy(zeros_h, acc.at[pl.ds(stripe_base, STRIPE)])
        plsc.subcore_barrier()

        issue_idx(0, sidx_a, w_a, semi_a)
        issue_idx(1, sidx_b, w_b, semi_b)
        wait_idx(0, sidx_a, w_a, semi_a)
        issue_gather(tin, sidx_a, rows_a, semg_a)

        def pipe_body(j, _, tin=tin):
            a = 2 * j
            b = a + 1
            wait_gather(tin, sidx_a, rows_a, semg_a)

            @pl.when(j > 0)
            def _():
                wait_scatter(a - 1, rows_b, sems_b)

            wait_idx(b, sidx_b, w_b, semi_b)
            issue_gather(tin, sidx_b, rows_b, semg_b)
            multiply(rows_a, w_a)
            issue_scatter(a, rows_a, sems_a)

            @pl.when(j < NB2 - 1)
            def _():
                issue_idx(a + 2, sidx_a, w_a, semi_a)

            wait_gather(tin, sidx_b, rows_b, semg_b)
            wait_scatter(a, rows_a, sems_a)

            @pl.when(j < NB2 - 1)
            def _():
                wait_idx(b + 1, sidx_a, w_a, semi_a)
                issue_gather(tin, sidx_a, rows_a, semg_a)

            multiply(rows_b, w_b)
            issue_scatter(b, rows_b, sems_b)

            @pl.when(j < NB2 - 1)
            def _():
                issue_idx(b + 2, sidx_b, w_b, semi_b)

            return 0

        lax.fori_loop(0, NB2, pipe_body, 0)
        wait_scatter(NBLK - 1, rows_b, sems_b)
        plsc.subcore_barrier()
        pltpu.sync_copy(acc.at[pl.ds(stripe_base, STRIPE)],
                        tout.at[cid].at[pl.ds(stripe_base, STRIPE)])

    plsc.subcore_barrier()

    FC = 256
    for ch in range(GB // FC):
        obase = sid * GB + ch * FC

        @pl.when(sid < 8)
        def _():
            pltpu.sync_copy(uidx.at[pl.ds(obase, FC)],
                            sidx_a.at[pl.ds(0, FC)])

        @pl.when(sid >= 8)
        def _():
            pltpu.sync_copy(iidx.at[pl.ds(obase - B, FC)],
                            sidx_a.at[pl.ds(0, FC)])

            @plsc.parallel_loop(0, FC // 16)
            def _off(r):
                sidx_a[pl.ds(r * 16, 16)] = (
                    sidx_a[pl.ds(r * 16, 16)] + jnp.int32(NUM_USERS))

        gidx = sidx_a.at[pl.ds(0, FC)]
        pltpu.async_copy(emb0.at[cid].at[gidx],
                         rows_b.at[pl.ds(0, FC)], semg_a).wait()
        for tbl in (e1, e2, e3):
            pltpu.async_copy(tbl.at[cid].at[gidx],
                             rows_a.at[pl.ds(0, FC)], semg_a).wait()

            @plsc.parallel_loop(0, FC)
            def _acc(r):
                rows_b[r, :] = rows_b[r, :] + rows_a[r, :]

        quarter = jnp.full((16,), 0.25, jnp.float32)

        @plsc.parallel_loop(0, FC)
        def _avg(r):
            rows_b[r, :] = rows_b[r, :] * quarter

        pltpu.sync_copy(rows_b.at[pl.ds(0, FC)],
                        out.at[cid].at[pl.ds(obase, FC)])


_sc_call = pl.kernel(
    _sc_body,
    out_type=(
        jax.ShapeDtypeStruct((NC, N_PAD, H), jnp.float32),
        jax.ShapeDtypeStruct((NC, N_PAD, H), jnp.float32),
        jax.ShapeDtypeStruct((NC, N_PAD, H), jnp.float32),
        jax.ShapeDtypeStruct((NC, 2 * B, H), jnp.float32),
    ),
    mesh=plsc.VectorSubcoreMesh(core_axis_name="c", subcore_axis_name="s"),
    compiler_params=pltpu.CompilerParams(use_tc_tiling_on_sc=False,
                                         needs_layout_passes=False),
    scratch_types=[
        pltpu.VMEM_SHARED((N_PAD, H), jnp.float32),
        pltpu.VMEM((BLK,), jnp.int32),
        pltpu.VMEM((BLK,), jnp.int32),
        pltpu.VMEM((4, BLK), jnp.int32),
        pltpu.VMEM((BLK + 16,), jnp.float32),
        pltpu.VMEM((BLK + 16,), jnp.float32),
        pltpu.VMEM((BLK, H), jnp.float32),
        pltpu.VMEM((BLK, H), jnp.float32),
        pltpu.SemaphoreType.DMA,
        pltpu.SemaphoreType.DMA,
        pltpu.SemaphoreType.DMA,
        pltpu.SemaphoreType.DMA,
        pltpu.SemaphoreType.DMA,
        pltpu.SemaphoreType.DMA,
    ],
)


def _mlp_body(v_ref, w1_ref, b1_ref, w2_ref, b2_ref, wo_ref, bo_ref, o_ref):
    v = v_ref[...]
    h1 = jnp.maximum(
        jnp.dot(v, w1_ref[...], preferred_element_type=jnp.float32)
        + b1_ref[...], 0.0)
    h2 = jnp.maximum(
        jnp.dot(h1, w2_ref[...], preferred_element_type=jnp.float32)
        + b2_ref[...], 0.0)
    logits = jnp.sum(h2 * wo_ref[...].reshape(1, -1), axis=-1,
                     keepdims=True) + bo_ref[...]
    o_ref[...] = jax.nn.sigmoid(logits)


_mlp_call = pl.pallas_call(
    _mlp_body,
    out_shape=jax.ShapeDtypeStruct((B, 1), jnp.float32),
)


@jax.jit
def kernel(users, items, graph_edge_index, graph_edge_weight,
           user_emb, item_emb, W1, b1, W2, b2, Wo, bo):
    all0 = jnp.concatenate([user_emb, item_emb], axis=0)
    embh = all0.reshape(N_NODES, NC, H).transpose(1, 0, 2)
    src = graph_edge_index[0]
    dst = graph_edge_index[1]

    zeros_h = jnp.zeros((STRIPE, H), jnp.float32)
    _, _, e3_unused, pairs = _sc_call(
        embh, src, dst, graph_edge_weight,
        users.astype(jnp.int32), items.astype(jnp.int32), zeros_h)
    del e3_unused

    users_emb = jnp.concatenate([pairs[0, :B], pairs[1, :B]], axis=-1)
    items_emb = jnp.concatenate([pairs[0, B:], pairs[1, B:]], axis=-1)
    vector = jnp.concatenate([users_emb, items_emb], axis=-1)

    return _mlp_call(vector, W1, b1.reshape(1, -1), W2, b2.reshape(1, -1),
                     Wo.reshape(-1), bo.reshape(1, 1))

# --- scband reference (transcript-rebuilt; emitter-appended) ---
"""Pipeline reference for scband-light-gcn-12043088298585 (READ-ONLY COPY).

The authoritative reference and input builder live on the scoring server;
editing this copy changes nothing except your own understanding.
"""

import jax, jax.numpy as jnp
import numpy as np

NUM_USERS = 50000
NUM_ITEMS = 50000
N = NUM_USERS + NUM_ITEMS
E = 1600000
D = 32
N_LAYERS = 3
B = 4096


def setup_inputs(seed: int = 0) -> dict:
    key = jax.random.key(seed)
    ks = jax.random.split(key, 12)
    users = jax.random.randint(ks[0], (B,), 0, NUM_USERS, dtype=jnp.int64 if jax.config.jax_enable_x64 else jnp.int32)
    items = jax.random.randint(ks[1], (B,), 0, NUM_ITEMS, dtype=jnp.int64 if jax.config.jax_enable_x64 else jnp.int32)
    graph_edge_index = jax.random.randint(ks[2], (2, E), 0, N, dtype=jnp.int64 if jax.config.jax_enable_x64 else jnp.int32)
    graph_edge_weight = jax.random.uniform(ks[3], (E,), dtype=jnp.float32)
    user_emb = 0.1 * jax.random.normal(ks[4], (NUM_USERS, D), dtype=jnp.float32)
    item_emb = 0.1 * jax.random.normal(ks[5], (NUM_ITEMS, D), dtype=jnp.float32)
    W1 = 0.1 * jax.random.normal(ks[6], (2 * D, 32), dtype=jnp.float32)
    b1 = jnp.zeros((32,), dtype=jnp.float32)
    W2 = 0.1 * jax.random.normal(ks[7], (32, 16), dtype=jnp.float32)
    b2 = jnp.zeros((16,), dtype=jnp.float32)
    Wo = 0.1 * jax.random.normal(ks[8], (16, 1), dtype=jnp.float32)
    bo = jnp.zeros((1,), dtype=jnp.float32)
    return {
        'users': users, 'items': items,
        'graph_edge_index': graph_edge_index, 'graph_edge_weight': graph_edge_weight,
        'user_emb': user_emb, 'item_emb': item_emb,
        'W1': W1, 'b1': b1, 'W2': W2, 'b2': b2, 'Wo': Wo, 'bo': bo,
    }


def reference(users, items, graph_edge_index, graph_edge_weight,
              user_emb, item_emb, W1, b1, W2, b2, Wo, bo):
    # computer(): LightGCN propagation via sparse mm == weighted scatter-add
    all_emb = jnp.concatenate([user_emb, item_emb], axis=0)
    embs = [all_emb]
    src = graph_edge_index[0]
    dst = graph_edge_index[1]
    for _ in range(N_LAYERS):
        msg = graph_edge_weight[:, None] * jnp.take(all_emb, src, axis=0)
        all_emb = jax.ops.segment_sum(msg, dst, num_segments=N)
        embs.append(all_emb)
    light_out = jnp.mean(jnp.stack(embs, axis=1), axis=1)
    all_users = light_out[:NUM_USERS]
    all_items = light_out[NUM_USERS:]
    users_emb = jnp.take(all_users, users, axis=0)
    items_emb = jnp.take(all_items, items, axis=0)
    vector = jnp.concatenate([users_emb, items_emb], axis=-1)
    vector = jax.nn.relu(vector @ W1 + b1)
    vector = jax.nn.relu(vector @ W2 + b2)
    logits = vector @ Wo + bo
    rating = jax.nn.sigmoid(logits)
    return rating

if __name__ == "__main__":
    import jax
    _d = setup_inputs()
    print(jax.jit(kernel)(*tuple(_d.values())))

</pallas_src>

<mosaic_0001>
#map = affine_map<(d0, d1) -> (0, 0, 0)>
#map1 = affine_map<(d0, d1) -> (0)>
#map2 = affine_map<(d0, d1) -> (0, 0)>
module attributes {stable_mosaic.version = 14 : i64} {
  func.func @_sc_body(%arg0: i32, %arg1: i32, %arg2: memref<2x100000x16xf32, #tpu.memory_space<hbm>>, %arg3: memref<1600000xi32, #tpu.memory_space<hbm>>, %arg4: memref<1600000xi32, #tpu.memory_space<hbm>>, %arg5: memref<1600000xf32, #tpu.memory_space<hbm>>, %arg6: memref<4096xi32, #tpu.memory_space<hbm>>, %arg7: memref<4096xi32, #tpu.memory_space<hbm>>, %arg8: memref<6256x16xf32, #tpu.memory_space<hbm>>, %arg9: memref<2x100096x16xf32, #tpu.memory_space<hbm>>, %arg10: memref<2x100096x16xf32, #tpu.memory_space<hbm>>, %arg11: memref<2x100096x16xf32, #tpu.memory_space<hbm>>, %arg12: memref<2x8192x16xf32, #tpu.memory_space<hbm>>, %arg13: memref<100096x16xf32, #tpu.memory_space<vmem_shared>>, %arg14: memref<400xi32, #tpu.memory_space<vmem>>, %arg15: memref<400xi32, #tpu.memory_space<vmem>>, %arg16: memref<4x400xi32, #tpu.memory_space<vmem>>, %arg17: memref<416xf32, #tpu.memory_space<vmem>>, %arg18: memref<416xf32, #tpu.memory_space<vmem>>, %arg19: memref<400x16xf32, #tpu.memory_space<vmem>>, %arg20: memref<400x16xf32, #tpu.memory_space<vmem>>, %arg21: memref<!tpu.dma_semaphore, #tpu.memory_space<semaphore_mem>>, %arg22: memref<!tpu.dma_semaphore, #tpu.memory_space<semaphore_mem>>, %arg23: memref<!tpu.dma_semaphore, #tpu.memory_space<semaphore_mem>>, %arg24: memref<!tpu.dma_semaphore, #tpu.memory_space<semaphore_mem>>, %arg25: memref<!tpu.dma_semaphore, #tpu.memory_space<semaphore_mem>>, %arg26: memref<!tpu.dma_semaphore, #tpu.memory_space<semaphore_mem>>) attributes {dimension_semantics = [#tpu.dimension_semantics<core_parallel>, #tpu.dimension_semantics<subcore_parallel>], iteration_bounds = array<i64: 2, 16>, scalar_prefetch = 0 : i64, scratch_operands = 14 : i64, tpu.core_type = #tpu.core_type<sc_vector_subcore>, window_params = [{transform_indices = #map}, {transform_indices = #map1}, {transform_indices = #map1}, {transform_indices = #map1}, {transform_indices = #map1}, {transform_indices = #map1}, {transform_indices = #map2}, {transform_indices = #map}, {transform_indices = #map}, {transform_indices = #map}, {transform_indices = #map}]} {
    %mul3A = arith.constant 6256 : i32
    %mul3A_0 = arith.muli %arg1, %mul3A : i32
    "tpu.region"() ({
      %run_scoped3A = tpu.sem_alloc : memref<!tpu.dma_semaphore, #tpu.memory_space<semaphore_mem>>
      %dma_start3A_571 = arith.constant 0 : i32
      %dma_start3A_572 = tpu.memref_slice %arg13[%mul3A_0, %dma_start3A_571] : memref<100096x16xf32, #tpu.memory_space<vmem_shared>> -> memref<6256x16xf32, #tpu.memory_space<vmem_shared>>
      tpu.enqueue_dma source(%arg8 : memref<6256x16xf32, #tpu.memory_space<hbm>>) target(%dma_start3A_572 : memref<6256x16xf32, #tpu.memory_space<vmem_shared>>) target_semaphore(%run_scoped3A : memref<!tpu.dma_semaphore, #tpu.memory_space<semaphore_mem>>)
      %dma_wait3A_573 = arith.constant 0 : i32
      %dma_wait3A_574 = tpu.memref_slice %arg13[%mul3A_0, %dma_wait3A_573] : memref<100096x16xf32, #tpu.memory_space<vmem_shared>> -> memref<6256x16xf32, #tpu.memory_space<vmem_shared>>
      tpu.wait_dma2 semaphore(%run_scoped3A : memref<!tpu.dma_semaphore, #tpu.memory_space<semaphore_mem>>) src(%arg8 : memref<6256x16xf32, #tpu.memory_space<hbm>>) dst(%dma_wait3A_574 : memref<6256x16xf32, #tpu.memory_space<vmem_shared>>)
      tpu.yield
    }) : () -> ()
    %barrier3A = arith.constant 0 : index
    tpu.barrier barrier_id(%barrier3A)
    %mul3A_1 = arith.constant 100000 : i32
    %mul3A_2 = arith.muli %arg1, %mul3A_1 : i32
    %add3A = arith.constant 0 : i32
    %add3A_3 = arith.addi %mul3A_2, %add3A : i32
    %dma_start3A = tpu.memref_slice %arg3[%add3A_3] : memref<1600000xi32, #tpu.memory_space<hbm>> -> memref<400xi32, #tpu.memory_space<hbm>>
    %dma_start3A_4 = tpu.memref_slice %arg3[%add3A_3] : memref<1600000xi32, #tpu.memory_space<hbm>> -> memref<400xi32, #tpu.memory_space<hbm>>
    tpu.enqueue_dma source(%dma_start3A_4 : memref<400xi32, #tpu.memory_space<hbm>>) target(%arg14 : memref<400xi32, #tpu.memory_space<vmem>>) target_semaphore(%arg21 : memref<!tpu.dma_semaphore, #tpu.memory_space<semaphore_mem>>)
    %rem3A = arith.constant 0 : i32
    %rem3A_5 = arith.constant 4 : i32
    %rem3A_6 = arith.remsi %rem3A, %rem3A_5 : i32
    %dma_start3A_7 = arith.constant 0 : i32
    %dma_start3A_8 = tpu.memref_slice %arg16[%rem3A_6, %dma_start3A_7] : memref<4x400xi32, #tpu.memory_space<vmem>> -> memref<1x400xi32, #tpu.memory_space<vmem>>
    %dma_start3A_9 = tpu.memref_squeeze %dma_start3A_8 : memref<1x400xi32, #tpu.memory_space<vmem>> -> memref<400xi32, #tpu.memory_space<vmem>>
    %dma_start3A_10 = tpu.memref_slice %arg4[%add3A_3] : memref<1600000xi32, #tpu.memory_space<hbm>> -> memref<400xi32, #tpu.memory_space<hbm>>
    %dma_start3A_11 = arith.constant 0 : i32
    %dma_start3A_12 = tpu.memref_slice %arg16[%rem3A_6, %dma_start3A_11] : memref<4x400xi32, #tpu.memory_space<vmem>> -> memref<1x400xi32, #tpu.memory_space<vmem>>
    %dma_start3A_13 = tpu.memref_squeeze %dma_start3A_12 : memref<1x400xi32, #tpu.memory_space<vmem>> -> memref<400xi32, #tpu.memory_space<vmem>>
    %dma_start3A_14 = tpu.memref_slice %arg4[%add3A_3] : memref<1600000xi32, #tpu.memory_space<hbm>> -> memref<400xi32, #tpu.memory_space<hbm>>
    tpu.enqueue_dma source(%dma_start3A_14 : memref<400xi32, #tpu.memory_space<hbm>>) target(%dma_start3A_13 : memref<400xi32, #tpu.memory_space<vmem>>) target_semaphore(%arg21 : memref<!tpu.dma_semaphore, #tpu.memory_space<semaphore_mem>>)
    %dma_start3A_15 = arith.constant 0 : i32
    %dma_start3A_16 = tpu.memref_slice %arg17[%dma_start3A_15] : memref<416xf32, #tpu.memory_space<vmem>> -> memref<400xf32, #tpu.memory_space<vmem>>
    %dma_start3A_17 = tpu.memref_slice %arg5[%add3A_3] : memref<1600000xf32, #tpu.memory_space<hbm>> -> memref<400xf32, #tpu.memory_space<hbm>>
    %dma_start3A_18 = arith.constant 0 : i32
    %dma_start3A_19 = tpu.memref_slice %arg17[%dma_start3A_18] : memref<416xf32, #tpu.memory_space<vmem>> -> memref<400xf32, #tpu.memory_space<vmem>>
    %dma_start3A_20 = tpu.memref_slice %arg5[%add3A_3] : memref<1600000xf32, #tpu.memory_space<hbm>> -> memref<400xf32, #tpu.memory_space<hbm>>
    tpu.enqueue_dma source(%dma_start3A_20 : memref<400xf32, #tpu.memory_space<hbm>>) target(%dma_start3A_19 : memref<400xf32, #tpu.memory_space<vmem>>) target_semaphore(%arg21 : memref<!tpu.dma_semaphore, #tpu.memory_space<semaphore_mem>>)
    %mul3A_21 = arith.constant 100000 : i32
    %mul3A_22 = arith.muli %arg1, %mul3A_21 : i32
    %add3A_23 = arith.constant 400 : i32
    %add3A_24 = arith.addi %mul3A_22, %add3A_23 : i32
    %dma_start3A_25 = tpu.memref_slice %arg3[%add3A_24] : memref<1600000xi32, #tpu.memory_space<hbm>> -> memref<400xi32, #tpu.memory_space<hbm>>
    %dma_start3A_26 = tpu.memref_slice %arg3[%add3A_24] : memref<1600000xi32, #tpu.memory_space<hbm>> -> memref<400xi32, #tpu.memory_space<hbm>>
    tpu.enqueue_dma source(%dma_start3A_26 : memref<400xi32, #tpu.memory_space<hbm>>) target(%arg15 : memref<400xi32, #tpu.memory_space<vmem>>) target_semaphore(%arg22 : memref<!tpu.dma_semaphore, #tpu.memory_space<semaphore_mem>>)
    %rem3A_27 = arith.constant 1 : i32
    %rem3A_28 = arith.constant 4 : i32
    %rem3A_29 = arith.remsi %rem3A_27, %rem3A_28 : i32
    %dma_start3A_30 = arith.constant 0 : i32
    %dma_start3A_31 = tpu.memref_slice %arg16[%rem3A_29, %dma_start3A_30] : memref<4x400xi32, #tpu.memory_space<vmem>> -> memref<1x400xi32, #tpu.memory_space<vmem>>
    %dma_start3A_32 = tpu.memref_squeeze %dma_start3A_31 : memref<1x400xi32, #tpu.memory_space<vmem>> -> memref<400xi32, #tpu.memory_space<vmem>>
    %dma_start3A_33 = tpu.memref_slice %arg4[%add3A_24] : memref<1600000xi32, #tpu.memory_space<hbm>> -> memref<400xi32, #tpu.memory_space<hbm>>
    %dma_start3A_34 = arith.constant 0 : i32
    %dma_start3A_35 = tpu.memref_slice %arg16[%rem3A_29, %dma_start3A_34] : memref<4x400xi32, #tpu.memory_space<vmem>> -> memref<1x400xi32, #tpu.memory_space<vmem>>
    %dma_start3A_36 = tpu.memref_squeeze %dma_start3A_35 : memref<1x400xi32, #tpu.memory_space<vmem>> -> memref<400xi32, #tpu.memory_space<vmem>>
    %dma_start3A_37 = tpu.memref_slice %arg4[%add3A_24] : memref<1600000xi32, #tpu.memory_space<hbm>> -> memref<400xi32, #tpu.memory_space<hbm>>
    tpu.enqueue_dma source(%dma_start3A_37 : memref<400xi32, #tpu.memory_space<hbm>>) target(%dma_start3A_36 : memref<400xi32, #tpu.memory_space<vmem>>) target_semaphore(%arg22 : memref<!tpu.dma_semaphore, #tpu.memory_space<semaphore_mem>>)
    %dma_start3A_38 = arith.constant 0 : i32
    %dma_start3A_39 = tpu.memref_slice %arg18[%dma_start3A_38] : memref<416xf32, #tpu.memory_space<vmem>> -> memref<400xf32, #tpu.memory_space<vmem>>
    %dma_start3A_40 = tpu.memref_slice %arg5[%add3A_24] : memref<1600000xf32, #tpu.memory_space<hbm>> -> memref<400xf32, #tpu.memory_space<hbm>>
    %dma_start3A_41 = arith.constant 0 : i32
    %dma_start3A_42 = tpu.memref_slice %arg18[%dma_start3A_41] : memref<416xf32, #tpu.memory_space<vmem>> -> memref<400xf32, #tpu.memory_space<vmem>>
    %dma_start3A_43 = tpu.memref_slice %arg5[%add3A_24] : memref<1600000xf32, #tpu.memory_space<hbm>> -> memref<400xf32, #tpu.memory_space<hbm>>
    tpu.enqueue_dma source(%dma_start3A_43 : memref<400xf32, #tpu.memory_space<hbm>>) target(%dma_start3A_42 : memref<400xf32, #tpu.memory_space<vmem>>) target_semaphore(%arg22 : memref<!tpu.dma_semaphore, #tpu.memory_space<semaphore_mem>>)
    %mul3A_44 = arith.constant 100000 : i32
    %mul3A_45 = arith.muli %arg1, %mul3A_44 : i32
    %add3A_46 = arith.constant 0 : i32
    %add3A_47 = arith.addi %mul3A_45, %add3A_46 : i32
    %dma_wait3A = tpu.memref_slice %arg3[%add3A_47] : memref<1600000xi32, #tpu.memory_space<hbm>> -> memref<400xi32, #tpu.memory_space<hbm>>
    %dma_wait3A_48 = tpu.memref_slice %arg3[%add3A_47] : memref<1600000xi32, #tpu.memory_space<hbm>> -> memref<400xi32, #tpu.memory_space<hbm>>
    tpu.wait_dma2 semaphore(%arg21 : memref<!tpu.dma_semaphore, #tpu.memory_space<semaphore_mem>>) src(%dma_wait3A_48 : memref<400xi32, #tpu.memory_space<hbm>>) dst(%arg14 : memref<400xi32, #tpu.memory_space<vmem>>)
    %rem3A_49 = arith.constant 0 : i32
    %rem3A_50 = arith.constant 4 : i32
    %rem3A_51 = arith.remsi %rem3A_49, %rem3A_50 : i32
    %dma_wait3A_52 = arith.constant 0 : i32
    %dma_wait3A_53 = tpu.memref_slice %arg16[%rem3A_51, %dma_wait3A_52] : memref<4x400xi32, #tpu.memory_space<vmem>> -> memref<1x400xi32, #tpu.memory_space<vmem>>
    %dma_wait3A_54 = tpu.memref_squeeze %dma_wait3A_53 : memref<1x400xi32, #tpu.memory_space<vmem>> -> memref<400xi32, #tpu.memory_space<vmem>>
    %dma_wait3A_55 = tpu.memref_slice %arg4[%add3A_47] : memref<1600000xi32, #tpu.memory_space<hbm>> -> memref<400xi32, #tpu.memory_space<hbm>>
    %dma_wait3A_56 = arith.constant 0 : i32
    %dma_wait3A_57 = tpu.memref_slice %arg16[%rem3A_51, %dma_wait3A_56] : memref<4x400xi32, #tpu.memory_space<vmem>> -> memref<1x400xi32, #tpu.memory_space<vmem>>
    %dma_wait3A_58 = tpu.memref_squeeze %dma_wait3A_57 : memref<1x400xi32, #tpu.memory_space<vmem>> -> memref<400xi32, #tpu.memory_space<vmem>>
    %dma_wait3A_59 = tpu.memref_slice %arg4[%add3A_47] : memref<1600000xi32, #tpu.memory_space<hbm>> -> memref<400xi32, #tpu.memory_space<hbm>>
    tpu.wait_dma2 semaphore(%arg21 : memref<!tpu.dma_semaphore, #tpu.memory_space<semaphore_mem>>) src(%dma_wait3A_59 : memref<400xi32, #tpu.memory_space<hbm>>) dst(%dma_wait3A_58 : memref<400xi32, #tpu.memory_space<vmem>>)
    %dma_wait3A_60 = arith.constant 0 : i32
    %dma_wait3A_61 = tpu.memref_slice %arg17[%dma_wait3A_60] : memref<416xf32, #tpu.memory_space<vmem>> -> memref<400xf32, #tpu.memory_space<vmem>>
    %dma_wait3A_62 = tpu.memref_slice %arg5[%add3A_47] : memref<1600000xf32, #tpu.memory_space<hbm>> -> memref<400xf32, #tpu.memory_space<hbm>>
    %dma_wait3A_63 = arith.constant 0 : i32
    %dma_wait3A_64 = tpu.memref_slice %arg17[%dma_wait3A_63] : memref<416xf32, #tpu.memory_space<vmem>> -> memref<400xf32, #tpu.memory_space<vmem>>
    %dma_wait3A_65 = tpu.memref_slice %arg5[%add3A_47] : memref<1600000xf32, #tpu.memory_space<hbm>> -> memref<400xf32, #tpu.memory_space<hbm>>
    tpu.wait_dma2 semaphore(%arg21 : memref<!tpu.dma_semaphore, #tpu.memory_space<semaphore_mem>>) src(%dma_wait3A_65 : memref<400xf32, #tpu.memory_space<hbm>>) dst(%dma_wait3A_64 : memref<400xf32, #tpu.memory_space<vmem>>)
    %dma_start3A_66 = arith.constant 0 : i32
    %dma_start3A_67 = arith.constant 0 : i32
    %dma_start3A_68 = tpu.memref_slice %arg19[%dma_start3A_66, %dma_start3A_67] : memref<400x16xf32, #tpu.memory_space<vmem>> -> memref<200x16xf32, #tpu.memory_space<vmem>>
    %dma_start3A_69 = arith.constant 0 : i32
    %dma_start3A_70 = tpu.memref_slice %arg14[%dma_start3A_69] : memref<400xi32, #tpu.memory_space<vmem>> -> memref<200xi32, #tpu.memory_space<vmem>>
    %dma_start3A_71 = arith.constant 0 : i32
    %dma_start3A_72 = arith.constant 0 : i32
    %dma_start3A_73 = tpu.memref_slice %arg2[%arg0, %dma_start3A_71, %dma_start3A_72] : memref<2x100000x16xf32, #tpu.memory_space<hbm>> -> memref<1x100000x16xf32, #tpu.memory_space<hbm>>
    %dma_start3A_74 = tpu.memref_squeeze %dma_start3A_73 : memref<1x100000x16xf32, #tpu.memory_space<hbm>> -> memref<100000x16xf32, #tpu.memory_space<hbm>>
    %dma_start3A_75 = arith.constant 0 : i32
    %dma_start3A_76 = arith.constant 0 : i32
    %dma_start3A_77 = tpu.memref_slice %dma_start3A_74[%dma_start3A_75, %dma_start3A_76] : memref<100000x16xf32, #tpu.memory_space<hbm>> -> memref<100000x16xf32, #tpu.memory_space<hbm>>
    tpu.enqueue_indirect_dma source(%dma_start3A_77 : memref<100000x16xf32, #tpu.memory_space<hbm>>) target(%dma_start3A_68 : memref<200x16xf32, #tpu.memory_space<vmem>>) offsets(%dma_start3A_70 : memref<200xi32, #tpu.memory_space<vmem>>) semaphore(%arg23 : memref<!tpu.dma_semaphore, #tpu.memory_space<semaphore_mem>>)
    %dma_start3A_78 = arith.constant 200 : i32
    %dma_start3A_79 = arith.constant 0 : i32
    %dma_start3A_80 = tpu.memref_slice %arg19[%dma_start3A_78, %dma_start3A_79] : memref<400x16xf32, #tpu.memory_space<vmem>> -> memref<200x16xf32, #tpu.memory_space<vmem>>
    %dma_start3A_81 = arith.constant 200 : i32
    %dma_start3A_82 = tpu.memref_slice %arg14[%dma_start3A_81] : memref<400xi32, #tpu.memory_space<vmem>> -> memref<200xi32, #tpu.memory_space<vmem>>
    %dma_start3A_83 = arith.constant 0 : i32
    %dma_start3A_84 = arith.constant 0 : i32
    %dma_start3A_85 = tpu.memref_slice %arg2[%arg0, %dma_start3A_83, %dma_start3A_84] : memref<2x100000x16xf32, #tpu.memory_space<hbm>> -> memref<1x100000x16xf32, #tpu.memory_space<hbm>>
    %dma_start3A_86 = tpu.memref_squeeze %dma_start3A_85 : memref<1x100000x16xf32, #tpu.memory_space<hbm>> -> memref<100000x16xf32, #tpu.memory_space<hbm>>
    %dma_start3A_87 = arith.constant 0 : i32
    %dma_start3A_88 = arith.constant 0 : i32
    %dma_start3A_89 = tpu.memref_slice %dma_start3A_86[%dma_start3A_87, %dma_start3A_88] : memref<100000x16xf32, #tpu.memory_space<hbm>> -> memref<100000x16xf32, #tpu.memory_space<hbm>>
    tpu.enqueue_indirect_dma source(%dma_start3A_89 : memref<100000x16xf32, #tpu.memory_space<hbm>>) target(%dma_start3A_80 : memref<200x16xf32, #tpu.memory_space<vmem>>) offsets(%dma_start3A_82 : memref<200xi32, #tpu.memory_space<vmem>>) semaphore(%arg23 : memref<!tpu.dma_semaphore, #tpu.memory_space<semaphore_mem>>)
    %scan3A = arith.constant 0 : i32
    %scan3A_90 = arith.constant 0 : i32
    %scan3A_91 = arith.constant 125 : i32
    %scan3A_92 = arith.addi %scan3A_90, %scan3A_91 : i32
    %scan3A_93 = arith.constant 1 : i32
    %scan3A_94 = scf.for %scan3A_571 = %scan3A_90 to %scan3A_92 step %scan3A_93 iter_args(%scan3A_572 = %scan3A) -> (i32)  : i32 {
      %mul3A_573 = arith.constant 2 : i32
      %mul3A_574 = arith.muli %mul3A_573, %scan3A_571 : i32
      %add3A_575 = arith.constant 1 : i32
      %add3A_576 = arith.addi %mul3A_574, %add3A_575 : i32
      %dma_wait3A_577 = arith.constant 0 : i32
      %dma_wait3A_578 = arith.constant 0 : i32
      %dma_wait3A_579 = tpu.memref_slice %arg19[%dma_wait3A_577, %dma_wait3A_578] : memref<400x16xf32, #tpu.memory_space<vmem>> -> memref<200x16xf32, #tpu.memory_space<vmem>>
      %dma_wait3A_580 = arith.constant 0 : i32
      %dma_wait3A_581 = tpu.memref_slice %arg14[%dma_wait3A_580] : memref<400xi32, #tpu.memory_space<vmem>> -> memref<200xi32, #tpu.memory_space<vmem>>
      %dma_wait3A_582 = arith.constant 0 : i32
      %dma_wait3A_583 = arith.constant 0 : i32
      %dma_wait3A_584 = tpu.memref_slice %arg2[%arg0, %dma_wait3A_582, %dma_wait3A_583] : memref<2x100000x16xf32, #tpu.memory_space<hbm>> -> memref<1x100000x16xf32, #tpu.memory_space<hbm>>
      %dma_wait3A_585 = tpu.memref_squeeze %dma_wait3A_584 : memref<1x100000x16xf32, #tpu.memory_space<hbm>> -> memref<100000x16xf32, #tpu.memory_space<hbm>>
      %dma_wait3A_586 = arith.constant 0 : i32
      %dma_wait3A_587 = arith.constant 0 : i32
      %dma_wait3A_588 = tpu.memref_slice %dma_wait3A_585[%dma_wait3A_586, %dma_wait3A_587] : memref<100000x16xf32, #tpu.memory_space<hbm>> -> memref<100000x16xf32, #tpu.memory_space<hbm>>
      tpu.wait_indirect_dma semaphore(%arg23 : memref<!tpu.dma_semaphore, #tpu.memory_space<semaphore_mem>>) src(%dma_wait3A_588 : memref<100000x16xf32, #tpu.memory_space<hbm>>) dst(%dma_wait3A_579 : memref<200x16xf32, #tpu.memory_space<vmem>>)
      %dma_wait3A_589 = arith.constant 200 : i32
      %dma_wait3A_590 = arith.constant 0 : i32
      %dma_wait3A_591 = tpu.memref_slice %arg19[%dma_wait3A_589, %dma_wait3A_590] : memref<400x16xf32, #tpu.memory_space<vmem>> -> memref<200x16xf32, #tpu.memory_space<vmem>>
      %dma_wait3A_592 = arith.constant 200 : i32
      %dma_wait3A_593 = tpu.memref_slice %arg14[%dma_wait3A_592] : memref<400xi32, #tpu.memory_space<vmem>> -> memref<200xi32, #tpu.memory_space<vmem>>
      %dma_wait3A_594 = arith.constant 0 : i32
      %dma_wait3A_595 = arith.constant 0 : i32
      %dma_wait3A_596 = tpu.memref_slice %arg2[%arg0, %dma_wait3A_594, %dma_wait3A_595] : memref<2x100000x16xf32, #tpu.memory_space<hbm>> -> memref<1x100000x16xf32, #tpu.memory_space<hbm>>
      %dma_wait3A_597 = tpu.memref_squeeze %dma_wait3A_596 : memref<1x100000x16xf32, #tpu.memory_space<hbm>> -> memref<100000x16xf32, #tpu.memory_space<hbm>>
      %dma_wait3A_598 = arith.constant 0 : i32
      %dma_wait3A_599 = arith.constant 0 : i32
      %dma_wait3A_600 = tpu.memref_slice %dma_wait3A_597[%dma_wait3A_598, %dma_wait3A_599] : memref<100000x16xf32, #tpu.memory_space<hbm>> -> memref<100000x16xf32, #tpu.memory_space<hbm>>
      tpu.wait_indirect_dma semaphore(%arg23 : memref<!tpu.dma_semaphore, #tpu.memory_space<semaphore_mem>>) src(%dma_wait3A_600 : memref<100000x16xf32, #tpu.memory_space<hbm>>) dst(%dma_wait3A_591 : memref<200x16xf32, #tpu.memory_space<vmem>>)
      %gt3A = arith.constant 0 : i32
      %gt3A_601 = arith.cmpi sgt, %scan3A_571, %gt3A : i32
      %convert_element_type3A_602 = arith.extui %gt3A_601 : i1 to i32
      %cond3A_603 = arith.constant 0 : i32
      %cond3A_604 = arith.cmpi ne, %convert_element_type3A_602, %cond3A_603 : i32
      scf.if %cond3A_604 {
        %sub3A = arith.constant 1 : i32
        %sub3A_722 = arith.subi %mul3A_574, %sub3A : i32
        %rem3A_723 = arith.constant 4 : i32
        %rem3A_724 = arith.remsi %sub3A_722, %rem3A_723 : i32
        %dma_wait3A_725 = arith.constant 0 : i32
        %dma_wait3A_726 = tpu.memref_slice %arg16[%rem3A_724, %dma_wait3A_725] : memref<4x400xi32, #tpu.memory_space<vmem>> -> memref<1x400xi32, #tpu.memory_space<vmem>>
        %dma_wait3A_727 = tpu.memref_squeeze %dma_wait3A_726 : memref<1x400xi32, #tpu.memory_space<vmem>> -> memref<400xi32, #tpu.memory_space<vmem>>
        %dma_wait3A_728 = arith.constant 0 : i32
        %dma_wait3A_729 = arith.constant 0 : i32
        %dma_wait3A_730 = tpu.memref_slice %arg13[%dma_wait3A_728, %dma_wait3A_729] : memref<100096x16xf32, #tpu.memory_space<vmem_shared>> -> memref<100096x16xf32, #tpu.memory_space<vmem_shared>>
        tpu.wait_indirect_dma semaphore(%arg26 : memref<!tpu.dma_semaphore, #tpu.memory_space<semaphore_mem>>) src(%arg20 : memref<400x16xf32, #tpu.memory_space<vmem>>) dst(%dma_wait3A_730 : memref<100096x16xf32, #tpu.memory_space<vmem_shared>>)
      } else {
      }
      %mul3A_605 = arith.constant 100000 : i32
      %mul3A_606 = arith.muli %arg1, %mul3A_605 : i32
      %mul3A_607 = arith.constant 400 : i32
      %mul3A_608 = arith.muli %add3A_576, %mul3A_607 : i32
      %add3A_609 = arith.addi %mul3A_606, %mul3A_608 : i32
      %dma_wait3A_610 = tpu.memref_slice %arg3[%add3A_609] : memref<1600000xi32, #tpu.memory_space<hbm>> -> memref<400xi32, #tpu.memory_space<hbm>>
      %dma_wait3A_611 = tpu.memref_slice %arg3[%add3A_609] : memref<1600000xi32, #tpu.memory_space<hbm>> -> memref<400xi32, #tpu.memory_space<hbm>>
      tpu.wait_dma2 semaphore(%arg22 : memref<!tpu.dma_semaphore, #tpu.memory_space<semaphore_mem>>) src(%dma_wait3A_611 : memref<400xi32, #tpu.memory_space<hbm>>) dst(%arg15 : memref<400xi32, #tpu.memory_space<vmem>>)
      %rem3A_612 = arith.constant 4 : i32
      %rem3A_613 = arith.remsi %add3A_576, %rem3A_612 : i32
      %dma_wait3A_614 = arith.constant 0 : i32
      %dma_wait3A_615 = tpu.memref_slice %arg16[%rem3A_613, %dma_wait3A_614] : memref<4x400xi32, #tpu.memory_space<vmem>> -> memref<1x400xi32, #tpu.memory_space<vmem>>
      %dma_wait3A_616 = tpu.memref_squeeze %dma_wait3A_615 : memref<1x400xi32, #tpu.memory_space<vmem>> -> memref<400xi32, #tpu.memory_space<vmem>>
      %dma_wait3A_617 = tpu.memref_slice %arg4[%add3A_609] : memref<1600000xi32, #tpu.memory_space<hbm>> -> memref<400xi32, #tpu.memory_space<hbm>>
      %dma_wait3A_618 = arith.constant 0 : i32
      %dma_wait3A_619 = tpu.memref_slice %arg16[%rem3A_613, %dma_wait3A_618] : memref<4x400xi32, #tpu.memory_space<vmem>> -> memref<1x400xi32, #tpu.memory_space<vmem>>
      %dma_wait3A_620 = tpu.memref_squeeze %dma_wait3A_619 : memref<1x400xi32, #tpu.memory_space<vmem>> -> memref<400xi32, #tpu.memory_space<vmem>>
      %dma_wait3A_621 = tpu.memref_slice %arg4[%add3A_609] : memref<1600000xi32, #tpu.memory_space<hbm>> -> memref<400xi32, #tpu.memory_space<hbm>>
      tpu.wait_dma2 semaphore(%arg22 : memref<!tpu.dma_semaphore, #tpu.memory_space<semaphore_mem>>) src(%dma_wait3A_621 : memref<400xi32, #tpu.memory_space<hbm>>) dst(%dma_wait3A_620 : memref<400xi32, #tpu.memory_space<vmem>>)
      %dma_wait3A_622 = arith.constant 0 : i32
      %dma_wait3A_623 = tpu.memref_slice %arg18[%dma_wait3A_622] : memref<416xf32, #tpu.memory_space<vmem>> -> memref<400xf32, #tpu.memory_space<vmem>>
      %dma_wait3A_624 = tpu.memref_slice %arg5[%add3A_609] : memref<1600000xf32, #tpu.memory_space<hbm>> -> memref<400xf32, #tpu.memory_space<hbm>>
      %dma_wait3A_625 = arith.constant 0 : i32
      %dma_wait3A_626 = tpu.memref_slice %arg18[%dma_wait3A_625] : memref<416xf32, #tpu.memory_space<vmem>> -> memref<400xf32, #tpu.memory_space<vmem>>
      %dma_wait3A_627 = tpu.memref_slice %arg5[%add3A_609] : memref<1600000xf32, #tpu.memory_space<hbm>> -> memref<400xf32, #tpu.memory_space<hbm>>
      tpu.wait_dma2 semaphore(%arg22 : memref<!tpu.dma_semaphore, #tpu.memory_space<semaphore_mem>>) src(%dma_wait3A_627 : memref<400xf32, #tpu.memory_space<hbm>>) dst(%dma_wait3A_626 : memref<400xf32, #tpu.memory_space<vmem>>)
      %dma_start3A_628 = arith.constant 0 : i32
      %dma_start3A_629 = arith.constant 0 : i32
      %dma_start3A_630 = tpu.memref_slice %arg20[%dma_start3A_628, %dma_start3A_629] : memref<400x16xf32, #tpu.memory_space<vmem>> -> memref<200x16xf32, #tpu.memory_space<vmem>>
      %dma_start3A_631 = arith.constant 0 : i32
      %dma_start3A_632 = tpu.memref_slice %arg15[%dma_start3A_631] : memref<400xi32, #tpu.memory_space<vmem>> -> memref<200xi32, #tpu.memory_space<vmem>>
      %dma_start3A_633 = arith.constant 0 : i32
      %dma_start3A_634 = arith.constant 0 : i32
      %dma_start3A_635 = tpu.memref_slice %arg2[%arg0, %dma_start3A_633, %dma_start3A_634] : memref<2x100000x16xf32, #tpu.memory_space<hbm>> -> memref<1x100000x16xf32, #tpu.memory_space<hbm>>
      %dma_start3A_636 = tpu.memref_squeeze %dma_start3A_635 : memref<1x100000x16xf32, #tpu.memory_space<hbm>> -> memref<100000x16xf32, #tpu.memory_space<hbm>>
      %dma_start3A_637 = arith.constant 0 : i32
      %dma_start3A_638 = arith.constant 0 : i32
      %dma_start3A_639 = tpu.memref_slice %dma_start3A_636[%dma_start3A_637, %dma_start3A_638] : memref<100000x16xf32, #tpu.memory_space<hbm>> -> memref<100000x16xf32, #tpu.memory_space<hbm>>
      tpu.enqueue_indirect_dma source(%dma_start3A_639 : memref<100000x16xf32, #tpu.memory_space<hbm>>) target(%dma_start3A_630 : memref<200x16xf32, #tpu.memory_space<vmem>>) offsets(%dma_start3A_632 : memref<200xi32, #tpu.memory_space<vmem>>) semaphore(%arg24 : memref<!tpu.dma_semaphore, #tpu.memory_space<semaphore_mem>>)
      %dma_start3A_640 = arith.constant 200 : i32
      %dma_start3A_641 = arith.constant 0 : i32
      %dma_start3A_642 = tpu.memref_slice %arg20[%dma_start3A_640, %dma_start3A_641] : memref<400x16xf32, #tpu.memory_space<vmem>> -> memref<200x16xf32, #tpu.memory_space<vmem>>
      %dma_start3A_643 = arith.constant 200 : i32
      %dma_start3A_644 = tpu.memref_slice %arg15[%dma_start3A_643] : memref<400xi32, #tpu.memory_space<vmem>> -> memref<200xi32, #tpu.memory_space<vmem>>
      %dma_start3A_645 = arith.constant 0 : i32
      %dma_start3A_646 = arith.constant 0 : i32
      %dma_start3A_647 = tpu.memref_slice %arg2[%arg0, %dma_start3A_645, %dma_start3A_646] : memref<2x100000x16xf32, #tpu.memory_space<hbm>> -> memref<1x100000x16xf32, #tpu.memory_space<hbm>>
      %dma_start3A_648 = tpu.memref_squeeze %dma_start3A_647 : memref<1x100000x16xf32, #tpu.memory_space<hbm>> -> memref<100000x16xf32, #tpu.memory_space<hbm>>
      %dma_start3A_649 = arith.constant 0 : i32
      %dma_start3A_650 = arith.constant 0 : i32
      %dma_start3A_651 = tpu.memref_slice %dma_start3A_648[%dma_start3A_649, %dma_start3A_650] : memref<100000x16xf32, #tpu.memory_space<hbm>> -> memref<100000x16xf32, #tpu.memory_space<hbm>>
      tpu.enqueue_indirect_dma source(%dma_start3A_651 : memref<100000x16xf32, #tpu.memory_space<hbm>>) target(%dma_start3A_642 : memref<200x16xf32, #tpu.memory_space<vmem>>) offsets(%dma_start3A_644 : memref<200xi32, #tpu.memory_space<vmem>>) semaphore(%arg24 : memref<!tpu.dma_semaphore, #tpu.memory_space<semaphore_mem>>)
      %parallel_loop3A_652 = arith.constant 0 : i32
      %parallel_loop3A_653 = arith.constant 25 : i32
      %parallel_loop3A_654 = arith.constant 1 : i32
      scf.for %parallel_loop3A_722 = %parallel_loop3A_652 to %parallel_loop3A_653 step %parallel_loop3A_654  : i32 {
        %parallel_loop3A_723 = arith.constant 16 : i32
        %parallel_loop3A_724 = arith.muli %parallel_loop3A_722, %parallel_loop3A_723 : i32
        %parallel_loop3A_725 = arith.index_cast %parallel_loop3A_724 : i32 to index
        %parallel_loop3A_726 = tpu.vector_load %arg17[%parallel_loop3A_725] {strides = array<i32>} : memref<416xf32, #tpu.memory_space<vmem>>, vector<16xf32>,
        %parallel_loop3A_727 = arith.constant 0 : i32
        %parallel_loop3A_728 = arith.addi %parallel_loop3A_724, %parallel_loop3A_727 : i32
        %parallel_loop3A_729 = arith.index_cast %parallel_loop3A_728 : i32 to index
        %parallel_loop3A_730 = arith.constant 0 : index
        %parallel_loop3A_731 = tpu.vector_load %arg19[%parallel_loop3A_729, %parallel_loop3A_730] {strides = array<i32>} : memref<400x16xf32, #tpu.memory_space<vmem>>, vector<16xf32>,
        %parallel_loop3A_732 = vector.extract_strided_slice %parallel_loop3A_726 {offsets = [0], sizes = [1], strides = [1]} : vector<16xf32> to vector<1xf32>
        %parallel_loop3A_733 = vector.extract %parallel_loop3A_732[0] : f32 from vector<1xf32>
        %parallel_loop3A_734 = vector.broadcast %parallel_loop3A_733 : f32 to vector<16xf32>
        %parallel_loop3A_735 = arith.mulf %parallel_loop3A_731, %parallel_loop3A_734 : vector<16xf32>
        %parallel_loop3A_736 = arith.constant 0 : i32
        %parallel_loop3A_737 = arith.addi %parallel_loop3A_724, %parallel_loop3A_736 : i32
        %parallel_loop3A_738 = arith.index_cast %parallel_loop3A_737 : i32 to index
        %parallel_loop3A_739 = arith.constant 0 : index
        %parallel_loop3A_740 = tpu.vector_load %arg19[%parallel_loop3A_738, %parallel_loop3A_739] {strides = array<i32>} : memref<400x16xf32, #tpu.memory_space<vmem>>, vector<16xf32>,
        tpu.vector_store %arg19[%parallel_loop3A_738, %parallel_loop3A_739], %parallel_loop3A_735 {strides = array<i32>} : memref<400x16xf32, #tpu.memory_space<vmem>>, vector<16xf32>,
        %parallel_loop3A_741 = arith.constant 1 : i32
        %parallel_loop3A_742 = arith.addi %parallel_loop3A_724, %parallel_loop3A_741 : i32
        %parallel_loop3A_743 = arith.index_cast %parallel_loop3A_742 : i32 to index
        %parallel_loop3A_744 = arith.constant 0 : index
        %parallel_loop3A_745 = tpu.vector_load %arg19[%parallel_loop3A_743, %parallel_loop3A_744] {strides = array<i32>} : memref<400x16xf32, #tpu.memory_space<vmem>>, vector<16xf32>,
        %parallel_loop3A_746 = vector.extract_strided_slice %parallel_loop3A_726 {offsets = [1], sizes = [1], strides = [1]} : vector<16xf32> to vector<1xf32>
        %parallel_loop3A_747 = vector.extract %parallel_loop3A_746[0] : f32 from vector<1xf32>
        %parallel_loop3A_748 = vector.broadcast %parallel_loop3A_747 : f32 to vector<16xf32>
        %parallel_loop3A_749 = arith.mulf %parallel_loop3A_745, %parallel_loop3A_748 : vector<16xf32>
        %parallel_loop3A_750 = arith.constant 1 : i32
        %parallel_loop3A_751 = arith.addi %parallel_loop3A_724, %parallel_loop3A_750 : i32
        %parallel_loop3A_752 = arith.index_cast %parallel_loop3A_751 : i32 to index
        %parallel_loop3A_753 = arith.constant 0 : index
        %parallel_loop3A_754 = tpu.vector_load %arg19[%parallel_loop3A_752, %parallel_loop3A_753] {strides = array<i32>} : memref<400x16xf32, #tpu.memory_space<vmem>>, vector<16xf32>,
        tpu.vector_store %arg19[%parallel_loop3A_752, %parallel_loop3A_753], %parallel_loop3A_749 {strides = array<i32>} : memref<400x16xf32, #tpu.memory_space<vmem>>, vector<16xf32>,
        %parallel_loop3A_755 = arith.constant 2 : i32
        %parallel_loop3A_756 = arith.addi %parallel_loop3A_724, %parallel_loop3A_755 : i32
        %parallel_loop3A_757 = arith.index_cast %parallel_loop3A_756 : i32 to index
        %parallel_loop3A_758 = arith.constant 0 : index
        %parallel_loop3A_759 = tpu.vector_load %arg19[%parallel_loop3A_757, %parallel_loop3A_758] {strides = array<i32>} : memref<400x16xf32, #tpu.memory_space<vmem>>, vector<16xf32>,
        %parallel_loop3A_760 = vector.extract_strided_slice %parallel_loop3A_726 {offsets = [2], sizes = [1], strides = [1]} : vector<16xf32> to vector<1xf32>
        %parallel_loop3A_761 = vector.extract %parallel_loop3A_760[0] : f32 from vector<1xf32>
        %parallel_loop3A_762 = vector.broadcast %parallel_loop3A_761 : f32 to vector<16xf32>
        %parallel_loop3A_763 = arith.mulf %parallel_loop3A_759, %parallel_loop3A_762 : vector<16xf32>
        %parallel_loop3A_764 = arith.constant 2 : i32
        %parallel_loop3A_765 = arith.addi %parallel_loop3A_724, %parallel_loop3A_764 : i32
        %parallel_loop3A_766 = arith.index_cast %parallel_loop3A_765 : i32 to index
        %parallel_loop3A_767 = arith.constant 0 : index
        %parallel_loop3A_768 = tpu.vector_load %arg19[%parallel_loop3A_766, %parallel_loop3A_767] {strides = array<i32>} : memref<400x16xf32, #tpu.memory_space<vmem>>, vector<16xf32>,
        tpu.vector_store %arg19[%parallel_loop3A_766, %parallel_loop3A_767], %parallel_loop3A_763 {strides = array<i32>} : memref<400x16xf32, #tpu.memory_space<vmem>>, vector<16xf32>,
        %parallel_loop3A_769 = arith.constant 3 : i32
        %parallel_loop3A_770 = arith.addi %parallel_loop3A_724, %parallel_loop3A_769 : i32
        %parallel_loop3A_771 = arith.index_cast %parallel_loop3A_770 : i32 to index
        %parallel_loop3A_772 = arith.constant 0 : index
        %parallel_loop3A_773 = tpu.vector_load %arg19[%parallel_loop3A_771, %parallel_loop3A_772] {strides = array<i32>} : memref<400x16xf32, #tpu.memory_space<vmem>>, vector<16xf32>,
        %parallel_loop3A_774 = vector.extract_strided_slice %parallel_loop3A_726 {offsets = [3], sizes = [1], strides = [1]} : vector<16xf32> to vector<1xf32>
        %parallel_loop3A_775 = vector.extract %parallel_loop3A_774[0] : f32 from vector<1xf32>
        %parallel_loop3A_776 = vector.broadcast %parallel_loop3A_775 : f32 to vector<16xf32>
        %parallel_loop3A_777 = arith.mulf %parallel_loop3A_773, %parallel_loop3A_776 : vector<16xf32>
        %parallel_loop3A_778 = arith.constant 3 : i32
        %parallel_loop3A_779 = arith.addi %parallel_loop3A_724, %parallel_loop3A_778 : i32
        %parallel_loop3A_780 = arith.index_cast %parallel_loop3A_779 : i32 to index
        %parallel_loop3A_781 = arith.constant 0 : index
        %parallel_loop3A_782 = tpu.vector_load %arg19[%parallel_loop3A_780, %parallel_loop3A_781] {strides = array<i32>} : memref<400x16xf32, #tpu.memory_space<vmem>>, vector<16xf32>,
        tpu.vector_store %arg19[%parallel_loop3A_780, %parallel_loop3A_781], %parallel_loop3A_777 {strides = array<i32>} : memref<400x16xf32, #tpu.memory_space<vmem>>, vector<16xf32>,
        %parallel_loop3A_783 = arith.constant 4 : i32
        %parallel_loop3A_784 = arith.addi %parallel_loop3A_724, %parallel_loop3A_783 : i32
        %parallel_loop3A_785 = arith.index_cast %parallel_loop3A_784 : i32 to index
        %parallel_loop3A_786 = arith.constant 0 : index
        %parallel_loop3A_787 = tpu.vector_load %arg19[%parallel_loop3A_785, %parallel_loop3A_786] {strides = array<i32>} : memref<400x16xf32, #tpu.memory_space<vmem>>, vector<16xf32>,
        %parallel_loop3A_788 = vector.extract_strided_slice %parallel_loop3A_726 {offsets = [4], sizes = [1], strides = [1]} : vector<16xf32> to vector<1xf32>
        %parallel_loop3A_789 = vector.extract %parallel_loop3A_788[0] : f32 from vector<1xf32>
        %parallel_loop3A_790 = vector.broadcast %parallel_loop3A_789 : f32 to vector<16xf32>
        %parallel_loop3A_791 = arith.mulf %parallel_loop3A_787, %parallel_loop3A_790 : vector<16xf32>
        %parallel_loop3A_792 = arith.constant 4 : i32
        %parallel_loop3A_793 = arith.addi %parallel_loop3A_724, %parallel_loop3A_792 : i32
        %parallel_loop3A_794 = arith.index_cast %parallel_loop3A_793 : i32 to index
        %parallel_loop3A_795 = arith.constant 0 : index
        %parallel_loop3A_796 = tpu.vector_load %arg19[%parallel_loop3A_794, %parallel_loop3A_795] {strides = array<i32>} : memref<400x16xf32, #tpu.memory_space<vmem>>, vector<16xf32>,
        tpu.vector_store %arg19[%parallel_loop3A_794, %parallel_loop3A_795], %parallel_loop3A_791 {strides = array<i32>} : memref<400x16xf32, #tpu.memory_space<vmem>>, vector<16xf32>,
        %parallel_loop3A_797 = arith.constant 5 : i32
        %parallel_loop3A_798 = arith.addi %parallel_loop3A_724, %parallel_loop3A_797 : i32
        %parallel_loop3A_799 = arith.index_cast %parallel_loop3A_798 : i32 to index
        %parallel_loop3A_800 = arith.constant 0 : index
        %parallel_loop3A_801 = tpu.vector_load %arg19[%parallel_loop3A_799, %parallel_loop3A_800] {strides = array<i32>} : memref<400x16xf32, #tpu.memory_space<vmem>>, vector<16xf32>,
        %parallel_loop3A_802 = vector.extract_strided_slice %parallel_loop3A_726 {offsets = [5], sizes = [1], strides = [1]} : vector<16xf32> to vector<1xf32>
        %parallel_loop3A_803 = vector.extract %parallel_loop3A_802[0] : f32 from vector<1xf32>
        %parallel_loop3A_804 = vector.broadcast %parallel_loop3A_803 : f32 to vector<16xf32>
        %parallel_loop3A_805 = arith.mulf %parallel_loop3A_801, %parallel_loop3A_804 : vector<16xf32>
        %parallel_loop3A_806 = arith.constant 5 : i32
        %parallel_loop3A_807 = arith.addi %parallel_loop3A_724, %parallel_loop3A_806 : i32
        %parallel_loop3A_808 = arith.index_cast %parallel_loop3A_807 : i32 to index
        %parallel_loop3A_809 = arith.constant 0 : index
        %parallel_loop3A_810 = tpu.vector_load %arg19[%parallel_loop3A_808, %parallel_loop3A_809] {strides = array<i32>} : memref<400x16xf32, #tpu.memory_space<vmem>>, vector<16xf32>,
        tpu.vector_store %arg19[%parallel_loop3A_808, %parallel_loop3A_809], %parallel_loop3A_805 {strides = array<i32>} : memref<400x16xf32, #tpu.memory_space<vmem>>, vector<16xf32>,
        %parallel_loop3A_811 = arith.constant 6 : i32
        %parallel_loop3A_812 = arith.addi %parallel_loop3A_724, %parallel_loop3A_811 : i32
        %parallel_loop3A_813 = arith.index_cast %parallel_loop3A_812 : i32 to index
        %parallel_loop3A_814 = arith.constant 0 : index
        %parallel_loop3A_815 = tpu.vector_load %arg19[%parallel_loop3A_813, %parallel_loop3A_814] {strides = array<i32>} : memref<400x16xf32, #tpu.memory_space<vmem>>, vector<16xf32>,
        %parallel_loop3A_816 = vector.extract_strided_slice %parallel_loop3A_726 {offsets = [6], sizes = [1], strides = [1]} : vector<16xf32> to vector<1xf32>
        %parallel_loop3A_817 = vector.extract %parallel_loop3A_816[0] : f32 from vector<1xf32>
        %parallel_loop3A_818 = vector.broadcast %parallel_loop3A_817 : f32 to vector<16xf32>
        %parallel_loop3A_819 = arith.mulf %parallel_loop3A_815, %parallel_loop3A_818 : vector<16xf32>
        %parallel_loop3A_820 = arith.constant 6 : i32
        %parallel_loop3A_821 = arith.addi %parallel_loop3A_724, %parallel_loop3A_820 : i32
        %parallel_loop3A_822 = arith.index_cast %parallel_loop3A_821 : i32 to index
        %parallel_loop3A_823 = arith.constant 0 : index
        %parallel_loop3A_824 = tpu.vector_load %arg19[%parallel_loop3A_822, %parallel_loop3A_823] {strides = array<i32>} : memref<400x16xf32, #tpu.memory_space<vmem>>, vector<16xf32>,
        tpu.vector_store %arg19[%parallel_loop3A_822, %parallel_loop3A_823], %parallel_loop3A_819 {strides = array<i32>} : memref<400x16xf32, #tpu.memory_space<vmem>>, vector<16xf32>,
        %parallel_loop3A_825 = arith.constant 7 : i32
        %parallel_loop3A_826 = arith.addi %parallel_loop3A_724, %parallel_loop3A_825 : i32
        %parallel_loop3A_827 = arith.index_cast %parallel_loop3A_826 : i32 to index
        %parallel_loop3A_828 = arith.constant 0 : index
        %parallel_loop3A_829 = tpu.vector_load %arg19[%parallel_loop3A_827, %parallel_loop3A_828] {strides = array<i32>} : memref<400x16xf32, #tpu.memory_space<vmem>>, vector<16xf32>,
        %parallel_loop3A_830 = vector.extract_strided_slice %parallel_loop3A_726 {offsets = [7], sizes = [1], strides = [1]} : vector<16xf32> to vector<1xf32>
        %parallel_loop3A_831 = vector.extract %parallel_loop3A_830[0] : f32 from vector<1xf32>
        %parallel_loop3A_832 = vector.broadcast %parallel_loop3A_831 : f32 to vector<16xf32>
        %parallel_loop3A_833 = arith.mulf %parallel_loop3A_829, %parallel_loop3A_832 : vector<16xf32>
        %parallel_loop3A_834 = arith.constant 7 : i32
        %parallel_loop3A_835 = arith.addi %parallel_loop3A_724, %parallel_loop3A_834 : i32
        %parallel_loop3A_836 = arith.index_cast %parallel_loop3A_835 : i32 to index
        %parallel_loop3A_837 = arith.constant 0 : index
        %parallel_loop3A_838 = tpu.vector_load %arg19[%parallel_loop3A_836, %parallel_loop3A_837] {strides = array<i32>} : memref<400x16xf32, #tpu.memory_space<vmem>>, vector<16xf32>,
        tpu.vector_store %arg19[%parallel_loop3A_836, %parallel_loop3A_837], %parallel_loop3A_833 {strides = array<i32>} : memref<400x16xf32, #tpu.memory_space<vmem>>, vector<16xf32>,
        %parallel_loop3A_839 = arith.constant 8 : i32
        %parallel_loop3A_840 = arith.addi %parallel_loop3A_724, %parallel_loop3A_839 : i32
        %parallel_loop3A_841 = arith.index_cast %parallel_loop3A_840 : i32 to index
        %parallel_loop3A_842 = arith.constant 0 : index
        %parallel_loop3A_843 = tpu.vector_load %arg19[%parallel_loop3A_841, %parallel_loop3A_842] {strides = array<i32>} : memref<400x16xf32, #tpu.memory_space<vmem>>, vector<16xf32>,
        %parallel_loop3A_844 = vector.extract_strided_slice %parallel_loop3A_726 {offsets = [8], sizes = [1], strides = [1]} : vector<16xf32> to vector<1xf32>
        %parallel_loop3A_845 = vector.extract %parallel_loop3A_844[0] : f32 from vector<1xf32>
        %parallel_loop3A_846 = vector.broadcast %parallel_loop3A_845 : f32 to vector<16xf32>
        %parallel_loop3A_847 = arith.mulf %parallel_loop3A_843, %parallel_loop3A_846 : vector<16xf32>
        %parallel_loop3A_848 = arith.constant 8 : i32
        %parallel_loop3A_849 = arith.addi %parallel_loop3A_724, %parallel_loop3A_848 : i32
        %parallel_loop3A_850 = arith.index_cast %parallel_loop3A_849 : i32 to index
        %parallel_loop3A_851 = arith.constant 0 : index
        %parallel_loop3A_852 = tpu.vector_load %arg19[%parallel_loop3A_850, %parallel_loop3A_851] {strides = array<i32>} : memref<400x16xf32, #tpu.memory_space<vmem>>, vector<16xf32>,
        tpu.vector_store %arg19[%parallel_loop3A_850, %parallel_loop3A_851], %parallel_loop3A_847 {strides = array<i32>} : memref<400x16xf32, #tpu.memory_space<vmem>>, vector<16xf32>,
        %parallel_loop3A_853 = arith.constant 9 : i32
        %parallel_loop3A_854 = arith.addi %parallel_loop3A_724, %parallel_loop3A_853 : i32
        %parallel_loop3A_855 = arith.index_cast %parallel_loop3A_854 : i32 to index
        %parallel_loop3A_856 = arith.constant 0 : index
        %parallel_loop3A_857 = tpu.vector_load %arg19[%parallel_loop3A_855, %parallel_loop3A_856] {strides = array<i32>} : memref<400x16xf32, #tpu.memory_space<vmem>>, vector<16xf32>,
        %parallel_loop3A_858 = vector.extract_strided_slice %parallel_loop3A_726 {offsets = [9], sizes = [1], strides = [1]} : vector<16xf32> to vector<1xf32>
        %parallel_loop3A_859 = vector.extract %parallel_loop3A_858[0] : f32 from vector<1xf32>
        %parallel_loop3A_860 = vector.broadcast %parallel_loop3A_859 : f32 to vector<16xf32>
        %parallel_loop3A_861 = arith.mulf %parallel_loop3A_857, %parallel_loop3A_860 : vector<16xf32>
        %parallel_loop3A_862 = arith.constant 9 : i32
        %parallel_loop3A_863 = arith.addi %parallel_loop3A_724, %parallel_loop3A_862 : i32
        %parallel_loop3A_864 = arith.index_cast %parallel_loop3A_863 : i32 to index
        %parallel_loop3A_865 = arith.constant 0 : index
        %parallel_loop3A_866 = tpu.vector_load %arg19[%parallel_loop3A_864, %parallel_loop3A_865] {strides = array<i32>} : memref<400x16xf32, #tpu.memory_space<vmem>>, vector<16xf32>,
        tpu.vector_store %arg19[%parallel_loop3A_864, %parallel_loop3A_865], %parallel_loop3A_861 {strides = array<i32>} : memref<400x16xf32, #tpu.memory_space<vmem>>, vector<16xf32>,
        %parallel_loop3A_867 = arith.constant 10 : i32
        %parallel_loop3A_868 = arith.addi %parallel_loop3A_724, %parallel_loop3A_867 : i32
        %parallel_loop3A_869 = arith.index_cast %parallel_loop3A_868 : i32 to index
        %parallel_loop3A_870 = arith.constant 0 : index
        %parallel_loop3A_871 = tpu.vector_load %arg19[%parallel_loop3A_869, %parallel_loop3A_870] {strides = array<i32>} : memref<400x16xf32, #tpu.memory_space<vmem>>, vector<16xf32>,
        %parallel_loop3A_872 = vector.extract_strided_slice %parallel_loop3A_726 {offsets = [10], sizes = [1], strides = [1]} : vector<16xf32> to vector<1xf32>
        %parallel_loop3A_873 = vector.extract %parallel_loop3A_872[0] : f32 from vector<1xf32>
        %parallel_loop3A_874 = vector.broadcast %parallel_loop3A_873 : f32 to vector<16xf32>
        %parallel_loop3A_875 = arith.mulf %parallel_loop3A_871, %parallel_loop3A_874 : vector<16xf32>
        %parallel_loop3A_876 = arith.constant 10 : i32
        %parallel_loop3A_877 = arith.addi %parallel_loop3A_724, %parallel_loop3A_876 : i32
        %parallel_loop3A_878 = arith.index_cast %parallel_loop3A_877 : i32 to index
        %parallel_loop3A_879 = arith.constant 0 : index
        %parallel_loop3A_880 = tpu.vector_load %arg19[%parallel_loop3A_878, %parallel_loop3A_879] {strides = array<i32>} : memref<400x16xf32, #tpu.memory_space<vmem>>, vector<16xf32>,
        tpu.vector_store %arg19[%parallel_loop3A_878, %parallel_loop3A_879], %parallel_loop3A_875 {strides = array<i32>} : memref<400x16xf32, #tpu.memory_space<vmem>>, vector<16xf32>,
        %parallel_loop3A_881 = arith.constant 11 : i32
        %parallel_loop3A_882 = arith.addi %parallel_loop3A_724, %parallel_loop3A_881 : i32
        %parallel_loop3A_883 = arith.index_cast %parallel_loop3A_882 : i32 to index
        %parallel_loop3A_884 = arith.constant 0 : index
        %parallel_loop3A_885 = tpu.vector_load %arg19[%parallel_loop3A_883, %parallel_loop3A_884] {strides = array<i32>} : memref<400x16xf32, #tpu.memory_space<vmem>>, vector<16xf32>,
        %parallel_loop3A_886 = vector.extract_strided_slice %parallel_loop3A_726 {offsets = [11], sizes = [1], strides = [1]} : vector<16xf32> to vector<1xf32>
        %parallel_loop3A_887 = vector.extract %parallel_loop3A_886[0] : f32 from vector<1xf32>
        %parallel_loop3A_888 = vector.broadcast %parallel_loop3A_887 : f32 to vector<16xf32>
        %parallel_loop3A_889 = arith.mulf %parallel_loop3A_885, %parallel_loop3A_888 : vector<16xf32>
        %parallel_loop3A_890 = arith.constant 11 : i32
        %parallel_loop3A_891 = arith.addi %parallel_loop3A_724, %parallel_loop3A_890 : i32
        %parallel_loop3A_892 = arith.index_cast %parallel_loop3A_891 : i32 to index
        %parallel_loop3A_893 = arith.constant 0 : index
        %parallel_loop3A_894 = tpu.vector_load %arg19[%parallel_loop3A_892, %parallel_loop3A_893] {strides = array<i32>} : memref<400x16xf32, #tpu.memory_space<vmem>>, vector<16xf32>,
        tpu.vector_store %arg19[%parallel_loop3A_892, %parallel_loop3A_893], %parallel_loop3A_889 {strides = array<i32>} : memref<400x16xf32, #tpu.memory_space<vmem>>, vector<16xf32>,
        %parallel_loop3A_895 = arith.constant 12 : i32
        %parallel_loop3A_896 = arith.addi %parallel_loop3A_724, %parallel_loop3A_895 : i32
        %parallel_loop3A_897 = arith.index_cast %parallel_loop3A_896 : i32 to index
        %parallel_loop3A_898 = arith.constant 0 : index
        %parallel_loop3A_899 = tpu.vector_load %arg19[%parallel_loop3A_897, %parallel_loop3A_898] {strides = array<i32>} : memref<400x16xf32, #tpu.memory_space<vmem>>, vector<16xf32>,
        %parallel_loop3A_900 = vector.extract_strided_slice %parallel_loop3A_726 {offsets = [12], sizes = [1], strides = [1]} : vector<16xf32> to vector<1xf32>
        %parallel_loop3A_901 = vector.extract %parallel_loop3A_900[0] : f32 from vector<1xf32>
        %parallel_loop3A_902 = vector.broadcast %parallel_loop3A_901 : f32 to vector<16xf32>
        %parallel_loop3A_903 = arith.mulf %parallel_loop3A_899, %parallel_loop3A_902 : vector<16xf32>
        %parallel_loop3A_904 = arith.constant 12 : i32
        %parallel_loop3A_905 = arith.addi %parallel_loop3A_724, %parallel_loop3A_904 : i32
        %parallel_loop3A_906 = arith.index_cast %parallel_loop3A_905 : i32 to index
        %parallel_loop3A_907 = arith.constant 0 : index
        %parallel_loop3A_908 = tpu.vector_load %arg19[%parallel_loop3A_906, %parallel_loop3A_907] {strides = array<i32>} : memref<400x16xf32, #tpu.memory_space<vmem>>, vector<16xf32>,
        tpu.vector_store %arg19[%parallel_loop3A_906, %parallel_loop3A_907], %parallel_loop3A_903 {strides = array<i32>} : memref<400x16xf32, #tpu.memory_space<vmem>>, vector<16xf32>,
        %parallel_loop3A_909 = arith.constant 13 : i32
        %parallel_loop3A_910 = arith.addi %parallel_loop3A_724, %parallel_loop3A_909 : i32
        %parallel_loop3A_911 = arith.index_cast %parallel_loop3A_910 : i32 to index
        %parallel_loop3A_912 = arith.constant 0 : index
        %parallel_loop3A_913 = tpu.vector_load %arg19[%parallel_loop3A_911, %parallel_loop3A_912] {strides = array<i32>} : memref<400x16xf32, #tpu.memory_space<vmem>>, vector<16xf32>,
        %parallel_loop3A_914 = vector.extract_strided_slice %parallel_loop3A_726 {offsets = [13], sizes = [1], strides = [1]} : vector<16xf32> to vector<1xf32>
        %parallel_loop3A_915 = vector.extract %parallel_loop3A_914[0] : f32 from vector<1xf32>
        %parallel_loop3A_916 = vector.broadcast %parallel_loop3A_915 : f32 to vector<16xf32>
        %parallel_loop3A_917 = arith.mulf %parallel_loop3A_913, %parallel_loop3A_916 : vector<16xf32>
        %parallel_loop3A_918 = arith.constant 13 : i32
        %parallel_loop3A_919 = arith.addi %parallel_loop3A_724, %parallel_loop3A_918 : i32
        %parallel_loop3A_920 = arith.index_cast %parallel_loop3A_919 : i32 to index
        %parallel_loop3A_921 = arith.constant 0 : index
        %parallel_loop3A_922 = tpu.vector_load %arg19[%parallel_loop3A_920, %parallel_loop3A_921] {strides = array<i32>} : memref<400x16xf32, #tpu.memory_space<vmem>>, vector<16xf32>,
        tpu.vector_store %arg19[%parallel_loop3A_920, %parallel_loop3A_921], %parallel_loop3A_917 {strides = array<i32>} : memref<400x16xf32, #tpu.memory_space<vmem>>, vector<16xf32>,
        %parallel_loop3A_923 = arith.constant 14 : i32
        %parallel_loop3A_924 = arith.addi %parallel_loop3A_724, %parallel_loop3A_923 : i32
        %parallel_loop3A_925 = arith.index_cast %parallel_loop3A_924 : i32 to index
        %parallel_loop3A_926 = arith.constant 0 : index
        %parallel_loop3A_927 = tpu.vector_load %arg19[%parallel_loop3A_925, %parallel_loop3A_926] {strides = array<i32>} : memref<400x16xf32, #tpu.memory_space<vmem>>, vector<16xf32>,
        %parallel_loop3A_928 = vector.extract_strided_slice %parallel_loop3A_726 {offsets = [14], sizes = [1], strides = [1]} : vector<16xf32> to vector<1xf32>
        %parallel_loop3A_929 = vector.extract %parallel_loop3A_928[0] : f32 from vector<1xf32>
        %parallel_loop3A_930 = vector.broadcast %parallel_loop3A_929 : f32 to vector<16xf32>
        %parallel_loop3A_931 = arith.mulf %parallel_loop3A_927, %parallel_loop3A_930 : vector<16xf32>
        %parallel_loop3A_932 = arith.constant 14 : i32
        %parallel_loop3A_933 = arith.addi %parallel_loop3A_724, %parallel_loop3A_932 : i32
        %parallel_loop3A_934 = arith.index_cast %parallel_loop3A_933 : i32 to index
        %parallel_loop3A_935 = arith.constant 0 : index
        %parallel_loop3A_936 = tpu.vector_load %arg19[%parallel_loop3A_934, %parallel_loop3A_935] {strides = array<i32>} : memref<400x16xf32, #tpu.memory_space<vmem>>, vector<16xf32>,
        tpu.vector_store %arg19[%parallel_loop3A_934, %parallel_loop3A_935], %parallel_loop3A_931 {strides = array<i32>} : memref<400x16xf32, #tpu.memory_space<vmem>>, vector<16xf32>,
        %parallel_loop3A_937 = arith.constant 15 : i32
        %parallel_loop3A_938 = arith.addi %parallel_loop3A_724, %parallel_loop3A_937 : i32
        %parallel_loop3A_939 = arith.index_cast %parallel_loop3A_938 : i32 to index
        %parallel_loop3A_940 = arith.constant 0 : index
        %parallel_loop3A_941 = tpu.vector_load %arg19[%parallel_loop3A_939, %parallel_loop3A_940] {strides = array<i32>} : memref<400x16xf32, #tpu.memory_space<vmem>>, vector<16xf32>,
        %parallel_loop3A_942 = vector.extract_strided_slice %parallel_loop3A_726 {offsets = [15], sizes = [1], strides = [1]} : vector<16xf32> to vector<1xf32>
        %parallel_loop3A_943 = vector.extract %parallel_loop3A_942[0] : f32 from vector<1xf32>
        %parallel_loop3A_944 = vector.broadcast %parallel_loop3A_943 : f32 to vector<16xf32>
        %parallel_loop3A_945 = arith.mulf %parallel_loop3A_941, %parallel_loop3A_944 : vector<16xf32>
        %parallel_loop3A_946 = arith.constant 15 : i32
        %parallel_loop3A_947 = arith.addi %parallel_loop3A_724, %parallel_loop3A_946 : i32
        %parallel_loop3A_948 = arith.index_cast %parallel_loop3A_947 : i32 to index
        %parallel_loop3A_949 = arith.constant 0 : index
        %parallel_loop3A_950 = tpu.vector_load %arg19[%parallel_loop3A_948, %parallel_loop3A_949] {strides = array<i32>} : memref<400x16xf32, #tpu.memory_space<vmem>>, vector<16xf32>,
        tpu.vector_store %arg19[%parallel_loop3A_948, %parallel_loop3A_949], %parallel_loop3A_945 {strides = array<i32>} : memref<400x16xf32, #tpu.memory_space<vmem>>, vector<16xf32>,
      } {sc.loop_unroll_factor = 1 : i64, sc.parallel_access}
      %rem3A_655 = arith.constant 4 : i32
      %rem3A_656 = arith.remsi %mul3A_574, %rem3A_655 : i32
      %dma_start3A_657 = arith.constant 0 : i32
      %dma_start3A_658 = tpu.memref_slice %arg16[%rem3A_656, %dma_start3A_657] : memref<4x400xi32, #tpu.memory_space<vmem>> -> memref<1x400xi32, #tpu.memory_space<vmem>>
      %dma_start3A_659 = tpu.memref_squeeze %dma_start3A_658 : memref<1x400xi32, #tpu.memory_space<vmem>> -> memref<400xi32, #tpu.memory_space<vmem>>
      %dma_start3A_660 = arith.constant 0 : i32
      %dma_start3A_661 = arith.constant 0 : i32
      %dma_start3A_662 = tpu.memref_slice %arg13[%dma_start3A_660, %dma_start3A_661] : memref<100096x16xf32, #tpu.memory_space<vmem_shared>> -> memref<100096x16xf32, #tpu.memory_space<vmem_shared>>
      tpu.enqueue_indirect_dma source(%arg19 : memref<400x16xf32, #tpu.memory_space<vmem>>) target(%dma_start3A_662 : memref<100096x16xf32, #tpu.memory_space<vmem_shared>>) offsets(%dma_start3A_659 : memref<400xi32, #tpu.memory_space<vmem>>) semaphore(%arg25 : memref<!tpu.dma_semaphore, #tpu.memory_space<semaphore_mem>>) {add = true}
      %lt3A_663 = arith.constant 124 : i32
      %lt3A_664 = arith.cmpi slt, %scan3A_571, %lt3A_663 : i32
      %convert_element_type3A_665 = arith.extui %lt3A_664 : i1 to i32
      %cond3A_666 = arith.constant 0 : i32
      %cond3A_667 = arith.cmpi ne, %convert_element_type3A_665, %cond3A_666 : i32
      scf.if %cond3A_667 {
        %add3A_722 = arith.constant 2 : i32
        %add3A_723 = arith.addi %mul3A_574, %add3A_722 : i32
        %mul3A_724 = arith.constant 100000 : i32
        %mul3A_725 = arith.muli %arg1, %mul3A_724 : i32
        %mul3A_726 = arith.constant 400 : i32
        %mul3A_727 = arith.muli %add3A_723, %mul3A_726 : i32
        %add3A_728 = arith.addi %mul3A_725, %mul3A_727 : i32
        %dma_start3A_729 = tpu.memref_slice %arg3[%add3A_728] : memref<1600000xi32, #tpu.memory_space<hbm>> -> memref<400xi32, #tpu.memory_space<hbm>>
        %dma_start3A_730 = tpu.memref_slice %arg3[%add3A_728] : memref<1600000xi32, #tpu.memory_space<hbm>> -> memref<400xi32, #tpu.memory_space<hbm>>
        tpu.enqueue_dma source(%dma_start3A_730 : memref<400xi32, #tpu.memory_space<hbm>>) target(%arg14 : memref<400xi32, #tpu.memory_space<vmem>>) target_semaphore(%arg21 : memref<!tpu.dma_semaphore, #tpu.memory_space<semaphore_mem>>)
        %rem3A_731 = arith.constant 4 : i32
        %rem3A_732 = arith.remsi %add3A_723, %rem3A_731 : i32
        %dma_start3A_733 = arith.constant 0 : i32
        %dma_start3A_734 = tpu.memref_slice %arg16[%rem3A_732, %dma_start3A_733] : memref<4x400xi32, #tpu.memory_space<vmem>> -> memref<1x400xi32, #tpu.memory_space<vmem>>
        %dma_start3A_735 = tpu.memref_squeeze %dma_start3A_734 : memref<1x400xi32, #tpu.memory_space<vmem>> -> memref<400xi32, #tpu.memory_space<vmem>>
        %dma_start3A_736 = tpu.memref_slice %arg4[%add3A_728] : memref<1600000xi32, #tpu.memory_space<hbm>> -> memref<400xi32, #tpu.memory_space<hbm>>
        %dma_start3A_737 = arith.constant 0 : i32
        %dma_start3A_738 = tpu.memref_slice %arg16[%rem3A_732, %dma_start3A_737] : memref<4x400xi32, #tpu.memory_space<vmem>> -> memref<1x400xi32, #tpu.memory_space<vmem>>
        %dma_start3A_739 = tpu.memref_squeeze %dma_start3A_738 : memref<1x400xi32, #tpu.memory_space<vmem>> -> memref<400xi32, #tpu.memory_space<vmem>>
        %dma_start3A_740 = tpu.memref_slice %arg4[%add3A_728] : memref<1600000xi32, #tpu.memory_space<hbm>> -> memref<400xi32, #tpu.memory_space<hbm>>
        tpu.enqueue_dma source(%dma_start3A_740 : memref<400xi32, #tpu.memory_space<hbm>>) target(%dma_start3A_739 : memref<400xi32, #tpu.memory_space<vmem>>) target_semaphore(%arg21 : memref<!tpu.dma_semaphore, #tpu.memory_space<semaphore_mem>>)
        %dma_start3A_741 = arith.constant 0 : i32
        %dma_start3A_742 = tpu.memref_slice %arg17[%dma_start3A_741] : memref<416xf32, #tpu.memory_space<vmem>> -> memref<400xf32, #tpu.memory_space<vmem>>
        %dma_start3A_743 = tpu.memref_slice %arg5[%add3A_728] : memref<1600000xf32, #tpu.memory_space<hbm>> -> memref<400xf32, #tpu.memory_space<hbm>>
        %dma_start3A_744 = arith.constant 0 : i32
        %dma_start3A_745 = tpu.memref_slice %arg17[%dma_start3A_744] : memref<416xf32, #tpu.memory_space<vmem>> -> memref<400xf32, #tpu.memory_space<vmem>>
        %dma_start3A_746 = tpu.memref_slice %arg5[%add3A_728] : memref<1600000xf32, #tpu.memory_space<hbm>> -> memref<400xf32, #tpu.memory_space<hbm>>
        tpu.enqueue_dma source(%dma_start3A_746 : memref<400xf32, #tpu.memory_space<hbm>>) target(%dma_start3A_745 : memref<400xf32, #tpu.memory_space<vmem>>) target_semaphore(%arg21 : memref<!tpu.dma_semaphore, #tpu.memory_space<semaphore_mem>>)
      } else {
      }
      %dma_wait3A_668 = arith.constant 0 : i32
      %dma_wait3A_669 = arith.constant 0 : i32
      %dma_wait3A_670 = tpu.memref_slice %arg20[%dma_wait3A_668, %dma_wait3A_669] : memref<400x16xf32, #tpu.memory_space<vmem>> -> memref<200x16xf32, #tpu.memory_space<vmem>>
      %dma_wait3A_671 = arith.constant 0 : i32
      %dma_wait3A_672 = tpu.memref_slice %arg15[%dma_wait3A_671] : memref<400xi32, #tpu.memory_space<vmem>> -> memref<200xi32, #tpu.memory_space<vmem>>
      %dma_wait3A_673 = arith.constant 0 : i32
      %dma_wait3A_674 = arith.constant 0 : i32
      %dma_wait3A_675 = tpu.memref_slice %arg2[%arg0, %dma_wait3A_673, %dma_wait3A_674] : memref<2x100000x16xf32, #tpu.memory_space<hbm>> -> memref<1x100000x16xf32, #tpu.memory_space<hbm>>
      %dma_wait3A_676 = tpu.memref_squeeze %dma_wait3A_675 : memref<1x100000x16xf32, #tpu.memory_space<hbm>> -> memref<100000x16xf32, #tpu.memory_space<hbm>>
      %dma_wait3A_677 = arith.constant 0 : i32
      %dma_wait3A_678 = arith.constant 0 : i32
      %dma_wait3A_679 = tpu.memref_slice %dma_wait3A_676[%dma_wait3A_677, %dma_wait3A_678] : memref<100000x16xf32, #tpu.memory_space<hbm>> -> memref<100000x16xf32, #tpu.memory_space<hbm>>
      tpu.wait_indirect_dma semaphore(%arg24 : memref<!tpu.dma_semaphore, #tpu.memory_space<semaphore_mem>>) src(%dma_wait3A_679 : memref<100000x16xf32, #tpu.memory_space<hbm>>) dst(%dma_wait3A_670 : memref<200x16xf32, #tpu.memory_space<vmem>>)
      %dma_wait3A_680 = arith.constant 200 : i32
      %dma_wait3A_681 = arith.constant 0 : i32
      %dma_wait3A_682 = tpu.memref_slice %arg20[%dma_wait3A_680, %dma_wait3A_681] : memref<400x16xf32, #tpu.memory_space<vmem>> -> memref<200x16xf32, #tpu.memory_space<vmem>>
      %dma_wait3A_683 = arith.constant 200 : i32
      %dma_wait3A_684 = tpu.memref_slice %arg15[%dma_wait3A_683] : memref<400xi32, #tpu.memory_space<vmem>> -> memref<200xi32, #tpu.memory_space<vmem>>
      %dma_wait3A_685 = arith.constant 0 : i32
      %dma_wait3A_686 = arith.constant 0 : i32
      %dma_wait3A_687 = tpu.memref_slice %arg2[%arg0, %dma_wait3A_685, %dma_wait3A_686] : memref<2x100000x16xf32, #tpu.memory_space<hbm>> -> memref<1x100000x16xf32, #tpu.memory_space<hbm>>
      %dma_wait3A_688 = tpu.memref_squeeze %dma_wait3A_687 : memref<1x100000x16xf32, #tpu.memory_space<hbm>> -> memref<100000x16xf32, #tpu.memory_space<hbm>>
      %dma_wait3A_689 = arith.constant 0 : i32
      %dma_wait3A_690 = arith.constant 0 : i32
      %dma_wait3A_691 = tpu.memref_slice %dma_wait3A_688[%dma_wait3A_689, %dma_wait3A_690] : memref<100000x16xf32, #tpu.memory_space<hbm>> -> memref<100000x16xf32, #tpu.memory_space<hbm>>
      tpu.wait_indirect_dma semaphore(%arg24 : memref<!tpu.dma_semaphore, #tpu.memory_space<semaphore_mem>>) src(%dma_wait3A_691 : memref<100000x16xf32, #tpu.memory_space<hbm>>) dst(%dma_wait3A_682 : memref<200x16xf32, #tpu.memory_space<vmem>>)
      %rem3A_692 = arith.constant 4 : i32
      %rem3A_693 = arith.remsi %mul3A_574, %rem3A_692 : i32
      %dma_wait3A_694 = arith.constant 0 : i32
      %dma_wait3A_695 = tpu.memref_slice %arg16[%rem3A_693, %dma_wait3A_694] : memref<4x400xi32, #tpu.memory_space<vmem>> -> memref<1x400xi32, #tpu.memory_space<vmem>>
      %dma_wait3A_696 = tpu.memref_squeeze %dma_wait3A_695 : memref<1x400xi32, #tpu.memory_space<vmem>> -> memref<400xi32, #tpu.memory_space<vmem>>
      %dma_wait3A_697 = arith.constant 0 : i32
      %dma_wait3A_698 = arith.constant 0 : i32
      %dma_wait3A_699 = tpu.memref_slice %arg13[%dma_wait3A_697, %dma_wait3A_698] : memref<100096x16xf32, #tpu.memory_space<vmem_shared>> -> memref<100096x16xf32, #tpu.memory_space<vmem_shared>>
      tpu.wait_indirect_dma semaphore(%arg25 : memref<!tpu.dma_semaphore, #tpu.memory_space<semaphore_mem>>) src(%arg19 : memref<400x16xf32, #tpu.memory_space<vmem>>) dst(%dma_wait3A_699 : memref<100096x16xf32, #tpu.memory_space<vmem_shared>>)
      %lt3A_700 = arith.constant 124 : i32
      %lt3A_701 = arith.cmpi slt, %scan3A_571, %lt3A_700 : i32
      %convert_element_type3A_702 = arith.extui %lt3A_701 : i1 to i32
      %cond3A_703 = arith.constant 0 : i32
      %cond3A_704 = arith.cmpi ne, %convert_element_type3A_702, %cond3A_703 : i32
      scf.if %cond3A_704 {
        %add3A_722 = arith.constant 1 : i32
        %add3A_723 = arith.addi %add3A_576, %add3A_722 : i32
        %mul3A_724 = arith.constant 100000 : i32
        %mul3A_725 = arith.muli %arg1, %mul3A_724 : i32
        %mul3A_726 = arith.constant 400 : i32
        %mul3A_727 = arith.muli %add3A_723, %mul3A_726 : i32
        %add3A_728 = arith.addi %mul3A_725, %mul3A_727 : i32
        %dma_wait3A_729 = tpu.memref_slice %arg3[%add3A_728] : memref<1600000xi32, #tpu.memory_space<hbm>> -> memref<400xi32, #tpu.memory_space<hbm>>
        %dma_wait3A_730 = tpu.memref_slice %arg3[%add3A_728] : memref<1600000xi32, #tpu.memory_space<hbm>> -> memref<400xi32, #tpu.memory_space<hbm>>
        tpu.wait_dma2 semaphore(%arg21 : memref<!tpu.dma_semaphore, #tpu.memory_space<semaphore_mem>>) src(%dma_wait3A_730 : memref<400xi32, #tpu.memory_space<hbm>>) dst(%arg14 : memref<400xi32, #tpu.memory_space<vmem>>)
        %rem3A_731 = arith.constant 4 : i32
        %rem3A_732 = arith.remsi %add3A_723, %rem3A_731 : i32
        %dma_wait3A_733 = arith.constant 0 : i32
        %dma_wait3A_734 = tpu.memref_slice %arg16[%rem3A_732, %dma_wait3A_733] : memref<4x400xi32, #tpu.memory_space<vmem>> -> memref<1x400xi32, #tpu.memory_space<vmem>>
        %dma_wait3A_735 = tpu.memref_squeeze %dma_wait3A_734 : memref<1x400xi32, #tpu.memory_space<vmem>> -> memref<400xi32, #tpu.memory_space<vmem>>
        %dma_wait3A_736 = tpu.memref_slice %arg4[%add3A_728] : memref<1600000xi32, #tpu.memory_space<hbm>> -> memref<400xi32, #tpu.memory_space<hbm>>
        %dma_wait3A_737 = arith.constant 0 : i32
        %dma_wait3A_738 = tpu.memref_slice %arg16[%rem3A_732, %dma_wait3A_737] : memref<4x400xi32, #tpu.memory_space<vmem>> -> memref<1x400xi32, #tpu.memory_space<vmem>>
        %dma_wait3A_739 = tpu.memref_squeeze %dma_wait3A_738 : memref<1x400xi32, #tpu.memory_space<vmem>> -> memref<400xi32, #tpu.memory_space<vmem>>
        %dma_wait3A_740 = tpu.memref_slice %arg4[%add3A_728] : memref<1600000xi32, #tpu.memory_space<hbm>> -> memref<400xi32, #tpu.memory_space<hbm>>
        tpu.wait_dma2 semaphore(%arg21 : memref<!tpu.dma_semaphore, #tpu.memory_space<semaphore_mem>>) src(%dma_wait3A_740 : memref<400xi32, #tpu.memory_space<hbm>>) dst(%dma_wait3A_739 : memref<400xi32, #tpu.memory_space<vmem>>)
        %dma_wait3A_741 = arith.constant 0 : i32
        %dma_wait3A_742 = tpu.memref_slice %arg17[%dma_wait3A_741] : memref<416xf32, #tpu.memory_space<vmem>> -> memref<400xf32, #tpu.memory_space<vmem>>
        %dma_wait3A_743 = tpu.memref_slice %arg5[%add3A_728] : memref<1600000xf32, #tpu.memory_space<hbm>> -> memref<400xf32, #tpu.memory_space<hbm>>
        %dma_wait3A_744 = arith.constant 0 : i32
        %dma_wait3A_745 = tpu.memref_slice %arg17[%dma_wait3A_744] : memref<416xf32, #tpu.memory_space<vmem>> -> memref<400xf32, #tpu.memory_space<vmem>>
        %dma_wait3A_746 = tpu.memref_slice %arg5[%add3A_728] : memref<1600000xf32, #tpu.memory_space<hbm>> -> memref<400xf32, #tpu.memory_space<hbm>>
        tpu.wait_dma2 semaphore(%arg21 : memref<!tpu.dma_semaphore, #tpu.memory_space<semaphore_mem>>) src(%dma_wait3A_746 : memref<400xf32, #tpu.memory_space<hbm>>) dst(%dma_wait3A_745 : memref<400xf32, #tpu.memory_space<vmem>>)
        %dma_start3A_747 = arith.constant 0 : i32
        %dma_start3A_748 = arith.constant 0 : i32
        %dma_start3A_749 = tpu.memref_slice %arg19[%dma_start3A_747, %dma_start3A_748] : memref<400x16xf32, #tpu.memory_space<vmem>> -> memref<200x16xf32, #tpu.memory_space<vmem>>
        %dma_start3A_750 = arith.constant 0 : i32
        %dma_start3A_751 = tpu.memref_slice %arg14[%dma_start3A_750] : memref<400xi32, #tpu.memory_space<vmem>> -> memref<200xi32, #tpu.memory_space<vmem>>
        %dma_start3A_752 = arith.constant 0 : i32
        %dma_start3A_753 = arith.constant 0 : i32
        %dma_start3A_754 = tpu.memref_slice %arg2[%arg0, %dma_start3A_752, %dma_start3A_753] : memref<2x100000x16xf32, #tpu.memory_space<hbm>> -> memref<1x100000x16xf32, #tpu.memory_space<hbm>>
        %dma_start3A_755 = tpu.memref_squeeze %dma_start3A_754 : memref<1x100000x16xf32, #tpu.memory_space<hbm>> -> memref<100000x16xf32, #tpu.memory_space<hbm>>
        %dma_start3A_756 = arith.constant 0 : i32
        %dma_start3A_757 = arith.constant 0 : i32
        %dma_start3A_758 = tpu.memref_slice %dma_start3A_755[%dma_start3A_756, %dma_start3A_757] : memref<100000x16xf32, #tpu.memory_space<hbm>> -> memref<100000x16xf32, #tpu.memory_space<hbm>>
        tpu.enqueue_indirect_dma source(%dma_start3A_758 : memref<100000x16xf32, #tpu.memory_space<hbm>>) target(%dma_start3A_749 : memref<200x16xf32, #tpu.memory_space<vmem>>) offsets(%dma_start3A_751 : memref<200xi32, #tpu.memory_space<vmem>>) semaphore(%arg23 : memref<!tpu.dma_semaphore, #tpu.memory_space<semaphore_mem>>)
        %dma_start3A_759 = arith.constant 200 : i32
        %dma_start3A_760 = arith.constant 0 : i32
        %dma_start3A_761 = tpu.memref_slice %arg19[%dma_start3A_759, %dma_start3A_760] : memref<400x16xf32, #tpu.memory_space<vmem>> -> memref<200x16xf32, #tpu.memory_space<vmem>>
        %dma_start3A_762 = arith.constant 200 : i32
        %dma_start3A_763 = tpu.memref_slice %arg14[%dma_start3A_762] : memref<400xi32, #tpu.memory_space<vmem>> -> memref<200xi32, #tpu.memory_space<vmem>>
        %dma_start3A_764 = arith.constant 0 : i32
        %dma_start3A_765 = arith.constant 0 : i32
        %dma_start3A_766 = tpu.memref_slice %arg2[%arg0, %dma_start3A_764, %dma_start3A_765] : memref<2x100000x16xf32, #tpu.memory_space<hbm>> -> memref<1x100000x16xf32, #tpu.memory_space<hbm>>
        %dma_start3A_767 = tpu.memref_squeeze %dma_start3A_766 : memref<1x100000x16xf32, #tpu.memory_space<hbm>> -> memref<100000x16xf32, #tpu.memory_space<hbm>>
        %dma_start3A_768 = arith.constant 0 : i32
        %dma_start3A_769 = arith.constant 0 : i32
        %dma_start3A_770 = tpu.memref_slice %dma_start3A_767[%dma_start3A_768, %dma_start3A_769] : memref<100000x16xf32, #tpu.memory_space<hbm>> -> memref<100000x16xf32, #tpu.memory_space<hbm>>
        tpu.enqueue_indirect_dma source(%dma_start3A_770 : memref<100000x16xf32, #tpu.memory_space<hbm>>) target(%dma_start3A_761 : memref<200x16xf32, #tpu.memory_space<vmem>>) offsets(%dma_start3A_763 : memref<200xi32, #tpu.memory_space<vmem>>) semaphore(%arg23 : memref<!tpu.dma_semaphore, #tpu.memory_space<semaphore_mem>>)
      } else {
      }
      %parallel_loop3A_705 = arith.constant 0 : i32
      %parallel_loop3A_706 = arith.constant 25 : i32
      %parallel_loop3A_707 = arith.constant 1 : i32
      scf.for %parallel_loop3A_722 = %parallel_loop3A_705 to %parallel_loop3A_706 step %parallel_loop3A_707  : i32 {
        %parallel_loop3A_723 = arith.constant 16 : i32
        %parallel_loop3A_724 = arith.muli %parallel_loop3A_722, %parallel_loop3A_723 : i32
        %parallel_loop3A_725 = arith.index_cast %parallel_loop3A_724 : i32 to index
        %parallel_loop3A_726 = tpu.vector_load %arg18[%parallel_loop3A_725] {strides = array<i32>} : memref<416xf32, #tpu.memory_space<vmem>>, vector<16xf32>,
        %parallel_loop3A_727 = arith.constant 0 : i32
        %parallel_loop3A_728 = arith.addi %parallel_loop3A_724, %parallel_loop3A_727 : i32
        %parallel_loop3A_729 = arith.index_cast %parallel_loop3A_728 : i32 to index
        %parallel_loop3A_730 = arith.constant 0 : index
        %parallel_loop3A_731 = tpu.vector_load %arg20[%parallel_loop3A_729, %parallel_loop3A_730] {strides = array<i32>} : memref<400x16xf32, #tpu.memory_space<vmem>>, vector<16xf32>,
        %parallel_loop3A_732 = vector.extract_strided_slice %parallel_loop3A_726 {offsets = [0], sizes = [1], strides = [1]} : vector<16xf32> to vector<1xf32>
        %parallel_loop3A_733 = vector.extract %parallel_loop3A_732[0] : f32 from vector<1xf32>
        %parallel_loop3A_734 = vector.broadcast %parallel_loop3A_733 : f32 to vector<16xf32>
        %parallel_loop3A_735 = arith.mulf %parallel_loop3A_731, %parallel_loop3A_734 : vector<16xf32>
        %parallel_loop3A_736 = arith.constant 0 : i32
        %parallel_loop3A_737 = arith.addi %parallel_loop3A_724, %parallel_loop3A_736 : i32
        %parallel_loop3A_738 = arith.index_cast %parallel_loop3A_737 : i32 to index
        %parallel_loop3A_739 = arith.constant 0 : index
        %parallel_loop3A_740 = tpu.vector_load %arg20[%parallel_loop3A_738, %parallel_loop3A_739] {strides = array<i32>} : memref<400x16xf32, #tpu.memory_space<vmem>>, vector<16xf32>,
        tpu.vector_store %arg20[%parallel_loop3A_738, %parallel_loop3A_739], %parallel_loop3A_735 {strides = array<i32>} : memref<400x16xf32, #tpu.memory_space<vmem>>, vector<16xf32>,
        %parallel_loop3A_741 = arith.constant 1 : i32
        %parallel_loop3A_742 = arith.addi %parallel_loop3A_724, %parallel_loop3A_741 : i32
        %parallel_loop3A_743 = arith.index_cast %parallel_loop3A_742 : i32 to index
        %parallel_loop3A_744 = arith.constant 0 : index
        %parallel_loop3A_745 = tpu.vector_load %arg20[%parallel_loop3A_743, %parallel_loop3A_744] {strides = array<i32>} : memref<400x16xf32, #tpu.memory_space<vmem>>, vector<16xf32>,
        %parallel_loop3A_746 = vector.extract_strided_slice %parallel_loop3A_726 {offsets = [1], sizes = [1], strides = [1]} : vector<16xf32> to vector<1xf32>
        %parallel_loop3A_747 = vector.extract %parallel_loop3A_746[0] : f32 from vector<1xf32>
        %parallel_loop3A_748 = vector.broadcast %parallel_loop3A_747 : f32 to vector<16xf32>
        %parallel_loop3A_749 = arith.mulf %parallel_loop3A_745, %parallel_loop3A_748 : vector<16xf32>
        %parallel_loop3A_750 = arith.constant 1 : i32
        %parallel_loop3A_751 = arith.addi %parallel_loop3A_724, %parallel_loop3A_750 : i32
        %parallel_loop3A_752 = arith.index_cast %parallel_loop3A_751 : i32 to index
        %parallel_loop3A_753 = arith.constant 0 : index
        %parallel_loop3A_754 = tpu.vector_load %arg20[%parallel_loop3A_752, %parallel_loop3A_753] {strides = array<i32>} : memref<400x16xf32, #tpu.memory_space<vmem>>, vector<16xf32>,
        tpu.vector_store %arg20[%parallel_loop3A_752, %parallel_loop3A_753], %parallel_loop3A_749 {strides = array<i32>} : memref<400x16xf32, #tpu.memory_space<vmem>>, vector<16xf32>,
        %parallel_loop3A_755 = arith.constant 2 : i32
        %parallel_loop3A_756 = arith.addi %parallel_loop3A_724, %parallel_loop3A_755 : i32
        %parallel_loop3A_757 = arith.index_cast %parallel_loop3A_756 : i32 to index
        %parallel_loop3A_758 = arith.constant 0 : index
        %parallel_loop3A_759 = tpu.vector_load %arg20[%parallel_loop3A_757, %parallel_loop3A_758] {strides = array<i32>} : memref<400x16xf32, #tpu.memory_space<vmem>>, vector<16xf32>,
        %parallel_loop3A_760 = vector.extract_strided_slice %parallel_loop3A_726 {offsets = [2], sizes = [1], strides = [1]} : vector<16xf32> to vector<1xf32>
        %parallel_loop3A_761 = vector.extract %parallel_loop3A_760[0] : f32 from vector<1xf32>
        %parallel_loop3A_762 = vector.broadcast %parallel_loop3A_761 : f32 to vector<16xf32>
        %parallel_loop3A_763 = arith.mulf %parallel_loop3A_759, %parallel_loop3A_762 : vector<16xf32>
        %parallel_loop3A_764 = arith.constant 2 : i32
        %parallel_loop3A_765 = arith.addi %parallel_loop3A_724, %parallel_loop3A_764 : i32
        %parallel_loop3A_766 = arith.index_cast %parallel_loop3A_765 : i32 to index
        %parallel_loop3A_767 = arith.constant 0 : index
        %parallel_loop3A_768 = tpu.vector_load %arg20[%parallel_loop3A_766, %parallel_loop3A_767] {strides = array<i32>} : memref<400x16xf32, #tpu.memory_space<vmem>>, vector<16xf32>,
        tpu.vector_store %arg20[%parallel_loop3A_766, %parallel_loop3A_767], %parallel_loop3A_763 {strides = array<i32>} : memref<400x16xf32, #tpu.memory_space<vmem>>, vector<16xf32>,
        %parallel_loop3A_769 = arith.constant 3 : i32
        %parallel_loop3A_770 = arith.addi %parallel_loop3A_724, %parallel_loop3A_769 : i32
        %parallel_loop3A_771 = arith.index_cast %parallel_loop3A_770 : i32 to index
        %parallel_loop3A_772 = arith.constant 0 : index
        %parallel_loop3A_773 = tpu.vector_load %arg20[%parallel_loop3A_771, %parallel_loop3A_772] {strides = array<i32>} : memref<400x16xf32, #tpu.memory_space<vmem>>, vector<16xf32>,
        %parallel_loop3A_774 = vector.extract_strided_slice %parallel_loop3A_726 {offsets = [3], sizes = [1], strides = [1]} : vector<16xf32> to vector<1xf32>
        %parallel_loop3A_775 = vector.extract %parallel_loop3A_774[0] : f32 from vector<1xf32>
        %parallel_loop3A_776 = vector.broadcast %parallel_loop3A_775 : f32 to vector<16xf32>
        %parallel_loop3A_777 = arith.mulf %parallel_loop3A_773, %parallel_loop3A_776 : vector<16xf32>
        %parallel_loop3A_778 = arith.constant 3 : i32
        %parallel_loop3A_779 = arith.addi %parallel_loop3A_724, %parallel_loop3A_778 : i32
        %parallel_loop3A_780 = arith.index_cast %parallel_loop3A_779 : i32 to index
        %parallel_loop3A_781 = arith.constant 0 : index
        %parallel_loop3A_782 = tpu.vector_load %arg20[%parallel_loop3A_780, %parallel_loop3A_781] {strides = array<i32>} : memref<400x16xf32, #tpu.memory_space<vmem>>, vector<16xf32>,
        tpu.vector_store %arg20[%parallel_loop3A_780, %parallel_loop3A_781], %parallel_loop3A_777 {strides = array<i32>} : memref<400x16xf32, #tpu.memory_space<vmem>>, vector<16xf32>,
        %parallel_loop3A_783 = arith.constant 4 : i32
        %parallel_loop3A_784 = arith.addi %parallel_loop3A_724, %parallel_loop3A_783 : i32
        %parallel_loop3A_785 = arith.index_cast %parallel_loop3A_784 : i32 to index
        %parallel_loop3A_786 = arith.constant 0 : index
        %parallel_loop3A_787 = tpu.vector_load %arg20[%parallel_loop3A_785, %parallel_loop3A_786] {strides = array<i32>} : memref<400x16xf32, #tpu.memory_space<vmem>>, vector<16xf32>,
        %parallel_loop3A_788 = vector.extract_strided_slice %parallel_loop3A_726 {offsets = [4], sizes = [1], strides = [1]} : vector<16xf32> to vector<1xf32>
        %parallel_loop3A_789 = vector.extract %parallel_loop3A_788[0] : f32 from vector<1xf32>
        %parallel_loop3A_790 = vector.broadcast %parallel_loop3A_789 : f32 to vector<16xf32>
        %parallel_loop3A_791 = arith.mulf %parallel_loop3A_787, %parallel_loop3A_790 : vector<16xf32>
        %parallel_loop3A_792 = arith.constant 4 : i32
        %parallel_loop3A_793 = arith.addi %parallel_loop3A_724, %parallel_loop3A_792 : i32
        %parallel_loop3A_794 = arith.index_cast %parallel_loop3A_793 : i32 to index
        %parallel_loop3A_795 = arith.constant 0 : index
        %parallel_loop3A_796 = tpu.vector_load %arg20[%parallel_loop3A_794, %parallel_loop3A_795] {strides = array<i32>} : memref<400x16xf32, #tpu.memory_space<vmem>>, vector<16xf32>,
        tpu.vector_store %arg20[%parallel_loop3A_794, %parallel_loop3A_795], %parallel_loop3A_791 {strides = array<i32>} : memref<400x16xf32, #tpu.memory_space<vmem>>, vector<16xf32>,
        %parallel_loop3A_797 = arith.constant 5 : i32
        %parallel_loop3A_798 = arith.addi %parallel_loop3A_724, %parallel_loop3A_797 : i32
        %parallel_loop3A_799 = arith.index_cast %parallel_loop3A_798 : i32 to index
        %parallel_loop3A_800 = arith.constant 0 : index
        %parallel_loop3A_801 = tpu.vector_load %arg20[%parallel_loop3A_799, %parallel_loop3A_800] {strides = array<i32>} : memref<400x16xf32, #tpu.memory_space<vmem>>, vector<16xf32>,
        %parallel_loop3A_802 = vector.extract_strided_slice %parallel_loop3A_726 {offsets = [5], sizes = [1], strides = [1]} : vector<16xf32> to vector<1xf32>
        %parallel_loop3A_803 = vector.extract %parallel_loop3A_802[0] : f32 from vector<1xf32>
        %parallel_loop3A_804 = vector.broadcast %parallel_loop3A_803 : f32 to vector<16xf32>
        %parallel_loop3A_805 = arith.mulf %parallel_loop3A_801, %parallel_loop3A_804 : vector<16xf32>
        %parallel_loop3A_806 = arith.constant 5 : i32
        %parallel_loop3A_807 = arith.addi %parallel_loop3A_724, %parallel_loop3A_806 : i32
        %parallel_loop3A_808 = arith.index_cast %parallel_loop3A_807 : i32 to index
        %parallel_loop3A_809 = arith.constant 0 : index
        %parallel_loop3A_810 = tpu.vector_load %arg20[%parallel_loop3A_808, %parallel_loop3A_809] {strides = array<i32>} : memref<400x16xf32, #tpu.memory_space<vmem>>, vector<16xf32>,
        tpu.vector_store %arg20[%parallel_loop3A_808, %parallel_loop3A_809], %parallel_loop3A_805 {strides = array<i32>} : memref<400x16xf32, #tpu.memory_space<vmem>>, vector<16xf32>,
        %parallel_loop3A_811 = arith.constant 6 : i32
        %parallel_loop3A_812 = arith.addi %parallel_loop3A_724, %parallel_loop3A_811 : i32
        %parallel_loop3A_813 = arith.index_cast %parallel_loop3A_812 : i32 to index
        %parallel_loop3A_814 = arith.constant 0 : index
        %parallel_loop3A_815 = tpu.vector_load %arg20[%parallel_loop3A_813, %parallel_loop3A_814] {strides = array<i32>} : memref<400x16xf32, #tpu.memory_space<vmem>>, vector<16xf32>,
        %parallel_loop3A_816 = vector.extract_strided_slice %parallel_loop3A_726 {offsets = [6], sizes = [1], strides = [1]} : vector<16xf32> to vector<1xf32>
        %parallel_loop3A_817 = vector.extract %parallel_loop3A_816[0] : f32 from vector<1xf32>
        %parallel_loop3A_818 = vector.broadcast %parallel_loop3A_817 : f32 to vector<16xf32>
        %parallel_loop3A_819 = arith.mulf %parallel_loop3A_815, %parallel_loop3A_818 : vector<16xf32>
        %parallel_loop3A_820 = arith.constant 6 : i32
        %parallel_loop3A_821 = arith.addi %parallel_loop3A_724, %parallel_loop3A_820 : i32
        %parallel_loop3A_822 = arith.index_cast %parallel_loop3A_821 : i32 to index
        %parallel_loop3A_823 = arith.constant 0 : index
        %parallel_loop3A_824 = tpu.vector_load %arg20[%parallel_loop3A_822, %parallel_loop3A_823] {strides = array<i32>} : memref<400x16xf32, #tpu.memory_space<vmem>>, vector<16xf32>,
        tpu.vector_store %arg20[%parallel_loop3A_822, %parallel_loop3A_823], %parallel_loop3A_819 {strides = array<i32>} : memref<400x16xf32, #tpu.memory_space<vmem>>, vector<16xf32>,
        %parallel_loop3A_825 = arith.constant 7 : i32
        %parallel_loop3A_826 = arith.addi %parallel_loop3A_724, %parallel_loop3A_825 : i32
        %parallel_loop3A_827 = arith.index_cast %parallel_loop3A_826 : i32 to index
        %parallel_loop3A_828 = arith.constant 0 : index
        %parallel_loop3A_829 = tpu.vector_load %arg20[%parallel_loop3A_827, %parallel_loop3A_828] {strides = array<i32>} : memref<400x16xf32, #tpu.memory_space<vmem>>, vector<16xf32>,
        %parallel_loop3A_830 = vector.extract_strided_slice %parallel_loop3A_726 {offsets = [7], sizes = [1], strides = [1]} : vector<16xf32> to vector<1xf32>
        %parallel_loop3A_831 = vector.extract %parallel_loop3A_830[0] : f32 from vector<1xf32>
        %parallel_loop3A_832 = vector.broadcast %parallel_loop3A_831 : f32 to vector<16xf32>
        %parallel_loop3A_833 = arith.mulf %parallel_loop3A_829, %parallel_loop3A_832 : vector<16xf32>
        %parallel_loop3A_834 = arith.constant 7 : i32
        %parallel_loop3A_835 = arith.addi %parallel_loop3A_724, %parallel_loop3A_834 : i32
        %parallel_loop3A_836 = arith.index_cast %parallel_loop3A_835 : i32 to index
        %parallel_loop3A_837 = arith.constant 0 : index
        %parallel_loop3A_838 = tpu.vector_load %arg20[%parallel_loop3A_836, %parallel_loop3A_837] {strides = array<i32>} : memref<400x16xf32, #tpu.memory_space<vmem>>, vector<16xf32>,
        tpu.vector_store %arg20[%parallel_loop3A_836, %parallel_loop3A_837], %parallel_loop3A_833 {strides = array<i32>} : memref<400x16xf32, #tpu.memory_space<vmem>>, vector<16xf32>,
        %parallel_loop3A_839 = arith.constant 8 : i32
        %parallel_loop3A_840 = arith.addi %parallel_loop3A_724, %parallel_loop3A_839 : i32
        %parallel_loop3A_841 = arith.index_cast %parallel_loop3A_840 : i32 to index
        %parallel_loop3A_842 = arith.constant 0 : index
        %parallel_loop3A_843 = tpu.vector_load %arg20[%parallel_loop3A_841, %parallel_loop3A_842] {strides = array<i32>} : memref<400x16xf32, #tpu.memory_space<vmem>>, vector<16xf32>,
        %parallel_loop3A_844 = vector.extract_strided_slice %parallel_loop3A_726 {offsets = [8], sizes = [1], strides = [1]} : vector<16xf32> to vector<1xf32>
        %parallel_loop3A_845 = vector.extract %parallel_loop3A_844[0] : f32 from vector<1xf32>
        %parallel_loop3A_846 = vector.broadcast %parallel_loop3A_845 : f32 to vector<16xf32>
        %parallel_loop3A_847 = arith.mulf %parallel_loop3A_843, %parallel_loop3A_846 : vector<16xf32>
        %parallel_loop3A_848 = arith.constant 8 : i32
        %parallel_loop3A_849 = arith.addi %parallel_loop3A_724, %parallel_loop3A_848 : i32
        %parallel_loop3A_850 = arith.index_cast %parallel_loop3A_849 : i32 to index
        %parallel_loop3A_851 = arith.constant 0 : index
        %parallel_loop3A_852 = tpu.vector_load %arg20[%parallel_loop3A_850, %parallel_loop3A_851] {strides = array<i32>} : memref<400x16xf32, #tpu.memory_space<vmem>>, vector<16xf32>,
        tpu.vector_store %arg20[%parallel_loop3A_850, %parallel_loop3A_851], %parallel_loop3A_847 {strides = array<i32>} : memref<400x16xf32, #tpu.memory_space<vmem>>, vector<16xf32>,
        %parallel_loop3A_853 = arith.constant 9 : i32
        %parallel_loop3A_854 = arith.addi %parallel_loop3A_724, %parallel_loop3A_853 : i32
        %parallel_loop3A_855 = arith.index_cast %parallel_loop3A_854 : i32 to index
        %parallel_loop3A_856 = arith.constant 0 : index
        %parallel_loop3A_857 = tpu.vector_load %arg20[%parallel_loop3A_855, %parallel_loop3A_856] {strides = array<i32>} : memref<400x16xf32, #tpu.memory_space<vmem>>, vector<16xf32>,
        %parallel_loop3A_858 = vector.extract_strided_slice %parallel_loop3A_726 {offsets = [9], sizes = [1], strides = [1]} : vector<16xf32> to vector<1xf32>
        %parallel_loop3A_859 = vector.extract %parallel_loop3A_858[0] : f32 from vector<1xf32>
        %parallel_loop3A_860 = vector.broadcast %parallel_loop3A_859 : f32 to vector<16xf32>
        %parallel_loop3A_861 = arith.mulf %parallel_loop3A_857, %parallel_loop3A_860 : vector<16xf32>
        %parallel_loop3A_862 = arith.constant 9 : i32
        %parallel_loop3A_863 = arith.addi %parallel_loop3A_724, %parallel_loop3A_862 : i32
        %parallel_loop3A_864 = arith.index_cast %parallel_loop3A_863 : i32 to index
        %parallel_loop3A_865 = arith.constant 0 : index
        %parallel_loop3A_866 = tpu.vector_load %arg20[%parallel_loop3A_864, %parallel_loop3A_865] {strides = array<i32>} : memref<400x16xf32, #tpu.memory_space<vmem>>, vector<16xf32>,
        tpu.vector_store %arg20[%parallel_loop3A_864, %parallel_loop3A_865], %parallel_loop3A_861 {strides = array<i32>} : memref<400x16xf32, #tpu.memory_space<vmem>>, vector<16xf32>,
        %parallel_loop3A_867 = arith.constant 10 : i32
        %parallel_loop3A_868 = arith.addi %parallel_loop3A_724, %parallel_loop3A_867 : i32
        %parallel_loop3A_869 = arith.index_cast %parallel_loop3A_868 : i32 to index
        %parallel_loop3A_870 = arith.constant 0 : index
        %parallel_loop3A_871 = tpu.vector_load %arg20[%parallel_loop3A_869, %parallel_loop3A_870] {strides = array<i32>} : memref<400x16xf32, #tpu.memory_space<vmem>>, vector<16xf32>,
        %parallel_loop3A_872 = vector.extract_strided_slice %parallel_loop3A_726 {offsets = [10], sizes = [1], strides = [1]} : vector<16xf32> to vector<1xf32>
        %parallel_loop3A_873 = vector.extract %parallel_loop3A_872[0] : f32 from vector<1xf32>
        %parallel_loop3A_874 = vector.broadcast %parallel_loop3A_873 : f32 to vector<16xf32>
        %parallel_loop3A_875 = arith.mulf %parallel_loop3A_871, %parallel_loop3A_874 : vector<16xf32>
        %parallel_loop3A_876 = arith.constant 10 : i32
        %parallel_loop3A_877 = arith.addi %parallel_loop3A_724, %parallel_loop3A_876 : i32
        %parallel_loop3A_878 = arith.index_cast %parallel_loop3A_877 : i32 to index
        %parallel_loop3A_879 = arith.constant 0 : index
        %parallel_loop3A_880 = tpu.vector_load %arg20[%parallel_loop3A_878, %parallel_loop3A_879] {strides = array<i32>} : memref<400x16xf32, #tpu.memory_space<vmem>>, vector<16xf32>,
        tpu.vector_store %arg20[%parallel_loop3A_878, %parallel_loop3A_879], %parallel_loop3A_875 {strides = array<i32>} : memref<400x16xf32, #tpu.memory_space<vmem>>, vector<16xf32>,
        %parallel_loop3A_881 = arith.constant 11 : i32
        %parallel_loop3A_882 = arith.addi %parallel_loop3A_724, %parallel_loop3A_881 : i32
        %parallel_loop3A_883 = arith.index_cast %parallel_loop3A_882 : i32 to index
        %parallel_loop3A_884 = arith.constant 0 : index
        %parallel_loop3A_885 = tpu.vector_load %arg20[%parallel_loop3A_883, %parallel_loop3A_884] {strides = array<i32>} : memref<400x16xf32, #tpu.memory_space<vmem>>, vector<16xf32>,
        %parallel_loop3A_886 = vector.extract_strided_slice %parallel_loop3A_726 {offsets = [11], sizes = [1], strides = [1]} : vector<16xf32> to vector<1xf32>
        %parallel_loop3A_887 = vector.extract %parallel_loop3A_886[0] : f32 from vector<1xf32>
        %parallel_loop3A_888 = vector.broadcast %parallel_loop3A_887 : f32 to vector<16xf32>
        %parallel_loop3A_889 = arith.mulf %parallel_loop3A_885, %parallel_loop3A_888 : vector<16xf32>
        %parallel_loop3A_890 = arith.constant 11 : i32
        %parallel_loop3A_891 = arith.addi %parallel_loop3A_724, %parallel_loop3A_890 : i32
        %parallel_loop3A_892 = arith.index_cast %parallel_loop3A_891 : i32 to index
        %parallel_loop3A_893 = arith.constant 0 : index
        %parallel_loop3A_894 = tpu.vector_load %arg20[%parallel_loop3A_892, %parallel_loop3A_893] {strides = array<i32>} : memref<400x16xf32, #tpu.memory_space<vmem>>, vector<16xf32>,
        tpu.vector_store %arg20[%parallel_loop3A_892, %parallel_loop3A_893], %parallel_loop3A_889 {strides = array<i32>} : memref<400x16xf32, #tpu.memory_space<vmem>>, vector<16xf32>,
        %parallel_loop3A_895 = arith.constant 12 : i32
        %parallel_loop3A_896 = arith.addi %parallel_loop3A_724, %parallel_loop3A_895 : i32
        %parallel_loop3A_897 = arith.index_cast %parallel_loop3A_896 : i32 to index
        %parallel_loop3A_898 = arith.constant 0 : index
        %parallel_loop3A_899 = tpu.vector_load %arg20[%parallel_loop3A_897, %parallel_loop3A_898] {strides = array<i32>} : memref<400x16xf32, #tpu.memory_space<vmem>>, vector<16xf32>,
        %parallel_loop3A_900 = vector.extract_strided_slice %parallel_loop3A_726 {offsets = [12], sizes = [1], strides = [1]} : vector<16xf32> to vector<1xf32>
        %parallel_loop3A_901 = vector.extract %parallel_loop3A_900[0] : f32 from vector<1xf32>
        %parallel_loop3A_902 = vector.broadcast %parallel_loop3A_901 : f32 to vector<16xf32>
        %parallel_loop3A_903 = arith.mulf %parallel_loop3A_899, %parallel_loop3A_902 : vector<16xf32>
        %parallel_loop3A_904 = arith.constant 12 : i32
        %parallel_loop3A_905 = arith.addi %parallel_loop3A_724, %parallel_loop3A_904 : i32
        %parallel_loop3A_906 = arith.index_cast %parallel_loop3A_905 : i32 to index
        %parallel_loop3A_907 = arith.constant 0 : index
        %parallel_loop3A_908 = tpu.vector_load %arg20[%parallel_loop3A_906, %parallel_loop3A_907] {strides = array<i32>} : memref<400x16xf32, #tpu.memory_space<vmem>>, vector<16xf32>,
        tpu.vector_store %arg20[%parallel_loop3A_906, %parallel_loop3A_907], %parallel_loop3A_903 {strides = array<i32>} : memref<400x16xf32, #tpu.memory_space<vmem>>, vector<16xf32>,
        %parallel_loop3A_909 = arith.constant 13 : i32
        %parallel_loop3A_910 = arith.addi %parallel_loop3A_724, %parallel_loop3A_909 : i32
        %parallel_loop3A_911 = arith.index_cast %parallel_loop3A_910 : i32 to index
        %parallel_loop3A_912 = arith.constant 0 : index
        %parallel_loop3A_913 = tpu.vector_load %arg20[%parallel_loop3A_911, %parallel_loop3A_912] {strides = array<i32>} : memref<400x16xf32, #tpu.memory_space<vmem>>, vector<16xf32>,
        %parallel_loop3A_914 = vector.extract_strided_slice %parallel_loop3A_726 {offsets = [13], sizes = [1], strides = [1]} : vector<16xf32> to vector<1xf32>
        %parallel_loop3A_915 = vector.extract %parallel_loop3A_914[0] : f32 from vector<1xf32>
        %parallel_loop3A_916 = vector.broadcast %parallel_loop3A_915 : f32 to vector<16xf32>
        %parallel_loop3A_917 = arith.mulf %parallel_loop3A_913, %parallel_loop3A_916 : vector<16xf32>
        %parallel_loop3A_918 = arith.constant 13 : i32
        %parallel_loop3A_919 = arith.addi %parallel_loop3A_724, %parallel_loop3A_918 : i32
        %parallel_loop3A_920 = arith.index_cast %parallel_loop3A_919 : i32 to index
        %parallel_loop3A_921 = arith.constant 0 : index
        %parallel_loop3A_922 = tpu.vector_load %arg20[%parallel_loop3A_920, %parallel_loop3A_921] {strides = array<i32>} : memref<400x16xf32, #tpu.memory_space<vmem>>, vector<16xf32>,
        tpu.vector_store %arg20[%parallel_loop3A_920, %parallel_loop3A_921], %parallel_loop3A_917 {strides = array<i32>} : memref<400x16xf32, #tpu.memory_space<vmem>>, vector<16xf32>,
        %parallel_loop3A_923 = arith.constant 14 : i32
        %parallel_loop3A_924 = arith.addi %parallel_loop3A_724, %parallel_loop3A_923 : i32
        %parallel_loop3A_925 = arith.index_cast %parallel_loop3A_924 : i32 to index
        %parallel_loop3A_926 = arith.constant 0 : index
        %parallel_loop3A_927 = tpu.vector_load %arg20[%parallel_loop3A_925, %parallel_loop3A_926] {strides = array<i32>} : memref<400x16xf32, #tpu.memory_space<vmem>>, vector<16xf32>,
        %parallel_loop3A_928 = vector.extract_strided_slice %parallel_loop3A_726 {offsets = [14], sizes = [1], strides = [1]} : vector<16xf32> to vector<1xf32>
        %parallel_loop3A_929 = vector.extract %parallel_loop3A_928[0] : f32 from vector<1xf32>
        %parallel_loop3A_930 = vector.broadcast %parallel_loop3A_929 : f32 to vector<16xf32>
        %parallel_loop3A_931 = arith.mulf %parallel_loop3A_927, %parallel_loop3A_930 : vector<16xf32>
        %parallel_loop3A_932 = arith.constant 14 : i32
        %parallel_loop3A_933 = arith.addi %parallel_loop3A_724, %parallel_loop3A_932 : i32
        %parallel_loop3A_934 = arith.index_cast %parallel_loop3A_933 : i32 to index
        %parallel_loop3A_935 = arith.constant 0 : index
        %parallel_loop3A_936 = tpu.vector_load %arg20[%parallel_loop3A_934, %parallel_loop3A_935] {strides = array<i32>} : memref<400x16xf32, #tpu.memory_space<vmem>>, vector<16xf32>,
        tpu.vector_store %arg20[%parallel_loop3A_934, %parallel_loop3A_935], %parallel_loop3A_931 {strides = array<i32>} : memref<400x16xf32, #tpu.memory_space<vmem>>, vector<16xf32>,
        %parallel_loop3A_937 = arith.constant 15 : i32
        %parallel_loop3A_938 = arith.addi %parallel_loop3A_724, %parallel_loop3A_937 : i32
        %parallel_loop3A_939 = arith.index_cast %parallel_loop3A_938 : i32 to index
        %parallel_loop3A_940 = arith.constant 0 : index
        %parallel_loop3A_941 = tpu.vector_load %arg20[%parallel_loop3A_939, %parallel_loop3A_940] {strides = array<i32>} : memref<400x16xf32, #tpu.memory_space<vmem>>, vector<16xf32>,
        %parallel_loop3A_942 = vector.extract_strided_slice %parallel_loop3A_726 {offsets = [15], sizes = [1], strides = [1]} : vector<16xf32> to vector<1xf32>
        %parallel_loop3A_943 = vector.extract %parallel_loop3A_942[0] : f32 from vector<1xf32>
        %parallel_loop3A_944 = vector.broadcast %parallel_loop3A_943 : f32 to vector<16xf32>
        %parallel_loop3A_945 = arith.mulf %parallel_loop3A_941, %parallel_loop3A_944 : vector<16xf32>
        %parallel_loop3A_946 = arith.constant 15 : i32
        %parallel_loop3A_947 = arith.addi %parallel_loop3A_724, %parallel_loop3A_946 : i32
        %parallel_loop3A_948 = arith.index_cast %parallel_loop3A_947 : i32 to index
        %parallel_loop3A_949 = arith.constant 0 : index
        %parallel_loop3A_950 = tpu.vector_load %arg20[%parallel_loop3A_948, %parallel_loop3A_949] {strides = array<i32>} : memref<400x16xf32, #tpu.memory_space<vmem>>, vector<16xf32>,
        tpu.vector_store %arg20[%parallel_loop3A_948, %parallel_loop3A_949], %parallel_loop3A_945 {strides = array<i32>} : memref<400x16xf32, #tpu.memory_space<vmem>>, vector<16xf32>,
      } {sc.loop_unroll_factor = 1 : i64, sc.parallel_access}
      %rem3A_708 = arith.constant 4 : i32
      %rem3A_709 = arith.remsi %add3A_576, %rem3A_708 : i32
      %dma_start3A_710 = arith.constant 0 : i32
      %dma_start3A_711 = tpu.memref_slice %arg16[%rem3A_709, %dma_start3A_710] : memref<4x400xi32, #tpu.memory_space<vmem>> -> memref<1x400xi32, #tpu.memory_space<vmem>>
      %dma_start3A_712 = tpu.memref_squeeze %dma_start3A_711 : memref<1x400xi32, #tpu.memory_space<vmem>> -> memref<400xi32, #tpu.memory_space<vmem>>
      %dma_start3A_713 = arith.constant 0 : i32
      %dma_start3A_714 = arith.constant 0 : i32
      %dma_start3A_715 = tpu.memref_slice %arg13[%dma_start3A_713, %dma_start3A_714] : memref<100096x16xf32, #tpu.memory_space<vmem_shared>> -> memref<100096x16xf32, #tpu.memory_space<vmem_shared>>
      tpu.enqueue_indirect_dma source(%arg20 : memref<400x16xf32, #tpu.memory_space<vmem>>) target(%dma_start3A_715 : memref<100096x16xf32, #tpu.memory_space<vmem_shared>>) offsets(%dma_start3A_712 : memref<400xi32, #tpu.memory_space<vmem>>) semaphore(%arg26 : memref<!tpu.dma_semaphore, #tpu.memory_space<semaphore_mem>>) {add = true}
      %lt3A_716 = arith.constant 124 : i32
      %lt3A_717 = arith.cmpi slt, %scan3A_571, %lt3A_716 : i32
      %convert_element_type3A_718 = arith.extui %lt3A_717 : i1 to i32
      %cond3A_719 = arith.constant 0 : i32
      %cond3A_720 = arith.cmpi ne, %convert_element_type3A_718, %cond3A_719 : i32
      scf.if %cond3A_720 {
        %add3A_722 = arith.constant 2 : i32
        %add3A_723 = arith.addi %add3A_576, %add3A_722 : i32
        %mul3A_724 = arith.constant 100000 : i32
        %mul3A_725 = arith.muli %arg1, %mul3A_724 : i32
        %mul3A_726 = arith.constant 400 : i32
        %mul3A_727 = arith.muli %add3A_723, %mul3A_726 : i32
        %add3A_728 = arith.addi %mul3A_725, %mul3A_727 : i32
        %dma_start3A_729 = tpu.memref_slice %arg3[%add3A_728] : memref<1600000xi32, #tpu.memory_space<hbm>> -> memref<400xi32, #tpu.memory_space<hbm>>
        %dma_start3A_730 = tpu.memref_slice %arg3[%add3A_728] : memref<1600000xi32, #tpu.memory_space<hbm>> -> memref<400xi32, #tpu.memory_space<hbm>>
        tpu.enqueue_dma source(%dma_start3A_730 : memref<400xi32, #tpu.memory_space<hbm>>) target(%arg15 : memref<400xi32, #tpu.memory_space<vmem>>) target_semaphore(%arg22 : memref<!tpu.dma_semaphore, #tpu.memory_space<semaphore_mem>>)
        %rem3A_731 = arith.constant 4 : i32
        %rem3A_732 = arith.remsi %add3A_723, %rem3A_731 : i32
        %dma_start3A_733 = arith.constant 0 : i32
        %dma_start3A_734 = tpu.memref_slice %arg16[%rem3A_732, %dma_start3A_733] : memref<4x400xi32, #tpu.memory_space<vmem>> -> memref<1x400xi32, #tpu.memory_space<vmem>>
        %dma_start3A_735 = tpu.memref_squeeze %dma_start3A_734 : memref<1x400xi32, #tpu.memory_space<vmem>> -> memref<400xi32, #tpu.memory_space<vmem>>
        %dma_start3A_736 = tpu.memref_slice %arg4[%add3A_728] : memref<1600000xi32, #tpu.memory_space<hbm>> -> memref<400xi32, #tpu.memory_space<hbm>>
        %dma_start3A_737 = arith.constant 0 : i32
        %dma_start3A_738 = tpu.memref_slice %arg16[%rem3A_732, %dma_start3A_737] : memref<4x400xi32, #tpu.memory_space<vmem>> -> memref<1x400xi32, #tpu.memory_space<vmem>>
        %dma_start3A_739 = tpu.memref_squeeze %dma_start3A_738 : memref<1x400xi32, #tpu.memory_space<vmem>> -> memref<400xi32, #tpu.memory_space<vmem>>
        %dma_start3A_740 = tpu.memref_slice %arg4[%add3A_728] : memref<1600000xi32, #tpu.memory_space<hbm>> -> memref<400xi32, #tpu.memory_space<hbm>>
        tpu.enqueue_dma source(%dma_start3A_740 : memref<400xi32, #tpu.memory_space<hbm>>) target(%dma_start3A_739 : memref<400xi32, #tpu.memory_space<vmem>>) target_semaphore(%arg22 : memref<!tpu.dma_semaphore, #tpu.memory_space<semaphore_mem>>)
        %dma_start3A_741 = arith.constant 0 : i32
        %dma_start3A_742 = tpu.memref_slice %arg18[%dma_start3A_741] : memref<416xf32, #tpu.memory_space<vmem>> -> memref<400xf32, #tpu.memory_space<vmem>>
        %dma_start3A_743 = tpu.memref_slice %arg5[%add3A_728] : memref<1600000xf32, #tpu.memory_space<hbm>> -> memref<400xf32, #tpu.memory_space<hbm>>
        %dma_start3A_744 = arith.constant 0 : i32
        %dma_start3A_745 = tpu.memref_slice %arg18[%dma_start3A_744] : memref<416xf32, #tpu.memory_space<vmem>> -> memref<400xf32, #tpu.memory_space<vmem>>
        %dma_start3A_746 = tpu.memref_slice %arg5[%add3A_728] : memref<1600000xf32, #tpu.memory_space<hbm>> -> memref<400xf32, #tpu.memory_space<hbm>>
        tpu.enqueue_dma source(%dma_start3A_746 : memref<400xf32, #tpu.memory_space<hbm>>) target(%dma_start3A_745 : memref<400xf32, #tpu.memory_space<vmem>>) target_semaphore(%arg22 : memref<!tpu.dma_semaphore, #tpu.memory_space<semaphore_mem>>)
      } else {
      }
      %scan3A_721 = arith.constant 0 : i32
      scf.yield %scan3A_721 : i32
    }
    %scan3A_95 = arith.constant 125 : i32
    %rem3A_96 = arith.constant 249 : i32
    %rem3A_97 = arith.constant 4 : i32
    %rem3A_98 = arith.remsi %rem3A_96, %rem3A_97 : i32
    %dma_wait3A_99 = arith.constant 0 : i32
    %dma_wait3A_100 = tpu.memref_slice %arg16[%rem3A_98, %dma_wait3A_99] : memref<4x400xi32, #tpu.memory_space<vmem>> -> memref<1x400xi32, #tpu.memory_space<vmem>>
    %dma_wait3A_101 = tpu.memref_squeeze %dma_wait3A_100 : memref<1x400xi32, #tpu.memory_space<vmem>> -> memref<400xi32, #tpu.memory_space<vmem>>
    %dma_wait3A_102 = arith.constant 0 : i32
    %dma_wait3A_103 = arith.constant 0 : i32
    %dma_wait3A_104 = tpu.memref_slice %arg13[%dma_wait3A_102, %dma_wait3A_103] : memref<100096x16xf32, #tpu.memory_space<vmem_shared>> -> memref<100096x16xf32, #tpu.memory_space<vmem_shared>>
    tpu.wait_indirect_dma semaphore(%arg26 : memref<!tpu.dma_semaphore, #tpu.memory_space<semaphore_mem>>) src(%arg20 : memref<400x16xf32, #tpu.memory_space<vmem>>) dst(%dma_wait3A_104 : memref<100096x16xf32, #tpu.memory_space<vmem_shared>>)
    %barrier3A_105 = arith.constant 0 : index
    tpu.barrier barrier_id(%barrier3A_105)
    "tpu.region"() ({
      %run_scoped3A = tpu.sem_alloc : memref<!tpu.dma_semaphore, #tpu.memory_space<semaphore_mem>>
      %dma_start3A_571 = arith.constant 0 : i32
      %dma_start3A_572 = arith.constant 0 : i32
      %dma_start3A_573 = tpu.memref_slice %arg9[%arg0, %dma_start3A_571, %dma_start3A_572] : memref<2x100096x16xf32, #tpu.memory_space<hbm>> -> memref<1x100096x16xf32, #tpu.memory_space<hbm>>
      %dma_start3A_574 = tpu.memref_squeeze %dma_start3A_573 : memref<1x100096x16xf32, #tpu.memory_space<hbm>> -> memref<100096x16xf32, #tpu.memory_space<hbm>>
      %dma_start3A_575 = arith.constant 0 : i32
      %dma_start3A_576 = tpu.memref_slice %dma_start3A_574[%mul3A_0, %dma_start3A_575] : memref<100096x16xf32, #tpu.memory_space<hbm>> -> memref<6256x16xf32, #tpu.memory_space<hbm>>
      %dma_start3A_577 = arith.constant 0 : i32
      %dma_start3A_578 = tpu.memref_slice %arg13[%mul3A_0, %dma_start3A_577] : memref<100096x16xf32, #tpu.memory_space<vmem_shared>> -> memref<6256x16xf32, #tpu.memory_space<vmem_shared>>
      tpu.enqueue_dma source(%dma_start3A_578 : memref<6256x16xf32, #tpu.memory_space<vmem_shared>>) target(%dma_start3A_576 : memref<6256x16xf32, #tpu.memory_space<hbm>>) target_semaphore(%run_scoped3A : memref<!tpu.dma_semaphore, #tpu.memory_space<semaphore_mem>>)
      %dma_wait3A_579 = arith.constant 0 : i32
      %dma_wait3A_580 = arith.constant 0 : i32
      %dma_wait3A_581 = tpu.memref_slice %arg9[%arg0, %dma_wait3A_579, %dma_wait3A_580] : memref<2x100096x16xf32, #tpu.memory_space<hbm>> -> memref<1x100096x16xf32, #tpu.memory_space<hbm>>
      %dma_wait3A_582 = tpu.memref_squeeze %dma_wait3A_581 : memref<1x100096x16xf32, #tpu.memory_space<hbm>> -> memref<100096x16xf32, #tpu.memory_space<hbm>>
      %dma_wait3A_583 = arith.constant 0 : i32
      %dma_wait3A_584 = tpu.memref_slice %dma_wait3A_582[%mul3A_0, %dma_wait3A_583] : memref<100096x16xf32, #tpu.memory_space<hbm>> -> memref<6256x16xf32, #tpu.memory_space<hbm>>
      %dma_wait3A_585 = arith.constant 0 : i32
      %dma_wait3A_586 = tpu.memref_slice %arg13[%mul3A_0, %dma_wait3A_585] : memref<100096x16xf32, #tpu.memory_space<vmem_shared>> -> memref<6256x16xf32, #tpu.memory_space<vmem_shared>>
      tpu.wait_dma2 semaphore(%run_scoped3A : memref<!tpu.dma_semaphore, #tpu.memory_space<semaphore_mem>>) src(%dma_wait3A_586 : memref<6256x16xf32, #tpu.memory_space<vmem_shared>>) dst(%dma_wait3A_584 : memref<6256x16xf32, #tpu.memory_space<hbm>>)
      tpu.yield
    }) : () -> ()
    "tpu.region"() ({
      %run_scoped3A = tpu.sem_alloc : memref<!tpu.dma_semaphore, #tpu.memory_space<semaphore_mem>>
      %dma_start3A_571 = arith.constant 0 : i32
      %dma_start3A_572 = tpu.memref_slice %arg13[%mul3A_0, %dma_start3A_571] : memref<100096x16xf32, #tpu.memory_space<vmem_shared>> -> memref<6256x16xf32, #tpu.memory_space<vmem_shared>>
      tpu.enqueue_dma source(%arg8 : memref<6256x16xf32, #tpu.memory_space<hbm>>) target(%dma_start3A_572 : memref<6256x16xf32, #tpu.memory_space<vmem_shared>>) target_semaphore(%run_scoped3A : memref<!tpu.dma_semaphore, #tpu.memory_space<semaphore_mem>>)
      %dma_wait3A_573 = arith.constant 0 : i32
      %dma_wait3A_574 = tpu.memref_slice %arg13[%mul3A_0, %dma_wait3A_573] : memref<100096x16xf32, #tpu.memory_space<vmem_shared>> -> memref<6256x16xf32, #tpu.memory_space<vmem_shared>>
      tpu.wait_dma2 semaphore(%run_scoped3A : memref<!tpu.dma_semaphore, #tpu.memory_space<semaphore_mem>>) src(%arg8 : memref<6256x16xf32, #tpu.memory_space<hbm>>) dst(%dma_wait3A_574 : memref<6256x16xf32, #tpu.memory_space<vmem_shared>>)
      tpu.yield
    }) : () -> ()
    %barrier3A_106 = arith.constant 0 : index
    tpu.barrier barrier_id(%barrier3A_106)
    %mul3A_107 = arith.constant 100000 : i32
    %mul3A_108 = arith.muli %arg1, %mul3A_107 : i32
    %add3A_109 = arith.constant 0 : i32
    %add3A_110 = arith.addi %mul3A_108, %add3A_109 : i32
    %dma_start3A_111 = tpu.memref_slice %arg3[%add3A_110] : memref<1600000xi32, #tpu.memory_space<hbm>> -> memref<400xi32, #tpu.memory_space<hbm>>
    %dma_start3A_112 = tpu.memref_slice %arg3[%add3A_110] : memref<1600000xi32, #tpu.memory_space<hbm>> -> memref<400xi32, #tpu.memory_space<hbm>>
    tpu.enqueue_dma source(%dma_start3A_112 : memref<400xi32, #tpu.memory_space<hbm>>) target(%arg14 : memref<400xi32, #tpu.memory_space<vmem>>) target_semaphore(%arg21 : memref<!tpu.dma_semaphore, #tpu.memory_space<semaphore_mem>>)
    %rem3A_113 = arith.constant 0 : i32
    %rem3A_114 = arith.constant 4 : i32
    %rem3A_115 = arith.remsi %rem3A_113, %rem3A_114 : i32
    %dma_start3A_116 = arith.constant 0 : i32
    %dma_start3A_117 = tpu.memref_slice %arg16[%rem3A_115, %dma_start3A_116] : memref<4x400xi32, #tpu.memory_space<vmem>> -> memref<1x400xi32, #tpu.memory_space<vmem>>
    %dma_start3A_118 = tpu.memref_squeeze %dma_start3A_117 : memref<1x400xi32, #tpu.memory_space<vmem>> -> memref<400xi32, #tpu.memory_space<vmem>>
    %dma_start3A_119 = tpu.memref_slice %arg4[%add3A_110] : memref<1600000xi32, #tpu.memory_space<hbm>> -> memref<400xi32, #tpu.memory_space<hbm>>
    %dma_start3A_120 = arith.constant 0 : i32
    %dma_start3A_121 = tpu.memref_slice %arg16[%rem3A_115, %dma_start3A_120] : memref<4x400xi32, #tpu.memory_space<vmem>> -> memref<1x400xi32, #tpu.memory_space<vmem>>
    %dma_start3A_122 = tpu.memref_squeeze %dma_start3A_121 : memref<1x400xi32, #tpu.memory_space<vmem>> -> memref<400xi32, #tpu.memory_space<vmem>>
    %dma_start3A_123 = tpu.memref_slice %arg4[%add3A_110] : memref<1600000xi32, #tpu.memory_space<hbm>> -> memref<400xi32, #tpu.memory_space<hbm>>
    tpu.enqueue_dma source(%dma_start3A_123 : memref<400xi32, #tpu.memory_space<hbm>>) target(%dma_start3A_122 : memref<400xi32, #tpu.memory_space<vmem>>) target_semaphore(%arg21 : memref<!tpu.dma_semaphore, #tpu.memory_space<semaphore_mem>>)
    %dma_start3A_124 = arith.constant 0 : i32
    %dma_start3A_125 = tpu.memref_slice %arg17[%dma_start3A_124] : memref<416xf32, #tpu.memory_space<vmem>> -> memref<400xf32, #tpu.memory_space<vmem>>
    %dma_start3A_126 = tpu.memref_slice %arg5[%add3A_110] : memref<1600000xf32, #tpu.memory_space<hbm>> -> memref<400xf32, #tpu.memory_space<hbm>>
    %dma_start3A_127 = arith.constant 0 : i32
    %dma_start3A_128 = tpu.memref_slice %arg17[%dma_start3A_127] : memref<416xf32, #tpu.memory_space<vmem>> -> memref<400xf32, #tpu.memory_space<vmem>>
    %dma_start3A_129 = tpu.memref_slice %arg5[%add3A_110] : memref<1600000xf32, #tpu.memory_space<hbm>> -> memref<400xf32, #tpu.memory_space<hbm>>
    tpu.enqueue_dma source(%dma_start3A_129 : memref<400xf32, #tpu.memory_space<hbm>>) target(%dma_start3A_128 : memref<400xf32, #tpu.memory_space<vmem>>) target_semaphore(%arg21 : memref<!tpu.dma_semaphore, #tpu.memory_space<semaphore_mem>>)
    %mul3A_130 = arith.constant 100000 : i32
    %mul3A_131 = arith.muli %arg1, %mul3A_130 : i32
    %add3A_132 = arith.constant 400 : i32
    %add3A_133 = arith.addi %mul3A_131, %add3A_132 : i32
    %dma_start3A_134 = tpu.memref_slice %arg3[%add3A_133] : memref<1600000xi32, #tpu.memory_space<hbm>> -> memref<400xi32, #tpu.memory_space<hbm>>
    %dma_start3A_135 = tpu.memref_slice %arg3[%add3A_133] : memref<1600000xi32, #tpu.memory_space<hbm>> -> memref<400xi32, #tpu.memory_space<hbm>>
    tpu.enqueue_dma source(%dma_start3A_135 : memref<400xi32, #tpu.memory_space<hbm>>) target(%arg15 : memref<400xi32, #tpu.memory_space<vmem>>) target_semaphore(%arg22 : memref<!tpu.dma_semaphore, #tpu.memory_space<semaphore_mem>>)
    %rem3A_136 = arith.constant 1 : i32
    %rem3A_137 = arith.constant 4 : i32
    %rem3A_138 = arith.remsi %rem3A_136, %rem3A_137 : i32
    %dma_start3A_139 = arith.constant 0 : i32
    %dma_start3A_140 = tpu.memref_slice %arg16[%rem3A_138, %dma_start3A_139] : memref<4x400xi32, #tpu.memory_space<vmem>> -> memref<1x400xi32, #tpu.memory_space<vmem>>
    %dma_start3A_141 = tpu.memref_squeeze %dma_start3A_140 : memref<1x400xi32, #tpu.memory_space<vmem>> -> memref<400xi32, #tpu.memory_space<vmem>>
    %dma_start3A_142 = tpu.memref_slice %arg4[%add3A_133] : memref<1600000xi32, #tpu.memory_space<hbm>> -> memref<400xi32, #tpu.memory_space<hbm>>
    %dma_start3A_143 = arith.constant 0 : i32
    %dma_start3A_144 = tpu.memref_slice %arg16[%rem3A_138, %dma_start3A_143] : memref<4x400xi32, #tpu.memory_space<vmem>> -> memref<1x400xi32, #tpu.memory_space<vmem>>
    %dma_start3A_145 = tpu.memref_squeeze %dma_start3A_144 : memref<1x400xi32, #tpu.memory_space<vmem>> -> memref<400xi32, #tpu.memory_space<vmem>>
    %dma_start3A_146 = tpu.memref_slice %arg4[%add3A_133] : memref<1600000xi32, #tpu.memory_space<hbm>> -> memref<400xi32, #tpu.memory_space<hbm>>
    tpu.enqueue_dma source(%dma_start3A_146 : memref<400xi32, #tpu.memory_space<hbm>>) target(%dma_start3A_145 : memref<400xi32, #tpu.memory_space<vmem>>) target_semaphore(%arg22 : memref<!tpu.dma_semaphore, #tpu.memory_space<semaphore_mem>>)
    %dma_start3A_147 = arith.constant 0 : i32
    %dma_start3A_148 = tpu.memref_slice %arg18[%dma_start3A_147] : memref<416xf32, #tpu.memory_space<vmem>> -> memref<400xf32, #tpu.memory_space<vmem>>
    %dma_start3A_149 = tpu.memref_slice %arg5[%add3A_133] : memref<1600000xf32, #tpu.memory_space<hbm>> -> memref<400xf32, #tpu.memory_space<hbm>>
    %dma_start3A_150 = arith.constant 0 : i32
    %dma_start3A_151 = tpu.memref_slice %arg18[%dma_start3A_150] : memref<416xf32, #tpu.memory_space<vmem>> -> memref<400xf32, #tpu.memory_space<vmem>>
    %dma_start3A_152 = tpu.memref_slice %arg5[%add3A_133] : memref<1600000xf32, #tpu.memory_space<hbm>> -> memref<400xf32, #tpu.memory_space<hbm>>
    tpu.enqueue_dma source(%dma_start3A_152 : memref<400xf32, #tpu.memory_space<hbm>>) target(%dma_start3A_151 : memref<400xf32, #tpu.memory_space<vmem>>) target_semaphore(%arg22 : memref<!tpu.dma_semaphore, #tpu.memory_space<semaphore_mem>>)
    %mul3A_153 = arith.constant 100000 : i32
    %mul3A_154 = arith.muli %arg1, %mul3A_153 : i32
    %add3A_155 = arith.constant 0 : i32
    %add3A_156 = arith.addi %mul3A_154, %add3A_155 : i32
    %dma_wait3A_157 = tpu.memref_slice %arg3[%add3A_156] : memref<1600000xi32, #tpu.memory_space<hbm>> -> memref<400xi32, #tpu.memory_space<hbm>>
    %dma_wait3A_158 = tpu.memref_slice %arg3[%add3A_156] : memref<1600000xi32, #tpu.memory_space<hbm>> -> memref<400xi32, #tpu.memory_space<hbm>>
    tpu.wait_dma2 semaphore(%arg21 : memref<!tpu.dma_semaphore, #tpu.memory_space<semaphore_mem>>) src(%dma_wait3A_158 : memref<400xi32, #tpu.memory_space<hbm>>) dst(%arg14 : memref<400xi32, #tpu.memory_space<vmem>>)
    %rem3A_159 = arith.constant 0 : i32
    %rem3A_160 = arith.constant 4 : i32
    %rem3A_161 = arith.remsi %rem3A_159, %rem3A_160 : i32
    %dma_wait3A_162 = arith.constant 0 : i32
    %dma_wait3A_163 = tpu.memref_slice %arg16[%rem3A_161, %dma_wait3A_162] : memref<4x400xi32, #tpu.memory_space<vmem>> -> memref<1x400xi32, #tpu.memory_space<vmem>>
    %dma_wait3A_164 = tpu.memref_squeeze %dma_wait3A_163 : memref<1x400xi32, #tpu.memory_space<vmem>> -> memref<400xi32, #tpu.memory_space<vmem>>
    %dma_wait3A_165 = tpu.memref_slice %arg4[%add3A_156] : memref<1600000xi32, #tpu.memory_space<hbm>> -> memref<400xi32, #tpu.memory_space<hbm>>
    %dma_wait3A_166 = arith.constant 0 : i32
    %dma_wait3A_167 = tpu.memref_slice %arg16[%rem3A_161, %dma_wait3A_166] : memref<4x400xi32, #tpu.memory_space<vmem>> -> memref<1x400xi32, #tpu.memory_space<vmem>>
    %dma_wait3A_168 = tpu.memref_squeeze %dma_wait3A_167 : memref<1x400xi32, #tpu.memory_space<vmem>> -> memref<400xi32, #tpu.memory_space<vmem>>
    %dma_wait3A_169 = tpu.memref_slice %arg4[%add3A_156] : memref<1600000xi32, #tpu.memory_space<hbm>> -> memref<400xi32, #tpu.memory_space<hbm>>
    tpu.wait_dma2 semaphore(%arg21 : memref<!tpu.dma_semaphore, #tpu.memory_space<semaphore_mem>>) src(%dma_wait3A_169 : memref<400xi32, #tpu.memory_space<hbm>>) dst(%dma_wait3A_168 : memref<400xi32, #tpu.memory_space<vmem>>)
    %dma_wait3A_170 = arith.constant 0 : i32
    %dma_wait3A_171 = tpu.memref_slice %arg17[%dma_wait3A_170] : memref<416xf32, #tpu.memory_space<vmem>> -> memref<400xf32, #tpu.memory_space<vmem>>
    %dma_wait3A_172 = tpu.memref_slice %arg5[%add3A_156] : memref<1600000xf32, #tpu.memory_space<hbm>> -> memref<400xf32, #tpu.memory_space<hbm>>
    %dma_wait3A_173 = arith.constant 0 : i32
    %dma_wait3A_174 = tpu.memref_slice %arg17[%dma_wait3A_173] : memref<416xf32, #tpu.memory_space<vmem>> -> memref<400xf32, #tpu.memory_space<vmem>>
    %dma_wait3A_175 = tpu.memref_slice %arg5[%add3A_156] : memref<1600000xf32, #tpu.memory_space<hbm>> -> memref<400xf32, #tpu.memory_space<hbm>>
    tpu.wait_dma2 semaphore(%arg21 : memref<!tpu.dma_semaphore, #tpu.memory_space<semaphore_mem>>) src(%dma_wait3A_175 : memref<400xf32, #tpu.memory_space<hbm>>) dst(%dma_wait3A_174 : memref<400xf32, #tpu.memory_space<vmem>>)
    %dma_start3A_176 = arith.constant 0 : i32
    %dma_start3A_177 = arith.constant 0 : i32
    %dma_start3A_178 = tpu.memref_slice %arg19[%dma_start3A_176, %dma_start3A_177] : memref<400x16xf32, #tpu.memory_space<vmem>> -> memref<200x16xf32, #tpu.memory_space<vmem>>
    %dma_start3A_179 = arith.constant 0 : i32
    %dma_start3A_180 = tpu.memref_slice %arg14[%dma_start3A_179] : memref<400xi32, #tpu.memory_space<vmem>> -> memref<200xi32, #tpu.memory_space<vmem>>
    %dma_start3A_181 = arith.constant 0 : i32
    %dma_start3A_182 = arith.constant 0 : i32
    %dma_start3A_183 = tpu.memref_slice %arg9[%arg0, %dma_start3A_181, %dma_start3A_182] : memref<2x100096x16xf32, #tpu.memory_space<hbm>> -> memref<1x100096x16xf32, #tpu.memory_space<hbm>>
    %dma_start3A_184 = tpu.memref_squeeze %dma_start3A_183 : memref<1x100096x16xf32, #tpu.memory_space<hbm>> -> memref<100096x16xf32, #tpu.memory_space<hbm>>
    %dma_start3A_185 = arith.constant 0 : i32
    %dma_start3A_186 = arith.constant 0 : i32
    %dma_start3A_187 = tpu.memref_slice %dma_start3A_184[%dma_start3A_185, %dma_start3A_186] : memref<100096x16xf32, #tpu.memory_space<hbm>> -> memref<100096x16xf32, #tpu.memory_space<hbm>>
    tpu.enqueue_indirect_dma source(%dma_start3A_187 : memref<100096x16xf32, #tpu.memory_space<hbm>>) target(%dma_start3A_178 : memref<200x16xf32, #tpu.memory_space<vmem>>) offsets(%dma_start3A_180 : memref<200xi32, #tpu.memory_space<vmem>>) semaphore(%arg23 : memref<!tpu.dma_semaphore, #tpu.memory_space<semaphore_mem>>)
    %dma_start3A_188 = arith.constant 200 : i32
    %dma_start3A_189 = arith.constant 0 : i32
    %dma_start3A_190 = tpu.memref_slice %arg19[%dma_start3A_188, %dma_start3A_189] : memref<400x16xf32, #tpu.memory_space<vmem>> -> memref<200x16xf32, #tpu.memory_space<vmem>>
    %dma_start3A_191 = arith.constant 200 : i32
    %dma_start3A_192 = tpu.memref_slice %arg14[%dma_start3A_191] : memref<400xi32, #tpu.memory_space<vmem>> -> memref<200xi32, #tpu.memory_space<vmem>>
    %dma_start3A_193 = arith.constant 0 : i32
    %dma_start3A_194 = arith.constant 0 : i32
    %dma_start3A_195 = tpu.memref_slice %arg9[%arg0, %dma_start3A_193, %dma_start3A_194] : memref<2x100096x16xf32, #tpu.memory_space<hbm>> -> memref<1x100096x16xf32, #tpu.memory_space<hbm>>
    %dma_start3A_196 = tpu.memref_squeeze %dma_start3A_195 : memref<1x100096x16xf32, #tpu.memory_space<hbm>> -> memref<100096x16xf32, #tpu.memory_space<hbm>>
    %dma_start3A_197 = arith.constant 0 : i32
    %dma_start3A_198 = arith.constant 0 : i32
    %dma_start3A_199 = tpu.memref_slice %dma_start3A_196[%dma_start3A_197, %dma_start3A_198] : memref<100096x16xf32, #tpu.memory_space<hbm>> -> memref<100096x16xf32, #tpu.memory_space<hbm>>
    tpu.enqueue_indirect_dma source(%dma_start3A_199 : memref<100096x16xf32, #tpu.memory_space<hbm>>) target(%dma_start3A_190 : memref<200x16xf32, #tpu.memory_space<vmem>>) offsets(%dma_start3A_192 : memref<200xi32, #tpu.memory_space<vmem>>) semaphore(%arg23 : memref<!tpu.dma_semaphore, #tpu.memory_space<semaphore_mem>>)
    %scan3A_200 = arith.constant 0 : i32
    %scan3A_201 = arith.constant 0 : i32
    %scan3A_202 = arith.constant 125 : i32
    %scan3A_203 = arith.addi %scan3A_201, %scan3A_202 : i32
    %scan3A_204 = arith.constant 1 : i32
    %scan3A_205 = scf.for %scan3A_571 = %scan3A_201 to %scan3A_203 step %scan3A_204 iter_args(%scan3A_572 = %scan3A_200) -> (i32)  : i32 {
      %mul3A_573 = arith.constant 2 : i32
      %mul3A_574 = arith.muli %mul3A_573, %scan3A_571 : i32
      %add3A_575 = arith.constant 1 : i32
      %add3A_576 = arith.addi %mul3A_574, %add3A_575 : i32
      %dma_wait3A_577 = arith.constant 0 : i32
      %dma_wait3A_578 = arith.constant 0 : i32
      %dma_wait3A_579 = tpu.memref_slice %arg19[%dma_wait3A_577, %dma_wait3A_578] : memref<400x16xf32, #tpu.memory_space<vmem>> -> memref<200x16xf32, #tpu.memory_space<vmem>>
      %dma_wait3A_580 = arith.constant 0 : i32
      %dma_wait3A_581 = tpu.memref_slice %arg14[%dma_wait3A_580] : memref<400xi32, #tpu.memory_space<vmem>> -> memref<200xi32, #tpu.memory_space<vmem>>
      %dma_wait3A_582 = arith.constant 0 : i32
      %dma_wait3A_583 = arith.constant 0 : i32
      %dma_wait3A_584 = tpu.memref_slice %arg9[%arg0, %dma_wait3A_582, %dma_wait3A_583] : memref<2x100096x16xf32, #tpu.memory_space<hbm>> -> memref<1x100096x16xf32, #tpu.memory_space<hbm>>
      %dma_wait3A_585 = tpu.memref_squeeze %dma_wait3A_584 : memref<1x100096x16xf32, #tpu.memory_space<hbm>> -> memref<100096x16xf32, #tpu.memory_space<hbm>>
      %dma_wait3A_586 = arith.constant 0 : i32
      %dma_wait3A_587 = arith.constant 0 : i32
      %dma_wait3A_588 = tpu.memref_slice %dma_wait3A_585[%dma_wait3A_586, %dma_wait3A_587] : memref<100096x16xf32, #tpu.memory_space<hbm>> -> memref<100096x16xf32, #tpu.memory_space<hbm>>
      tpu.wait_indirect_dma semaphore(%arg23 : memref<!tpu.dma_semaphore, #tpu.memory_space<semaphore_mem>>) src(%dma_wait3A_588 : memref<100096x16xf32, #tpu.memory_space<hbm>>) dst(%dma_wait3A_579 : memref<200x16xf32, #tpu.memory_space<vmem>>)
      %dma_wait3A_589 = arith.constant 200 : i32
      %dma_wait3A_590 = arith.constant 0 : i32
      %dma_wait3A_591 = tpu.memref_slice %arg19[%dma_wait3A_589, %dma_wait3A_590] : memref<400x16xf32, #tpu.memory_space<vmem>> -> memref<200x16xf32, #tpu.memory_space<vmem>>
      %dma_wait3A_592 = arith.constant 200 : i32
      %dma_wait3A_593 = tpu.memref_slice %arg14[%dma_wait3A_592] : memref<400xi32, #tpu.memory_space<vmem>> -> memref<200xi32, #tpu.memory_space<vmem>>
      %dma_wait3A_594 = arith.constant 0 : i32
      %dma_wait3A_595 = arith.constant 0 : i32
      %dma_wait3A_596 = tpu.memref_slice %arg9[%arg0, %dma_wait3A_594, %dma_wait3A_595] : memref<2x100096x16xf32, #tpu.memory_space<hbm>> -> memref<1x100096x16xf32, #tpu.memory_space<hbm>>
      %dma_wait3A_597 = tpu.memref_squeeze %dma_wait3A_596 : memref<1x100096x16xf32, #tpu.memory_space<hbm>> -> memref<100096x16xf32, #tpu.memory_space<hbm>>
      %dma_wait3A_598 = arith.constant 0 : i32
      %dma_wait3A_599 = arith.constant 0 : i32
      %dma_wait3A_600 = tpu.memref_slice %dma_wait3A_597[%dma_wait3A_598, %dma_wait3A_599] : memref<100096x16xf32, #tpu.memory_space<hbm>> -> memref<100096x16xf32, #tpu.memory_space<hbm>>
      tpu.wait_indirect_dma semaphore(%arg23 : memref<!tpu.dma_semaphore, #tpu.memory_space<semaphore_mem>>) src(%dma_wait3A_600 : memref<100096x16xf32, #tpu.memory_space<hbm>>) dst(%dma_wait3A_591 : memref<200x16xf32, #tpu.memory_space<vmem>>)
      %gt3A = arith.constant 0 : i32
      %gt3A_601 = arith.cmpi sgt, %scan3A_571, %gt3A : i32
      %convert_element_type3A_602 = arith.extui %gt3A_601 : i1 to i32
      %cond3A_603 = arith.constant 0 : i32
      %cond3A_604 = arith.cmpi ne, %convert_element_type3A_602, %cond3A_603 : i32
      scf.if %cond3A_604 {
        %sub3A = arith.constant 1 : i32
        %sub3A_722 = arith.subi %mul3A_574, %sub3A : i32
        %rem3A_723 = arith.constant 4 : i32
        %rem3A_724 = arith.remsi %sub3A_722, %rem3A_723 : i32
        %dma_wait3A_725 = arith.constant 0 : i32
        %dma_wait3A_726 = tpu.memref_slice %arg16[%rem3A_724, %dma_wait3A_725] : memref<4x400xi32, #tpu.memory_space<vmem>> -> memref<1x400xi32, #tpu.memory_space<vmem>>
        %dma_wait3A_727 = tpu.memref_squeeze %dma_wait3A_726 : memref<1x400xi32, #tpu.memory_space<vmem>> -> memref<400xi32, #tpu.memory_space<vmem>>
        %dma_wait3A_728 = arith.constant 0 : i32
        %dma_wait3A_729 = arith.constant 0 : i32
        %dma_wait3A_730 = tpu.memref_slice %arg13[%dma_wait3A_728, %dma_wait3A_729] : memref<100096x16xf32, #tpu.memory_space<vmem_shared>> -> memref<100096x16xf32, #tpu.memory_space<vmem_shared>>
        tpu.wait_indirect_dma semaphore(%arg26 : memref<!tpu.dma_semaphore, #tpu.memory_space<semaphore_mem>>) src(%arg20 : memref<400x16xf32, #tpu.memory_space<vmem>>) dst(%dma_wait3A_730 : memref<100096x16xf32, #tpu.memory_space<vmem_shared>>)
      } else {
      }
      %mul3A_605 = arith.constant 100000 : i32
      %mul3A_606 = arith.muli %arg1, %mul3A_605 : i32
      %mul3A_607 = arith.constant 400 : i32
      %mul3A_608 = arith.muli %add3A_576, %mul3A_607 : i32
      %add3A_609 = arith.addi %mul3A_606, %mul3A_608 : i32
      %dma_wait3A_610 = tpu.memref_slice %arg3[%add3A_609] : memref<1600000xi32, #tpu.memory_space<hbm>> -> memref<400xi32, #tpu.memory_space<hbm>>
      %dma_wait3A_611 = tpu.memref_slice %arg3[%add3A_609] : memref<1600000xi32, #tpu.memory_space<hbm>> -> memref<400xi32, #tpu.memory_space<hbm>>
      tpu.wait_dma2 semaphore(%arg22 : memref<!tpu.dma_semaphore, #tpu.memory_space<semaphore_mem>>) src(%dma_wait3A_611 : memref<400xi32, #tpu.memory_space<hbm>>) dst(%arg15 : memref<400xi32, #tpu.memory_space<vmem>>)
      %rem3A_612 = arith.constant 4 : i32
      %rem3A_613 = arith.remsi %add3A_576, %rem3A_612 : i32
      %dma_wait3A_614 = arith.constant 0 : i32
      %dma_wait3A_615 = tpu.memref_slice %arg16[%rem3A_613, %dma_wait3A_614] : memref<4x400xi32, #tpu.memory_space<vmem>> -> memref<1x400xi32, #tpu.memory_space<vmem>>
      %dma_wait3A_616 = tpu.memref_squeeze %dma_wait3A_615 : memref<1x400xi32, #tpu.memory_space<vmem>> -> memref<400xi32, #tpu.memory_space<vmem>>
      %dma_wait3A_617 = tpu.memref_slice %arg4[%add3A_609] : memref<1600000xi32, #tpu.memory_space<hbm>> -> memref<400xi32, #tpu.memory_space<hbm>>
      %dma_wait3A_618 = arith.constant 0 : i32
      %dma_wait3A_619 = tpu.memref_slice %arg16[%rem3A_613, %dma_wait3A_618] : memref<4x400xi32, #tpu.memory_space<vmem>> -> memref<1x400xi32, #tpu.memory_space<vmem>>
      %dma_wait3A_620 = tpu.memref_squeeze %dma_wait3A_619 : memref<1x400xi32, #tpu.memory_space<vmem>> -> memref<400xi32, #tpu.memory_space<vmem>>
      %dma_wait3A_621 = tpu.memref_slice %arg4[%add3A_609] : memref<1600000xi32, #tpu.memory_space<hbm>> -> memref<400xi32, #tpu.memory_space<hbm>>
      tpu.wait_dma2 semaphore(%arg22 : memref<!tpu.dma_semaphore, #tpu.memory_space<semaphore_mem>>) src(%dma_wait3A_621 : memref<400xi32, #tpu.memory_space<hbm>>) dst(%dma_wait3A_620 : memref<400xi32, #tpu.memory_space<vmem>>)
      %dma_wait3A_622 = arith.constant 0 : i32
      %dma_wait3A_623 = tpu.memref_slice %arg18[%dma_wait3A_622] : memref<416xf32, #tpu.memory_space<vmem>> -> memref<400xf32, #tpu.memory_space<vmem>>
      %dma_wait3A_624 = tpu.memref_slice %arg5[%add3A_609] : memref<1600000xf32, #tpu.memory_space<hbm>> -> memref<400xf32, #tpu.memory_space<hbm>>
      %dma_wait3A_625 = arith.constant 0 : i32
      %dma_wait3A_626 = tpu.memref_slice %arg18[%dma_wait3A_625] : memref<416xf32, #tpu.memory_space<vmem>> -> memref<400xf32, #tpu.memory_space<vmem>>
      %dma_wait3A_627 = tpu.memref_slice %arg5[%add3A_609] : memref<1600000xf32, #tpu.memory_space<hbm>> -> memref<400xf32, #tpu.memory_space<hbm>>
      tpu.wait_dma2 semaphore(%arg22 : memref<!tpu.dma_semaphore, #tpu.memory_space<semaphore_mem>>) src(%dma_wait3A_627 : memref<400xf32, #tpu.memory_space<hbm>>) dst(%dma_wait3A_626 : memref<400xf32, #tpu.memory_space<vmem>>)
      %dma_start3A_628 = arith.constant 0 : i32
      %dma_start3A_629 = arith.constant 0 : i32
      %dma_start3A_630 = tpu.memref_slice %arg20[%dma_start3A_628, %dma_start3A_629] : memref<400x16xf32, #tpu.memory_space<vmem>> -> memref<200x16xf32, #tpu.memory_space<vmem>>
      %dma_start3A_631 = arith.constant 0 : i32
      %dma_start3A_632 = tpu.memref_slice %arg15[%dma_start3A_631] : memref<400xi32, #tpu.memory_space<vmem>> -> memref<200xi32, #tpu.memory_space<vmem>>
      %dma_start3A_633 = arith.constant 0 : i32
      %dma_start3A_634 = arith.constant 0 : i32
      %dma_start3A_635 = tpu.memref_slice %arg9[%arg0, %dma_start3A_633, %dma_start3A_634] : memref<2x100096x16xf32, #tpu.memory_space<hbm>> -> memref<1x100096x16xf32, #tpu.memory_space<hbm>>
      %dma_start3A_636 = tpu.memref_squeeze %dma_start3A_635 : memref<1x100096x16xf32, #tpu.memory_space<hbm>> -> memref<100096x16xf32, #tpu.memory_space<hbm>>
      %dma_start3A_637 = arith.constant 0 : i32
      %dma_start3A_638 = arith.constant 0 : i32
      %dma_start3A_639 = tpu.memref_slice %dma_start3A_636[%dma_start3A_637, %dma_start3A_638] : memref<100096x16xf32, #tpu.memory_space<hbm>> -> memref<100096x16xf32, #tpu.memory_space<hbm>>
      tpu.enqueue_indirect_dma source(%dma_start3A_639 : memref<100096x16xf32, #tpu.memory_space<hbm>>) target(%dma_start3A_630 : memref<200x16xf32, #tpu.memory_space<vmem>>) offsets(%dma_start3A_632 : memref<200xi32, #tpu.memory_space<vmem>>) semaphore(%arg24 : memref<!tpu.dma_semaphore, #tpu.memory_space<semaphore_mem>>)
      %dma_start3A_640 = arith.constant 200 : i32
      %dma_start3A_641 = arith.constant 0 : i32
      %dma_start3A_642 = tpu.memref_slice %arg20[%dma_start3A_640, %dma_start3A_641] : memref<400x16xf32, #tpu.memory_space<vmem>> -> memref<200x16xf32, #tpu.memory_space<vmem>>
      %dma_start3A_643 = arith.constant 200 : i32
      %dma_start3A_644 = tpu.memref_slice %arg15[%dma_start3A_643] : memref<400xi32, #tpu.memory_space<vmem>> -> memref<200xi32, #tpu.memory_space<vmem>>
      %dma_start3A_645 = arith.constant 0 : i32
      %dma_start3A_646 = arith.constant 0 : i32
      %dma_start3A_647 = tpu.memref_slice %arg9[%arg0, %dma_start3A_645, %dma_start3A_646] : memref<2x100096x16xf32, #tpu.memory_space<hbm>> -> memref<1x100096x16xf32, #tpu.memory_space<hbm>>
      %dma_start3A_648 = tpu.memref_squeeze %dma_start3A_647 : memref<1x100096x16xf32, #tpu.memory_space<hbm>> -> memref<100096x16xf32, #tpu.memory_space<hbm>>
      %dma_start3A_649 = arith.constant 0 : i32
      %dma_start3A_650 = arith.constant 0 : i32
      %dma_start3A_651 = tpu.memref_slice %dma_start3A_648[%dma_start3A_649, %dma_start3A_650] : memref<100096x16xf32, #tpu.memory_space<hbm>> -> memref<100096x16xf32, #tpu.memory_space<hbm>>
      tpu.enqueue_indirect_dma source(%dma_start3A_651 : memref<100096x16xf32, #tpu.memory_space<hbm>>) target(%dma_start3A_642 : memref<200x16xf32, #tpu.memory_space<vmem>>) offsets(%dma_start3A_644 : memref<200xi32, #tpu.memory_space<vmem>>) semaphore(%arg24 : memref<!tpu.dma_semaphore, #tpu.memory_space<semaphore_mem>>)
      %parallel_loop3A_652 = arith.constant 0 : i32
      %parallel_loop3A_653 = arith.constant 25 : i32
      %parallel_loop3A_654 = arith.constant 1 : i32
      scf.for %parallel_loop3A_722 = %parallel_loop3A_652 to %parallel_loop3A_653 step %parallel_loop3A_654  : i32 {
        %parallel_loop3A_723 = arith.constant 16 : i32
        %parallel_loop3A_724 = arith.muli %parallel_loop3A_722, %parallel_loop3A_723 : i32
        %parallel_loop3A_725 = arith.index_cast %parallel_loop3A_724 : i32 to index
        %parallel_loop3A_726 = tpu.vector_load %arg17[%parallel_loop3A_725] {strides = array<i32>} : memref<416xf32, #tpu.memory_space<vmem>>, vector<16xf32>,
        %parallel_loop3A_727 = arith.constant 0 : i32
        %parallel_loop3A_728 = arith.addi %parallel_loop3A_724, %parallel_loop3A_727 : i32
        %parallel_loop3A_729 = arith.index_cast %parallel_loop3A_728 : i32 to index
        %parallel_loop3A_730 = arith.constant 0 : index
        %parallel_loop3A_731 = tpu.vector_load %arg19[%parallel_loop3A_729, %parallel_loop3A_730] {strides = array<i32>} : memref<400x16xf32, #tpu.memory_space<vmem>>, vector<16xf32>,
        %parallel_loop3A_732 = vector.extract_strided_slice %parallel_loop3A_726 {offsets = [0], sizes = [1], strides = [1]} : vector<16xf32> to vector<1xf32>
        %parallel_loop3A_733 = vector.extract %parallel_loop3A_732[0] : f32 from vector<1xf32>
        %parallel_loop3A_734 = vector.broadcast %parallel_loop3A_733 : f32 to vector<16xf32>
        %parallel_loop3A_735 = arith.mulf %parallel_loop3A_731, %parallel_loop3A_734 : vector<16xf32>
        %parallel_loop3A_736 = arith.constant 0 : i32
        %parallel_loop3A_737 = arith.addi %parallel_loop3A_724, %parallel_loop3A_736 : i32
        %parallel_loop3A_738 = arith.index_cast %parallel_loop3A_737 : i32 to index
        %parallel_loop3A_739 = arith.constant 0 : index
        %parallel_loop3A_740 = tpu.vector_load %arg19[%parallel_loop3A_738, %parallel_loop3A_739] {strides = array<i32>} : memref<400x16xf32, #tpu.memory_space<vmem>>, vector<16xf32>,
        tpu.vector_store %arg19[%parallel_loop3A_738, %parallel_loop3A_739], %parallel_loop3A_735 {strides = array<i32>} : memref<400x16xf32, #tpu.memory_space<vmem>>, vector<16xf32>,
        %parallel_loop3A_741 = arith.constant 1 : i32
        %parallel_loop3A_742 = arith.addi %parallel_loop3A_724, %parallel_loop3A_741 : i32
        %parallel_loop3A_743 = arith.index_cast %parallel_loop3A_742 : i32 to index
        %parallel_loop3A_744 = arith.constant 0 : index
        %parallel_loop3A_745 = tpu.vector_load %arg19[%parallel_loop3A_743, %parallel_loop3A_744] {strides = array<i32>} : memref<400x16xf32, #tpu.memory_space<vmem>>, vector<16xf32>,
        %parallel_loop3A_746 = vector.extract_strided_slice %parallel_loop3A_726 {offsets = [1], sizes = [1], strides = [1]} : vector<16xf32> to vector<1xf32>
        %parallel_loop3A_747 = vector.extract %parallel_loop3A_746[0] : f32 from vector<1xf32>
        %parallel_loop3A_748 = vector.broadcast %parallel_loop3A_747 : f32 to vector<16xf32>
        %parallel_loop3A_749 = arith.mulf %parallel_loop3A_745, %parallel_loop3A_748 : vector<16xf32>
        %parallel_loop3A_750 = arith.constant 1 : i32
        %parallel_loop3A_751 = arith.addi %parallel_loop3A_724, %parallel_loop3A_750 : i32
        %parallel_loop3A_752 = arith.index_cast %parallel_loop3A_751 : i32 to index
        %parallel_loop3A_753 = arith.constant 0 : index
        %parallel_loop3A_754 = tpu.vector_load %arg19[%parallel_loop3A_752, %parallel_loop3A_753] {strides = array<i32>} : memref<400x16xf32, #tpu.memory_space<vmem>>, vector<16xf32>,
        tpu.vector_store %arg19[%parallel_loop3A_752, %parallel_loop3A_753], %parallel_loop3A_749 {strides = array<i32>} : memref<400x16xf32, #tpu.memory_space<vmem>>, vector<16xf32>,
        %parallel_loop3A_755 = arith.constant 2 : i32
        %parallel_loop3A_756 = arith.addi %parallel_loop3A_724, %parallel_loop3A_755 : i32
        %parallel_loop3A_757 = arith.index_cast %parallel_loop3A_756 : i32 to index
        %parallel_loop3A_758 = arith.constant 0 : index
        %parallel_loop3A_759 = tpu.vector_load %arg19[%parallel_loop3A_757, %parallel_loop3A_758] {strides = array<i32>} : memref<400x16xf32, #tpu.memory_space<vmem>>, vector<16xf32>,
        %parallel_loop3A_760 = vector.extract_strided_slice %parallel_loop3A_726 {offsets = [2], sizes = [1], strides = [1]} : vector<16xf32> to vector<1xf32>
        %parallel_loop3A_761 = vector.extract %parallel_loop3A_760[0] : f32 from vector<1xf32>
        %parallel_loop3A_762 = vector.broadcast %parallel_loop3A_761 : f32 to vector<16xf32>
        %parallel_loop3A_763 = arith.mulf %parallel_loop3A_759, %parallel_loop3A_762 : vector<16xf32>
        %parallel_loop3A_764 = arith.constant 2 : i32
        %parallel_loop3A_765 = arith.addi %parallel_loop3A_724, %parallel_loop3A_764 : i32
        %parallel_loop3A_766 = arith.index_cast %parallel_loop3A_765 : i32 to index
        %parallel_loop3A_767 = arith.constant 0 : index
        %parallel_loop3A_768 = tpu.vector_load %arg19[%parallel_loop3A_766, %parallel_loop3A_767] {strides = array<i32>} : memref<400x16xf32, #tpu.memory_space<vmem>>, vector<16xf32>,
        tpu.vector_store %arg19[%parallel_loop3A_766, %parallel_loop3A_767], %parallel_loop3A_763 {strides = array<i32>} : memref<400x16xf32, #tpu.memory_space<vmem>>, vector<16xf32>,
        %parallel_loop3A_769 = arith.constant 3 : i32
        %parallel_loop3A_770 = arith.addi %parallel_loop3A_724, %parallel_loop3A_769 : i32
        %parallel_loop3A_771 = arith.index_cast %parallel_loop3A_770 : i32 to index
        %parallel_loop3A_772 = arith.constant 0 : index
        %parallel_loop3A_773 = tpu.vector_load %arg19[%parallel_loop3A_771, %parallel_loop3A_772] {strides = array<i32>} : memref<400x16xf32, #tpu.memory_space<vmem>>, vector<16xf32>,
        %parallel_loop3A_774 = vector.extract_strided_slice %parallel_loop3A_726 {offsets = [3], sizes = [1], strides = [1]} : vector<16xf32> to vector<1xf32>
        %parallel_loop3A_775 = vector.extract %parallel_loop3A_774[0] : f32 from vector<1xf32>
        %parallel_loop3A_776 = vector.broadcast %parallel_loop3A_775 : f32 to vector<16xf32>
        %parallel_loop3A_777 = arith.mulf %parallel_loop3A_773, %parallel_loop3A_776 : vector<16xf32>
        %parallel_loop3A_778 = arith.constant 3 : i32
        %parallel_loop3A_779 = arith.addi %parallel_loop3A_724, %parallel_loop3A_778 : i32
        %parallel_loop3A_780 = arith.index_cast %parallel_loop3A_779 : i32 to index
        %parallel_loop3A_781 = arith.constant 0 : index
        %parallel_loop3A_782 = tpu.vector_load %arg19[%parallel_loop3A_780, %parallel_loop3A_781] {strides = array<i32>} : memref<400x16xf32, #tpu.memory_space<vmem>>, vector<16xf32>,
        tpu.vector_store %arg19[%parallel_loop3A_780, %parallel_loop3A_781], %parallel_loop3A_777 {strides = array<i32>} : memref<400x16xf32, #tpu.memory_space<vmem>>, vector<16xf32>,
        %parallel_loop3A_783 = arith.constant 4 : i32
        %parallel_loop3A_784 = arith.addi %parallel_loop3A_724, %parallel_loop3A_783 : i32
        %parallel_loop3A_785 = arith.index_cast %parallel_loop3A_784 : i32 to index
        %parallel_loop3A_786 = arith.constant 0 : index
        %parallel_loop3A_787 = tpu.vector_load %arg19[%parallel_loop3A_785, %parallel_loop3A_786] {strides = array<i32>} : memref<400x16xf32, #tpu.memory_space<vmem>>, vector<16xf32>,
        %parallel_loop3A_788 = vector.extract_strided_slice %parallel_loop3A_726 {offsets = [4], sizes = [1], strides = [1]} : vector<16xf32> to vector<1xf32>
        %parallel_loop3A_789 = vector.extract %parallel_loop3A_788[0] : f32 from vector<1xf32>
        %parallel_loop3A_790 = vector.broadcast %parallel_loop3A_789 : f32 to vector<16xf32>
        %parallel_loop3A_791 = arith.mulf %parallel_loop3A_787, %parallel_loop3A_790 : vector<16xf32>
        %parallel_loop3A_792 = arith.constant 4 : i32
        %parallel_loop3A_793 = arith.addi %parallel_loop3A_724, %parallel_loop3A_792 : i32
        %parallel_loop3A_794 = arith.index_cast %parallel_loop3A_793 : i32 to index
        %parallel_loop3A_795 = arith.constant 0 : index
        %parallel_loop3A_796 = tpu.vector_load %arg19[%parallel_loop3A_794, %parallel_loop3A_795] {strides = array<i32>} : memref<400x16xf32, #tpu.memory_space<vmem>>, vector<16xf32>,
        tpu.vector_store %arg19[%parallel_loop3A_794, %parallel_loop3A_795], %parallel_loop3A_791 {strides = array<i32>} : memref<400x16xf32, #tpu.memory_space<vmem>>, vector<16xf32>,
        %parallel_loop3A_797 = arith.constant 5 : i32
        %parallel_loop3A_798 = arith.addi %parallel_loop3A_724, %parallel_loop3A_797 : i32
        %parallel_loop3A_799 = arith.index_cast %parallel_loop3A_798 : i32 to index
        %parallel_loop3A_800 = arith.constant 0 : index
        %parallel_loop3A_801 = tpu.vector_load %arg19[%parallel_loop3A_799, %parallel_loop3A_800] {strides = array<i32>} : memref<400x16xf32, #tpu.memory_space<vmem>>, vector<16xf32>,
        %parallel_loop3A_802 = vector.extract_strided_slice %parallel_loop3A_726 {offsets = [5], sizes = [1], strides = [1]} : vector<16xf32> to vector<1xf32>
        %parallel_loop3A_803 = vector.extract %parallel_loop3A_802[0] : f32 from vector<1xf32>
        %parallel_loop3A_804 = vector.broadcast %parallel_loop3A_803 : f32 to vector<16xf32>
        %parallel_loop3A_805 = arith.mulf %parallel_loop3A_801, %parallel_loop3A_804 : vector<16xf32>
        %parallel_loop3A_806 = arith.constant 5 : i32
        %parallel_loop3A_807 = arith.addi %parallel_loop3A_724, %parallel_loop3A_806 : i32
        %parallel_loop3A_808 = arith.index_cast %parallel_loop3A_807 : i32 to index
        %parallel_loop3A_809 = arith.constant 0 : index
        %parallel_loop3A_810 = tpu.vector_load %arg19[%parallel_loop3A_808, %parallel_loop3A_809] {strides = array<i32>} : memref<400x16xf32, #tpu.memory_space<vmem>>, vector<16xf32>,
        tpu.vector_store %arg19[%parallel_loop3A_808, %parallel_loop3A_809], %parallel_loop3A_805 {strides = array<i32>} : memref<400x16xf32, #tpu.memory_space<vmem>>, vector<16xf32>,
        %parallel_loop3A_811 = arith.constant 6 : i32
        %parallel_loop3A_812 = arith.addi %parallel_loop3A_724, %parallel_loop3A_811 : i32
        %parallel_loop3A_813 = arith.index_cast %parallel_loop3A_812 : i32 to index
        %parallel_loop3A_814 = arith.constant 0 : index
        %parallel_loop3A_815 = tpu.vector_load %arg19[%parallel_loop3A_813, %parallel_loop3A_814] {strides = array<i32>} : memref<400x16xf32, #tpu.memory_space<vmem>>, vector<16xf32>,
        %parallel_loop3A_816 = vector.extract_strided_slice %parallel_loop3A_726 {offsets = [6], sizes = [1], strides = [1]} : vector<16xf32> to vector<1xf32>
        %parallel_loop3A_817 = vector.extract %parallel_loop3A_816[0] : f32 from vector<1xf32>
        %parallel_loop3A_818 = vector.broadcast %parallel_loop3A_817 : f32 to vector<16xf32>
        %parallel_loop3A_819 = arith.mulf %parallel_loop3A_815, %parallel_loop3A_818 : vector<16xf32>
        %parallel_loop3A_820 = arith.constant 6 : i32
        %parallel_loop3A_821 = arith.addi %parallel_loop3A_724, %parallel_loop3A_820 : i32
        %parallel_loop3A_822 = arith.index_cast %parallel_loop3A_821 : i32 to index
        %parallel_loop3A_823 = arith.constant 0 : index
        %parallel_loop3A_824 = tpu.vector_load %arg19[%parallel_loop3A_822, %parallel_loop3A_823] {strides = array<i32>} : memref<400x16xf32, #tpu.memory_space<vmem>>, vector<16xf32>,
        tpu.vector_store %arg19[%parallel_loop3A_822, %parallel_loop3A_823], %parallel_loop3A_819 {strides = array<i32>} : memref<400x16xf32, #tpu.memory_space<vmem>>, vector<16xf32>,
        %parallel_loop3A_825 = arith.constant 7 : i32
        %parallel_loop3A_826 = arith.addi %parallel_loop3A_724, %parallel_loop3A_825 : i32
        %parallel_loop3A_827 = arith.index_cast %parallel_loop3A_826 : i32 to index
        %parallel_loop3A_828 = arith.constant 0 : index
        %parallel_loop3A_829 = tpu.vector_load %arg19[%parallel_loop3A_827, %parallel_loop3A_828] {strides = array<i32>} : memref<400x16xf32, #tpu.memory_space<vmem>>, vector<16xf32>,
        %parallel_loop3A_830 = vector.extract_strided_slice %parallel_loop3A_726 {offsets = [7], sizes = [1], strides = [1]} : vector<16xf32> to vector<1xf32>
        %parallel_loop3A_831 = vector.extract %parallel_loop3A_830[0] : f32 from vector<1xf32>
        %parallel_loop3A_832 = vector.broadcast %parallel_loop3A_831 : f32 to vector<16xf32>
        %parallel_loop3A_833 = arith.mulf %parallel_loop3A_829, %parallel_loop3A_832 : vector<16xf32>
        %parallel_loop3A_834 = arith.constant 7 : i32
        %parallel_loop3A_835 = arith.addi %parallel_loop3A_724, %parallel_loop3A_834 : i32
        %parallel_loop3A_836 = arith.index_cast %parallel_loop3A_835 : i32 to index
        %parallel_loop3A_837 = arith.constant 0 : index
        %parallel_loop3A_838 = tpu.vector_load %arg19[%parallel_loop3A_836, %parallel_loop3A_837] {strides = array<i32>} : memref<400x16xf32, #tpu.memory_space<vmem>>, vector<16xf32>,
        tpu.vector_store %arg19[%parallel_loop3A_836, %parallel_loop3A_837], %parallel_loop3A_833 {strides = array<i32>} : memref<400x16xf32, #tpu.memory_space<vmem>>, vector<16xf32>,
        %parallel_loop3A_839 = arith.constant 8 : i32
        %parallel_loop3A_840 = arith.addi %parallel_loop3A_724, %parallel_loop3A_839 : i32
        %parallel_loop3A_841 = arith.index_cast %parallel_loop3A_840 : i32 to index
        %parallel_loop3A_842 = arith.constant 0 : index
        %parallel_loop3A_843 = tpu.vector_load %arg19[%parallel_loop3A_841, %parallel_loop3A_842] {strides = array<i32>} : memref<400x16xf32, #tpu.memory_space<vmem>>, vector<16xf32>,
        %parallel_loop3A_844 = vector.extract_strided_slice %parallel_loop3A_726 {offsets = [8], sizes = [1], strides = [1]} : vector<16xf32> to vector<1xf32>
        %parallel_loop3A_845 = vector.extract %parallel_loop3A_844[0] : f32 from vector<1xf32>
        %parallel_loop3A_846 = vector.broadcast %parallel_loop3A_845 : f32 to vector<16xf32>
        %parallel_loop3A_847 = arith.mulf %parallel_loop3A_843, %parallel_loop3A_846 : vector<16xf32>
        %parallel_loop3A_848 = arith.constant 8 : i32
        %parallel_loop3A_849 = arith.addi %parallel_loop3A_724, %parallel_loop3A_848 : i32
        %parallel_loop3A_850 = arith.index_cast %parallel_loop3A_849 : i32 to index
        %parallel_loop3A_851 = arith.constant 0 : index
        %parallel_loop3A_852 = tpu.vector_load %arg19[%parallel_loop3A_850, %parallel_loop3A_851] {strides = array<i32>} : memref<400x16xf32, #tpu.memory_space<vmem>>, vector<16xf32>,
        tpu.vector_store %arg19[%parallel_loop3A_850, %parallel_loop3A_851], %parallel_loop3A_847 {strides = array<i32>} : memref<400x16xf32, #tpu.memory_space<vmem>>, vector<16xf32>,
        %parallel_loop3A_853 = arith.constant 9 : i32
        %parallel_loop3A_854 = arith.addi %parallel_loop3A_724, %parallel_loop3A_853 : i32
        %parallel_loop3A_855 = arith.index_cast %parallel_loop3A_854 : i32 to index
        %parallel_loop3A_856 = arith.constant 0 : index
        %parallel_loop3A_857 = tpu.vector_load %arg19[%parallel_loop3A_855, %parallel_loop3A_856] {strides = array<i32>} : memref<400x16xf32, #tpu.memory_space<vmem>>, vector<16xf32>,
        %parallel_loop3A_858 = vector.extract_strided_slice %parallel_loop3A_726 {offsets = [9], sizes = [1], strides = [1]} : vector<16xf32> to vector<1xf32>
        %parallel_loop3A_859 = vector.extract %parallel_loop3A_858[0] : f32 from vector<1xf32>
        %parallel_loop3A_860 = vector.broadcast %parallel_loop3A_859 : f32 to vector<16xf32>
        %parallel_loop3A_861 = arith.mulf %parallel_loop3A_857, %parallel_loop3A_860 : vector<16xf32>
        %parallel_loop3A_862 = arith.constant 9 : i32
        %parallel_loop3A_863 = arith.addi %parallel_loop3A_724, %parallel_loop3A_862 : i32
        %parallel_loop3A_864 = arith.index_cast %parallel_loop3A_863 : i32 to index
        %parallel_loop3A_865 = arith.constant 0 : index
        %parallel_loop3A_866 = tpu.vector_load %arg19[%parallel_loop3A_864, %parallel_loop3A_865] {strides = array<i32>} : memref<400x16xf32, #tpu.memory_space<vmem>>, vector<16xf32>,
        tpu.vector_store %arg19[%parallel_loop3A_864, %parallel_loop3A_865], %parallel_loop3A_861 {strides = array<i32>} : memref<400x16xf32, #tpu.memory_space<vmem>>, vector<16xf32>,
        %parallel_loop3A_867 = arith.constant 10 : i32
        %parallel_loop3A_868 = arith.addi %parallel_loop3A_724, %parallel_loop3A_867 : i32
        %parallel_loop3A_869 = arith.index_cast %parallel_loop3A_868 : i32 to index
        %parallel_loop3A_870 = arith.constant 0 : index
        %parallel_loop3A_871 = tpu.vector_load %arg19[%parallel_loop3A_869, %parallel_loop3A_870] {strides = array<i32>} : memref<400x16xf32, #tpu.memory_space<vmem>>, vector<16xf32>,
        %parallel_loop3A_872 = vector.extract_strided_slice %parallel_loop3A_726 {offsets = [10], sizes = [1], strides = [1]} : vector<16xf32> to vector<1xf32>
        %parallel_loop3A_873 = vector.extract %parallel_loop3A_872[0] : f32 from vector<1xf32>
        %parallel_loop3A_874 = vector.broadcast %parallel_loop3A_873 : f32 to vector<16xf32>
        %parallel_loop3A_875 = arith.mulf %parallel_loop3A_871, %parallel_loop3A_874 : vector<16xf32>
        %parallel_loop3A_876 = arith.constant 10 : i32
        %parallel_loop3A_877 = arith.addi %parallel_loop3A_724, %parallel_loop3A_876 : i32
        %parallel_loop3A_878 = arith.index_cast %parallel_loop3A_877 : i32 to index
        %parallel_loop3A_879 = arith.constant 0 : index
        %parallel_loop3A_880 = tpu.vector_load %arg19[%parallel_loop3A_878, %parallel_loop3A_879] {strides = array<i32>} : memref<400x16xf32, #tpu.memory_space<vmem>>, vector<16xf32>,
        tpu.vector_store %arg19[%parallel_loop3A_878, %parallel_loop3A_879], %parallel_loop3A_875 {strides = array<i32>} : memref<400x16xf32, #tpu.memory_space<vmem>>, vector<16xf32>,
        %parallel_loop3A_881 = arith.constant 11 : i32
        %parallel_loop3A_882 = arith.addi %parallel_loop3A_724, %parallel_loop3A_881 : i32
        %parallel_loop3A_883 = arith.index_cast %parallel_loop3A_882 : i32 to index
        %parallel_loop3A_884 = arith.constant 0 : index
        %parallel_loop3A_885 = tpu.vector_load %arg19[%parallel_loop3A_883, %parallel_loop3A_884] {strides = array<i32>} : memref<400x16xf32, #tpu.memory_space<vmem>>, vector<16xf32>,
        %parallel_loop3A_886 = vector.extract_strided_slice %parallel_loop3A_726 {offsets = [11], sizes = [1], strides = [1]} : vector<16xf32> to vector<1xf32>
        %parallel_loop3A_887 = vector.extract %parallel_loop3A_886[0] : f32 from vector<1xf32>
        %parallel_loop3A_888 = vector.broadcast %parallel_loop3A_887 : f32 to vector<16xf32>
        %parallel_loop3A_889 = arith.mulf %parallel_loop3A_885, %parallel_loop3A_888 : vector<16xf32>
        %parallel_loop3A_890 = arith.constant 11 : i32
        %parallel_loop3A_891 = arith.addi %parallel_loop3A_724, %parallel_loop3A_890 : i32
        %parallel_loop3A_892 = arith.index_cast %parallel_loop3A_891 : i32 to index
        %parallel_loop3A_893 = arith.constant 0 : index
        %parallel_loop3A_894 = tpu.vector_load %arg19[%parallel_loop3A_892, %parallel_loop3A_893] {strides = array<i32>} : memref<400x16xf32, #tpu.memory_space<vmem>>, vector<16xf32>,
        tpu.vector_store %arg19[%parallel_loop3A_892, %parallel_loop3A_893], %parallel_loop3A_889 {strides = array<i32>} : memref<400x16xf32, #tpu.memory_space<vmem>>, vector<16xf32>,
        %parallel_loop3A_895 = arith.constant 12 : i32
        %parallel_loop3A_896 = arith.addi %parallel_loop3A_724, %parallel_loop3A_895 : i32
        %parallel_loop3A_897 = arith.index_cast %parallel_loop3A_896 : i32 to index
        %parallel_loop3A_898 = arith.constant 0 : index
        %parallel_loop3A_899 = tpu.vector_load %arg19[%parallel_loop3A_897, %parallel_loop3A_898] {strides = array<i32>} : memref<400x16xf32, #tpu.memory_space<vmem>>, vector<16xf32>,
        %parallel_loop3A_900 = vector.extract_strided_slice %parallel_loop3A_726 {offsets = [12], sizes = [1], strides = [1]} : vector<16xf32> to vector<1xf32>
        %parallel_loop3A_901 = vector.extract %parallel_loop3A_900[0] : f32 from vector<1xf32>
        %parallel_loop3A_902 = vector.broadcast %parallel_loop3A_901 : f32 to vector<16xf32>
        %parallel_loop3A_903 = arith.mulf %parallel_loop3A_899, %parallel_loop3A_902 : vector<16xf32>
        %parallel_loop3A_904 = arith.constant 12 : i32
        %parallel_loop3A_905 = arith.addi %parallel_loop3A_724, %parallel_loop3A_904 : i32
        %parallel_loop3A_906 = arith.index_cast %parallel_loop3A_905 : i32 to index
        %parallel_loop3A_907 = arith.constant 0 : index
        %parallel_loop3A_908 = tpu.vector_load %arg19[%parallel_loop3A_906, %parallel_loop3A_907] {strides = array<i32>} : memref<400x16xf32, #tpu.memory_space<vmem>>, vector<16xf32>,
        tpu.vector_store %arg19[%parallel_loop3A_906, %parallel_loop3A_907], %parallel_loop3A_903 {strides = array<i32>} : memref<400x16xf32, #tpu.memory_space<vmem>>, vector<16xf32>,
        %parallel_loop3A_909 = arith.constant 13 : i32
        %parallel_loop3A_910 = arith.addi %parallel_loop3A_724, %parallel_loop3A_909 : i32
        %parallel_loop3A_911 = arith.index_cast %parallel_loop3A_910 : i32 to index
        %parallel_loop3A_912 = arith.constant 0 : index
        %parallel_loop3A_913 = tpu.vector_load %arg19[%parallel_loop3A_911, %parallel_loop3A_912] {strides = array<i32>} : memref<400x16xf32, #tpu.memory_space<vmem>>, vector<16xf32>,
        %parallel_loop3A_914 = vector.extract_strided_slice %parallel_loop3A_726 {offsets = [13], sizes = [1], strides = [1]} : vector<16xf32> to vector<1xf32>
        %parallel_loop3A_915 = vector.extract %parallel_loop3A_914[0] : f32 from vector<1xf32>
        %parallel_loop3A_916 = vector.broadcast %parallel_loop3A_915 : f32 to vector<16xf32>
        %parallel_loop3A_917 = arith.mulf %parallel_loop3A_913, %parallel_loop3A_916 : vector<16xf32>
        %parallel_loop3A_918 = arith.constant 13 : i32
        %parallel_loop3A_919 = arith.addi %parallel_loop3A_724, %parallel_loop3A_918 : i32
        %parallel_loop3A_920 = arith.index_cast %parallel_loop3A_919 : i32 to index
        %parallel_loop3A_921 = arith.constant 0 : index
        %parallel_loop3A_922 = tpu.vector_load %arg19[%parallel_loop3A_920, %parallel_loop3A_921] {strides = array<i32>} : memref<400x16xf32, #tpu.memory_space<vmem>>, vector<16xf32>,
        tpu.vector_store %arg19[%parallel_loop3A_920, %parallel_loop3A_921], %parallel_loop3A_917 {strides = array<i32>} : memref<400x16xf32, #tpu.memory_space<vmem>>, vector<16xf32>,
        %parallel_loop3A_923 = arith.constant 14 : i32
        %parallel_loop3A_924 = arith.addi %parallel_loop3A_724, %parallel_loop3A_923 : i32
        %parallel_loop3A_925 = arith.index_cast %parallel_loop3A_924 : i32 to index
        %parallel_loop3A_926 = arith.constant 0 : index
        %parallel_loop3A_927 = tpu.vector_load %arg19[%parallel_loop3A_925, %parallel_loop3A_926] {strides = array<i32>} : memref<400x16xf32, #tpu.memory_space<vmem>>, vector<16xf32>,
        %parallel_loop3A_928 = vector.extract_strided_slice %parallel_loop3A_726 {offsets = [14], sizes = [1], strides = [1]} : vector<16xf32> to vector<1xf32>
        %parallel_loop3A_929 = vector.extract %parallel_loop3A_928[0] : f32 from vector<1xf32>
        %parallel_loop3A_930 = vector.broadcast %parallel_loop3A_929 : f32 to vector<16xf32>
        %parallel_loop3A_931 = arith.mulf %parallel_loop3A_927, %parallel_loop3A_930 : vector<16xf32>
        %parallel_loop3A_932 = arith.constant 14 : i32
        %parallel_loop3A_933 = arith.addi %parallel_loop3A_724, %parallel_loop3A_932 : i32
        %parallel_loop3A_934 = arith.index_cast %parallel_loop3A_933 : i32 to index
        %parallel_loop3A_935 = arith.constant 0 : index
        %parallel_loop3A_936 = tpu.vector_load %arg19[%parallel_loop3A_934, %parallel_loop3A_935] {strides = array<i32>} : memref<400x16xf32, #tpu.memory_space<vmem>>, vector<16xf32>,
        tpu.vector_store %arg19[%parallel_loop3A_934, %parallel_loop3A_935], %parallel_loop3A_931 {strides = array<i32>} : memref<400x16xf32, #tpu.memory_space<vmem>>, vector<16xf32>,
        %parallel_loop3A_937 = arith.constant 15 : i32
        %parallel_loop3A_938 = arith.addi %parallel_loop3A_724, %parallel_loop3A_937 : i32
        %parallel_loop3A_939 = arith.index_cast %parallel_loop3A_938 : i32 to index
        %parallel_loop3A_940 = arith.constant 0 : index
        %parallel_loop3A_941 = tpu.vector_load %arg19[%parallel_loop3A_939, %parallel_loop3A_940] {strides = array<i32>} : memref<400x16xf32, #tpu.memory_space<vmem>>, vector<16xf32>,
        %parallel_loop3A_942 = vector.extract_strided_slice %parallel_loop3A_726 {offsets = [15], sizes = [1], strides = [1]} : vector<16xf32> to vector<1xf32>
        %parallel_loop3A_943 = vector.extract %parallel_loop3A_942[0] : f32 from vector<1xf32>
        %parallel_loop3A_944 = vector.broadcast %parallel_loop3A_943 : f32 to vector<16xf32>
        %parallel_loop3A_945 = arith.mulf %parallel_loop3A_941, %parallel_loop3A_944 : vector<16xf32>
        %parallel_loop3A_946 = arith.constant 15 : i32
        %parallel_loop3A_947 = arith.addi %parallel_loop3A_724, %parallel_loop3A_946 : i32
        %parallel_loop3A_948 = arith.index_cast %parallel_loop3A_947 : i32 to index
        %parallel_loop3A_949 = arith.constant 0 : index
        %parallel_loop3A_950 = tpu.vector_load %arg19[%parallel_loop3A_948, %parallel_loop3A_949] {strides = array<i32>} : memref<400x16xf32, #tpu.memory_space<vmem>>, vector<16xf32>,
        tpu.vector_store %arg19[%parallel_loop3A_948, %parallel_loop3A_949], %parallel_loop3A_945 {strides = array<i32>} : memref<400x16xf32, #tpu.memory_space<vmem>>, vector<16xf32>,
      } {sc.loop_unroll_factor = 1 : i64, sc.parallel_access}
      %rem3A_655 = arith.constant 4 : i32
      %rem3A_656 = arith.remsi %mul3A_574, %rem3A_655 : i32
      %dma_start3A_657 = arith.constant 0 : i32
      %dma_start3A_658 = tpu.memref_slice %arg16[%rem3A_656, %dma_start3A_657] : memref<4x400xi32, #tpu.memory_space<vmem>> -> memref<1x400xi32, #tpu.memory_space<vmem>>
      %dma_start3A_659 = tpu.memref_squeeze %dma_start3A_658 : memref<1x400xi32, #tpu.memory_space<vmem>> -> memref<400xi32, #tpu.memory_space<vmem>>
      %dma_start3A_660 = arith.constant 0 : i32
      %dma_start3A_661 = arith.constant 0 : i32
      %dma_start3A_662 = tpu.memref_slice %arg13[%dma_start3A_660, %dma_start3A_661] : memref<100096x16xf32, #tpu.memory_space<vmem_shared>> -> memref<100096x16xf32, #tpu.memory_space<vmem_shared>>
      tpu.enqueue_indirect_dma source(%arg19 : memref<400x16xf32, #tpu.memory_space<vmem>>) target(%dma_start3A_662 : memref<100096x16xf32, #tpu.memory_space<vmem_shared>>) offsets(%dma_start3A_659 : memref<400xi32, #tpu.memory_space<vmem>>) semaphore(%arg25 : memref<!tpu.dma_semaphore, #tpu.memory_space<semaphore_mem>>) {add = true}
      %lt3A_663 = arith.constant 124 : i32
      %lt3A_664 = arith.cmpi slt, %scan3A_571, %lt3A_663 : i32
      %convert_element_type3A_665 = arith.extui %lt3A_664 : i1 to i32
      %cond3A_666 = arith.constant 0 : i32
      %cond3A_667 = arith.cmpi ne, %convert_element_type3A_665, %cond3A_666 : i32
      scf.if %cond3A_667 {
        %add3A_722 = arith.constant 2 : i32
        %add3A_723 = arith.addi %mul3A_574, %add3A_722 : i32
        %mul3A_724 = arith.constant 100000 : i32
        %mul3A_725 = arith.muli %arg1, %mul3A_724 : i32
        %mul3A_726 = arith.constant 400 : i32
        %mul3A_727 = arith.muli %add3A_723, %mul3A_726 : i32
        %add3A_728 = arith.addi %mul3A_725, %mul3A_727 : i32
        %dma_start3A_729 = tpu.memref_slice %arg3[%add3A_728] : memref<1600000xi32, #tpu.memory_space<hbm>> -> memref<400xi32, #tpu.memory_space<hbm>>
        %dma_start3A_730 = tpu.memref_slice %arg3[%add3A_728] : memref<1600000xi32, #tpu.memory_space<hbm>> -> memref<400xi32, #tpu.memory_space<hbm>>
        tpu.enqueue_dma source(%dma_start3A_730 : memref<400xi32, #tpu.memory_space<hbm>>) target(%arg14 : memref<400xi32, #tpu.memory_space<vmem>>) target_semaphore(%arg21 : memref<!tpu.dma_semaphore, #tpu.memory_space<semaphore_mem>>)
        %rem3A_731 = arith.constant 4 : i32
        %rem3A_732 = arith.remsi %add3A_723, %rem3A_731 : i32
        %dma_start3A_733 = arith.constant 0 : i32
        %dma_start3A_734 = tpu.memref_slice %arg16[%rem3A_732, %dma_start3A_733] : memref<4x400xi32, #tpu.memory_space<vmem>> -> memref<1x400xi32, #tpu.memory_space<vmem>>
        %dma_start3A_735 = tpu.memref_squeeze %dma_start3A_734 : memref<1x400xi32, #tpu.memory_space<vmem>> -> memref<400xi32, #tpu.memory_space<vmem>>
        %dma_start3A_736 = tpu.memref_slice %arg4[%add3A_728] : memref<1600000xi32, #tpu.memory_space<hbm>> -> memref<400xi32, #tpu.memory_space<hbm>>
        %dma_start3A_737 = arith.constant 0 : i32
        %dma_start3A_738 = tpu.memref_slice %arg16[%rem3A_732, %dma_start3A_737] : memref<4x400xi32, #tpu.memory_space<vmem>> -> memref<1x400xi32, #tpu.memory_space<vmem>>
        %dma_start3A_739 = tpu.memref_squeeze %dma_start3A_738 : memref<1x400xi32, #tpu.memory_space<vmem>> -> memref<400xi32, #tpu.memory_space<vmem>>
        %dma_start3A_740 = tpu.memref_slice %arg4[%add3A_728] : memref<1600000xi32, #tpu.memory_space<hbm>> -> memref<400xi32, #tpu.memory_space<hbm>>
        tpu.enqueue_dma source(%dma_start3A_740 : memref<400xi32, #tpu.memory_space<hbm>>) target(%dma_start3A_739 : memref<400xi32, #tpu.memory_space<vmem>>) target_semaphore(%arg21 : memref<!tpu.dma_semaphore, #tpu.memory_space<semaphore_mem>>)
        %dma_start3A_741 = arith.constant 0 : i32
        %dma_start3A_742 = tpu.memref_slice %arg17[%dma_start3A_741] : memref<416xf32, #tpu.memory_space<vmem>> -> memref<400xf32, #tpu.memory_space<vmem>>
        %dma_start3A_743 = tpu.memref_slice %arg5[%add3A_728] : memref<1600000xf32, #tpu.memory_space<hbm>> -> memref<400xf32, #tpu.memory_space<hbm>>
        %dma_start3A_744 = arith.constant 0 : i32
        %dma_start3A_745 = tpu.memref_slice %arg17[%dma_start3A_744] : memref<416xf32, #tpu.memory_space<vmem>> -> memref<400xf32, #tpu.memory_space<vmem>>
        %dma_start3A_746 = tpu.memref_slice %arg5[%add3A_728] : memref<1600000xf32, #tpu.memory_space<hbm>> -> memref<400xf32, #tpu.memory_space<hbm>>
        tpu.enqueue_dma source(%dma_start3A_746 : memref<400xf32, #tpu.memory_space<hbm>>) target(%dma_start3A_745 : memref<400xf32, #tpu.memory_space<vmem>>) target_semaphore(%arg21 : memref<!tpu.dma_semaphore, #tpu.memory_space<semaphore_mem>>)
      } else {
      }
      %dma_wait3A_668 = arith.constant 0 : i32
      %dma_wait3A_669 = arith.constant 0 : i32
      %dma_wait3A_670 = tpu.memref_slice %arg20[%dma_wait3A_668, %dma_wait3A_669] : memref<400x16xf32, #tpu.memory_space<vmem>> -> memref<200x16xf32, #tpu.memory_space<vmem>>
      %dma_wait3A_671 = arith.constant 0 : i32
      %dma_wait3A_672 = tpu.memref_slice %arg15[%dma_wait3A_671] : memref<400xi32, #tpu.memory_space<vmem>> -> memref<200xi32, #tpu.memory_space<vmem>>
      %dma_wait3A_673 = arith.constant 0 : i32
      %dma_wait3A_674 = arith.constant 0 : i32
      %dma_wait3A_675 = tpu.memref_slice %arg9[%arg0, %dma_wait3A_673, %dma_wait3A_674] : memref<2x100096x16xf32, #tpu.memory_space<hbm>> -> memref<1x100096x16xf32, #tpu.memory_space<hbm>>
      %dma_wait3A_676 = tpu.memref_squeeze %dma_wait3A_675 : memref<1x100096x16xf32, #tpu.memory_space<hbm>> -> memref<100096x16xf32, #tpu.memory_space<hbm>>
      %dma_wait3A_677 = arith.constant 0 : i32
      %dma_wait3A_678 = arith.constant 0 : i32
      %dma_wait3A_679 = tpu.memref_slice %dma_wait3A_676[%dma_wait3A_677, %dma_wait3A_678] : memref<100096x16xf32, #tpu.memory_space<hbm>> -> memref<100096x16xf32, #tpu.memory_space<hbm>>
      tpu.wait_indirect_dma semaphore(%arg24 : memref<!tpu.dma_semaphore, #tpu.memory_space<semaphore_mem>>) src(%dma_wait3A_679 : memref<100096x16xf32, #tpu.memory_space<hbm>>) dst(%dma_wait3A_670 : memref<200x16xf32, #tpu.memory_space<vmem>>)
      %dma_wait3A_680 = arith.constant 200 : i32
      %dma_wait3A_681 = arith.constant 0 : i32
      %dma_wait3A_682 = tpu.memref_slice %arg20[%dma_wait3A_680, %dma_wait3A_681] : memref<400x16xf32, #tpu.memory_space<vmem>> -> memref<200x16xf32, #tpu.memory_space<vmem>>
      %dma_wait3A_683 = arith.constant 200 : i32
      %dma_wait3A_684 = tpu.memref_slice %arg15[%dma_wait3A_683] : memref<400xi32, #tpu.memory_space<vmem>> -> memref<200xi32, #tpu.memory_space<vmem>>
      %dma_wait3A_685 = arith.constant 0 : i32
      %dma_wait3A_686 = arith.constant 0 : i32
      %dma_wait3A_687 = tpu.memref_slice %arg9[%arg0, %dma_wait3A_685, %dma_wait3A_686] : memref<2x100096x16xf32, #tpu.memory_space<hbm>> -> memref<1x100096x16xf32, #tpu.memory_space<hbm>>
      %dma_wait3A_688 = tpu.memref_squeeze %dma_wait3A_687 : memref<1x100096x16xf32, #tpu.memory_space<hbm>> -> memref<100096x16xf32, #tpu.memory_space<hbm>>
      %dma_wait3A_689 = arith.constant 0 : i32
      %dma_wait3A_690 = arith.constant 0 : i32
      %dma_wait3A_691 = tpu.memref_slice %dma_wait3A_688[%dma_wait3A_689, %dma_wait3A_690] : memref<100096x16xf32, #tpu.memory_space<hbm>> -> memref<100096x16xf32, #tpu.memory_space<hbm>>
      tpu.wait_indirect_dma semaphore(%arg24 : memref<!tpu.dma_semaphore, #tpu.memory_space<semaphore_mem>>) src(%dma_wait3A_691 : memref<100096x16xf32, #tpu.memory_space<hbm>>) dst(%dma_wait3A_682 : memref<200x16xf32, #tpu.memory_space<vmem>>)
      %rem3A_692 = arith.constant 4 : i32
      %rem3A_693 = arith.remsi %mul3A_574, %rem3A_692 : i32
      %dma_wait3A_694 = arith.constant 0 : i32
      %dma_wait3A_695 = tpu.memref_slice %arg16[%rem3A_693, %dma_wait3A_694] : memref<4x400xi32, #tpu.memory_space<vmem>> -> memref<1x400xi32, #tpu.memory_space<vmem>>
      %dma_wait3A_696 = tpu.memref_squeeze %dma_wait3A_695 : memref<1x400xi32, #tpu.memory_space<vmem>> -> memref<400xi32, #tpu.memory_space<vmem>>
      %dma_wait3A_697 = arith.constant 0 : i32
      %dma_wait3A_698 = arith.constant 0 : i32
      %dma_wait3A_699 = tpu.memref_slice %arg13[%dma_wait3A_697, %dma_wait3A_698] : memref<100096x16xf32, #tpu.memory_space<vmem_shared>> -> memref<100096x16xf32, #tpu.memory_space<vmem_shared>>
      tpu.wait_indirect_dma semaphore(%arg25 : memref<!tpu.dma_semaphore, #tpu.memory_space<semaphore_mem>>) src(%arg19 : memref<400x16xf32, #tpu.memory_space<vmem>>) dst(%dma_wait3A_699 : memref<100096x16xf32, #tpu.memory_space<vmem_shared>>)
      %lt3A_700 = arith.constant 124 : i32
      %lt3A_701 = arith.cmpi slt, %scan3A_571, %lt3A_700 : i32
      %convert_element_type3A_702 = arith.extui %lt3A_701 : i1 to i32
      %cond3A_703 = arith.constant 0 : i32
      %cond3A_704 = arith.cmpi ne, %convert_element_type3A_702, %cond3A_703 : i32
      scf.if %cond3A_704 {
        %add3A_722 = arith.constant 1 : i32
        %add3A_723 = arith.addi %add3A_576, %add3A_722 : i32
        %mul3A_724 = arith.constant 100000 : i32
        %mul3A_725 = arith.muli %arg1, %mul3A_724 : i32
        %mul3A_726 = arith.constant 400 : i32
        %mul3A_727 = arith.muli %add3A_723, %mul3A_726 : i32
        %add3A_728 = arith.addi %mul3A_725, %mul3A_727 : i32
        %dma_wait3A_729 = tpu.memref_slice %arg3[%add3A_728] : memref<1600000xi32, #tpu.memory_space<hbm>> -> memref<400xi32, #tpu.memory_space<hbm>>
        %dma_wait3A_730 = tpu.memref_slice %arg3[%add3A_728] : memref<1600000xi32, #tpu.memory_space<hbm>> -> memref<400xi32, #tpu.memory_space<hbm>>
        tpu.wait_dma2 semaphore(%arg21 : memref<!tpu.dma_semaphore, #tpu.memory_space<semaphore_mem>>) src(%dma_wait3A_730 : memref<400xi32, #tpu.memory_space<hbm>>) dst(%arg14 : memref<400xi32, #tpu.memory_space<vmem>>)
        %rem3A_731 = arith.constant 4 : i32
        %rem3A_732 = arith.remsi %add3A_723, %rem3A_731 : i32
        %dma_wait3A_733 = arith.constant 0 : i32
        %dma_wait3A_734 = tpu.memref_slice %arg16[%rem3A_732, %dma_wait3A_733] : memref<4x400xi32, #tpu.memory_space<vmem>> -> memref<1x400xi32, #tpu.memory_space<vmem>>
        %dma_wait3A_735 = tpu.memref_squeeze %dma_wait3A_734 : memref<1x400xi32, #tpu.memory_space<vmem>> -> memref<400xi32, #tpu.memory_space<vmem>>
        %dma_wait3A_736 = tpu.memref_slice %arg4[%add3A_728] : memref<1600000xi32, #tpu.memory_space<hbm>> -> memref<400xi32, #tpu.memory_space<hbm>>
        %dma_wait3A_737 = arith.constant 0 : i32
        %dma_wait3A_738 = tpu.memref_slice %arg16[%rem3A_732, %dma_wait3A_737] : memref<4x400xi32, #tpu.memory_space<vmem>> -> memref<1x400xi32, #tpu.memory_space<vmem>>
        %dma_wait3A_739 = tpu.memref_squeeze %dma_wait3A_738 : memref<1x400xi32, #tpu.memory_space<vmem>> -> memref<400xi32, #tpu.memory_space<vmem>>
        %dma_wait3A_740 = tpu.memref_slice %arg4[%add3A_728] : memref<1600000xi32, #tpu.memory_space<hbm>> -> memref<400xi32, #tpu.memory_space<hbm>>
        tpu.wait_dma2 semaphore(%arg21 : memref<!tpu.dma_semaphore, #tpu.memory_space<semaphore_mem>>) src(%dma_wait3A_740 : memref<400xi32, #tpu.memory_space<hbm>>) dst(%dma_wait3A_739 : memref<400xi32, #tpu.memory_space<vmem>>)
        %dma_wait3A_741 = arith.constant 0 : i32
        %dma_wait3A_742 = tpu.memref_slice %arg17[%dma_wait3A_741] : memref<416xf32, #tpu.memory_space<vmem>> -> memref<400xf32, #tpu.memory_space<vmem>>
        %dma_wait3A_743 = tpu.memref_slice %arg5[%add3A_728] : memref<1600000xf32, #tpu.memory_space<hbm>> -> memref<400xf32, #tpu.memory_space<hbm>>
        %dma_wait3A_744 = arith.constant 0 : i32
        %dma_wait3A_745 = tpu.memref_slice %arg17[%dma_wait3A_744] : memref<416xf32, #tpu.memory_space<vmem>> -> memref<400xf32, #tpu.memory_space<vmem>>
        %dma_wait3A_746 = tpu.memref_slice %arg5[%add3A_728] : memref<1600000xf32, #tpu.memory_space<hbm>> -> memref<400xf32, #tpu.memory_space<hbm>>
        tpu.wait_dma2 semaphore(%arg21 : memref<!tpu.dma_semaphore, #tpu.memory_space<semaphore_mem>>) src(%dma_wait3A_746 : memref<400xf32, #tpu.memory_space<hbm>>) dst(%dma_wait3A_745 : memref<400xf32, #tpu.memory_space<vmem>>)
        %dma_start3A_747 = arith.constant 0 : i32
        %dma_start3A_748 = arith.constant 0 : i32
        %dma_start3A_749 = tpu.memref_slice %arg19[%dma_start3A_747, %dma_start3A_748] : memref<400x16xf32, #tpu.memory_space<vmem>> -> memref<200x16xf32, #tpu.memory_space<vmem>>
        %dma_start3A_750 = arith.constant 0 : i32
        %dma_start3A_751 = tpu.memref_slice %arg14[%dma_start3A_750] : memref<400xi32, #tpu.memory_space<vmem>> -> memref<200xi32, #tpu.memory_space<vmem>>
        %dma_start3A_752 = arith.constant 0 : i32
        %dma_start3A_753 = arith.constant 0 : i32
        %dma_start3A_754 = tpu.memref_slice %arg9[%arg0, %dma_start3A_752, %dma_start3A_753] : memref<2x100096x16xf32, #tpu.memory_space<hbm>> -> memref<1x100096x16xf32, #tpu.memory_space<hbm>>
        %dma_start3A_755 = tpu.memref_squeeze %dma_start3A_754 : memref<1x100096x16xf32, #tpu.memory_space<hbm>> -> memref<100096x16xf32, #tpu.memory_space<hbm>>
        %dma_start3A_756 = arith.constant 0 : i32
        %dma_start3A_757 = arith.constant 0 : i32
        %dma_start3A_758 = tpu.memref_slice %dma_start3A_755[%dma_start3A_756, %dma_start3A_757] : memref<100096x16xf32, #tpu.memory_space<hbm>> -> memref<100096x16xf32, #tpu.memory_space<hbm>>
        tpu.enqueue_indirect_dma source(%dma_start3A_758 : memref<100096x16xf32, #tpu.memory_space<hbm>>) target(%dma_start3A_749 : memref<200x16xf32, #tpu.memory_space<vmem>>) offsets(%dma_start3A_751 : memref<200xi32, #tpu.memory_space<vmem>>) semaphore(%arg23 : memref<!tpu.dma_semaphore, #tpu.memory_space<semaphore_mem>>)
        %dma_start3A_759 = arith.constant 200 : i32
        %dma_start3A_760 = arith.constant 0 : i32
        %dma_start3A_761 = tpu.memref_slice %arg19[%dma_start3A_759, %dma_start3A_760] : memref<400x16xf32, #tpu.memory_space<vmem>> -> memref<200x16xf32, #tpu.memory_space<vmem>>
        %dma_start3A_762 = arith.constant 200 : i32
        %dma_start3A_763 = tpu.memref_slice %arg14[%dma_start3A_762] : memref<400xi32, #tpu.memory_space<vmem>> -> memref<200xi32, #tpu.memory_space<vmem>>
        %dma_start3A_764 = arith.constant 0 : i32
        %dma_start3A_765 = arith.constant 0 : i32
        %dma_start3A_766 = tpu.memref_slice %arg9[%arg0, %dma_start3A_764, %dma_start3A_765] : memref<2x100096x16xf32, #tpu.memory_space<hbm>> -> memref<1x100096x16xf32, #tpu.memory_space<hbm>>
        %dma_start3A_767 = tpu.memref_squeeze %dma_start3A_766 : memref<1x100096x16xf32, #tpu.memory_space<hbm>> -> memref<100096x16xf32, #tpu.memory_space<hbm>>
        %dma_start3A_768 = arith.constant 0 : i32
        %dma_start3A_769 = arith.constant 0 : i32
        %dma_start3A_770 = tpu.memref_slice %dma_start3A_767[%dma_start3A_768, %dma_start3A_769] : memref<100096x16xf32, #tpu.memory_space<hbm>> -> memref<100096x16xf32, #tpu.memory_space<hbm>>
        tpu.enqueue_indirect_dma source(%dma_start3A_770 : memref<100096x16xf32, #tpu.memory_space<hbm>>) target(%dma_start3A_761 : memref<200x16xf32, #tpu.memory_space<vmem>>) offsets(%dma_start3A_763 : memref<200xi32, #tpu.memory_space<vmem>>) semaphore(%arg23 : memref<!tpu.dma_semaphore, #tpu.memory_space<semaphore_mem>>)
      } else {
      }
      %parallel_loop3A_705 = arith.constant 0 : i32
      %parallel_loop3A_706 = arith.constant 25 : i32
      %parallel_loop3A_707 = arith.constant 1 : i32
      scf.for %parallel_loop3A_722 = %parallel_loop3A_705 to %parallel_loop3A_706 step %parallel_loop3A_707  : i32 {
        %parallel_loop3A_723 = arith.constant 16 : i32
        %parallel_loop3A_724 = arith.muli %parallel_loop3A_722, %parallel_loop3A_723 : i32
        %parallel_loop3A_725 = arith.index_cast %parallel_loop3A_724 : i32 to index
        %parallel_loop3A_726 = tpu.vector_load %arg18[%parallel_loop3A_725] {strides = array<i32>} : memref<416xf32, #tpu.memory_space<vmem>>, vector<16xf32>,
        %parallel_loop3A_727 = arith.constant 0 : i32
        %parallel_loop3A_728 = arith.addi %parallel_loop3A_724, %parallel_loop3A_727 : i32
        %parallel_loop3A_729 = arith.index_cast %parallel_loop3A_728 : i32 to index
        %parallel_loop3A_730 = arith.constant 0 : index
        %parallel_loop3A_731 = tpu.vector_load %arg20[%parallel_loop3A_729, %parallel_loop3A_730] {strides = array<i32>} : memref<400x16xf32, #tpu.memory_space<vmem>>, vector<16xf32>,
        %parallel_loop3A_732 = vector.extract_strided_slice %parallel_loop3A_726 {offsets = [0], sizes = [1], strides = [1]} : vector<16xf32> to vector<1xf32>
        %parallel_loop3A_733 = vector.extract %parallel_loop3A_732[0] : f32 from vector<1xf32>
        %parallel_loop3A_734 = vector.broadcast %parallel_loop3A_733 : f32 to vector<16xf32>
        %parallel_loop3A_735 = arith.mulf %parallel_loop3A_731, %parallel_loop3A_734 : vector<16xf32>
        %parallel_loop3A_736 = arith.constant 0 : i32
        %parallel_loop3A_737 = arith.addi %parallel_loop3A_724, %parallel_loop3A_736 : i32
        %parallel_loop3A_738 = arith.index_cast %parallel_loop3A_737 : i32 to index
        %parallel_loop3A_739 = arith.constant 0 : index
        %parallel_loop3A_740 = tpu.vector_load %arg20[%parallel_loop3A_738, %parallel_loop3A_739] {strides = array<i32>} : memref<400x16xf32, #tpu.memory_space<vmem>>, vector<16xf32>,
        tpu.vector_store %arg20[%parallel_loop3A_738, %parallel_loop3A_739], %parallel_loop3A_735 {strides = array<i32>} : memref<400x16xf32, #tpu.memory_space<vmem>>, vector<16xf32>,
        %parallel_loop3A_741 = arith.constant 1 : i32
        %parallel_loop3A_742 = arith.addi %parallel_loop3A_724, %parallel_loop3A_741 : i32
        %parallel_loop3A_743 = arith.index_cast %parallel_loop3A_742 : i32 to index
        %parallel_loop3A_744 = arith.constant 0 : index
        %parallel_loop3A_745 = tpu.vector_load %arg20[%parallel_loop3A_743, %parallel_loop3A_744] {strides = array<i32>} : memref<400x16xf32, #tpu.memory_space<vmem>>, vector<16xf32>,
        %parallel_loop3A_746 = vector.extract_strided_slice %parallel_loop3A_726 {offsets = [1], sizes = [1], strides = [1]} : vector<16xf32> to vector<1xf32>
        %parallel_loop3A_747 = vector.extract %parallel_loop3A_746[0] : f32 from vector<1xf32>
        %parallel_loop3A_748 = vector.broadcast %parallel_loop3A_747 : f32 to vector<16xf32>
        %parallel_loop3A_749 = arith.mulf %parallel_loop3A_745, %parallel_loop3A_748 : vector<16xf32>
        %parallel_loop3A_750 = arith.constant 1 : i32
        %parallel_loop3A_751 = arith.addi %parallel_loop3A_724, %parallel_loop3A_750 : i32
        %parallel_loop3A_752 = arith.index_cast %parallel_loop3A_751 : i32 to index
        %parallel_loop3A_753 = arith.constant 0 : index
        %parallel_loop3A_754 = tpu.vector_load %arg20[%parallel_loop3A_752, %parallel_loop3A_753] {strides = array<i32>} : memref<400x16xf32, #tpu.memory_space<vmem>>, vector<16xf32>,
        tpu.vector_store %arg20[%parallel_loop3A_752, %parallel_loop3A_753], %parallel_loop3A_749 {strides = array<i32>} : memref<400x16xf32, #tpu.memory_space<vmem>>, vector<16xf32>,
        %parallel_loop3A_755 = arith.constant 2 : i32
        %parallel_loop3A_756 = arith.addi %parallel_loop3A_724, %parallel_loop3A_755 : i32
        %parallel_loop3A_757 = arith.index_cast %parallel_loop3A_756 : i32 to index
        %parallel_loop3A_758 = arith.constant 0 : index
        %parallel_loop3A_759 = tpu.vector_load %arg20[%parallel_loop3A_757, %parallel_loop3A_758] {strides = array<i32>} : memref<400x16xf32, #tpu.memory_space<vmem>>, vector<16xf32>,
        %parallel_loop3A_760 = vector.extract_strided_slice %parallel_loop3A_726 {offsets = [2], sizes = [1], strides = [1]} : vector<16xf32> to vector<1xf32>
        %parallel_loop3A_761 = vector.extract %parallel_loop3A_760[0] : f32 from vector<1xf32>
        %parallel_loop3A_762 = vector.broadcast %parallel_loop3A_761 : f32 to vector<16xf32>
        %parallel_loop3A_763 = arith.mulf %parallel_loop3A_759, %parallel_loop3A_762 : vector<16xf32>
        %parallel_loop3A_764 = arith.constant 2 : i32
        %parallel_loop3A_765 = arith.addi %parallel_loop3A_724, %parallel_loop3A_764 : i32
        %parallel_loop3A_766 = arith.index_cast %parallel_loop3A_765 : i32 to index
        %parallel_loop3A_767 = arith.constant 0 : index
        %parallel_loop3A_768 = tpu.vector_load %arg20[%parallel_loop3A_766, %parallel_loop3A_767] {strides = array<i32>} : memref<400x16xf32, #tpu.memory_space<vmem>>, vector<16xf32>,
        tpu.vector_store %arg20[%parallel_loop3A_766, %parallel_loop3A_767], %parallel_loop3A_763 {strides = array<i32>} : memref<400x16xf32, #tpu.memory_space<vmem>>, vector<16xf32>,
        %parallel_loop3A_769 = arith.constant 3 : i32
        %parallel_loop3A_770 = arith.addi %parallel_loop3A_724, %parallel_loop3A_769 : i32
        %parallel_loop3A_771 = arith.index_cast %parallel_loop3A_770 : i32 to index
        %parallel_loop3A_772 = arith.constant 0 : index
        %parallel_loop3A_773 = tpu.vector_load %arg20[%parallel_loop3A_771, %parallel_loop3A_772] {strides = array<i32>} : memref<400x16xf32, #tpu.memory_space<vmem>>, vector<16xf32>,
        %parallel_loop3A_774 = vector.extract_strided_slice %parallel_loop3A_726 {offsets = [3], sizes = [1], strides = [1]} : vector<16xf32> to vector<1xf32>
        %parallel_loop3A_775 = vector.extract %parallel_loop3A_774[0] : f32 from vector<1xf32>
        %parallel_loop3A_776 = vector.broadcast %parallel_loop3A_775 : f32 to vector<16xf32>
        %parallel_loop3A_777 = arith.mulf %parallel_loop3A_773, %parallel_loop3A_776 : vector<16xf32>
        %parallel_loop3A_778 = arith.constant 3 : i32
        %parallel_loop3A_779 = arith.addi %parallel_loop3A_724, %parallel_loop3A_778 : i32
        %parallel_loop3A_780 = arith.index_cast %parallel_loop3A_779 : i32 to index
        %parallel_loop3A_781 = arith.constant 0 : index
        %parallel_loop3A_782 = tpu.vector_load %arg20[%parallel_loop3A_780, %parallel_loop3A_781] {strides = array<i32>} : memref<400x16xf32, #tpu.memory_space<vmem>>, vector<16xf32>,
        tpu.vector_store %arg20[%parallel_loop3A_780, %parallel_loop3A_781], %parallel_loop3A_777 {strides = array<i32>} : memref<400x16xf32, #tpu.memory_space<vmem>>, vector<16xf32>,
        %parallel_loop3A_783 = arith.constant 4 : i32
        %parallel_loop3A_784 = arith.addi %parallel_loop3A_724, %parallel_loop3A_783 : i32
        %parallel_loop3A_785 = arith.index_cast %parallel_loop3A_784 : i32 to index
        %parallel_loop3A_786 = arith.constant 0 : index
        %parallel_loop3A_787 = tpu.vector_load %arg20[%parallel_loop3A_785, %parallel_loop3A_786] {strides = array<i32>} : memref<400x16xf32, #tpu.memory_space<vmem>>, vector<16xf32>,
        %parallel_loop3A_788 = vector.extract_strided_slice %parallel_loop3A_726 {offsets = [4], sizes = [1], strides = [1]} : vector<16xf32> to vector<1xf32>
        %parallel_loop3A_789 = vector.extract %parallel_loop3A_788[0] : f32 from vector<1xf32>
        %parallel_loop3A_790 = vector.broadcast %parallel_loop3A_789 : f32 to vector<16xf32>
        %parallel_loop3A_791 = arith.mulf %parallel_loop3A_787, %parallel_loop3A_790 : vector<16xf32>
        %parallel_loop3A_792 = arith.constant 4 : i32
        %parallel_loop3A_793 = arith.addi %parallel_loop3A_724, %parallel_loop3A_792 : i32
        %parallel_loop3A_794 = arith.index_cast %parallel_loop3A_793 : i32 to index
        %parallel_loop3A_795 = arith.constant 0 : index
        %parallel_loop3A_796 = tpu.vector_load %arg20[%parallel_loop3A_794, %parallel_loop3A_795] {strides = array<i32>} : memref<400x16xf32, #tpu.memory_space<vmem>>, vector<16xf32>,
        tpu.vector_store %arg20[%parallel_loop3A_794, %parallel_loop3A_795], %parallel_loop3A_791 {strides = array<i32>} : memref<400x16xf32, #tpu.memory_space<vmem>>, vector<16xf32>,
        %parallel_loop3A_797 = arith.constant 5 : i32
        %parallel_loop3A_798 = arith.addi %parallel_loop3A_724, %parallel_loop3A_797 : i32
        %parallel_loop3A_799 = arith.index_cast %parallel_loop3A_798 : i32 to index
        %parallel_loop3A_800 = arith.constant 0 : index
        %parallel_loop3A_801 = tpu.vector_load %arg20[%parallel_loop3A_799, %parallel_loop3A_800] {strides = array<i32>} : memref<400x16xf32, #tpu.memory_space<vmem>>, vector<16xf32>,
        %parallel_loop3A_802 = vector.extract_strided_slice %parallel_loop3A_726 {offsets = [5], sizes = [1], strides = [1]} : vector<16xf32> to vector<1xf32>
        %parallel_loop3A_803 = vector.extract %parallel_loop3A_802[0] : f32 from vector<1xf32>
        %parallel_loop3A_804 = vector.broadcast %parallel_loop3A_803 : f32 to vector<16xf32>
        %parallel_loop3A_805 = arith.mulf %parallel_loop3A_801, %parallel_loop3A_804 : vector<16xf32>
        %parallel_loop3A_806 = arith.constant 5 : i32
        %parallel_loop3A_807 = arith.addi %parallel_loop3A_724, %parallel_loop3A_806 : i32
        %parallel_loop3A_808 = arith.index_cast %parallel_loop3A_807 : i32 to index
        %parallel_loop3A_809 = arith.constant 0 : index
        %parallel_loop3A_810 = tpu.vector_load %arg20[%parallel_loop3A_808, %parallel_loop3A_809] {strides = array<i32>} : memref<400x16xf32, #tpu.memory_space<vmem>>, vector<16xf32>,
        tpu.vector_store %arg20[%parallel_loop3A_808, %parallel_loop3A_809], %parallel_loop3A_805 {strides = array<i32>} : memref<400x16xf32, #tpu.memory_space<vmem>>, vector<16xf32>,
        %parallel_loop3A_811 = arith.constant 6 : i32
        %parallel_loop3A_812 = arith.addi %parallel_loop3A_724, %parallel_loop3A_811 : i32
        %parallel_loop3A_813 = arith.index_cast %parallel_loop3A_812 : i32 to index
        %parallel_loop3A_814 = arith.constant 0 : index
        %parallel_loop3A_815 = tpu.vector_load %arg20[%parallel_loop3A_813, %parallel_loop3A_814] {strides = array<i32>} : memref<400x16xf32, #tpu.memory_space<vmem>>, vector<16xf32>,
        %parallel_loop3A_816 = vector.extract_strided_slice %parallel_loop3A_726 {offsets = [6], sizes = [1], strides = [1]} : vector<16xf32> to vector<1xf32>
        %parallel_loop3A_817 = vector.extract %parallel_loop3A_816[0] : f32 from vector<1xf32>
        %parallel_loop3A_818 = vector.broadcast %parallel_loop3A_817 : f32 to vector<16xf32>
        %parallel_loop3A_819 = arith.mulf %parallel_loop3A_815, %parallel_loop3A_818 : vector<16xf32>
        %parallel_loop3A_820 = arith.constant 6 : i32
        %parallel_loop3A_821 = arith.addi %parallel_loop3A_724, %parallel_loop3A_820 : i32
        %parallel_loop3A_822 = arith.index_cast %parallel_loop3A_821 : i32 to index
        %parallel_loop3A_823 = arith.constant 0 : index
        %parallel_loop3A_824 = tpu.vector_load %arg20[%parallel_loop3A_822, %parallel_loop3A_823] {strides = array<i32>} : memref<400x16xf32, #tpu.memory_space<vmem>>, vector<16xf32>,
        tpu.vector_store %arg20[%parallel_loop3A_822, %parallel_loop3A_823], %parallel_loop3A_819 {strides = array<i32>} : memref<400x16xf32, #tpu.memory_space<vmem>>, vector<16xf32>,
        %parallel_loop3A_825 = arith.constant 7 : i32
        %parallel_loop3A_826 = arith.addi %parallel_loop3A_724, %parallel_loop3A_825 : i32
        %parallel_loop3A_827 = arith.index_cast %parallel_loop3A_826 : i32 to index
        %parallel_loop3A_828 = arith.constant 0 : index
        %parallel_loop3A_829 = tpu.vector_load %arg20[%parallel_loop3A_827, %parallel_loop3A_828] {strides = array<i32>} : memref<400x16xf32, #tpu.memory_space<vmem>>, vector<16xf32>,
        %parallel_loop3A_830 = vector.extract_strided_slice %parallel_loop3A_726 {offsets = [7], sizes = [1], strides = [1]} : vector<16xf32> to vector<1xf32>
        %parallel_loop3A_831 = vector.extract %parallel_loop3A_830[0] : f32 from vector<1xf32>
        %parallel_loop3A_832 = vector.broadcast %parallel_loop3A_831 : f32 to vector<16xf32>
        %parallel_loop3A_833 = arith.mulf %parallel_loop3A_829, %parallel_loop3A_832 : vector<16xf32>
        %parallel_loop3A_834 = arith.constant 7 : i32
        %parallel_loop3A_835 = arith.addi %parallel_loop3A_724, %parallel_loop3A_834 : i32
        %parallel_loop3A_836 = arith.index_cast %parallel_loop3A_835 : i32 to index
        %parallel_loop3A_837 = arith.constant 0 : index
        %parallel_loop3A_838 = tpu.vector_load %arg20[%parallel_loop3A_836, %parallel_loop3A_837] {strides = array<i32>} : memref<400x16xf32, #tpu.memory_space<vmem>>, vector<16xf32>,
        tpu.vector_store %arg20[%parallel_loop3A_836, %parallel_loop3A_837], %parallel_loop3A_833 {strides = array<i32>} : memref<400x16xf32, #tpu.memory_space<vmem>>, vector<16xf32>,
        %parallel_loop3A_839 = arith.constant 8 : i32
        %parallel_loop3A_840 = arith.addi %parallel_loop3A_724, %parallel_loop3A_839 : i32
        %parallel_loop3A_841 = arith.index_cast %parallel_loop3A_840 : i32 to index
        %parallel_loop3A_842 = arith.constant 0 : index
        %parallel_loop3A_843 = tpu.vector_load %arg20[%parallel_loop3A_841, %parallel_loop3A_842] {strides = array<i32>} : memref<400x16xf32, #tpu.memory_space<vmem>>, vector<16xf32>,
        %parallel_loop3A_844 = vector.extract_strided_slice %parallel_loop3A_726 {offsets = [8], sizes = [1], strides = [1]} : vector<16xf32> to vector<1xf32>
        %parallel_loop3A_845 = vector.extract %parallel_loop3A_844[0] : f32 from vector<1xf32>
        %parallel_loop3A_846 = vector.broadcast %parallel_loop3A_845 : f32 to vector<16xf32>
        %parallel_loop3A_847 = arith.mulf %parallel_loop3A_843, %parallel_loop3A_846 : vector<16xf32>
        %parallel_loop3A_848 = arith.constant 8 : i32
        %parallel_loop3A_849 = arith.addi %parallel_loop3A_724, %parallel_loop3A_848 : i32
        %parallel_loop3A_850 = arith.index_cast %parallel_loop3A_849 : i32 to index
        %parallel_loop3A_851 = arith.constant 0 : index
        %parallel_loop3A_852 = tpu.vector_load %arg20[%parallel_loop3A_850, %parallel_loop3A_851] {strides = array<i32>} : memref<400x16xf32, #tpu.memory_space<vmem>>, vector<16xf32>,
        tpu.vector_store %arg20[%parallel_loop3A_850, %parallel_loop3A_851], %parallel_loop3A_847 {strides = array<i32>} : memref<400x16xf32, #tpu.memory_space<vmem>>, vector<16xf32>,
        %parallel_loop3A_853 = arith.constant 9 : i32
        %parallel_loop3A_854 = arith.addi %parallel_loop3A_724, %parallel_loop3A_853 : i32
        %parallel_loop3A_855 = arith.index_cast %parallel_loop3A_854 : i32 to index
        %parallel_loop3A_856 = arith.constant 0 : index
        %parallel_loop3A_857 = tpu.vector_load %arg20[%parallel_loop3A_855, %parallel_loop3A_856] {strides = array<i32>} : memref<400x16xf32, #tpu.memory_space<vmem>>, vector<16xf32>,
        %parallel_loop3A_858 = vector.extract_strided_slice %parallel_loop3A_726 {offsets = [9], sizes = [1], strides = [1]} : vector<16xf32> to vector<1xf32>
        %parallel_loop3A_859 = vector.extract %parallel_loop3A_858[0] : f32 from vector<1xf32>
        %parallel_loop3A_860 = vector.broadcast %parallel_loop3A_859 : f32 to vector<16xf32>
        %parallel_loop3A_861 = arith.mulf %parallel_loop3A_857, %parallel_loop3A_860 : vector<16xf32>
        %parallel_loop3A_862 = arith.constant 9 : i32
        %parallel_loop3A_863 = arith.addi %parallel_loop3A_724, %parallel_loop3A_862 : i32
        %parallel_loop3A_864 = arith.index_cast %parallel_loop3A_863 : i32 to index
        %parallel_loop3A_865 = arith.constant 0 : index
        %parallel_loop3A_866 = tpu.vector_load %arg20[%parallel_loop3A_864, %parallel_loop3A_865] {strides = array<i32>} : memref<400x16xf32, #tpu.memory_space<vmem>>, vector<16xf32>,
        tpu.vector_store %arg20[%parallel_loop3A_864, %parallel_loop3A_865], %parallel_loop3A_861 {strides = array<i32>} : memref<400x16xf32, #tpu.memory_space<vmem>>, vector<16xf32>,
        %parallel_loop3A_867 = arith.constant 10 : i32
        %parallel_loop3A_868 = arith.addi %parallel_loop3A_724, %parallel_loop3A_867 : i32
        %parallel_loop3A_869 = arith.index_cast %parallel_loop3A_868 : i32 to index
        %parallel_loop3A_870 = arith.constant 0 : index
        %parallel_loop3A_871 = tpu.vector_load %arg20[%parallel_loop3A_869, %parallel_loop3A_870] {strides = array<i32>} : memref<400x16xf32, #tpu.memory_space<vmem>>, vector<16xf32>,
        %parallel_loop3A_872 = vector.extract_strided_slice %parallel_loop3A_726 {offsets = [10], sizes = [1], strides = [1]} : vector<16xf32> to vector<1xf32>
        %parallel_loop3A_873 = vector.extract %parallel_loop3A_872[0] : f32 from vector<1xf32>
        %parallel_loop3A_874 = vector.broadcast %parallel_loop3A_873 : f32 to vector<16xf32>
        %parallel_loop3A_875 = arith.mulf %parallel_loop3A_871, %parallel_loop3A_874 : vector<16xf32>
        %parallel_loop3A_876 = arith.constant 10 : i32
        %parallel_loop3A_877 = arith.addi %parallel_loop3A_724, %parallel_loop3A_876 : i32
        %parallel_loop3A_878 = arith.index_cast %parallel_loop3A_877 : i32 to index
        %parallel_loop3A_879 = arith.constant 0 : index
        %parallel_loop3A_880 = tpu.vector_load %arg20[%parallel_loop3A_878, %parallel_loop3A_879] {strides = array<i32>} : memref<400x16xf32, #tpu.memory_space<vmem>>, vector<16xf32>,
        tpu.vector_store %arg20[%parallel_loop3A_878, %parallel_loop3A_879], %parallel_loop3A_875 {strides = array<i32>} : memref<400x16xf32, #tpu.memory_space<vmem>>, vector<16xf32>,
        %parallel_loop3A_881 = arith.constant 11 : i32
        %parallel_loop3A_882 = arith.addi %parallel_loop3A_724, %parallel_loop3A_881 : i32
        %parallel_loop3A_883 = arith.index_cast %parallel_loop3A_882 : i32 to index
        %parallel_loop3A_884 = arith.constant 0 : index
        %parallel_loop3A_885 = tpu.vector_load %arg20[%parallel_loop3A_883, %parallel_loop3A_884] {strides = array<i32>} : memref<400x16xf32, #tpu.memory_space<vmem>>, vector<16xf32>,
        %parallel_loop3A_886 = vector.extract_strided_slice %parallel_loop3A_726 {offsets = [11], sizes = [1], strides = [1]} : vector<16xf32> to vector<1xf32>
        %parallel_loop3A_887 = vector.extract %parallel_loop3A_886[0] : f32 from vector<1xf32>
        %parallel_loop3A_888 = vector.broadcast %parallel_loop3A_887 : f32 to vector<16xf32>
        %parallel_loop3A_889 = arith.mulf %parallel_loop3A_885, %parallel_loop3A_888 : vector<16xf32>
        %parallel_loop3A_890 = arith.constant 11 : i32
        %parallel_loop3A_891 = arith.addi %parallel_loop3A_724, %parallel_loop3A_890 : i32
        %parallel_loop3A_892 = arith.index_cast %parallel_loop3A_891 : i32 to index
        %parallel_loop3A_893 = arith.constant 0 : index
        %parallel_loop3A_894 = tpu.vector_load %arg20[%parallel_loop3A_892, %parallel_loop3A_893] {strides = array<i32>} : memref<400x16xf32, #tpu.memory_space<vmem>>, vector<16xf32>,
        tpu.vector_store %arg20[%parallel_loop3A_892, %parallel_loop3A_893], %parallel_loop3A_889 {strides = array<i32>} : memref<400x16xf32, #tpu.memory_space<vmem>>, vector<16xf32>,
        %parallel_loop3A_895 = arith.constant 12 : i32
        %parallel_loop3A_896 = arith.addi %parallel_loop3A_724, %parallel_loop3A_895 : i32
        %parallel_loop3A_897 = arith.index_cast %parallel_loop3A_896 : i32 to index
        %parallel_loop3A_898 = arith.constant 0 : index
        %parallel_loop3A_899 = tpu.vector_load %arg20[%parallel_loop3A_897, %parallel_loop3A_898] {strides = array<i32>} : memref<400x16xf32, #tpu.memory_space<vmem>>, vector<16xf32>,
        %parallel_loop3A_900 = vector.extract_strided_slice %parallel_loop3A_726 {offsets = [12], sizes = [1], strides = [1]} : vector<16xf32> to vector<1xf32>
        %parallel_loop3A_901 = vector.extract %parallel_loop3A_900[0] : f32 from vector<1xf32>
        %parallel_loop3A_902 = vector.broadcast %parallel_loop3A_901 : f32 to vector<16xf32>
        %parallel_loop3A_903 = arith.mulf %parallel_loop3A_899, %parallel_loop3A_902 : vector<16xf32>
        %parallel_loop3A_904 = arith.constant 12 : i32
        %parallel_loop3A_905 = arith.addi %parallel_loop3A_724, %parallel_loop3A_904 : i32
        %parallel_loop3A_906 = arith.index_cast %parallel_loop3A_905 : i32 to index
        %parallel_loop3A_907 = arith.constant 0 : index
        %parallel_loop3A_908 = tpu.vector_load %arg20[%parallel_loop3A_906, %parallel_loop3A_907] {strides = array<i32>} : memref<400x16xf32, #tpu.memory_space<vmem>>, vector<16xf32>,
        tpu.vector_store %arg20[%parallel_loop3A_906, %parallel_loop3A_907], %parallel_loop3A_903 {strides = array<i32>} : memref<400x16xf32, #tpu.memory_space<vmem>>, vector<16xf32>,
        %parallel_loop3A_909 = arith.constant 13 : i32
        %parallel_loop3A_910 = arith.addi %parallel_loop3A_724, %parallel_loop3A_909 : i32
        %parallel_loop3A_911 = arith.index_cast %parallel_loop3A_910 : i32 to index
        %parallel_loop3A_912 = arith.constant 0 : index
        %parallel_loop3A_913 = tpu.vector_load %arg20[%parallel_loop3A_911, %parallel_loop3A_912] {strides = array<i32>} : memref<400x16xf32, #tpu.memory_space<vmem>>, vector<16xf32>,
        %parallel_loop3A_914 = vector.extract_strided_slice %parallel_loop3A_726 {offsets = [13], sizes = [1], strides = [1]} : vector<16xf32> to vector<1xf32>
        %parallel_loop3A_915 = vector.extract %parallel_loop3A_914[0] : f32 from vector<1xf32>
        %parallel_loop3A_916 = vector.broadcast %parallel_loop3A_915 : f32 to vector<16xf32>
        %parallel_loop3A_917 = arith.mulf %parallel_loop3A_913, %parallel_loop3A_916 : vector<16xf32>
        %parallel_loop3A_918 = arith.constant 13 : i32
        %parallel_loop3A_919 = arith.addi %parallel_loop3A_724, %parallel_loop3A_918 : i32
        %parallel_loop3A_920 = arith.index_cast %parallel_loop3A_919 : i32 to index
        %parallel_loop3A_921 = arith.constant 0 : index
        %parallel_loop3A_922 = tpu.vector_load %arg20[%parallel_loop3A_920, %parallel_loop3A_921] {strides = array<i32>} : memref<400x16xf32, #tpu.memory_space<vmem>>, vector<16xf32>,
        tpu.vector_store %arg20[%parallel_loop3A_920, %parallel_loop3A_921], %parallel_loop3A_917 {strides = array<i32>} : memref<400x16xf32, #tpu.memory_space<vmem>>, vector<16xf32>,
        %parallel_loop3A_923 = arith.constant 14 : i32
        %parallel_loop3A_924 = arith.addi %parallel_loop3A_724, %parallel_loop3A_923 : i32
        %parallel_loop3A_925 = arith.index_cast %parallel_loop3A_924 : i32 to index
        %parallel_loop3A_926 = arith.constant 0 : index
        %parallel_loop3A_927 = tpu.vector_load %arg20[%parallel_loop3A_925, %parallel_loop3A_926] {strides = array<i32>} : memref<400x16xf32, #tpu.memory_space<vmem>>, vector<16xf32>,
        %parallel_loop3A_928 = vector.extract_strided_slice %parallel_loop3A_726 {offsets = [14], sizes = [1], strides = [1]} : vector<16xf32> to vector<1xf32>
        %parallel_loop3A_929 = vector.extract %parallel_loop3A_928[0] : f32 from vector<1xf32>
        %parallel_loop3A_930 = vector.broadcast %parallel_loop3A_929 : f32 to vector<16xf32>
        %parallel_loop3A_931 = arith.mulf %parallel_loop3A_927, %parallel_loop3A_930 : vector<16xf32>
        %parallel_loop3A_932 = arith.constant 14 : i32
        %parallel_loop3A_933 = arith.addi %parallel_loop3A_724, %parallel_loop3A_932 : i32
        %parallel_loop3A_934 = arith.index_cast %parallel_loop3A_933 : i32 to index
        %parallel_loop3A_935 = arith.constant 0 : index
        %parallel_loop3A_936 = tpu.vector_load %arg20[%parallel_loop3A_934, %parallel_loop3A_935] {strides = array<i32>} : memref<400x16xf32, #tpu.memory_space<vmem>>, vector<16xf32>,
        tpu.vector_store %arg20[%parallel_loop3A_934, %parallel_loop3A_935], %parallel_loop3A_931 {strides = array<i32>} : memref<400x16xf32, #tpu.memory_space<vmem>>, vector<16xf32>,
        %parallel_loop3A_937 = arith.constant 15 : i32
        %parallel_loop3A_938 = arith.addi %parallel_loop3A_724, %parallel_loop3A_937 : i32
        %parallel_loop3A_939 = arith.index_cast %parallel_loop3A_938 : i32 to index
        %parallel_loop3A_940 = arith.constant 0 : index
        %parallel_loop3A_941 = tpu.vector_load %arg20[%parallel_loop3A_939, %parallel_loop3A_940] {strides = array<i32>} : memref<400x16xf32, #tpu.memory_space<vmem>>, vector<16xf32>,
        %parallel_loop3A_942 = vector.extract_strided_slice %parallel_loop3A_726 {offsets = [15], sizes = [1], strides = [1]} : vector<16xf32> to vector<1xf32>
        %parallel_loop3A_943 = vector.extract %parallel_loop3A_942[0] : f32 from vector<1xf32>
        %parallel_loop3A_944 = vector.broadcast %parallel_loop3A_943 : f32 to vector<16xf32>
        %parallel_loop3A_945 = arith.mulf %parallel_loop3A_941, %parallel_loop3A_944 : vector<16xf32>
        %parallel_loop3A_946 = arith.constant 15 : i32
        %parallel_loop3A_947 = arith.addi %parallel_loop3A_724, %parallel_loop3A_946 : i32
        %parallel_loop3A_948 = arith.index_cast %parallel_loop3A_947 : i32 to index
        %parallel_loop3A_949 = arith.constant 0 : index
        %parallel_loop3A_950 = tpu.vector_load %arg20[%parallel_loop3A_948, %parallel_loop3A_949] {strides = array<i32>} : memref<400x16xf32, #tpu.memory_space<vmem>>, vector<16xf32>,
        tpu.vector_store %arg20[%parallel_loop3A_948, %parallel_loop3A_949], %parallel_loop3A_945 {strides = array<i32>} : memref<400x16xf32, #tpu.memory_space<vmem>>, vector<16xf32>,
      } {sc.loop_unroll_factor = 1 : i64, sc.parallel_access}
      %rem3A_708 = arith.constant 4 : i32
      %rem3A_709 = arith.remsi %add3A_576, %rem3A_708 : i32
      %dma_start3A_710 = arith.constant 0 : i32
      %dma_start3A_711 = tpu.memref_slice %arg16[%rem3A_709, %dma_start3A_710] : memref<4x400xi32, #tpu.memory_space<vmem>> -> memref<1x400xi32, #tpu.memory_space<vmem>>
      %dma_start3A_712 = tpu.memref_squeeze %dma_start3A_711 : memref<1x400xi32, #tpu.memory_space<vmem>> -> memref<400xi32, #tpu.memory_space<vmem>>
      %dma_start3A_713 = arith.constant 0 : i32
      %dma_start3A_714 = arith.constant 0 : i32
      %dma_start3A_715 = tpu.memref_slice %arg13[%dma_start3A_713, %dma_start3A_714] : memref<100096x16xf32, #tpu.memory_space<vmem_shared>> -> memref<100096x16xf32, #tpu.memory_space<vmem_shared>>
      tpu.enqueue_indirect_dma source(%arg20 : memref<400x16xf32, #tpu.memory_space<vmem>>) target(%dma_start3A_715 : memref<100096x16xf32, #tpu.memory_space<vmem_shared>>) offsets(%dma_start3A_712 : memref<400xi32, #tpu.memory_space<vmem>>) semaphore(%arg26 : memref<!tpu.dma_semaphore, #tpu.memory_space<semaphore_mem>>) {add = true}
      %lt3A_716 = arith.constant 124 : i32
      %lt3A_717 = arith.cmpi slt, %scan3A_571, %lt3A_716 : i32
      %convert_element_type3A_718 = arith.extui %lt3A_717 : i1 to i32
      %cond3A_719 = arith.constant 0 : i32
      %cond3A_720 = arith.cmpi ne, %convert_element_type3A_718, %cond3A_719 : i32
      scf.if %cond3A_720 {
        %add3A_722 = arith.constant 2 : i32
        %add3A_723 = arith.addi %add3A_576, %add3A_722 : i32
        %mul3A_724 = arith.constant 100000 : i32
        %mul3A_725 = arith.muli %arg1, %mul3A_724 : i32
        %mul3A_726 = arith.constant 400 : i32
        %mul3A_727 = arith.muli %add3A_723, %mul3A_726 : i32
        %add3A_728 = arith.addi %mul3A_725, %mul3A_727 : i32
        %dma_start3A_729 = tpu.memref_slice %arg3[%add3A_728] : memref<1600000xi32, #tpu.memory_space<hbm>> -> memref<400xi32, #tpu.memory_space<hbm>>
        %dma_start3A_730 = tpu.memref_slice %arg3[%add3A_728] : memref<1600000xi32, #tpu.memory_space<hbm>> -> memref<400xi32, #tpu.memory_space<hbm>>
        tpu.enqueue_dma source(%dma_start3A_730 : memref<400xi32, #tpu.memory_space<hbm>>) target(%arg15 : memref<400xi32, #tpu.memory_space<vmem>>) target_semaphore(%arg22 : memref<!tpu.dma_semaphore, #tpu.memory_space<semaphore_mem>>)
        %rem3A_731 = arith.constant 4 : i32
        %rem3A_732 = arith.remsi %add3A_723, %rem3A_731 : i32
        %dma_start3A_733 = arith.constant 0 : i32
        %dma_start3A_734 = tpu.memref_slice %arg16[%rem3A_732, %dma_start3A_733] : memref<4x400xi32, #tpu.memory_space<vmem>> -> memref<1x400xi32, #tpu.memory_space<vmem>>
        %dma_start3A_735 = tpu.memref_squeeze %dma_start3A_734 : memref<1x400xi32, #tpu.memory_space<vmem>> -> memref<400xi32, #tpu.memory_space<vmem>>
        %dma_start3A_736 = tpu.memref_slice %arg4[%add3A_728] : memref<1600000xi32, #tpu.memory_space<hbm>> -> memref<400xi32, #tpu.memory_space<hbm>>
        %dma_start3A_737 = arith.constant 0 : i32
        %dma_start3A_738 = tpu.memref_slice %arg16[%rem3A_732, %dma_start3A_737] : memref<4x400xi32, #tpu.memory_space<vmem>> -> memref<1x400xi32, #tpu.memory_space<vmem>>
        %dma_start3A_739 = tpu.memref_squeeze %dma_start3A_738 : memref<1x400xi32, #tpu.memory_space<vmem>> -> memref<400xi32, #tpu.memory_space<vmem>>
        %dma_start3A_740 = tpu.memref_slice %arg4[%add3A_728] : memref<1600000xi32, #tpu.memory_space<hbm>> -> memref<400xi32, #tpu.memory_space<hbm>>
        tpu.enqueue_dma source(%dma_start3A_740 : memref<400xi32, #tpu.memory_space<hbm>>) target(%dma_start3A_739 : memref<400xi32, #tpu.memory_space<vmem>>) target_semaphore(%arg22 : memref<!tpu.dma_semaphore, #tpu.memory_space<semaphore_mem>>)
        %dma_start3A_741 = arith.constant 0 : i32
        %dma_start3A_742 = tpu.memref_slice %arg18[%dma_start3A_741] : memref<416xf32, #tpu.memory_space<vmem>> -> memref<400xf32, #tpu.memory_space<vmem>>
        %dma_start3A_743 = tpu.memref_slice %arg5[%add3A_728] : memref<1600000xf32, #tpu.memory_space<hbm>> -> memref<400xf32, #tpu.memory_space<hbm>>
        %dma_start3A_744 = arith.constant 0 : i32
        %dma_start3A_745 = tpu.memref_slice %arg18[%dma_start3A_744] : memref<416xf32, #tpu.memory_space<vmem>> -> memref<400xf32, #tpu.memory_space<vmem>>
        %dma_start3A_746 = tpu.memref_slice %arg5[%add3A_728] : memref<1600000xf32, #tpu.memory_space<hbm>> -> memref<400xf32, #tpu.memory_space<hbm>>
        tpu.enqueue_dma source(%dma_start3A_746 : memref<400xf32, #tpu.memory_space<hbm>>) target(%dma_start3A_745 : memref<400xf32, #tpu.memory_space<vmem>>) target_semaphore(%arg22 : memref<!tpu.dma_semaphore, #tpu.memory_space<semaphore_mem>>)
      } else {
      }
      %scan3A_721 = arith.constant 0 : i32
      scf.yield %scan3A_721 : i32
    }
    %scan3A_206 = arith.constant 125 : i32
    %rem3A_207 = arith.constant 249 : i32
    %rem3A_208 = arith.constant 4 : i32
    %rem3A_209 = arith.remsi %rem3A_207, %rem3A_208 : i32
    %dma_wait3A_210 = arith.constant 0 : i32
    %dma_wait3A_211 = tpu.memref_slice %arg16[%rem3A_209, %dma_wait3A_210] : memref<4x400xi32, #tpu.memory_space<vmem>> -> memref<1x400xi32, #tpu.memory_space<vmem>>
    %dma_wait3A_212 = tpu.memref_squeeze %dma_wait3A_211 : memref<1x400xi32, #tpu.memory_space<vmem>> -> memref<400xi32, #tpu.memory_space<vmem>>
    %dma_wait3A_213 = arith.constant 0 : i32
    %dma_wait3A_214 = arith.constant 0 : i32
    %dma_wait3A_215 = tpu.memref_slice %arg13[%dma_wait3A_213, %dma_wait3A_214] : memref<100096x16xf32, #tpu.memory_space<vmem_shared>> -> memref<100096x16xf32, #tpu.memory_space<vmem_shared>>
    tpu.wait_indirect_dma semaphore(%arg26 : memref<!tpu.dma_semaphore, #tpu.memory_space<semaphore_mem>>) src(%arg20 : memref<400x16xf32, #tpu.memory_space<vmem>>) dst(%dma_wait3A_215 : memref<100096x16xf32, #tpu.memory_space<vmem_shared>>)
    %barrier3A_216 = arith.constant 0 : index
    tpu.barrier barrier_id(%barrier3A_216)
    "tpu.region"() ({
      %run_scoped3A = tpu.sem_alloc : memref<!tpu.dma_semaphore, #tpu.memory_space<semaphore_mem>>
      %dma_start3A_571 = arith.constant 0 : i32
      %dma_start3A_572 = arith.constant 0 : i32
      %dma_start3A_573 = tpu.memref_slice %arg10[%arg0, %dma_start3A_571, %dma_start3A_572] : memref<2x100096x16xf32, #tpu.memory_space<hbm>> -> memref<1x100096x16xf32, #tpu.memory_space<hbm>>
      %dma_start3A_574 = tpu.memref_squeeze %dma_start3A_573 : memref<1x100096x16xf32, #tpu.memory_space<hbm>> -> memref<100096x16xf32, #tpu.memory_space<hbm>>
      %dma_start3A_575 = arith.constant 0 : i32
      %dma_start3A_576 = tpu.memref_slice %dma_start3A_574[%mul3A_0, %dma_start3A_575] : memref<100096x16xf32, #tpu.memory_space<hbm>> -> memref<6256x16xf32, #tpu.memory_space<hbm>>
      %dma_start3A_577 = arith.constant 0 : i32
      %dma_start3A_578 = tpu.memref_slice %arg13[%mul3A_0, %dma_start3A_577] : memref<100096x16xf32, #tpu.memory_space<vmem_shared>> -> memref<6256x16xf32, #tpu.memory_space<vmem_shared>>
      tpu.enqueue_dma source(%dma_start3A_578 : memref<6256x16xf32, #tpu.memory_space<vmem_shared>>) target(%dma_start3A_576 : memref<6256x16xf32, #tpu.memory_space<hbm>>) target_semaphore(%run_scoped3A : memref<!tpu.dma_semaphore, #tpu.memory_space<semaphore_mem>>)
      %dma_wait3A_579 = arith.constant 0 : i32
      %dma_wait3A_580 = arith.constant 0 : i32
      %dma_wait3A_581 = tpu.memref_slice %arg10[%arg0, %dma_wait3A_579, %dma_wait3A_580] : memref<2x100096x16xf32, #tpu.memory_space<hbm>> -> memref<1x100096x16xf32, #tpu.memory_space<hbm>>
      %dma_wait3A_582 = tpu.memref_squeeze %dma_wait3A_581 : memref<1x100096x16xf32, #tpu.memory_space<hbm>> -> memref<100096x16xf32, #tpu.memory_space<hbm>>
      %dma_wait3A_583 = arith.constant 0 : i32
      %dma_wait3A_584 = tpu.memref_slice %dma_wait3A_582[%mul3A_0, %dma_wait3A_583] : memref<100096x16xf32, #tpu.memory_space<hbm>> -> memref<6256x16xf32, #tpu.memory_space<hbm>>
      %dma_wait3A_585 = arith.constant 0 : i32
      %dma_wait3A_586 = tpu.memref_slice %arg13[%mul3A_0, %dma_wait3A_585] : memref<100096x16xf32, #tpu.memory_space<vmem_shared>> -> memref<6256x16xf32, #tpu.memory_space<vmem_shared>>
      tpu.wait_dma2 semaphore(%run_scoped3A : memref<!tpu.dma_semaphore, #tpu.memory_space<semaphore_mem>>) src(%dma_wait3A_586 : memref<6256x16xf32, #tpu.memory_space<vmem_shared>>) dst(%dma_wait3A_584 : memref<6256x16xf32, #tpu.memory_space<hbm>>)
      tpu.yield
    }) : () -> ()
    "tpu.region"() ({
      %run_scoped3A = tpu.sem_alloc : memref<!tpu.dma_semaphore, #tpu.memory_space<semaphore_mem>>
      %dma_start3A_571 = arith.constant 0 : i32
      %dma_start3A_572 = tpu.memref_slice %arg13[%mul3A_0, %dma_start3A_571] : memref<100096x16xf32, #tpu.memory_space<vmem_shared>> -> memref<6256x16xf32, #tpu.memory_space<vmem_shared>>
      tpu.enqueue_dma source(%arg8 : memref<6256x16xf32, #tpu.memory_space<hbm>>) target(%dma_start3A_572 : memref<6256x16xf32, #tpu.memory_space<vmem_shared>>) target_semaphore(%run_scoped3A : memref<!tpu.dma_semaphore, #tpu.memory_space<semaphore_mem>>)
      %dma_wait3A_573 = arith.constant 0 : i32
      %dma_wait3A_574 = tpu.memref_slice %arg13[%mul3A_0, %dma_wait3A_573] : memref<100096x16xf32, #tpu.memory_space<vmem_shared>> -> memref<6256x16xf32, #tpu.memory_space<vmem_shared>>
      tpu.wait_dma2 semaphore(%run_scoped3A : memref<!tpu.dma_semaphore, #tpu.memory_space<semaphore_mem>>) src(%arg8 : memref<6256x16xf32, #tpu.memory_space<hbm>>) dst(%dma_wait3A_574 : memref<6256x16xf32, #tpu.memory_space<vmem_shared>>)
      tpu.yield
    }) : () -> ()
    %barrier3A_217 = arith.constant 0 : index
    tpu.barrier barrier_id(%barrier3A_217)
    %mul3A_218 = arith.constant 100000 : i32
    %mul3A_219 = arith.muli %arg1, %mul3A_218 : i32
    %add3A_220 = arith.constant 0 : i32
    %add3A_221 = arith.addi %mul3A_219, %add3A_220 : i32
    %dma_start3A_222 = tpu.memref_slice %arg3[%add3A_221] : memref<1600000xi32, #tpu.memory_space<hbm>> -> memref<400xi32, #tpu.memory_space<hbm>>
    %dma_start3A_223 = tpu.memref_slice %arg3[%add3A_221] : memref<1600000xi32, #tpu.memory_space<hbm>> -> memref<400xi32, #tpu.memory_space<hbm>>
    tpu.enqueue_dma source(%dma_start3A_223 : memref<400xi32, #tpu.memory_space<hbm>>) target(%arg14 : memref<400xi32, #tpu.memory_space<vmem>>) target_semaphore(%arg21 : memref<!tpu.dma_semaphore, #tpu.memory_space<semaphore_mem>>)
    %rem3A_224 = arith.constant 0 : i32
    %rem3A_225 = arith.constant 4 : i32
    %rem3A_226 = arith.remsi %rem3A_224, %rem3A_225 : i32
    %dma_start3A_227 = arith.constant 0 : i32
    %dma_start3A_228 = tpu.memref_slice %arg16[%rem3A_226, %dma_start3A_227] : memref<4x400xi32, #tpu.memory_space<vmem>> -> memref<1x400xi32, #tpu.memory_space<vmem>>
    %dma_start3A_229 = tpu.memref_squeeze %dma_start3A_228 : memref<1x400xi32, #tpu.memory_space<vmem>> -> memref<400xi32, #tpu.memory_space<vmem>>
    %dma_start3A_230 = tpu.memref_slice %arg4[%add3A_221] : memref<1600000xi32, #tpu.memory_space<hbm>> -> memref<400xi32, #tpu.memory_space<hbm>>
    %dma_start3A_231 = arith.constant 0 : i32
    %dma_start3A_232 = tpu.memref_slice %arg16[%rem3A_226, %dma_start3A_231] : memref<4x400xi32, #tpu.memory_space<vmem>> -> memref<1x400xi32, #tpu.memory_space<vmem>>
    %dma_start3A_233 = tpu.memref_squeeze %dma_start3A_232 : memref<1x400xi32, #tpu.memory_space<vmem>> -> memref<400xi32, #tpu.memory_space<vmem>>
    %dma_start3A_234 = tpu.memref_slice %arg4[%add3A_221] : memref<1600000xi32, #tpu.memory_space<hbm>> -> memref<400xi32, #tpu.memory_space<hbm>>
    tpu.enqueue_dma source(%dma_start3A_234 : memref<400xi32, #tpu.memory_space<hbm>>) target(%dma_start3A_233 : memref<400xi32, #tpu.memory_space<vmem>>) target_semaphore(%arg21 : memref<!tpu.dma_semaphore, #tpu.memory_space<semaphore_mem>>)
    %dma_start3A_235 = arith.constant 0 : i32
    %dma_start3A_236 = tpu.memref_slice %arg17[%dma_start3A_235] : memref<416xf32, #tpu.memory_space<vmem>> -> memref<400xf32, #tpu.memory_space<vmem>>
    %dma_start3A_237 = tpu.memref_slice %arg5[%add3A_221] : memref<1600000xf32, #tpu.memory_space<hbm>> -> memref<400xf32, #tpu.memory_space<hbm>>
    %dma_start3A_238 = arith.constant 0 : i32
    %dma_start3A_239 = tpu.memref_slice %arg17[%dma_start3A_238] : memref<416xf32, #tpu.memory_space<vmem>> -> memref<400xf32, #tpu.memory_space<vmem>>
    %dma_start3A_240 = tpu.memref_slice %arg5[%add3A_221] : memref<1600000xf32, #tpu.memory_space<hbm>> -> memref<400xf32, #tpu.memory_space<hbm>>
    tpu.enqueue_dma source(%dma_start3A_240 : memref<400xf32, #tpu.memory_space<hbm>>) target(%dma_start3A_239 : memref<400xf32, #tpu.memory_space<vmem>>) target_semaphore(%arg21 : memref<!tpu.dma_semaphore, #tpu.memory_space<semaphore_mem>>)
    %mul3A_241 = arith.constant 100000 : i32
    %mul3A_242 = arith.muli %arg1, %mul3A_241 : i32
    %add3A_243 = arith.constant 400 : i32
    %add3A_244 = arith.addi %mul3A_242, %add3A_243 : i32
    %dma_start3A_245 = tpu.memref_slice %arg3[%add3A_244] : memref<1600000xi32, #tpu.memory_space<hbm>> -> memref<400xi32, #tpu.memory_space<hbm>>
    %dma_start3A_246 = tpu.memref_slice %arg3[%add3A_244] : memref<1600000xi32, #tpu.memory_space<hbm>> -> memref<400xi32, #tpu.memory_space<hbm>>
    tpu.enqueue_dma source(%dma_start3A_246 : memref<400xi32, #tpu.memory_space<hbm>>) target(%arg15 : memref<400xi32, #tpu.memory_space<vmem>>) target_semaphore(%arg22 : memref<!tpu.dma_semaphore, #tpu.memory_space<semaphore_mem>>)
    %rem3A_247 = arith.constant 1 : i32
    %rem3A_248 = arith.constant 4 : i32
    %rem3A_249 = arith.remsi %rem3A_247, %rem3A_248 : i32
    %dma_start3A_250 = arith.constant 0 : i32
    %dma_start3A_251 = tpu.memref_slice %arg16[%rem3A_249, %dma_start3A_250] : memref<4x400xi32, #tpu.memory_space<vmem>> -> memref<1x400xi32, #tpu.memory_space<vmem>>
    %dma_start3A_252 = tpu.memref_squeeze %dma_start3A_251 : memref<1x400xi32, #tpu.memory_space<vmem>> -> memref<400xi32, #tpu.memory_space<vmem>>
    %dma_start3A_253 = tpu.memref_slice %arg4[%add3A_244] : memref<1600000xi32, #tpu.memory_space<hbm>> -> memref<400xi32, #tpu.memory_space<hbm>>
    %dma_start3A_254 = arith.constant 0 : i32
    %dma_start3A_255 = tpu.memref_slice %arg16[%rem3A_249, %dma_start3A_254] : memref<4x400xi32, #tpu.memory_space<vmem>> -> memref<1x400xi32, #tpu.memory_space<vmem>>
    %dma_start3A_256 = tpu.memref_squeeze %dma_start3A_255 : memref<1x400xi32, #tpu.memory_space<vmem>> -> memref<400xi32, #tpu.memory_space<vmem>>
    %dma_start3A_257 = tpu.memref_slice %arg4[%add3A_244] : memref<1600000xi32, #tpu.memory_space<hbm>> -> memref<400xi32, #tpu.memory_space<hbm>>
    tpu.enqueue_dma source(%dma_start3A_257 : memref<400xi32, #tpu.memory_space<hbm>>) target(%dma_start3A_256 : memref<400xi32, #tpu.memory_space<vmem>>) target_semaphore(%arg22 : memref<!tpu.dma_semaphore, #tpu.memory_space<semaphore_mem>>)
    %dma_start3A_258 = arith.constant 0 : i32
    %dma_start3A_259 = tpu.memref_slice %arg18[%dma_start3A_258] : memref<416xf32, #tpu.memory_space<vmem>> -> memref<400xf32, #tpu.memory_space<vmem>>
    %dma_start3A_260 = tpu.memref_slice %arg5[%add3A_244] : memref<1600000xf32, #tpu.memory_space<hbm>> -> memref<400xf32, #tpu.memory_space<hbm>>
    %dma_start3A_261 = arith.constant 0 : i32
    %dma_start3A_262 = tpu.memref_slice %arg18[%dma_start3A_261] : memref<416xf32, #tpu.memory_space<vmem>> -> memref<400xf32, #tpu.memory_space<vmem>>
    %dma_start3A_263 = tpu.memref_slice %arg5[%add3A_244] : memref<1600000xf32, #tpu.memory_space<hbm>> -> memref<400xf32, #tpu.memory_space<hbm>>
    tpu.enqueue_dma source(%dma_start3A_263 : memref<400xf32, #tpu.memory_space<hbm>>) target(%dma_start3A_262 : memref<400xf32, #tpu.memory_space<vmem>>) target_semaphore(%arg22 : memref<!tpu.dma_semaphore, #tpu.memory_space<semaphore_mem>>)
    %mul3A_264 = arith.constant 100000 : i32
    %mul3A_265 = arith.muli %arg1, %mul3A_264 : i32
    %add3A_266 = arith.constant 0 : i32
    %add3A_267 = arith.addi %mul3A_265, %add3A_266 : i32
    %dma_wait3A_268 = tpu.memref_slice %arg3[%add3A_267] : memref<1600000xi32, #tpu.memory_space<hbm>> -> memref<400xi32, #tpu.memory_space<hbm>>
    %dma_wait3A_269 = tpu.memref_slice %arg3[%add3A_267] : memref<1600000xi32, #tpu.memory_space<hbm>> -> memref<400xi32, #tpu.memory_space<hbm>>
    tpu.wait_dma2 semaphore(%arg21 : memref<!tpu.dma_semaphore, #tpu.memory_space<semaphore_mem>>) src(%dma_wait3A_269 : memref<400xi32, #tpu.memory_space<hbm>>) dst(%arg14 : memref<400xi32, #tpu.memory_space<vmem>>)
    %rem3A_270 = arith.constant 0 : i32
    %rem3A_271 = arith.constant 4 : i32
    %rem3A_272 = arith.remsi %rem3A_270, %rem3A_271 : i32
    %dma_wait3A_273 = arith.constant 0 : i32
    %dma_wait3A_274 = tpu.memref_slice %arg16[%rem3A_272, %dma_wait3A_273] : memref<4x400xi32, #tpu.memory_space<vmem>> -> memref<1x400xi32, #tpu.memory_space<vmem>>
    %dma_wait3A_275 = tpu.memref_squeeze %dma_wait3A_274 : memref<1x400xi32, #tpu.memory_space<vmem>> -> memref<400xi32, #tpu.memory_space<vmem>>
    %dma_wait3A_276 = tpu.memref_slice %arg4[%add3A_267] : memref<1600000xi32, #tpu.memory_space<hbm>> -> memref<400xi32, #tpu.memory_space<hbm>>
    %dma_wait3A_277 = arith.constant 0 : i32
    %dma_wait3A_278 = tpu.memref_slice %arg16[%rem3A_272, %dma_wait3A_277] : memref<4x400xi32, #tpu.memory_space<vmem>> -> memref<1x400xi32, #tpu.memory_space<vmem>>
    %dma_wait3A_279 = tpu.memref_squeeze %dma_wait3A_278 : memref<1x400xi32, #tpu.memory_space<vmem>> -> memref<400xi32, #tpu.memory_space<vmem>>
    %dma_wait3A_280 = tpu.memref_slice %arg4[%add3A_267] : memref<1600000xi32, #tpu.memory_space<hbm>> -> memref<400xi32, #tpu.memory_space<hbm>>
    tpu.wait_dma2 semaphore(%arg21 : memref<!tpu.dma_semaphore, #tpu.memory_space<semaphore_mem>>) src(%dma_wait3A_280 : memref<400xi32, #tpu.memory_space<hbm>>) dst(%dma_wait3A_279 : memref<400xi32, #tpu.memory_space<vmem>>)
    %dma_wait3A_281 = arith.constant 0 : i32
    %dma_wait3A_282 = tpu.memref_slice %arg17[%dma_wait3A_281] : memref<416xf32, #tpu.memory_space<vmem>> -> memref<400xf32, #tpu.memory_space<vmem>>
    %dma_wait3A_283 = tpu.memref_slice %arg5[%add3A_267] : memref<1600000xf32, #tpu.memory_space<hbm>> -> memref<400xf32, #tpu.memory_space<hbm>>
    %dma_wait3A_284 = arith.constant 0 : i32
    %dma_wait3A_285 = tpu.memref_slice %arg17[%dma_wait3A_284] : memref<416xf32, #tpu.memory_space<vmem>> -> memref<400xf32, #tpu.memory_space<vmem>>
    %dma_wait3A_286 = tpu.memref_slice %arg5[%add3A_267] : memref<1600000xf32, #tpu.memory_space<hbm>> -> memref<400xf32, #tpu.memory_space<hbm>>
    tpu.wait_dma2 semaphore(%arg21 : memref<!tpu.dma_semaphore, #tpu.memory_space<semaphore_mem>>) src(%dma_wait3A_286 : memref<400xf32, #tpu.memory_space<hbm>>) dst(%dma_wait3A_285 : memref<400xf32, #tpu.memory_space<vmem>>)
    %dma_start3A_287 = arith.constant 0 : i32
    %dma_start3A_288 = arith.constant 0 : i32
    %dma_start3A_289 = tpu.memref_slice %arg19[%dma_start3A_287, %dma_start3A_288] : memref<400x16xf32, #tpu.memory_space<vmem>> -> memref<200x16xf32, #tpu.memory_space<vmem>>
    %dma_start3A_290 = arith.constant 0 : i32
    %dma_start3A_291 = tpu.memref_slice %arg14[%dma_start3A_290] : memref<400xi32, #tpu.memory_space<vmem>> -> memref<200xi32, #tpu.memory_space<vmem>>
    %dma_start3A_292 = arith.constant 0 : i32
    %dma_start3A_293 = arith.constant 0 : i32
    %dma_start3A_294 = tpu.memref_slice %arg10[%arg0, %dma_start3A_292, %dma_start3A_293] : memref<2x100096x16xf32, #tpu.memory_space<hbm>> -> memref<1x100096x16xf32, #tpu.memory_space<hbm>>
    %dma_start3A_295 = tpu.memref_squeeze %dma_start3A_294 : memref<1x100096x16xf32, #tpu.memory_space<hbm>> -> memref<100096x16xf32, #tpu.memory_space<hbm>>
    %dma_start3A_296 = arith.constant 0 : i32
    %dma_start3A_297 = arith.constant 0 : i32
    %dma_start3A_298 = tpu.memref_slice %dma_start3A_295[%dma_start3A_296, %dma_start3A_297] : memref<100096x16xf32, #tpu.memory_space<hbm>> -> memref<100096x16xf32, #tpu.memory_space<hbm>>
    tpu.enqueue_indirect_dma source(%dma_start3A_298 : memref<100096x16xf32, #tpu.memory_space<hbm>>) target(%dma_start3A_289 : memref<200x16xf32, #tpu.memory_space<vmem>>) offsets(%dma_start3A_291 : memref<200xi32, #tpu.memory_space<vmem>>) semaphore(%arg23 : memref<!tpu.dma_semaphore, #tpu.memory_space<semaphore_mem>>)
    %dma_start3A_299 = arith.constant 200 : i32
    %dma_start3A_300 = arith.constant 0 : i32
    %dma_start3A_301 = tpu.memref_slice %arg19[%dma_start3A_299, %dma_start3A_300] : memref<400x16xf32, #tpu.memory_space<vmem>> -> memref<200x16xf32, #tpu.memory_space<vmem>>
    %dma_start3A_302 = arith.constant 200 : i32
    %dma_start3A_303 = tpu.memref_slice %arg14[%dma_start3A_302] : memref<400xi32, #tpu.memory_space<vmem>> -> memref<200xi32, #tpu.memory_space<vmem>>
    %dma_start3A_304 = arith.constant 0 : i32
    %dma_start3A_305 = arith.constant 0 : i32
    %dma_start3A_306 = tpu.memref_slice %arg10[%arg0, %dma_start3A_304, %dma_start3A_305] : memref<2x100096x16xf32, #tpu.memory_space<hbm>> -> memref<1x100096x16xf32, #tpu.memory_space<hbm>>
    %dma_start3A_307 = tpu.memref_squeeze %dma_start3A_306 : memref<1x100096x16xf32, #tpu.memory_space<hbm>> -> memref<100096x16xf32, #tpu.memory_space<hbm>>
    %dma_start3A_308 = arith.constant 0 : i32
    %dma_start3A_309 = arith.constant 0 : i32
    %dma_start3A_310 = tpu.memref_slice %dma_start3A_307[%dma_start3A_308, %dma_start3A_309] : memref<100096x16xf32, #tpu.memory_space<hbm>> -> memref<100096x16xf32, #tpu.memory_space<hbm>>
    tpu.enqueue_indirect_dma source(%dma_start3A_310 : memref<100096x16xf32, #tpu.memory_space<hbm>>) target(%dma_start3A_301 : memref<200x16xf32, #tpu.memory_space<vmem>>) offsets(%dma_start3A_303 : memref<200xi32, #tpu.memory_space<vmem>>) semaphore(%arg23 : memref<!tpu.dma_semaphore, #tpu.memory_space<semaphore_mem>>)
    %scan3A_311 = arith.constant 0 : i32
    %scan3A_312 = arith.constant 0 : i32
    %scan3A_313 = arith.constant 125 : i32
    %scan3A_314 = arith.addi %scan3A_312, %scan3A_313 : i32
    %scan3A_315 = arith.constant 1 : i32
    %scan3A_316 = scf.for %scan3A_571 = %scan3A_312 to %scan3A_314 step %scan3A_315 iter_args(%scan3A_572 = %scan3A_311) -> (i32)  : i32 {
      %mul3A_573 = arith.constant 2 : i32
      %mul3A_574 = arith.muli %mul3A_573, %scan3A_571 : i32
      %add3A_575 = arith.constant 1 : i32
      %add3A_576 = arith.addi %mul3A_574, %add3A_575 : i32
      %dma_wait3A_577 = arith.constant 0 : i32
      %dma_wait3A_578 = arith.constant 0 : i32
      %dma_wait3A_579 = tpu.memref_slice %arg19[%dma_wait3A_577, %dma_wait3A_578] : memref<400x16xf32, #tpu.memory_space<vmem>> -> memref<200x16xf32, #tpu.memory_space<vmem>>
      %dma_wait3A_580 = arith.constant 0 : i32
      %dma_wait3A_581 = tpu.memref_slice %arg14[%dma_wait3A_580] : memref<400xi32, #tpu.memory_space<vmem>> -> memref<200xi32, #tpu.memory_space<vmem>>
      %dma_wait3A_582 = arith.constant 0 : i32
      %dma_wait3A_583 = arith.constant 0 : i32
      %dma_wait3A_584 = tpu.memref_slice %arg10[%arg0, %dma_wait3A_582, %dma_wait3A_583] : memref<2x100096x16xf32, #tpu.memory_space<hbm>> -> memref<1x100096x16xf32, #tpu.memory_space<hbm>>
      %dma_wait3A_585 = tpu.memref_squeeze %dma_wait3A_584 : memref<1x100096x16xf32, #tpu.memory_space<hbm>> -> memref<100096x16xf32, #tpu.memory_space<hbm>>
      %dma_wait3A_586 = arith.constant 0 : i32
      %dma_wait3A_587 = arith.constant 0 : i32
      %dma_wait3A_588 = tpu.memref_slice %dma_wait3A_585[%dma_wait3A_586, %dma_wait3A_587] : memref<100096x16xf32, #tpu.memory_space<hbm>> -> memref<100096x16xf32, #tpu.memory_space<hbm>>
      tpu.wait_indirect_dma semaphore(%arg23 : memref<!tpu.dma_semaphore, #tpu.memory_space<semaphore_mem>>) src(%dma_wait3A_588 : memref<100096x16xf32, #tpu.memory_space<hbm>>) dst(%dma_wait3A_579 : memref<200x16xf32, #tpu.memory_space<vmem>>)
      %dma_wait3A_589 = arith.constant 200 : i32
      %dma_wait3A_590 = arith.constant 0 : i32
      %dma_wait3A_591 = tpu.memref_slice %arg19[%dma_wait3A_589, %dma_wait3A_590] : memref<400x16xf32, #tpu.memory_space<vmem>> -> memref<200x16xf32, #tpu.memory_space<vmem>>
      %dma_wait3A_592 = arith.constant 200 : i32
      %dma_wait3A_593 = tpu.memref_slice %arg14[%dma_wait3A_592] : memref<400xi32, #tpu.memory_space<vmem>> -> memref<200xi32, #tpu.memory_space<vmem>>
      %dma_wait3A_594 = arith.constant 0 : i32
      %dma_wait3A_595 = arith.constant 0 : i32
      %dma_wait3A_596 = tpu.memref_slice %arg10[%arg0, %dma_wait3A_594, %dma_wait3A_595] : memref<2x100096x16xf32, #tpu.memory_space<hbm>> -> memref<1x100096x16xf32, #tpu.memory_space<hbm>>
      %dma_wait3A_597 = tpu.memref_squeeze %dma_wait3A_596 : memref<1x100096x16xf32, #tpu.memory_space<hbm>> -> memref<100096x16xf32, #tpu.memory_space<hbm>>
      %dma_wait3A_598 = arith.constant 0 : i32
      %dma_wait3A_599 = arith.constant 0 : i32
      %dma_wait3A_600 = tpu.memref_slice %dma_wait3A_597[%dma_wait3A_598, %dma_wait3A_599] : memref<100096x16xf32, #tpu.memory_space<hbm>> -> memref<100096x16xf32, #tpu.memory_space<hbm>>
      tpu.wait_indirect_dma semaphore(%arg23 : memref<!tpu.dma_semaphore, #tpu.memory_space<semaphore_mem>>) src(%dma_wait3A_600 : memref<100096x16xf32, #tpu.memory_space<hbm>>) dst(%dma_wait3A_591 : memref<200x16xf32, #tpu.memory_space<vmem>>)
      %gt3A = arith.constant 0 : i32
      %gt3A_601 = arith.cmpi sgt, %scan3A_571, %gt3A : i32
      %convert_element_type3A_602 = arith.extui %gt3A_601 : i1 to i32
      %cond3A_603 = arith.constant 0 : i32
      %cond3A_604 = arith.cmpi ne, %convert_element_type3A_602, %cond3A_603 : i32
      scf.if %cond3A_604 {
        %sub3A = arith.constant 1 : i32
        %sub3A_722 = arith.subi %mul3A_574, %sub3A : i32
        %rem3A_723 = arith.constant 4 : i32
        %rem3A_724 = arith.remsi %sub3A_722, %rem3A_723 : i32
        %dma_wait3A_725 = arith.constant 0 : i32
        %dma_wait3A_726 = tpu.memref_slice %arg16[%rem3A_724, %dma_wait3A_725] : memref<4x400xi32, #tpu.memory_space<vmem>> -> memref<1x400xi32, #tpu.memory_space<vmem>>
        %dma_wait3A_727 = tpu.memref_squeeze %dma_wait3A_726 : memref<1x400xi32, #tpu.memory_space<vmem>> -> memref<400xi32, #tpu.memory_space<vmem>>
        %dma_wait3A_728 = arith.constant 0 : i32
        %dma_wait3A_729 = arith.constant 0 : i32
        %dma_wait3A_730 = tpu.memref_slice %arg13[%dma_wait3A_728, %dma_wait3A_729] : memref<100096x16xf32, #tpu.memory_space<vmem_shared>> -> memref<100096x16xf32, #tpu.memory_space<vmem_shared>>
        tpu.wait_indirect_dma semaphore(%arg26 : memref<!tpu.dma_semaphore, #tpu.memory_space<semaphore_mem>>) src(%arg20 : memref<400x16xf32, #tpu.memory_space<vmem>>) dst(%dma_wait3A_730 : memref<100096x16xf32, #tpu.memory_space<vmem_shared>>)
      } else {
      }
      %mul3A_605 = arith.constant 100000 : i32
      %mul3A_606 = arith.muli %arg1, %mul3A_605 : i32
      %mul3A_607 = arith.constant 400 : i32
      %mul3A_608 = arith.muli %add3A_576, %mul3A_607 : i32
      %add3A_609 = arith.addi %mul3A_606, %mul3A_608 : i32
      %dma_wait3A_610 = tpu.memref_slice %arg3[%add3A_609] : memref<1600000xi32, #tpu.memory_space<hbm>> -> memref<400xi32, #tpu.memory_space<hbm>>
      %dma_wait3A_611 = tpu.memref_slice %arg3[%add3A_609] : memref<1600000xi32, #tpu.memory_space<hbm>> -> memref<400xi32, #tpu.memory_space<hbm>>
      tpu.wait_dma2 semaphore(%arg22 : memref<!tpu.dma_semaphore, #tpu.memory_space<semaphore_mem>>) src(%dma_wait3A_611 : memref<400xi32, #tpu.memory_space<hbm>>) dst(%arg15 : memref<400xi32, #tpu.memory_space<vmem>>)
      %rem3A_612 = arith.constant 4 : i32
      %rem3A_613 = arith.remsi %add3A_576, %rem3A_612 : i32
      %dma_wait3A_614 = arith.constant 0 : i32
      %dma_wait3A_615 = tpu.memref_slice %arg16[%rem3A_613, %dma_wait3A_614] : memref<4x400xi32, #tpu.memory_space<vmem>> -> memref<1x400xi32, #tpu.memory_space<vmem>>
      %dma_wait3A_616 = tpu.memref_squeeze %dma_wait3A_615 : memref<1x400xi32, #tpu.memory_space<vmem>> -> memref<400xi32, #tpu.memory_space<vmem>>
      %dma_wait3A_617 = tpu.memref_slice %arg4[%add3A_609] : memref<1600000xi32, #tpu.memory_space<hbm>> -> memref<400xi32, #tpu.memory_space<hbm>>
      %dma_wait3A_618 = arith.constant 0 : i32
      %dma_wait3A_619 = tpu.memref_slice %arg16[%rem3A_613, %dma_wait3A_618] : memref<4x400xi32, #tpu.memory_space<vmem>> -> memref<1x400xi32, #tpu.memory_space<vmem>>
      %dma_wait3A_620 = tpu.memref_squeeze %dma_wait3A_619 : memref<1x400xi32, #tpu.memory_space<vmem>> -> memref<400xi32, #tpu.memory_space<vmem>>
      %dma_wait3A_621 = tpu.memref_slice %arg4[%add3A_609] : memref<1600000xi32, #tpu.memory_space<hbm>> -> memref<400xi32, #tpu.memory_space<hbm>>
      tpu.wait_dma2 semaphore(%arg22 : memref<!tpu.dma_semaphore, #tpu.memory_space<semaphore_mem>>) src(%dma_wait3A_621 : memref<400xi32, #tpu.memory_space<hbm>>) dst(%dma_wait3A_620 : memref<400xi32, #tpu.memory_space<vmem>>)
      %dma_wait3A_622 = arith.constant 0 : i32
      %dma_wait3A_623 = tpu.memref_slice %arg18[%dma_wait3A_622] : memref<416xf32, #tpu.memory_space<vmem>> -> memref<400xf32, #tpu.memory_space<vmem>>
      %dma_wait3A_624 = tpu.memref_slice %arg5[%add3A_609] : memref<1600000xf32, #tpu.memory_space<hbm>> -> memref<400xf32, #tpu.memory_space<hbm>>
      %dma_wait3A_625 = arith.constant 0 : i32
      %dma_wait3A_626 = tpu.memref_slice %arg18[%dma_wait3A_625] : memref<416xf32, #tpu.memory_space<vmem>> -> memref<400xf32, #tpu.memory_space<vmem>>
      %dma_wait3A_627 = tpu.memref_slice %arg5[%add3A_609] : memref<1600000xf32, #tpu.memory_space<hbm>> -> memref<400xf32, #tpu.memory_space<hbm>>
      tpu.wait_dma2 semaphore(%arg22 : memref<!tpu.dma_semaphore, #tpu.memory_space<semaphore_mem>>) src(%dma_wait3A_627 : memref<400xf32, #tpu.memory_space<hbm>>) dst(%dma_wait3A_626 : memref<400xf32, #tpu.memory_space<vmem>>)
      %dma_start3A_628 = arith.constant 0 : i32
      %dma_start3A_629 = arith.constant 0 : i32
      %dma_start3A_630 = tpu.memref_slice %arg20[%dma_start3A_628, %dma_start3A_629] : memref<400x16xf32, #tpu.memory_space<vmem>> -> memref<200x16xf32, #tpu.memory_space<vmem>>
      %dma_start3A_631 = arith.constant 0 : i32
      %dma_start3A_632 = tpu.memref_slice %arg15[%dma_start3A_631] : memref<400xi32, #tpu.memory_space<vmem>> -> memref<200xi32, #tpu.memory_space<vmem>>
      %dma_start3A_633 = arith.constant 0 : i32
      %dma_start3A_634 = arith.constant 0 : i32
      %dma_start3A_635 = tpu.memref_slice %arg10[%arg0, %dma_start3A_633, %dma_start3A_634] : memref<2x100096x16xf32, #tpu.memory_space<hbm>> -> memref<1x100096x16xf32, #tpu.memory_space<hbm>>
      %dma_start3A_636 = tpu.memref_squeeze %dma_start3A_635 : memref<1x100096x16xf32, #tpu.memory_space<hbm>> -> memref<100096x16xf32, #tpu.memory_space<hbm>>
      %dma_start3A_637 = arith.constant 0 : i32
      %dma_start3A_638 = arith.constant 0 : i32
      %dma_start3A_639 = tpu.memref_slice %dma_start3A_636[%dma_start3A_637, %dma_start3A_638] : memref<100096x16xf32, #tpu.memory_space<hbm>> -> memref<100096x16xf32, #tpu.memory_space<hbm>>
      tpu.enqueue_indirect_dma source(%dma_start3A_639 : memref<100096x16xf32, #tpu.memory_space<hbm>>) target(%dma_start3A_630 : memref<200x16xf32, #tpu.memory_space<vmem>>) offsets(%dma_start3A_632 : memref<200xi32, #tpu.memory_space<vmem>>) semaphore(%arg24 : memref<!tpu.dma_semaphore, #tpu.memory_space<semaphore_mem>>)
      %dma_start3A_640 = arith.constant 200 : i32
      %dma_start3A_641 = arith.constant 0 : i32
      %dma_start3A_642 = tpu.memref_slice %arg20[%dma_start3A_640, %dma_start3A_641] : memref<400x16xf32, #tpu.memory_space<vmem>> -> memref<200x16xf32, #tpu.memory_space<vmem>>
      %dma_start3A_643 = arith.constant 200 : i32
      %dma_start3A_644 = tpu.memref_slice %arg15[%dma_start3A_643] : memref<400xi32, #tpu.memory_space<vmem>> -> memref<200xi32, #tpu.memory_space<vmem>>
      %dma_start3A_645 = arith.constant 0 : i32
      %dma_start3A_646 = arith.constant 0 : i32
      %dma_start3A_647 = tpu.memref_slice %arg10[%arg0, %dma_start3A_645, %dma_start3A_646] : memref<2x100096x16xf32, #tpu.memory_space<hbm>> -> memref<1x100096x16xf32, #tpu.memory_space<hbm>>
      %dma_start3A_648 = tpu.memref_squeeze %dma_start3A_647 : memref<1x100096x16xf32, #tpu.memory_space<hbm>> -> memref<100096x16xf32, #tpu.memory_space<hbm>>
      %dma_start3A_649 = arith.constant 0 : i32
      %dma_start3A_650 = arith.constant 0 : i32
      %dma_start3A_651 = tpu.memref_slice %dma_start3A_648[%dma_start3A_649, %dma_start3A_650] : memref<100096x16xf32, #tpu.memory_space<hbm>> -> memref<100096x16xf32, #tpu.memory_space<hbm>>
      tpu.enqueue_indirect_dma source(%dma_start3A_651 : memref<100096x16xf32, #tpu.memory_space<hbm>>) target(%dma_start3A_642 : memref<200x16xf32, #tpu.memory_space<vmem>>) offsets(%dma_start3A_644 : memref<200xi32, #tpu.memory_space<vmem>>) semaphore(%arg24 : memref<!tpu.dma_semaphore, #tpu.memory_space<semaphore_mem>>)
      %parallel_loop3A_652 = arith.constant 0 : i32
      %parallel_loop3A_653 = arith.constant 25 : i32
      %parallel_loop3A_654 = arith.constant 1 : i32
      scf.for %parallel_loop3A_722 = %parallel_loop3A_652 to %parallel_loop3A_653 step %parallel_loop3A_654  : i32 {
        %parallel_loop3A_723 = arith.constant 16 : i32
        %parallel_loop3A_724 = arith.muli %parallel_loop3A_722, %parallel_loop3A_723 : i32
        %parallel_loop3A_725 = arith.index_cast %parallel_loop3A_724 : i32 to index
        %parallel_loop3A_726 = tpu.vector_load %arg17[%parallel_loop3A_725] {strides = array<i32>} : memref<416xf32, #tpu.memory_space<vmem>>, vector<16xf32>,
        %parallel_loop3A_727 = arith.constant 0 : i32
        %parallel_loop3A_728 = arith.addi %parallel_loop3A_724, %parallel_loop3A_727 : i32
        %parallel_loop3A_729 = arith.index_cast %parallel_loop3A_728 : i32 to index
        %parallel_loop3A_730 = arith.constant 0 : index
        %parallel_loop3A_731 = tpu.vector_load %arg19[%parallel_loop3A_729, %parallel_loop3A_730] {strides = array<i32>} : memref<400x16xf32, #tpu.memory_space<vmem>>, vector<16xf32>,
        %parallel_loop3A_732 = vector.extract_strided_slice %parallel_loop3A_726 {offsets = [0], sizes = [1], strides = [1]} : vector<16xf32> to vector<1xf32>
        %parallel_loop3A_733 = vector.extract %parallel_loop3A_732[0] : f32 from vector<1xf32>
        %parallel_loop3A_734 = vector.broadcast %parallel_loop3A_733 : f32 to vector<16xf32>
        %parallel_loop3A_735 = arith.mulf %parallel_loop3A_731, %parallel_loop3A_734 : vector<16xf32>
        %parallel_loop3A_736 = arith.constant 0 : i32
        %parallel_loop3A_737 = arith.addi %parallel_loop3A_724, %parallel_loop3A_736 : i32
        %parallel_loop3A_738 = arith.index_cast %parallel_loop3A_737 : i32 to index
        %parallel_loop3A_739 = arith.constant 0 : index
        %parallel_loop3A_740 = tpu.vector_load %arg19[%parallel_loop3A_738, %parallel_loop3A_739] {strides = array<i32>} : memref<400x16xf32, #tpu.memory_space<vmem>>, vector<16xf32>,
        tpu.vector_store %arg19[%parallel_loop3A_738, %parallel_loop3A_739], %parallel_loop3A_735 {strides = array<i32>} : memref<400x16xf32, #tpu.memory_space<vmem>>, vector<16xf32>,
        %parallel_loop3A_741 = arith.constant 1 : i32
        %parallel_loop3A_742 = arith.addi %parallel_loop3A_724, %parallel_loop3A_741 : i32
        %parallel_loop3A_743 = arith.index_cast %parallel_loop3A_742 : i32 to index
        %parallel_loop3A_744 = arith.constant 0 : index
        %parallel_loop3A_745 = tpu.vector_load %arg19[%parallel_loop3A_743, %parallel_loop3A_744] {strides = array<i32>} : memref<400x16xf32, #tpu.memory_space<vmem>>, vector<16xf32>,
        %parallel_loop3A_746 = vector.extract_strided_slice %parallel_loop3A_726 {offsets = [1], sizes = [1], strides = [1]} : vector<16xf32> to vector<1xf32>
        %parallel_loop3A_747 = vector.extract %parallel_loop3A_746[0] : f32 from vector<1xf32>
        %parallel_loop3A_748 = vector.broadcast %parallel_loop3A_747 : f32 to vector<16xf32>
        %parallel_loop3A_749 = arith.mulf %parallel_loop3A_745, %parallel_loop3A_748 : vector<16xf32>
        %parallel_loop3A_750 = arith.constant 1 : i32
        %parallel_loop3A_751 = arith.addi %parallel_loop3A_724, %parallel_loop3A_750 : i32
        %parallel_loop3A_752 = arith.index_cast %parallel_loop3A_751 : i32 to index
        %parallel_loop3A_753 = arith.constant 0 : index
        %parallel_loop3A_754 = tpu.vector_load %arg19[%parallel_loop3A_752, %parallel_loop3A_753] {strides = array<i32>} : memref<400x16xf32, #tpu.memory_space<vmem>>, vector<16xf32>,
        tpu.vector_store %arg19[%parallel_loop3A_752, %parallel_loop3A_753], %parallel_loop3A_749 {strides = array<i32>} : memref<400x16xf32, #tpu.memory_space<vmem>>, vector<16xf32>,
        %parallel_loop3A_755 = arith.constant 2 : i32
        %parallel_loop3A_756 = arith.addi %parallel_loop3A_724, %parallel_loop3A_755 : i32
        %parallel_loop3A_757 = arith.index_cast %parallel_loop3A_756 : i32 to index
        %parallel_loop3A_758 = arith.constant 0 : index
        %parallel_loop3A_759 = tpu.vector_load %arg19[%parallel_loop3A_757, %parallel_loop3A_758] {strides = array<i32>} : memref<400x16xf32, #tpu.memory_space<vmem>>, vector<16xf32>,
        %parallel_loop3A_760 = vector.extract_strided_slice %parallel_loop3A_726 {offsets = [2], sizes = [1], strides = [1]} : vector<16xf32> to vector<1xf32>
        %parallel_loop3A_761 = vector.extract %parallel_loop3A_760[0] : f32 from vector<1xf32>
        %parallel_loop3A_762 = vector.broadcast %parallel_loop3A_761 : f32 to vector<16xf32>
        %parallel_loop3A_763 = arith.mulf %parallel_loop3A_759, %parallel_loop3A_762 : vector<16xf32>
        %parallel_loop3A_764 = arith.constant 2 : i32
        %parallel_loop3A_765 = arith.addi %parallel_loop3A_724, %parallel_loop3A_764 : i32
        %parallel_loop3A_766 = arith.index_cast %parallel_loop3A_765 : i32 to index
        %parallel_loop3A_767 = arith.constant 0 : index
        %parallel_loop3A_768 = tpu.vector_load %arg19[%parallel_loop3A_766, %parallel_loop3A_767] {strides = array<i32>} : memref<400x16xf32, #tpu.memory_space<vmem>>, vector<16xf32>,
        tpu.vector_store %arg19[%parallel_loop3A_766, %parallel_loop3A_767], %parallel_loop3A_763 {strides = array<i32>} : memref<400x16xf32, #tpu.memory_space<vmem>>, vector<16xf32>,
        %parallel_loop3A_769 = arith.constant 3 : i32
        %parallel_loop3A_770 = arith.addi %parallel_loop3A_724, %parallel_loop3A_769 : i32
        %parallel_loop3A_771 = arith.index_cast %parallel_loop3A_770 : i32 to index
        %parallel_loop3A_772 = arith.constant 0 : index
        %parallel_loop3A_773 = tpu.vector_load %arg19[%parallel_loop3A_771, %parallel_loop3A_772] {strides = array<i32>} : memref<400x16xf32, #tpu.memory_space<vmem>>, vector<16xf32>,
        %parallel_loop3A_774 = vector.extract_strided_slice %parallel_loop3A_726 {offsets = [3], sizes = [1], strides = [1]} : vector<16xf32> to vector<1xf32>
        %parallel_loop3A_775 = vector.extract %parallel_loop3A_774[0] : f32 from vector<1xf32>
        %parallel_loop3A_776 = vector.broadcast %parallel_loop3A_775 : f32 to vector<16xf32>
        %parallel_loop3A_777 = arith.mulf %parallel_loop3A_773, %parallel_loop3A_776 : vector<16xf32>
        %parallel_loop3A_778 = arith.constant 3 : i32
        %parallel_loop3A_779 = arith.addi %parallel_loop3A_724, %parallel_loop3A_778 : i32
        %parallel_loop3A_780 = arith.index_cast %parallel_loop3A_779 : i32 to index
        %parallel_loop3A_781 = arith.constant 0 : index
        %parallel_loop3A_782 = tpu.vector_load %arg19[%parallel_loop3A_780, %parallel_loop3A_781] {strides = array<i32>} : memref<400x16xf32, #tpu.memory_space<vmem>>, vector<16xf32>,
        tpu.vector_store %arg19[%parallel_loop3A_780, %parallel_loop3A_781], %parallel_loop3A_777 {strides = array<i32>} : memref<400x16xf32, #tpu.memory_space<vmem>>, vector<16xf32>,
        %parallel_loop3A_783 = arith.constant 4 : i32
        %parallel_loop3A_784 = arith.addi %parallel_loop3A_724, %parallel_loop3A_783 : i32
        %parallel_loop3A_785 = arith.index_cast %parallel_loop3A_784 : i32 to index
        %parallel_loop3A_786 = arith.constant 0 : index
        %parallel_loop3A_787 = tpu.vector_load %arg19[%parallel_loop3A_785, %parallel_loop3A_786] {strides = array<i32>} : memref<400x16xf32, #tpu.memory_space<vmem>>, vector<16xf32>,
        %parallel_loop3A_788 = vector.extract_strided_slice %parallel_loop3A_726 {offsets = [4], sizes = [1], strides = [1]} : vector<16xf32> to vector<1xf32>
        %parallel_loop3A_789 = vector.extract %parallel_loop3A_788[0] : f32 from vector<1xf32>
        %parallel_loop3A_790 = vector.broadcast %parallel_loop3A_789 : f32 to vector<16xf32>
        %parallel_loop3A_791 = arith.mulf %parallel_loop3A_787, %parallel_loop3A_790 : vector<16xf32>
        %parallel_loop3A_792 = arith.constant 4 : i32
        %parallel_loop3A_793 = arith.addi %parallel_loop3A_724, %parallel_loop3A_792 : i32
        %parallel_loop3A_794 = arith.index_cast %parallel_loop3A_793 : i32 to index
        %parallel_loop3A_795 = arith.constant 0 : index
        %parallel_loop3A_796 = tpu.vector_load %arg19[%parallel_loop3A_794, %parallel_loop3A_795] {strides = array<i32>} : memref<400x16xf32, #tpu.memory_space<vmem>>, vector<16xf32>,
        tpu.vector_store %arg19[%parallel_loop3A_794, %parallel_loop3A_795], %parallel_loop3A_791 {strides = array<i32>} : memref<400x16xf32, #tpu.memory_space<vmem>>, vector<16xf32>,
        %parallel_loop3A_797 = arith.constant 5 : i32
        %parallel_loop3A_798 = arith.addi %parallel_loop3A_724, %parallel_loop3A_797 : i32
        %parallel_loop3A_799 = arith.index_cast %parallel_loop3A_798 : i32 to index
        %parallel_loop3A_800 = arith.constant 0 : index
        %parallel_loop3A_801 = tpu.vector_load %arg19[%parallel_loop3A_799, %parallel_loop3A_800] {strides = array<i32>} : memref<400x16xf32, #tpu.memory_space<vmem>>, vector<16xf32>,
        %parallel_loop3A_802 = vector.extract_strided_slice %parallel_loop3A_726 {offsets = [5], sizes = [1], strides = [1]} : vector<16xf32> to vector<1xf32>
        %parallel_loop3A_803 = vector.extract %parallel_loop3A_802[0] : f32 from vector<1xf32>
        %parallel_loop3A_804 = vector.broadcast %parallel_loop3A_803 : f32 to vector<16xf32>
        %parallel_loop3A_805 = arith.mulf %parallel_loop3A_801, %parallel_loop3A_804 : vector<16xf32>
        %parallel_loop3A_806 = arith.constant 5 : i32
        %parallel_loop3A_807 = arith.addi %parallel_loop3A_724, %parallel_loop3A_806 : i32
        %parallel_loop3A_808 = arith.index_cast %parallel_loop3A_807 : i32 to index
        %parallel_loop3A_809 = arith.constant 0 : index
        %parallel_loop3A_810 = tpu.vector_load %arg19[%parallel_loop3A_808, %parallel_loop3A_809] {strides = array<i32>} : memref<400x16xf32, #tpu.memory_space<vmem>>, vector<16xf32>,
        tpu.vector_store %arg19[%parallel_loop3A_808, %parallel_loop3A_809], %parallel_loop3A_805 {strides = array<i32>} : memref<400x16xf32, #tpu.memory_space<vmem>>, vector<16xf32>,
        %parallel_loop3A_811 = arith.constant 6 : i32
        %parallel_loop3A_812 = arith.addi %parallel_loop3A_724, %parallel_loop3A_811 : i32
        %parallel_loop3A_813 = arith.index_cast %parallel_loop3A_812 : i32 to index
        %parallel_loop3A_814 = arith.constant 0 : index
        %parallel_loop3A_815 = tpu.vector_load %arg19[%parallel_loop3A_813, %parallel_loop3A_814] {strides = array<i32>} : memref<400x16xf32, #tpu.memory_space<vmem>>, vector<16xf32>,
        %parallel_loop3A_816 = vector.extract_strided_slice %parallel_loop3A_726 {offsets = [6], sizes = [1], strides = [1]} : vector<16xf32> to vector<1xf32>
        %parallel_loop3A_817 = vector.extract %parallel_loop3A_816[0] : f32 from vector<1xf32>
        %parallel_loop3A_818 = vector.broadcast %parallel_loop3A_817 : f32 to vector<16xf32>
        %parallel_loop3A_819 = arith.mulf %parallel_loop3A_815, %parallel_loop3A_818 : vector<16xf32>
        %parallel_loop3A_820 = arith.constant 6 : i32
        %parallel_loop3A_821 = arith.addi %parallel_loop3A_724, %parallel_loop3A_820 : i32
        %parallel_loop3A_822 = arith.index_cast %parallel_loop3A_821 : i32 to index
        %parallel_loop3A_823 = arith.constant 0 : index
        %parallel_loop3A_824 = tpu.vector_load %arg19[%parallel_loop3A_822, %parallel_loop3A_823] {strides = array<i32>} : memref<400x16xf32, #tpu.memory_space<vmem>>, vector<16xf32>,
        tpu.vector_store %arg19[%parallel_loop3A_822, %parallel_loop3A_823], %parallel_loop3A_819 {strides = array<i32>} : memref<400x16xf32, #tpu.memory_space<vmem>>, vector<16xf32>,
        %parallel_loop3A_825 = arith.constant 7 : i32
        %parallel_loop3A_826 = arith.addi %parallel_loop3A_724, %parallel_loop3A_825 : i32
        %parallel_loop3A_827 = arith.index_cast %parallel_loop3A_826 : i32 to index
        %parallel_loop3A_828 = arith.constant 0 : index
        %parallel_loop3A_829 = tpu.vector_load %arg19[%parallel_loop3A_827, %parallel_loop3A_828] {strides = array<i32>} : memref<400x16xf32, #tpu.memory_space<vmem>>, vector<16xf32>,
        %parallel_loop3A_830 = vector.extract_strided_slice %parallel_loop3A_726 {offsets = [7], sizes = [1], strides = [1]} : vector<16xf32> to vector<1xf32>
        %parallel_loop3A_831 = vector.extract %parallel_loop3A_830[0] : f32 from vector<1xf32>
        %parallel_loop3A_832 = vector.broadcast %parallel_loop3A_831 : f32 to vector<16xf32>
        %parallel_loop3A_833 = arith.mulf %parallel_loop3A_829, %parallel_loop3A_832 : vector<16xf32>
        %parallel_loop3A_834 = arith.constant 7 : i32
        %parallel_loop3A_835 = arith.addi %parallel_loop3A_724, %parallel_loop3A_834 : i32
        %parallel_loop3A_836 = arith.index_cast %parallel_loop3A_835 : i32 to index
        %parallel_loop3A_837 = arith.constant 0 : index
        %parallel_loop3A_838 = tpu.vector_load %arg19[%parallel_loop3A_836, %parallel_loop3A_837] {strides = array<i32>} : memref<400x16xf32, #tpu.memory_space<vmem>>, vector<16xf32>,
        tpu.vector_store %arg19[%parallel_loop3A_836, %parallel_loop3A_837], %parallel_loop3A_833 {strides = array<i32>} : memref<400x16xf32, #tpu.memory_space<vmem>>, vector<16xf32>,
        %parallel_loop3A_839 = arith.constant 8 : i32
        %parallel_loop3A_840 = arith.addi %parallel_loop3A_724, %parallel_loop3A_839 : i32
        %parallel_loop3A_841 = arith.index_cast %parallel_loop3A_840 : i32 to index
        %parallel_loop3A_842 = arith.constant 0 : index
        %parallel_loop3A_843 = tpu.vector_load %arg19[%parallel_loop3A_841, %parallel_loop3A_842] {strides = array<i32>} : memref<400x16xf32, #tpu.memory_space<vmem>>, vector<16xf32>,
        %parallel_loop3A_844 = vector.extract_strided_slice %parallel_loop3A_726 {offsets = [8], sizes = [1], strides = [1]} : vector<16xf32> to vector<1xf32>
        %parallel_loop3A_845 = vector.extract %parallel_loop3A_844[0] : f32 from vector<1xf32>
        %parallel_loop3A_846 = vector.broadcast %parallel_loop3A_845 : f32 to vector<16xf32>
        %parallel_loop3A_847 = arith.mulf %parallel_loop3A_843, %parallel_loop3A_846 : vector<16xf32>
        %parallel_loop3A_848 = arith.constant 8 : i32
        %parallel_loop3A_849 = arith.addi %parallel_loop3A_724, %parallel_loop3A_848 : i32
        %parallel_loop3A_850 = arith.index_cast %parallel_loop3A_849 : i32 to index
        %parallel_loop3A_851 = arith.constant 0 : index
        %parallel_loop3A_852 = tpu.vector_load %arg19[%parallel_loop3A_850, %parallel_loop3A_851] {strides = array<i32>} : memref<400x16xf32, #tpu.memory_space<vmem>>, vector<16xf32>,
        tpu.vector_store %arg19[%parallel_loop3A_850, %parallel_loop3A_851], %parallel_loop3A_847 {strides = array<i32>} : memref<400x16xf32, #tpu.memory_space<vmem>>, vector<16xf32>,
        %parallel_loop3A_853 = arith.constant 9 : i32
        %parallel_loop3A_854 = arith.addi %parallel_loop3A_724, %parallel_loop3A_853 : i32
        %parallel_loop3A_855 = arith.index_cast %parallel_loop3A_854 : i32 to index
        %parallel_loop3A_856 = arith.constant 0 : index
        %parallel_loop3A_857 = tpu.vector_load %arg19[%parallel_loop3A_855, %parallel_loop3A_856] {strides = array<i32>} : memref<400x16xf32, #tpu.memory_space<vmem>>, vector<16xf32>,
        %parallel_loop3A_858 = vector.extract_strided_slice %parallel_loop3A_726 {offsets = [9], sizes = [1], strides = [1]} : vector<16xf32> to vector<1xf32>
        %parallel_loop3A_859 = vector.extract %parallel_loop3A_858[0] : f32 from vector<1xf32>
        %parallel_loop3A_860 = vector.broadcast %parallel_loop3A_859 : f32 to vector<16xf32>
        %parallel_loop3A_861 = arith.mulf %parallel_loop3A_857, %parallel_loop3A_860 : vector<16xf32>
        %parallel_loop3A_862 = arith.constant 9 : i32
        %parallel_loop3A_863 = arith.addi %parallel_loop3A_724, %parallel_loop3A_862 : i32
        %parallel_loop3A_864 = arith.index_cast %parallel_loop3A_863 : i32 to index
        %parallel_loop3A_865 = arith.constant 0 : index
        %parallel_loop3A_866 = tpu.vector_load %arg19[%parallel_loop3A_864, %parallel_loop3A_865] {strides = array<i32>} : memref<400x16xf32, #tpu.memory_space<vmem>>, vector<16xf32>,
        tpu.vector_store %arg19[%parallel_loop3A_864, %parallel_loop3A_865], %parallel_loop3A_861 {strides = array<i32>} : memref<400x16xf32, #tpu.memory_space<vmem>>, vector<16xf32>,
        %parallel_loop3A_867 = arith.constant 10 : i32
        %parallel_loop3A_868 = arith.addi %parallel_loop3A_724, %parallel_loop3A_867 : i32
        %parallel_loop3A_869 = arith.index_cast %parallel_loop3A_868 : i32 to index
        %parallel_loop3A_870 = arith.constant 0 : index
        %parallel_loop3A_871 = tpu.vector_load %arg19[%parallel_loop3A_869, %parallel_loop3A_870] {strides = array<i32>} : memref<400x16xf32, #tpu.memory_space<vmem>>, vector<16xf32>,
        %parallel_loop3A_872 = vector.extract_strided_slice %parallel_loop3A_726 {offsets = [10], sizes = [1], strides = [1]} : vector<16xf32> to vector<1xf32>
        %parallel_loop3A_873 = vector.extract %parallel_loop3A_872[0] : f32 from vector<1xf32>
        %parallel_loop3A_874 = vector.broadcast %parallel_loop3A_873 : f32 to vector<16xf32>
        %parallel_loop3A_875 = arith.mulf %parallel_loop3A_871, %parallel_loop3A_874 : vector<16xf32>
        %parallel_loop3A_876 = arith.constant 10 : i32
        %parallel_loop3A_877 = arith.addi %parallel_loop3A_724, %parallel_loop3A_876 : i32
        %parallel_loop3A_878 = arith.index_cast %parallel_loop3A_877 : i32 to index
        %parallel_loop3A_879 = arith.constant 0 : index
        %parallel_loop3A_880 = tpu.vector_load %arg19[%parallel_loop3A_878, %parallel_loop3A_879] {strides = array<i32>} : memref<400x16xf32, #tpu.memory_space<vmem>>, vector<16xf32>,
        tpu.vector_store %arg19[%parallel_loop3A_878, %parallel_loop3A_879], %parallel_loop3A_875 {strides = array<i32>} : memref<400x16xf32, #tpu.memory_space<vmem>>, vector<16xf32>,
        %parallel_loop3A_881 = arith.constant 11 : i32
        %parallel_loop3A_882 = arith.addi %parallel_loop3A_724, %parallel_loop3A_881 : i32
        %parallel_loop3A_883 = arith.index_cast %parallel_loop3A_882 : i32 to index
        %parallel_loop3A_884 = arith.constant 0 : index
        %parallel_loop3A_885 = tpu.vector_load %arg19[%parallel_loop3A_883, %parallel_loop3A_884] {strides = array<i32>} : memref<400x16xf32, #tpu.memory_space<vmem>>, vector<16xf32>,
        %parallel_loop3A_886 = vector.extract_strided_slice %parallel_loop3A_726 {offsets = [11], sizes = [1], strides = [1]} : vector<16xf32> to vector<1xf32>
        %parallel_loop3A_887 = vector.extract %parallel_loop3A_886[0] : f32 from vector<1xf32>
        %parallel_loop3A_888 = vector.broadcast %parallel_loop3A_887 : f32 to vector<16xf32>
        %parallel_loop3A_889 = arith.mulf %parallel_loop3A_885, %parallel_loop3A_888 : vector<16xf32>
        %parallel_loop3A_890 = arith.constant 11 : i32
        %parallel_loop3A_891 = arith.addi %parallel_loop3A_724, %parallel_loop3A_890 : i32
        %parallel_loop3A_892 = arith.index_cast %parallel_loop3A_891 : i32 to index
        %parallel_loop3A_893 = arith.constant 0 : index
        %parallel_loop3A_894 = tpu.vector_load %arg19[%parallel_loop3A_892, %parallel_loop3A_893] {strides = array<i32>} : memref<400x16xf32, #tpu.memory_space<vmem>>, vector<16xf32>,
        tpu.vector_store %arg19[%parallel_loop3A_892, %parallel_loop3A_893], %parallel_loop3A_889 {strides = array<i32>} : memref<400x16xf32, #tpu.memory_space<vmem>>, vector<16xf32>,
        %parallel_loop3A_895 = arith.constant 12 : i32
        %parallel_loop3A_896 = arith.addi %parallel_loop3A_724, %parallel_loop3A_895 : i32
        %parallel_loop3A_897 = arith.index_cast %parallel_loop3A_896 : i32 to index
        %parallel_loop3A_898 = arith.constant 0 : index
        %parallel_loop3A_899 = tpu.vector_load %arg19[%parallel_loop3A_897, %parallel_loop3A_898] {strides = array<i32>} : memref<400x16xf32, #tpu.memory_space<vmem>>, vector<16xf32>,
        %parallel_loop3A_900 = vector.extract_strided_slice %parallel_loop3A_726 {offsets = [12], sizes = [1], strides = [1]} : vector<16xf32> to vector<1xf32>
        %parallel_loop3A_901 = vector.extract %parallel_loop3A_900[0] : f32 from vector<1xf32>
        %parallel_loop3A_902 = vector.broadcast %parallel_loop3A_901 : f32 to vector<16xf32>
        %parallel_loop3A_903 = arith.mulf %parallel_loop3A_899, %parallel_loop3A_902 : vector<16xf32>
        %parallel_loop3A_904 = arith.constant 12 : i32
        %parallel_loop3A_905 = arith.addi %parallel_loop3A_724, %parallel_loop3A_904 : i32
        %parallel_loop3A_906 = arith.index_cast %parallel_loop3A_905 : i32 to index
        %parallel_loop3A_907 = arith.constant 0 : index
        %parallel_loop3A_908 = tpu.vector_load %arg19[%parallel_loop3A_906, %parallel_loop3A_907] {strides = array<i32>} : memref<400x16xf32, #tpu.memory_space<vmem>>, vector<16xf32>,
        tpu.vector_store %arg19[%parallel_loop3A_906, %parallel_loop3A_907], %parallel_loop3A_903 {strides = array<i32>} : memref<400x16xf32, #tpu.memory_space<vmem>>, vector<16xf32>,
        %parallel_loop3A_909 = arith.constant 13 : i32
        %parallel_loop3A_910 = arith.addi %parallel_loop3A_724, %parallel_loop3A_909 : i32
        %parallel_loop3A_911 = arith.index_cast %parallel_loop3A_910 : i32 to index
        %parallel_loop3A_912 = arith.constant 0 : index
        %parallel_loop3A_913 = tpu.vector_load %arg19[%parallel_loop3A_911, %parallel_loop3A_912] {strides = array<i32>} : memref<400x16xf32, #tpu.memory_space<vmem>>, vector<16xf32>,
        %parallel_loop3A_914 = vector.extract_strided_slice %parallel_loop3A_726 {offsets = [13], sizes = [1], strides = [1]} : vector<16xf32> to vector<1xf32>
        %parallel_loop3A_915 = vector.extract %parallel_loop3A_914[0] : f32 from vector<1xf32>
        %parallel_loop3A_916 = vector.broadcast %parallel_loop3A_915 : f32 to vector<16xf32>
        %parallel_loop3A_917 = arith.mulf %parallel_loop3A_913, %parallel_loop3A_916 : vector<16xf32>
        %parallel_loop3A_918 = arith.constant 13 : i32
        %parallel_loop3A_919 = arith.addi %parallel_loop3A_724, %parallel_loop3A_918 : i32
        %parallel_loop3A_920 = arith.index_cast %parallel_loop3A_919 : i32 to index
        %parallel_loop3A_921 = arith.constant 0 : index
        %parallel_loop3A_922 = tpu.vector_load %arg19[%parallel_loop3A_920, %parallel_loop3A_921] {strides = array<i32>} : memref<400x16xf32, #tpu.memory_space<vmem>>, vector<16xf32>,
        tpu.vector_store %arg19[%parallel_loop3A_920, %parallel_loop3A_921], %parallel_loop3A_917 {strides = array<i32>} : memref<400x16xf32, #tpu.memory_space<vmem>>, vector<16xf32>,
        %parallel_loop3A_923 = arith.constant 14 : i32
        %parallel_loop3A_924 = arith.addi %parallel_loop3A_724, %parallel_loop3A_923 : i32
        %parallel_loop3A_925 = arith.index_cast %parallel_loop3A_924 : i32 to index
        %parallel_loop3A_926 = arith.constant 0 : index
        %parallel_loop3A_927 = tpu.vector_load %arg19[%parallel_loop3A_925, %parallel_loop3A_926] {strides = array<i32>} : memref<400x16xf32, #tpu.memory_space<vmem>>, vector<16xf32>,
        %parallel_loop3A_928 = vector.extract_strided_slice %parallel_loop3A_726 {offsets = [14], sizes = [1], strides = [1]} : vector<16xf32> to vector<1xf32>
        %parallel_loop3A_929 = vector.extract %parallel_loop3A_928[0] : f32 from vector<1xf32>
        %parallel_loop3A_930 = vector.broadcast %parallel_loop3A_929 : f32 to vector<16xf32>
        %parallel_loop3A_931 = arith.mulf %parallel_loop3A_927, %parallel_loop3A_930 : vector<16xf32>
        %parallel_loop3A_932 = arith.constant 14 : i32
        %parallel_loop3A_933 = arith.addi %parallel_loop3A_724, %parallel_loop3A_932 : i32
        %parallel_loop3A_934 = arith.index_cast %parallel_loop3A_933 : i32 to index
        %parallel_loop3A_935 = arith.constant 0 : index
        %parallel_loop3A_936 = tpu.vector_load %arg19[%parallel_loop3A_934, %parallel_loop3A_935] {strides = array<i32>} : memref<400x16xf32, #tpu.memory_space<vmem>>, vector<16xf32>,
        tpu.vector_store %arg19[%parallel_loop3A_934, %parallel_loop3A_935], %parallel_loop3A_931 {strides = array<i32>} : memref<400x16xf32, #tpu.memory_space<vmem>>, vector<16xf32>,
        %parallel_loop3A_937 = arith.constant 15 : i32
        %parallel_loop3A_938 = arith.addi %parallel_loop3A_724, %parallel_loop3A_937 : i32
        %parallel_loop3A_939 = arith.index_cast %parallel_loop3A_938 : i32 to index
        %parallel_loop3A_940 = arith.constant 0 : index
        %parallel_loop3A_941 = tpu.vector_load %arg19[%parallel_loop3A_939, %parallel_loop3A_940] {strides = array<i32>} : memref<400x16xf32, #tpu.memory_space<vmem>>, vector<16xf32>,
        %parallel_loop3A_942 = vector.extract_strided_slice %parallel_loop3A_726 {offsets = [15], sizes = [1], strides = [1]} : vector<16xf32> to vector<1xf32>
        %parallel_loop3A_943 = vector.extract %parallel_loop3A_942[0] : f32 from vector<1xf32>
        %parallel_loop3A_944 = vector.broadcast %parallel_loop3A_943 : f32 to vector<16xf32>
        %parallel_loop3A_945 = arith.mulf %parallel_loop3A_941, %parallel_loop3A_944 : vector<16xf32>
        %parallel_loop3A_946 = arith.constant 15 : i32
        %parallel_loop3A_947 = arith.addi %parallel_loop3A_724, %parallel_loop3A_946 : i32
        %parallel_loop3A_948 = arith.index_cast %parallel_loop3A_947 : i32 to index
        %parallel_loop3A_949 = arith.constant 0 : index
        %parallel_loop3A_950 = tpu.vector_load %arg19[%parallel_loop3A_948, %parallel_loop3A_949] {strides = array<i32>} : memref<400x16xf32, #tpu.memory_space<vmem>>, vector<16xf32>,
        tpu.vector_store %arg19[%parallel_loop3A_948, %parallel_loop3A_949], %parallel_loop3A_945 {strides = array<i32>} : memref<400x16xf32, #tpu.memory_space<vmem>>, vector<16xf32>,
      } {sc.loop_unroll_factor = 1 : i64, sc.parallel_access}
      %rem3A_655 = arith.constant 4 : i32
      %rem3A_656 = arith.remsi %mul3A_574, %rem3A_655 : i32
      %dma_start3A_657 = arith.constant 0 : i32
      %dma_start3A_658 = tpu.memref_slice %arg16[%rem3A_656, %dma_start3A_657] : memref<4x400xi32, #tpu.memory_space<vmem>> -> memref<1x400xi32, #tpu.memory_space<vmem>>
      %dma_start3A_659 = tpu.memref_squeeze %dma_start3A_658 : memref<1x400xi32, #tpu.memory_space<vmem>> -> memref<400xi32, #tpu.memory_space<vmem>>
      %dma_start3A_660 = arith.constant 0 : i32
      %dma_start3A_661 = arith.constant 0 : i32
      %dma_start3A_662 = tpu.memref_slice %arg13[%dma_start3A_660, %dma_start3A_661] : memref<100096x16xf32, #tpu.memory_space<vmem_shared>> -> memref<100096x16xf32, #tpu.memory_space<vmem_shared>>
      tpu.enqueue_indirect_dma source(%arg19 : memref<400x16xf32, #tpu.memory_space<vmem>>) target(%dma_start3A_662 : memref<100096x16xf32, #tpu.memory_space<vmem_shared>>) offsets(%dma_start3A_659 : memref<400xi32, #tpu.memory_space<vmem>>) semaphore(%arg25 : memref<!tpu.dma_semaphore, #tpu.memory_space<semaphore_mem>>) {add = true}
      %lt3A_663 = arith.constant 124 : i32
      %lt3A_664 = arith.cmpi slt, %scan3A_571, %lt3A_663 : i32
      %convert_element_type3A_665 = arith.extui %lt3A_664 : i1 to i32
      %cond3A_666 = arith.constant 0 : i32
      %cond3A_667 = arith.cmpi ne, %convert_element_type3A_665, %cond3A_666 : i32
      scf.if %cond3A_667 {
        %add3A_722 = arith.constant 2 : i32
        %add3A_723 = arith.addi %mul3A_574, %add3A_722 : i32
        %mul3A_724 = arith.constant 100000 : i32
        %mul3A_725 = arith.muli %arg1, %mul3A_724 : i32
        %mul3A_726 = arith.constant 400 : i32
        %mul3A_727 = arith.muli %add3A_723, %mul3A_726 : i32
        %add3A_728 = arith.addi %mul3A_725, %mul3A_727 : i32
        %dma_start3A_729 = tpu.memref_slice %arg3[%add3A_728] : memref<1600000xi32, #tpu.memory_space<hbm>> -> memref<400xi32, #tpu.memory_space<hbm>>
        %dma_start3A_730 = tpu.memref_slice %arg3[%add3A_728] : memref<1600000xi32, #tpu.memory_space<hbm>> -> memref<400xi32, #tpu.memory_space<hbm>>
        tpu.enqueue_dma source(%dma_start3A_730 : memref<400xi32, #tpu.memory_space<hbm>>) target(%arg14 : memref<400xi32, #tpu.memory_space<vmem>>) target_semaphore(%arg21 : memref<!tpu.dma_semaphore, #tpu.memory_space<semaphore_mem>>)
        %rem3A_731 = arith.constant 4 : i32
        %rem3A_732 = arith.remsi %add3A_723, %rem3A_731 : i32
        %dma_start3A_733 = arith.constant 0 : i32
        %dma_start3A_734 = tpu.memref_slice %arg16[%rem3A_732, %dma_start3A_733] : memref<4x400xi32, #tpu.memory_space<vmem>> -> memref<1x400xi32, #tpu.memory_space<vmem>>
        %dma_start3A_735 = tpu.memref_squeeze %dma_start3A_734 : memref<1x400xi32, #tpu.memory_space<vmem>> -> memref<400xi32, #tpu.memory_space<vmem>>
        %dma_start3A_736 = tpu.memref_slice %arg4[%add3A_728] : memref<1600000xi32, #tpu.memory_space<hbm>> -> memref<400xi32, #tpu.memory_space<hbm>>
        %dma_start3A_737 = arith.constant 0 : i32
        %dma_start3A_738 = tpu.memref_slice %arg16[%rem3A_732, %dma_start3A_737] : memref<4x400xi32, #tpu.memory_space<vmem>> -> memref<1x400xi32, #tpu.memory_space<vmem>>
        %dma_start3A_739 = tpu.memref_squeeze %dma_start3A_738 : memref<1x400xi32, #tpu.memory_space<vmem>> -> memref<400xi32, #tpu.memory_space<vmem>>
        %dma_start3A_740 = tpu.memref_slice %arg4[%add3A_728] : memref<1600000xi32, #tpu.memory_space<hbm>> -> memref<400xi32, #tpu.memory_space<hbm>>
        tpu.enqueue_dma source(%dma_start3A_740 : memref<400xi32, #tpu.memory_space<hbm>>) target(%dma_start3A_739 : memref<400xi32, #tpu.memory_space<vmem>>) target_semaphore(%arg21 : memref<!tpu.dma_semaphore, #tpu.memory_space<semaphore_mem>>)
        %dma_start3A_741 = arith.constant 0 : i32
        %dma_start3A_742 = tpu.memref_slice %arg17[%dma_start3A_741] : memref<416xf32, #tpu.memory_space<vmem>> -> memref<400xf32, #tpu.memory_space<vmem>>
        %dma_start3A_743 = tpu.memref_slice %arg5[%add3A_728] : memref<1600000xf32, #tpu.memory_space<hbm>> -> memref<400xf32, #tpu.memory_space<hbm>>
        %dma_start3A_744 = arith.constant 0 : i32
        %dma_start3A_745 = tpu.memref_slice %arg17[%dma_start3A_744] : memref<416xf32, #tpu.memory_space<vmem>> -> memref<400xf32, #tpu.memory_space<vmem>>
        %dma_start3A_746 = tpu.memref_slice %arg5[%add3A_728] : memref<1600000xf32, #tpu.memory_space<hbm>> -> memref<400xf32, #tpu.memory_space<hbm>>
        tpu.enqueue_dma source(%dma_start3A_746 : memref<400xf32, #tpu.memory_space<hbm>>) target(%dma_start3A_745 : memref<400xf32, #tpu.memory_space<vmem>>) target_semaphore(%arg21 : memref<!tpu.dma_semaphore, #tpu.memory_space<semaphore_mem>>)
      } else {
      }
      %dma_wait3A_668 = arith.constant 0 : i32
      %dma_wait3A_669 = arith.constant 0 : i32
      %dma_wait3A_670 = tpu.memref_slice %arg20[%dma_wait3A_668, %dma_wait3A_669] : memref<400x16xf32, #tpu.memory_space<vmem>> -> memref<200x16xf32, #tpu.memory_space<vmem>>
      %dma_wait3A_671 = arith.constant 0 : i32
      %dma_wait3A_672 = tpu.memref_slice %arg15[%dma_wait3A_671] : memref<400xi32, #tpu.memory_space<vmem>> -> memref<200xi32, #tpu.memory_space<vmem>>
      %dma_wait3A_673 = arith.constant 0 : i32
      %dma_wait3A_674 = arith.constant 0 : i32
      %dma_wait3A_675 = tpu.memref_slice %arg10[%arg0, %dma_wait3A_673, %dma_wait3A_674] : memref<2x100096x16xf32, #tpu.memory_space<hbm>> -> memref<1x100096x16xf32, #tpu.memory_space<hbm>>
      %dma_wait3A_676 = tpu.memref_squeeze %dma_wait3A_675 : memref<1x100096x16xf32, #tpu.memory_space<hbm>> -> memref<100096x16xf32, #tpu.memory_space<hbm>>
      %dma_wait3A_677 = arith.constant 0 : i32
      %dma_wait3A_678 = arith.constant 0 : i32
      %dma_wait3A_679 = tpu.memref_slice %dma_wait3A_676[%dma_wait3A_677, %dma_wait3A_678] : memref<100096x16xf32, #tpu.memory_space<hbm>> -> memref<100096x16xf32, #tpu.memory_space<hbm>>
      tpu.wait_indirect_dma semaphore(%arg24 : memref<!tpu.dma_semaphore, #tpu.memory_space<semaphore_mem>>) src(%dma_wait3A_679 : memref<100096x16xf32, #tpu.memory_space<hbm>>) dst(%dma_wait3A_670 : memref<200x16xf32, #tpu.memory_space<vmem>>)
      %dma_wait3A_680 = arith.constant 200 : i32
      %dma_wait3A_681 = arith.constant 0 : i32
      %dma_wait3A_682 = tpu.memref_slice %arg20[%dma_wait3A_680, %dma_wait3A_681] : memref<400x16xf32, #tpu.memory_space<vmem>> -> memref<200x16xf32, #tpu.memory_space<vmem>>
      %dma_wait3A_683 = arith.constant 200 : i32
      %dma_wait3A_684 = tpu.memref_slice %arg15[%dma_wait3A_683] : memref<400xi32, #tpu.memory_space<vmem>> -> memref<200xi32, #tpu.memory_space<vmem>>
      %dma_wait3A_685 = arith.constant 0 : i32
      %dma_wait3A_686 = arith.constant 0 : i32
      %dma_wait3A_687 = tpu.memref_slice %arg10[%arg0, %dma_wait3A_685, %dma_wait3A_686] : memref<2x100096x16xf32, #tpu.memory_space<hbm>> -> memref<1x100096x16xf32, #tpu.memory_space<hbm>>
      %dma_wait3A_688 = tpu.memref_squeeze %dma_wait3A_687 : memref<1x100096x16xf32, #tpu.memory_space<hbm>> -> memref<100096x16xf32, #tpu.memory_space<hbm>>
      %dma_wait3A_689 = arith.constant 0 : i32
      %dma_wait3A_690 = arith.constant 0 : i32
      %dma_wait3A_691 = tpu.memref_slice %dma_wait3A_688[%dma_wait3A_689, %dma_wait3A_690] : memref<100096x16xf32, #tpu.memory_space<hbm>> -> memref<100096x16xf32, #tpu.memory_space<hbm>>
      tpu.wait_indirect_dma semaphore(%arg24 : memref<!tpu.dma_semaphore, #tpu.memory_space<semaphore_mem>>) src(%dma_wait3A_691 : memref<100096x16xf32, #tpu.memory_space<hbm>>) dst(%dma_wait3A_682 : memref<200x16xf32, #tpu.memory_space<vmem>>)
      %rem3A_692 = arith.constant 4 : i32
      %rem3A_693 = arith.remsi %mul3A_574, %rem3A_692 : i32
      %dma_wait3A_694 = arith.constant 0 : i32
      %dma_wait3A_695 = tpu.memref_slice %arg16[%rem3A_693, %dma_wait3A_694] : memref<4x400xi32, #tpu.memory_space<vmem>> -> memref<1x400xi32, #tpu.memory_space<vmem>>
      %dma_wait3A_696 = tpu.memref_squeeze %dma_wait3A_695 : memref<1x400xi32, #tpu.memory_space<vmem>> -> memref<400xi32, #tpu.memory_space<vmem>>
      %dma_wait3A_697 = arith.constant 0 : i32
      %dma_wait3A_698 = arith.constant 0 : i32
      %dma_wait3A_699 = tpu.memref_slice %arg13[%dma_wait3A_697, %dma_wait3A_698] : memref<100096x16xf32, #tpu.memory_space<vmem_shared>> -> memref<100096x16xf32, #tpu.memory_space<vmem_shared>>
      tpu.wait_indirect_dma semaphore(%arg25 : memref<!tpu.dma_semaphore, #tpu.memory_space<semaphore_mem>>) src(%arg19 : memref<400x16xf32, #tpu.memory_space<vmem>>) dst(%dma_wait3A_699 : memref<100096x16xf32, #tpu.memory_space<vmem_shared>>)
      %lt3A_700 = arith.constant 124 : i32
      %lt3A_701 = arith.cmpi slt, %scan3A_571, %lt3A_700 : i32
      %convert_element_type3A_702 = arith.extui %lt3A_701 : i1 to i32
      %cond3A_703 = arith.constant 0 : i32
      %cond3A_704 = arith.cmpi ne, %convert_element_type3A_702, %cond3A_703 : i32
      scf.if %cond3A_704 {
        %add3A_722 = arith.constant 1 : i32
        %add3A_723 = arith.addi %add3A_576, %add3A_722 : i32
        %mul3A_724 = arith.constant 100000 : i32
        %mul3A_725 = arith.muli %arg1, %mul3A_724 : i32
        %mul3A_726 = arith.constant 400 : i32
        %mul3A_727 = arith.muli %add3A_723, %mul3A_726 : i32
        %add3A_728 = arith.addi %mul3A_725, %mul3A_727 : i32
        %dma_wait3A_729 = tpu.memref_slice %arg3[%add3A_728] : memref<1600000xi32, #tpu.memory_space<hbm>> -> memref<400xi32, #tpu.memory_space<hbm>>
        %dma_wait3A_730 = tpu.memref_slice %arg3[%add3A_728] : memref<1600000xi32, #tpu.memory_space<hbm>> -> memref<400xi32, #tpu.memory_space<hbm>>
        tpu.wait_dma2 semaphore(%arg21 : memref<!tpu.dma_semaphore, #tpu.memory_space<semaphore_mem>>) src(%dma_wait3A_730 : memref<400xi32, #tpu.memory_space<hbm>>) dst(%arg14 : memref<400xi32, #tpu.memory_space<vmem>>)
        %rem3A_731 = arith.constant 4 : i32
        %rem3A_732 = arith.remsi %add3A_723, %rem3A_731 : i32
        %dma_wait3A_733 = arith.constant 0 : i32
        %dma_wait3A_734 = tpu.memref_slice %arg16[%rem3A_732, %dma_wait3A_733] : memref<4x400xi32, #tpu.memory_space<vmem>> -> memref<1x400xi32, #tpu.memory_space<vmem>>
        %dma_wait3A_735 = tpu.memref_squeeze %dma_wait3A_734 : memref<1x400xi32, #tpu.memory_space<vmem>> -> memref<400xi32, #tpu.memory_space<vmem>>
        %dma_wait3A_736 = tpu.memref_slice %arg4[%add3A_728] : memref<1600000xi32, #tpu.memory_space<hbm>> -> memref<400xi32, #tpu.memory_space<hbm>>
        %dma_wait3A_737 = arith.constant 0 : i32
        %dma_wait3A_738 = tpu.memref_slice %arg16[%rem3A_732, %dma_wait3A_737] : memref<4x400xi32, #tpu.memory_space<vmem>> -> memref<1x400xi32, #tpu.memory_space<vmem>>
        %dma_wait3A_739 = tpu.memref_squeeze %dma_wait3A_738 : memref<1x400xi32, #tpu.memory_space<vmem>> -> memref<400xi32, #tpu.memory_space<vmem>>
        %dma_wait3A_740 = tpu.memref_slice %arg4[%add3A_728] : memref<1600000xi32, #tpu.memory_space<hbm>> -> memref<400xi32, #tpu.memory_space<hbm>>
        tpu.wait_dma2 semaphore(%arg21 : memref<!tpu.dma_semaphore, #tpu.memory_space<semaphore_mem>>) src(%dma_wait3A_740 : memref<400xi32, #tpu.memory_space<hbm>>) dst(%dma_wait3A_739 : memref<400xi32, #tpu.memory_space<vmem>>)
        %dma_wait3A_741 = arith.constant 0 : i32
        %dma_wait3A_742 = tpu.memref_slice %arg17[%dma_wait3A_741] : memref<416xf32, #tpu.memory_space<vmem>> -> memref<400xf32, #tpu.memory_space<vmem>>
        %dma_wait3A_743 = tpu.memref_slice %arg5[%add3A_728] : memref<1600000xf32, #tpu.memory_space<hbm>> -> memref<400xf32, #tpu.memory_space<hbm>>
        %dma_wait3A_744 = arith.constant 0 : i32
        %dma_wait3A_745 = tpu.memref_slice %arg17[%dma_wait3A_744] : memref<416xf32, #tpu.memory_space<vmem>> -> memref<400xf32, #tpu.memory_space<vmem>>
        %dma_wait3A_746 = tpu.memref_slice %arg5[%add3A_728] : memref<1600000xf32, #tpu.memory_space<hbm>> -> memref<400xf32, #tpu.memory_space<hbm>>
        tpu.wait_dma2 semaphore(%arg21 : memref<!tpu.dma_semaphore, #tpu.memory_space<semaphore_mem>>) src(%dma_wait3A_746 : memref<400xf32, #tpu.memory_space<hbm>>) dst(%dma_wait3A_745 : memref<400xf32, #tpu.memory_space<vmem>>)
        %dma_start3A_747 = arith.constant 0 : i32
        %dma_start3A_748 = arith.constant 0 : i32
        %dma_start3A_749 = tpu.memref_slice %arg19[%dma_start3A_747, %dma_start3A_748] : memref<400x16xf32, #tpu.memory_space<vmem>> -> memref<200x16xf32, #tpu.memory_space<vmem>>
        %dma_start3A_750 = arith.constant 0 : i32
        %dma_start3A_751 = tpu.memref_slice %arg14[%dma_start3A_750] : memref<400xi32, #tpu.memory_space<vmem>> -> memref<200xi32, #tpu.memory_space<vmem>>
        %dma_start3A_752 = arith.constant 0 : i32
        %dma_start3A_753 = arith.constant 0 : i32
        %dma_start3A_754 = tpu.memref_slice %arg10[%arg0, %dma_start3A_752, %dma_start3A_753] : memref<2x100096x16xf32, #tpu.memory_space<hbm>> -> memref<1x100096x16xf32, #tpu.memory_space<hbm>>
        %dma_start3A_755 = tpu.memref_squeeze %dma_start3A_754 : memref<1x100096x16xf32, #tpu.memory_space<hbm>> -> memref<100096x16xf32, #tpu.memory_space<hbm>>
        %dma_start3A_756 = arith.constant 0 : i32
        %dma_start3A_757 = arith.constant 0 : i32
        %dma_start3A_758 = tpu.memref_slice %dma_start3A_755[%dma_start3A_756, %dma_start3A_757] : memref<100096x16xf32, #tpu.memory_space<hbm>> -> memref<100096x16xf32, #tpu.memory_space<hbm>>
        tpu.enqueue_indirect_dma source(%dma_start3A_758 : memref<100096x16xf32, #tpu.memory_space<hbm>>) target(%dma_start3A_749 : memref<200x16xf32, #tpu.memory_space<vmem>>) offsets(%dma_start3A_751 : memref<200xi32, #tpu.memory_space<vmem>>) semaphore(%arg23 : memref<!tpu.dma_semaphore, #tpu.memory_space<semaphore_mem>>)
        %dma_start3A_759 = arith.constant 200 : i32
        %dma_start3A_760 = arith.constant 0 : i32
        %dma_start3A_761 = tpu.memref_slice %arg19[%dma_start3A_759, %dma_start3A_760] : memref<400x16xf32, #tpu.memory_space<vmem>> -> memref<200x16xf32, #tpu.memory_space<vmem>>
        %dma_start3A_762 = arith.constant 200 : i32
        %dma_start3A_763 = tpu.memref_slice %arg14[%dma_start3A_762] : memref<400xi32, #tpu.memory_space<vmem>> -> memref<200xi32, #tpu.memory_space<vmem>>
        %dma_start3A_764 = arith.constant 0 : i32
        %dma_start3A_765 = arith.constant 0 : i32
        %dma_start3A_766 = tpu.memref_slice %arg10[%arg0, %dma_start3A_764, %dma_start3A_765] : memref<2x100096x16xf32, #tpu.memory_space<hbm>> -> memref<1x100096x16xf32, #tpu.memory_space<hbm>>
        %dma_start3A_767 = tpu.memref_squeeze %dma_start3A_766 : memref<1x100096x16xf32, #tpu.memory_space<hbm>> -> memref<100096x16xf32, #tpu.memory_space<hbm>>
        %dma_start3A_768 = arith.constant 0 : i32
        %dma_start3A_769 = arith.constant 0 : i32
        %dma_start3A_770 = tpu.memref_slice %dma_start3A_767[%dma_start3A_768, %dma_start3A_769] : memref<100096x16xf32, #tpu.memory_space<hbm>> -> memref<100096x16xf32, #tpu.memory_space<hbm>>
        tpu.enqueue_indirect_dma source(%dma_start3A_770 : memref<100096x16xf32, #tpu.memory_space<hbm>>) target(%dma_start3A_761 : memref<200x16xf32, #tpu.memory_space<vmem>>) offsets(%dma_start3A_763 : memref<200xi32, #tpu.memory_space<vmem>>) semaphore(%arg23 : memref<!tpu.dma_semaphore, #tpu.memory_space<semaphore_mem>>)
      } else {
      }
      %parallel_loop3A_705 = arith.constant 0 : i32
      %parallel_loop3A_706 = arith.constant 25 : i32
      %parallel_loop3A_707 = arith.constant 1 : i32
      scf.for %parallel_loop3A_722 = %parallel_loop3A_705 to %parallel_loop3A_706 step %parallel_loop3A_707  : i32 {
        %parallel_loop3A_723 = arith.constant 16 : i32
        %parallel_loop3A_724 = arith.muli %parallel_loop3A_722, %parallel_loop3A_723 : i32
        %parallel_loop3A_725 = arith.index_cast %parallel_loop3A_724 : i32 to index
        %parallel_loop3A_726 = tpu.vector_load %arg18[%parallel_loop3A_725] {strides = array<i32>} : memref<416xf32, #tpu.memory_space<vmem>>, vector<16xf32>,
        %parallel_loop3A_727 = arith.constant 0 : i32
        %parallel_loop3A_728 = arith.addi %parallel_loop3A_724, %parallel_loop3A_727 : i32
        %parallel_loop3A_729 = arith.index_cast %parallel_loop3A_728 : i32 to index
        %parallel_loop3A_730 = arith.constant 0 : index
        %parallel_loop3A_731 = tpu.vector_load %arg20[%parallel_loop3A_729, %parallel_loop3A_730] {strides = array<i32>} : memref<400x16xf32, #tpu.memory_space<vmem>>, vector<16xf32>,
        %parallel_loop3A_732 = vector.extract_strided_slice %parallel_loop3A_726 {offsets = [0], sizes = [1], strides = [1]} : vector<16xf32> to vector<1xf32>
        %parallel_loop3A_733 = vector.extract %parallel_loop3A_732[0] : f32 from vector<1xf32>
        %parallel_loop3A_734 = vector.broadcast %parallel_loop3A_733 : f32 to vector<16xf32>
        %parallel_loop3A_735 = arith.mulf %parallel_loop3A_731, %parallel_loop3A_734 : vector<16xf32>
        %parallel_loop3A_736 = arith.constant 0 : i32
        %parallel_loop3A_737 = arith.addi %parallel_loop3A_724, %parallel_loop3A_736 : i32
        %parallel_loop3A_738 = arith.index_cast %parallel_loop3A_737 : i32 to index
        %parallel_loop3A_739 = arith.constant 0 : index
        %parallel_loop3A_740 = tpu.vector_load %arg20[%parallel_loop3A_738, %parallel_loop3A_739] {strides = array<i32>} : memref<400x16xf32, #tpu.memory_space<vmem>>, vector<16xf32>,
        tpu.vector_store %arg20[%parallel_loop3A_738, %parallel_loop3A_739], %parallel_loop3A_735 {strides = array<i32>} : memref<400x16xf32, #tpu.memory_space<vmem>>, vector<16xf32>,
        %parallel_loop3A_741 = arith.constant 1 : i32
        %parallel_loop3A_742 = arith.addi %parallel_loop3A_724, %parallel_loop3A_741 : i32
        %parallel_loop3A_743 = arith.index_cast %parallel_loop3A_742 : i32 to index
        %parallel_loop3A_744 = arith.constant 0 : index
        %parallel_loop3A_745 = tpu.vector_load %arg20[%parallel_loop3A_743, %parallel_loop3A_744] {strides = array<i32>} : memref<400x16xf32, #tpu.memory_space<vmem>>, vector<16xf32>,
        %parallel_loop3A_746 = vector.extract_strided_slice %parallel_loop3A_726 {offsets = [1], sizes = [1], strides = [1]} : vector<16xf32> to vector<1xf32>
        %parallel_loop3A_747 = vector.extract %parallel_loop3A_746[0] : f32 from vector<1xf32>
        %parallel_loop3A_748 = vector.broadcast %parallel_loop3A_747 : f32 to vector<16xf32>
        %parallel_loop3A_749 = arith.mulf %parallel_loop3A_745, %parallel_loop3A_748 : vector<16xf32>
        %parallel_loop3A_750 = arith.constant 1 : i32
        %parallel_loop3A_751 = arith.addi %parallel_loop3A_724, %parallel_loop3A_750 : i32
        %parallel_loop3A_752 = arith.index_cast %parallel_loop3A_751 : i32 to index
        %parallel_loop3A_753 = arith.constant 0 : index
        %parallel_loop3A_754 = tpu.vector_load %arg20[%parallel_loop3A_752, %parallel_loop3A_753] {strides = array<i32>} : memref<400x16xf32, #tpu.memory_space<vmem>>, vector<16xf32>,
        tpu.vector_store %arg20[%parallel_loop3A_752, %parallel_loop3A_753], %parallel_loop3A_749 {strides = array<i32>} : memref<400x16xf32, #tpu.memory_space<vmem>>, vector<16xf32>,
        %parallel_loop3A_755 = arith.constant 2 : i32
        %parallel_loop3A_756 = arith.addi %parallel_loop3A_724, %parallel_loop3A_755 : i32
        %parallel_loop3A_757 = arith.index_cast %parallel_loop3A_756 : i32 to index
        %parallel_loop3A_758 = arith.constant 0 : index
        %parallel_loop3A_759 = tpu.vector_load %arg20[%parallel_loop3A_757, %parallel_loop3A_758] {strides = array<i32>} : memref<400x16xf32, #tpu.memory_space<vmem>>, vector<16xf32>,
        %parallel_loop3A_760 = vector.extract_strided_slice %parallel_loop3A_726 {offsets = [2], sizes = [1], strides = [1]} : vector<16xf32> to vector<1xf32>
        %parallel_loop3A_761 = vector.extract %parallel_loop3A_760[0] : f32 from vector<1xf32>
        %parallel_loop3A_762 = vector.broadcast %parallel_loop3A_761 : f32 to vector<16xf32>
        %parallel_loop3A_763 = arith.mulf %parallel_loop3A_759, %parallel_loop3A_762 : vector<16xf32>
        %parallel_loop3A_764 = arith.constant 2 : i32
        %parallel_loop3A_765 = arith.addi %parallel_loop3A_724, %parallel_loop3A_764 : i32
        %parallel_loop3A_766 = arith.index_cast %parallel_loop3A_765 : i32 to index
        %parallel_loop3A_767 = arith.constant 0 : index
        %parallel_loop3A_768 = tpu.vector_load %arg20[%parallel_loop3A_766, %parallel_loop3A_767] {strides = array<i32>} : memref<400x16xf32, #tpu.memory_space<vmem>>, vector<16xf32>,
        tpu.vector_store %arg20[%parallel_loop3A_766, %parallel_loop3A_767], %parallel_loop3A_763 {strides = array<i32>} : memref<400x16xf32, #tpu.memory_space<vmem>>, vector<16xf32>,
        %parallel_loop3A_769 = arith.constant 3 : i32
        %parallel_loop3A_770 = arith.addi %parallel_loop3A_724, %parallel_loop3A_769 : i32
        %parallel_loop3A_771 = arith.index_cast %parallel_loop3A_770 : i32 to index
        %parallel_loop3A_772 = arith.constant 0 : index
        %parallel_loop3A_773 = tpu.vector_load %arg20[%parallel_loop3A_771, %parallel_loop3A_772] {strides = array<i32>} : memref<400x16xf32, #tpu.memory_space<vmem>>, vector<16xf32>,
        %parallel_loop3A_774 = vector.extract_strided_slice %parallel_loop3A_726 {offsets = [3], sizes = [1], strides = [1]} : vector<16xf32> to vector<1xf32>
        %parallel_loop3A_775 = vector.extract %parallel_loop3A_774[0] : f32 from vector<1xf32>
        %parallel_loop3A_776 = vector.broadcast %parallel_loop3A_775 : f32 to vector<16xf32>
        %parallel_loop3A_777 = arith.mulf %parallel_loop3A_773, %parallel_loop3A_776 : vector<16xf32>
        %parallel_loop3A_778 = arith.constant 3 : i32
        %parallel_loop3A_779 = arith.addi %parallel_loop3A_724, %parallel_loop3A_778 : i32
        %parallel_loop3A_780 = arith.index_cast %parallel_loop3A_779 : i32 to index
        %parallel_loop3A_781 = arith.constant 0 : index
        %parallel_loop3A_782 = tpu.vector_load %arg20[%parallel_loop3A_780, %parallel_loop3A_781] {strides = array<i32>} : memref<400x16xf32, #tpu.memory_space<vmem>>, vector<16xf32>,
        tpu.vector_store %arg20[%parallel_loop3A_780, %parallel_loop3A_781], %parallel_loop3A_777 {strides = array<i32>} : memref<400x16xf32, #tpu.memory_space<vmem>>, vector<16xf32>,
        %parallel_loop3A_783 = arith.constant 4 : i32
        %parallel_loop3A_784 = arith.addi %parallel_loop3A_724, %parallel_loop3A_783 : i32
        %parallel_loop3A_785 = arith.index_cast %parallel_loop3A_784 : i32 to index
        %parallel_loop3A_786 = arith.constant 0 : index
        %parallel_loop3A_787 = tpu.vector_load %arg20[%parallel_loop3A_785, %parallel_loop3A_786] {strides = array<i32>} : memref<400x16xf32, #tpu.memory_space<vmem>>, vector<16xf32>,
        %parallel_loop3A_788 = vector.extract_strided_slice %parallel_loop3A_726 {offsets = [4], sizes = [1], strides = [1]} : vector<16xf32> to vector<1xf32>
        %parallel_loop3A_789 = vector.extract %parallel_loop3A_788[0] : f32 from vector<1xf32>
        %parallel_loop3A_790 = vector.broadcast %parallel_loop3A_789 : f32 to vector<16xf32>
        %parallel_loop3A_791 = arith.mulf %parallel_loop3A_787, %parallel_loop3A_790 : vector<16xf32>
        %parallel_loop3A_792 = arith.constant 4 : i32
        %parallel_loop3A_793 = arith.addi %parallel_loop3A_724, %parallel_loop3A_792 : i32
        %parallel_loop3A_794 = arith.index_cast %parallel_loop3A_793 : i32 to index
        %parallel_loop3A_795 = arith.constant 0 : index
        %parallel_loop3A_796 = tpu.vector_load %arg20[%parallel_loop3A_794, %parallel_loop3A_795] {strides = array<i32>} : memref<400x16xf32, #tpu.memory_space<vmem>>, vector<16xf32>,
        tpu.vector_store %arg20[%parallel_loop3A_794, %parallel_loop3A_795], %parallel_loop3A_791 {strides = array<i32>} : memref<400x16xf32, #tpu.memory_space<vmem>>, vector<16xf32>,
        %parallel_loop3A_797 = arith.constant 5 : i32
        %parallel_loop3A_798 = arith.addi %parallel_loop3A_724, %parallel_loop3A_797 : i32
        %parallel_loop3A_799 = arith.index_cast %parallel_loop3A_798 : i32 to index
        %parallel_loop3A_800 = arith.constant 0 : index
        %parallel_loop3A_801 = tpu.vector_load %arg20[%parallel_loop3A_799, %parallel_loop3A_800] {strides = array<i32>} : memref<400x16xf32, #tpu.memory_space<vmem>>, vector<16xf32>,
        %parallel_loop3A_802 = vector.extract_strided_slice %parallel_loop3A_726 {offsets = [5], sizes = [1], strides = [1]} : vector<16xf32> to vector<1xf32>
        %parallel_loop3A_803 = vector.extract %parallel_loop3A_802[0] : f32 from vector<1xf32>
        %parallel_loop3A_804 = vector.broadcast %parallel_loop3A_803 : f32 to vector<16xf32>
        %parallel_loop3A_805 = arith.mulf %parallel_loop3A_801, %parallel_loop3A_804 : vector<16xf32>
        %parallel_loop3A_806 = arith.constant 5 : i32
        %parallel_loop3A_807 = arith.addi %parallel_loop3A_724, %parallel_loop3A_806 : i32
        %parallel_loop3A_808 = arith.index_cast %parallel_loop3A_807 : i32 to index
        %parallel_loop3A_809 = arith.constant 0 : index
        %parallel_loop3A_810 = tpu.vector_load %arg20[%parallel_loop3A_808, %parallel_loop3A_809] {strides = array<i32>} : memref<400x16xf32, #tpu.memory_space<vmem>>, vector<16xf32>,
        tpu.vector_store %arg20[%parallel_loop3A_808, %parallel_loop3A_809], %parallel_loop3A_805 {strides = array<i32>} : memref<400x16xf32, #tpu.memory_space<vmem>>, vector<16xf32>,
        %parallel_loop3A_811 = arith.constant 6 : i32
        %parallel_loop3A_812 = arith.addi %parallel_loop3A_724, %parallel_loop3A_811 : i32
        %parallel_loop3A_813 = arith.index_cast %parallel_loop3A_812 : i32 to index
        %parallel_loop3A_814 = arith.constant 0 : index
        %parallel_loop3A_815 = tpu.vector_load %arg20[%parallel_loop3A_813, %parallel_loop3A_814] {strides = array<i32>} : memref<400x16xf32, #tpu.memory_space<vmem>>, vector<16xf32>,
        %parallel_loop3A_816 = vector.extract_strided_slice %parallel_loop3A_726 {offsets = [6], sizes = [1], strides = [1]} : vector<16xf32> to vector<1xf32>
        %parallel_loop3A_817 = vector.extract %parallel_loop3A_816[0] : f32 from vector<1xf32>
        %parallel_loop3A_818 = vector.broadcast %parallel_loop3A_817 : f32 to vector<16xf32>
        %parallel_loop3A_819 = arith.mulf %parallel_loop3A_815, %parallel_loop3A_818 : vector<16xf32>
        %parallel_loop3A_820 = arith.constant 6 : i32
        %parallel_loop3A_821 = arith.addi %parallel_loop3A_724, %parallel_loop3A_820 : i32
        %parallel_loop3A_822 = arith.index_cast %parallel_loop3A_821 : i32 to index
        %parallel_loop3A_823 = arith.constant 0 : index
        %parallel_loop3A_824 = tpu.vector_load %arg20[%parallel_loop3A_822, %parallel_loop3A_823] {strides = array<i32>} : memref<400x16xf32, #tpu.memory_space<vmem>>, vector<16xf32>,
        tpu.vector_store %arg20[%parallel_loop3A_822, %parallel_loop3A_823], %parallel_loop3A_819 {strides = array<i32>} : memref<400x16xf32, #tpu.memory_space<vmem>>, vector<16xf32>,
        %parallel_loop3A_825 = arith.constant 7 : i32
        %parallel_loop3A_826 = arith.addi %parallel_loop3A_724, %parallel_loop3A_825 : i32
        %parallel_loop3A_827 = arith.index_cast %parallel_loop3A_826 : i32 to index
        %parallel_loop3A_828 = arith.constant 0 : index
        %parallel_loop3A_829 = tpu.vector_load %arg20[%parallel_loop3A_827, %parallel_loop3A_828] {strides = array<i32>} : memref<400x16xf32, #tpu.memory_space<vmem>>, vector<16xf32>,
        %parallel_loop3A_830 = vector.extract_strided_slice %parallel_loop3A_726 {offsets = [7], sizes = [1], strides = [1]} : vector<16xf32> to vector<1xf32>
        %parallel_loop3A_831 = vector.extract %parallel_loop3A_830[0] : f32 from vector<1xf32>
        %parallel_loop3A_832 = vector.broadcast %parallel_loop3A_831 : f32 to vector<16xf32>
        %parallel_loop3A_833 = arith.mulf %parallel_loop3A_829, %parallel_loop3A_832 : vector<16xf32>
        %parallel_loop3A_834 = arith.constant 7 : i32
        %parallel_loop3A_835 = arith.addi %parallel_loop3A_724, %parallel_loop3A_834 : i32
        %parallel_loop3A_836 = arith.index_cast %parallel_loop3A_835 : i32 to index
        %parallel_loop3A_837 = arith.constant 0 : index
        %parallel_loop3A_838 = tpu.vector_load %arg20[%parallel_loop3A_836, %parallel_loop3A_837] {strides = array<i32>} : memref<400x16xf32, #tpu.memory_space<vmem>>, vector<16xf32>,
        tpu.vector_store %arg20[%parallel_loop3A_836, %parallel_loop3A_837], %parallel_loop3A_833 {strides = array<i32>} : memref<400x16xf32, #tpu.memory_space<vmem>>, vector<16xf32>,
        %parallel_loop3A_839 = arith.constant 8 : i32
        %parallel_loop3A_840 = arith.addi %parallel_loop3A_724, %parallel_loop3A_839 : i32
        %parallel_loop3A_841 = arith.index_cast %parallel_loop3A_840 : i32 to index
        %parallel_loop3A_842 = arith.constant 0 : index
        %parallel_loop3A_843 = tpu.vector_load %arg20[%parallel_loop3A_841, %parallel_loop3A_842] {strides = array<i32>} : memref<400x16xf32, #tpu.memory_space<vmem>>, vector<16xf32>,
        %parallel_loop3A_844 = vector.extract_strided_slice %parallel_loop3A_726 {offsets = [8], sizes = [1], strides = [1]} : vector<16xf32> to vector<1xf32>
        %parallel_loop3A_845 = vector.extract %parallel_loop3A_844[0] : f32 from vector<1xf32>
        %parallel_loop3A_846 = vector.broadcast %parallel_loop3A_845 : f32 to vector<16xf32>
        %parallel_loop3A_847 = arith.mulf %parallel_loop3A_843, %parallel_loop3A_846 : vector<16xf32>
        %parallel_loop3A_848 = arith.constant 8 : i32
        %parallel_loop3A_849 = arith.addi %parallel_loop3A_724, %parallel_loop3A_848 : i32
        %parallel_loop3A_850 = arith.index_cast %parallel_loop3A_849 : i32 to index
        %parallel_loop3A_851 = arith.constant 0 : index
        %parallel_loop3A_852 = tpu.vector_load %arg20[%parallel_loop3A_850, %parallel_loop3A_851] {strides = array<i32>} : memref<400x16xf32, #tpu.memory_space<vmem>>, vector<16xf32>,
        tpu.vector_store %arg20[%parallel_loop3A_850, %parallel_loop3A_851], %parallel_loop3A_847 {strides = array<i32>} : memref<400x16xf32, #tpu.memory_space<vmem>>, vector<16xf32>,
        %parallel_loop3A_853 = arith.constant 9 : i32
        %parallel_loop3A_854 = arith.addi %parallel_loop3A_724, %parallel_loop3A_853 : i32
        %parallel_loop3A_855 = arith.index_cast %parallel_loop3A_854 : i32 to index
        %parallel_loop3A_856 = arith.constant 0 : index
        %parallel_loop3A_857 = tpu.vector_load %arg20[%parallel_loop3A_855, %parallel_loop3A_856] {strides = array<i32>} : memref<400x16xf32, #tpu.memory_space<vmem>>, vector<16xf32>,
        %parallel_loop3A_858 = vector.extract_strided_slice %parallel_loop3A_726 {offsets = [9], sizes = [1], strides = [1]} : vector<16xf32> to vector<1xf32>
        %parallel_loop3A_859 = vector.extract %parallel_loop3A_858[0] : f32 from vector<1xf32>
        %parallel_loop3A_860 = vector.broadcast %parallel_loop3A_859 : f32 to vector<16xf32>
        %parallel_loop3A_861 = arith.mulf %parallel_loop3A_857, %parallel_loop3A_860 : vector<16xf32>
        %parallel_loop3A_862 = arith.constant 9 : i32
        %parallel_loop3A_863 = arith.addi %parallel_loop3A_724, %parallel_loop3A_862 : i32
        %parallel_loop3A_864 = arith.index_cast %parallel_loop3A_863 : i32 to index
        %parallel_loop3A_865 = arith.constant 0 : index
        %parallel_loop3A_866 = tpu.vector_load %arg20[%parallel_loop3A_864, %parallel_loop3A_865] {strides = array<i32>} : memref<400x16xf32, #tpu.memory_space<vmem>>, vector<16xf32>,
        tpu.vector_store %arg20[%parallel_loop3A_864, %parallel_loop3A_865], %parallel_loop3A_861 {strides = array<i32>} : memref<400x16xf32, #tpu.memory_space<vmem>>, vector<16xf32>,
        %parallel_loop3A_867 = arith.constant 10 : i32
        %parallel_loop3A_868 = arith.addi %parallel_loop3A_724, %parallel_loop3A_867 : i32
        %parallel_loop3A_869 = arith.index_cast %parallel_loop3A_868 : i32 to index
        %parallel_loop3A_870 = arith.constant 0 : index
        %parallel_loop3A_871 = tpu.vector_load %arg20[%parallel_loop3A_869, %parallel_loop3A_870] {strides = array<i32>} : memref<400x16xf32, #tpu.memory_space<vmem>>, vector<16xf32>,
        %parallel_loop3A_872 = vector.extract_strided_slice %parallel_loop3A_726 {offsets = [10], sizes = [1], strides = [1]} : vector<16xf32> to vector<1xf32>
        %parallel_loop3A_873 = vector.extract %parallel_loop3A_872[0] : f32 from vector<1xf32>
        %parallel_loop3A_874 = vector.broadcast %parallel_loop3A_873 : f32 to vector<16xf32>
        %parallel_loop3A_875 = arith.mulf %parallel_loop3A_871, %parallel_loop3A_874 : vector<16xf32>
        %parallel_loop3A_876 = arith.constant 10 : i32
        %parallel_loop3A_877 = arith.addi %parallel_loop3A_724, %parallel_loop3A_876 : i32
        %parallel_loop3A_878 = arith.index_cast %parallel_loop3A_877 : i32 to index
        %parallel_loop3A_879 = arith.constant 0 : index
        %parallel_loop3A_880 = tpu.vector_load %arg20[%parallel_loop3A_878, %parallel_loop3A_879] {strides = array<i32>} : memref<400x16xf32, #tpu.memory_space<vmem>>, vector<16xf32>,
        tpu.vector_store %arg20[%parallel_loop3A_878, %parallel_loop3A_879], %parallel_loop3A_875 {strides = array<i32>} : memref<400x16xf32, #tpu.memory_space<vmem>>, vector<16xf32>,
        %parallel_loop3A_881 = arith.constant 11 : i32
        %parallel_loop3A_882 = arith.addi %parallel_loop3A_724, %parallel_loop3A_881 : i32
        %parallel_loop3A_883 = arith.index_cast %parallel_loop3A_882 : i32 to index
        %parallel_loop3A_884 = arith.constant 0 : index
        %parallel_loop3A_885 = tpu.vector_load %arg20[%parallel_loop3A_883, %parallel_loop3A_884] {strides = array<i32>} : memref<400x16xf32, #tpu.memory_space<vmem>>, vector<16xf32>,
        %parallel_loop3A_886 = vector.extract_strided_slice %parallel_loop3A_726 {offsets = [11], sizes = [1], strides = [1]} : vector<16xf32> to vector<1xf32>
        %parallel_loop3A_887 = vector.extract %parallel_loop3A_886[0] : f32 from vector<1xf32>
        %parallel_loop3A_888 = vector.broadcast %parallel_loop3A_887 : f32 to vector<16xf32>
        %parallel_loop3A_889 = arith.mulf %parallel_loop3A_885, %parallel_loop3A_888 : vector<16xf32>
        %parallel_loop3A_890 = arith.constant 11 : i32
        %parallel_loop3A_891 = arith.addi %parallel_loop3A_724, %parallel_loop3A_890 : i32
        %parallel_loop3A_892 = arith.index_cast %parallel_loop3A_891 : i32 to index
        %parallel_loop3A_893 = arith.constant 0 : index
        %parallel_loop3A_894 = tpu.vector_load %arg20[%parallel_loop3A_892, %parallel_loop3A_893] {strides = array<i32>} : memref<400x16xf32, #tpu.memory_space<vmem>>, vector<16xf32>,
        tpu.vector_store %arg20[%parallel_loop3A_892, %parallel_loop3A_893], %parallel_loop3A_889 {strides = array<i32>} : memref<400x16xf32, #tpu.memory_space<vmem>>, vector<16xf32>,
        %parallel_loop3A_895 = arith.constant 12 : i32
        %parallel_loop3A_896 = arith.addi %parallel_loop3A_724, %parallel_loop3A_895 : i32
        %parallel_loop3A_897 = arith.index_cast %parallel_loop3A_896 : i32 to index
        %parallel_loop3A_898 = arith.constant 0 : index
        %parallel_loop3A_899 = tpu.vector_load %arg20[%parallel_loop3A_897, %parallel_loop3A_898] {strides = array<i32>} : memref<400x16xf32, #tpu.memory_space<vmem>>, vector<16xf32>,
        %parallel_loop3A_900 = vector.extract_strided_slice %parallel_loop3A_726 {offsets = [12], sizes = [1], strides = [1]} : vector<16xf32> to vector<1xf32>
        %parallel_loop3A_901 = vector.extract %parallel_loop3A_900[0] : f32 from vector<1xf32>
        %parallel_loop3A_902 = vector.broadcast %parallel_loop3A_901 : f32 to vector<16xf32>
        %parallel_loop3A_903 = arith.mulf %parallel_loop3A_899, %parallel_loop3A_902 : vector<16xf32>
        %parallel_loop3A_904 = arith.constant 12 : i32
        %parallel_loop3A_905 = arith.addi %parallel_loop3A_724, %parallel_loop3A_904 : i32
        %parallel_loop3A_906 = arith.index_cast %parallel_loop3A_905 : i32 to index
        %parallel_loop3A_907 = arith.constant 0 : index
        %parallel_loop3A_908 = tpu.vector_load %arg20[%parallel_loop3A_906, %parallel_loop3A_907] {strides = array<i32>} : memref<400x16xf32, #tpu.memory_space<vmem>>, vector<16xf32>,
        tpu.vector_store %arg20[%parallel_loop3A_906, %parallel_loop3A_907], %parallel_loop3A_903 {strides = array<i32>} : memref<400x16xf32, #tpu.memory_space<vmem>>, vector<16xf32>,
        %parallel_loop3A_909 = arith.constant 13 : i32
        %parallel_loop3A_910 = arith.addi %parallel_loop3A_724, %parallel_loop3A_909 : i32
        %parallel_loop3A_911 = arith.index_cast %parallel_loop3A_910 : i32 to index
        %parallel_loop3A_912 = arith.constant 0 : index
        %parallel_loop3A_913 = tpu.vector_load %arg20[%parallel_loop3A_911, %parallel_loop3A_912] {strides = array<i32>} : memref<400x16xf32, #tpu.memory_space<vmem>>, vector<16xf32>,
        %parallel_loop3A_914 = vector.extract_strided_slice %parallel_loop3A_726 {offsets = [13], sizes = [1], strides = [1]} : vector<16xf32> to vector<1xf32>
        %parallel_loop3A_915 = vector.extract %parallel_loop3A_914[0] : f32 from vector<1xf32>
        %parallel_loop3A_916 = vector.broadcast %parallel_loop3A_915 : f32 to vector<16xf32>
        %parallel_loop3A_917 = arith.mulf %parallel_loop3A_913, %parallel_loop3A_916 : vector<16xf32>
        %parallel_loop3A_918 = arith.constant 13 : i32
        %parallel_loop3A_919 = arith.addi %parallel_loop3A_724, %parallel_loop3A_918 : i32
        %parallel_loop3A_920 = arith.index_cast %parallel_loop3A_919 : i32 to index
        %parallel_loop3A_921 = arith.constant 0 : index
        %parallel_loop3A_922 = tpu.vector_load %arg20[%parallel_loop3A_920, %parallel_loop3A_921] {strides = array<i32>} : memref<400x16xf32, #tpu.memory_space<vmem>>, vector<16xf32>,
        tpu.vector_store %arg20[%parallel_loop3A_920, %parallel_loop3A_921], %parallel_loop3A_917 {strides = array<i32>} : memref<400x16xf32, #tpu.memory_space<vmem>>, vector<16xf32>,
        %parallel_loop3A_923 = arith.constant 14 : i32
        %parallel_loop3A_924 = arith.addi %parallel_loop3A_724, %parallel_loop3A_923 : i32
        %parallel_loop3A_925 = arith.index_cast %parallel_loop3A_924 : i32 to index
        %parallel_loop3A_926 = arith.constant 0 : index
        %parallel_loop3A_927 = tpu.vector_load %arg20[%parallel_loop3A_925, %parallel_loop3A_926] {strides = array<i32>} : memref<400x16xf32, #tpu.memory_space<vmem>>, vector<16xf32>,
        %parallel_loop3A_928 = vector.extract_strided_slice %parallel_loop3A_726 {offsets = [14], sizes = [1], strides = [1]} : vector<16xf32> to vector<1xf32>
        %parallel_loop3A_929 = vector.extract %parallel_loop3A_928[0] : f32 from vector<1xf32>
        %parallel_loop3A_930 = vector.broadcast %parallel_loop3A_929 : f32 to vector<16xf32>
        %parallel_loop3A_931 = arith.mulf %parallel_loop3A_927, %parallel_loop3A_930 : vector<16xf32>
        %parallel_loop3A_932 = arith.constant 14 : i32
        %parallel_loop3A_933 = arith.addi %parallel_loop3A_724, %parallel_loop3A_932 : i32
        %parallel_loop3A_934 = arith.index_cast %parallel_loop3A_933 : i32 to index
        %parallel_loop3A_935 = arith.constant 0 : index
        %parallel_loop3A_936 = tpu.vector_load %arg20[%parallel_loop3A_934, %parallel_loop3A_935] {strides = array<i32>} : memref<400x16xf32, #tpu.memory_space<vmem>>, vector<16xf32>,
        tpu.vector_store %arg20[%parallel_loop3A_934, %parallel_loop3A_935], %parallel_loop3A_931 {strides = array<i32>} : memref<400x16xf32, #tpu.memory_space<vmem>>, vector<16xf32>,
        %parallel_loop3A_937 = arith.constant 15 : i32
        %parallel_loop3A_938 = arith.addi %parallel_loop3A_724, %parallel_loop3A_937 : i32
        %parallel_loop3A_939 = arith.index_cast %parallel_loop3A_938 : i32 to index
        %parallel_loop3A_940 = arith.constant 0 : index
        %parallel_loop3A_941 = tpu.vector_load %arg20[%parallel_loop3A_939, %parallel_loop3A_940] {strides = array<i32>} : memref<400x16xf32, #tpu.memory_space<vmem>>, vector<16xf32>,
        %parallel_loop3A_942 = vector.extract_strided_slice %parallel_loop3A_726 {offsets = [15], sizes = [1], strides = [1]} : vector<16xf32> to vector<1xf32>
        %parallel_loop3A_943 = vector.extract %parallel_loop3A_942[0] : f32 from vector<1xf32>
        %parallel_loop3A_944 = vector.broadcast %parallel_loop3A_943 : f32 to vector<16xf32>
        %parallel_loop3A_945 = arith.mulf %parallel_loop3A_941, %parallel_loop3A_944 : vector<16xf32>
        %parallel_loop3A_946 = arith.constant 15 : i32
        %parallel_loop3A_947 = arith.addi %parallel_loop3A_724, %parallel_loop3A_946 : i32
        %parallel_loop3A_948 = arith.index_cast %parallel_loop3A_947 : i32 to index
        %parallel_loop3A_949 = arith.constant 0 : index
        %parallel_loop3A_950 = tpu.vector_load %arg20[%parallel_loop3A_948, %parallel_loop3A_949] {strides = array<i32>} : memref<400x16xf32, #tpu.memory_space<vmem>>, vector<16xf32>,
        tpu.vector_store %arg20[%parallel_loop3A_948, %parallel_loop3A_949], %parallel_loop3A_945 {strides = array<i32>} : memref<400x16xf32, #tpu.memory_space<vmem>>, vector<16xf32>,
      } {sc.loop_unroll_factor = 1 : i64, sc.parallel_access}
      %rem3A_708 = arith.constant 4 : i32
      %rem3A_709 = arith.remsi %add3A_576, %rem3A_708 : i32
      %dma_start3A_710 = arith.constant 0 : i32
      %dma_start3A_711 = tpu.memref_slice %arg16[%rem3A_709, %dma_start3A_710] : memref<4x400xi32, #tpu.memory_space<vmem>> -> memref<1x400xi32, #tpu.memory_space<vmem>>
      %dma_start3A_712 = tpu.memref_squeeze %dma_start3A_711 : memref<1x400xi32, #tpu.memory_space<vmem>> -> memref<400xi32, #tpu.memory_space<vmem>>
      %dma_start3A_713 = arith.constant 0 : i32
      %dma_start3A_714 = arith.constant 0 : i32
      %dma_start3A_715 = tpu.memref_slice %arg13[%dma_start3A_713, %dma_start3A_714] : memref<100096x16xf32, #tpu.memory_space<vmem_shared>> -> memref<100096x16xf32, #tpu.memory_space<vmem_shared>>
      tpu.enqueue_indirect_dma source(%arg20 : memref<400x16xf32, #tpu.memory_space<vmem>>) target(%dma_start3A_715 : memref<100096x16xf32, #tpu.memory_space<vmem_shared>>) offsets(%dma_start3A_712 : memref<400xi32, #tpu.memory_space<vmem>>) semaphore(%arg26 : memref<!tpu.dma_semaphore, #tpu.memory_space<semaphore_mem>>) {add = true}
      %lt3A_716 = arith.constant 124 : i32
      %lt3A_717 = arith.cmpi slt, %scan3A_571, %lt3A_716 : i32
      %convert_element_type3A_718 = arith.extui %lt3A_717 : i1 to i32
      %cond3A_719 = arith.constant 0 : i32
      %cond3A_720 = arith.cmpi ne, %convert_element_type3A_718, %cond3A_719 : i32
      scf.if %cond3A_720 {
        %add3A_722 = arith.constant 2 : i32
        %add3A_723 = arith.addi %add3A_576, %add3A_722 : i32
        %mul3A_724 = arith.constant 100000 : i32
        %mul3A_725 = arith.muli %arg1, %mul3A_724 : i32
        %mul3A_726 = arith.constant 400 : i32
        %mul3A_727 = arith.muli %add3A_723, %mul3A_726 : i32
        %add3A_728 = arith.addi %mul3A_725, %mul3A_727 : i32
        %dma_start3A_729 = tpu.memref_slice %arg3[%add3A_728] : memref<1600000xi32, #tpu.memory_space<hbm>> -> memref<400xi32, #tpu.memory_space<hbm>>
        %dma_start3A_730 = tpu.memref_slice %arg3[%add3A_728] : memref<1600000xi32, #tpu.memory_space<hbm>> -> memref<400xi32, #tpu.memory_space<hbm>>
        tpu.enqueue_dma source(%dma_start3A_730 : memref<400xi32, #tpu.memory_space<hbm>>) target(%arg15 : memref<400xi32, #tpu.memory_space<vmem>>) target_semaphore(%arg22 : memref<!tpu.dma_semaphore, #tpu.memory_space<semaphore_mem>>)
        %rem3A_731 = arith.constant 4 : i32
        %rem3A_732 = arith.remsi %add3A_723, %rem3A_731 : i32
        %dma_start3A_733 = arith.constant 0 : i32
        %dma_start3A_734 = tpu.memref_slice %arg16[%rem3A_732, %dma_start3A_733] : memref<4x400xi32, #tpu.memory_space<vmem>> -> memref<1x400xi32, #tpu.memory_space<vmem>>
        %dma_start3A_735 = tpu.memref_squeeze %dma_start3A_734 : memref<1x400xi32, #tpu.memory_space<vmem>> -> memref<400xi32, #tpu.memory_space<vmem>>
        %dma_start3A_736 = tpu.memref_slice %arg4[%add3A_728] : memref<1600000xi32, #tpu.memory_space<hbm>> -> memref<400xi32, #tpu.memory_space<hbm>>
        %dma_start3A_737 = arith.constant 0 : i32
        %dma_start3A_738 = tpu.memref_slice %arg16[%rem3A_732, %dma_start3A_737] : memref<4x400xi32, #tpu.memory_space<vmem>> -> memref<1x400xi32, #tpu.memory_space<vmem>>
        %dma_start3A_739 = tpu.memref_squeeze %dma_start3A_738 : memref<1x400xi32, #tpu.memory_space<vmem>> -> memref<400xi32, #tpu.memory_space<vmem>>
        %dma_start3A_740 = tpu.memref_slice %arg4[%add3A_728] : memref<1600000xi32, #tpu.memory_space<hbm>> -> memref<400xi32, #tpu.memory_space<hbm>>
        tpu.enqueue_dma source(%dma_start3A_740 : memref<400xi32, #tpu.memory_space<hbm>>) target(%dma_start3A_739 : memref<400xi32, #tpu.memory_space<vmem>>) target_semaphore(%arg22 : memref<!tpu.dma_semaphore, #tpu.memory_space<semaphore_mem>>)
        %dma_start3A_741 = arith.constant 0 : i32
        %dma_start3A_742 = tpu.memref_slice %arg18[%dma_start3A_741] : memref<416xf32, #tpu.memory_space<vmem>> -> memref<400xf32, #tpu.memory_space<vmem>>
        %dma_start3A_743 = tpu.memref_slice %arg5[%add3A_728] : memref<1600000xf32, #tpu.memory_space<hbm>> -> memref<400xf32, #tpu.memory_space<hbm>>
        %dma_start3A_744 = arith.constant 0 : i32
        %dma_start3A_745 = tpu.memref_slice %arg18[%dma_start3A_744] : memref<416xf32, #tpu.memory_space<vmem>> -> memref<400xf32, #tpu.memory_space<vmem>>
        %dma_start3A_746 = tpu.memref_slice %arg5[%add3A_728] : memref<1600000xf32, #tpu.memory_space<hbm>> -> memref<400xf32, #tpu.memory_space<hbm>>
        tpu.enqueue_dma source(%dma_start3A_746 : memref<400xf32, #tpu.memory_space<hbm>>) target(%dma_start3A_745 : memref<400xf32, #tpu.memory_space<vmem>>) target_semaphore(%arg22 : memref<!tpu.dma_semaphore, #tpu.memory_space<semaphore_mem>>)
      } else {
      }
      %scan3A_721 = arith.constant 0 : i32
      scf.yield %scan3A_721 : i32
    }
    %scan3A_317 = arith.constant 125 : i32
    %rem3A_318 = arith.constant 249 : i32
    %rem3A_319 = arith.constant 4 : i32
    %rem3A_320 = arith.remsi %rem3A_318, %rem3A_319 : i32
    %dma_wait3A_321 = arith.constant 0 : i32
    %dma_wait3A_322 = tpu.memref_slice %arg16[%rem3A_320, %dma_wait3A_321] : memref<4x400xi32, #tpu.memory_space<vmem>> -> memref<1x400xi32, #tpu.memory_space<vmem>>
    %dma_wait3A_323 = tpu.memref_squeeze %dma_wait3A_322 : memref<1x400xi32, #tpu.memory_space<vmem>> -> memref<400xi32, #tpu.memory_space<vmem>>
    %dma_wait3A_324 = arith.constant 0 : i32
    %dma_wait3A_325 = arith.constant 0 : i32
    %dma_wait3A_326 = tpu.memref_slice %arg13[%dma_wait3A_324, %dma_wait3A_325] : memref<100096x16xf32, #tpu.memory_space<vmem_shared>> -> memref<100096x16xf32, #tpu.memory_space<vmem_shared>>
    tpu.wait_indirect_dma semaphore(%arg26 : memref<!tpu.dma_semaphore, #tpu.memory_space<semaphore_mem>>) src(%arg20 : memref<400x16xf32, #tpu.memory_space<vmem>>) dst(%dma_wait3A_326 : memref<100096x16xf32, #tpu.memory_space<vmem_shared>>)
    %barrier3A_327 = arith.constant 0 : index
    tpu.barrier barrier_id(%barrier3A_327)
    "tpu.region"() ({
      %run_scoped3A = tpu.sem_alloc : memref<!tpu.dma_semaphore, #tpu.memory_space<semaphore_mem>>
      %dma_start3A_571 = arith.constant 0 : i32
      %dma_start3A_572 = arith.constant 0 : i32
      %dma_start3A_573 = tpu.memref_slice %arg11[%arg0, %dma_start3A_571, %dma_start3A_572] : memref<2x100096x16xf32, #tpu.memory_space<hbm>> -> memref<1x100096x16xf32, #tpu.memory_space<hbm>>
      %dma_start3A_574 = tpu.memref_squeeze %dma_start3A_573 : memref<1x100096x16xf32, #tpu.memory_space<hbm>> -> memref<100096x16xf32, #tpu.memory_space<hbm>>
      %dma_start3A_575 = arith.constant 0 : i32
      %dma_start3A_576 = tpu.memref_slice %dma_start3A_574[%mul3A_0, %dma_start3A_575] : memref<100096x16xf32, #tpu.memory_space<hbm>> -> memref<6256x16xf32, #tpu.memory_space<hbm>>
      %dma_start3A_577 = arith.constant 0 : i32
      %dma_start3A_578 = tpu.memref_slice %arg13[%mul3A_0, %dma_start3A_577] : memref<100096x16xf32, #tpu.memory_space<vmem_shared>> -> memref<6256x16xf32, #tpu.memory_space<vmem_shared>>
      tpu.enqueue_dma source(%dma_start3A_578 : memref<6256x16xf32, #tpu.memory_space<vmem_shared>>) target(%dma_start3A_576 : memref<6256x16xf32, #tpu.memory_space<hbm>>) target_semaphore(%run_scoped3A : memref<!tpu.dma_semaphore, #tpu.memory_space<semaphore_mem>>)
      %dma_wait3A_579 = arith.constant 0 : i32
      %dma_wait3A_580 = arith.constant 0 : i32
      %dma_wait3A_581 = tpu.memref_slice %arg11[%arg0, %dma_wait3A_579, %dma_wait3A_580] : memref<2x100096x16xf32, #tpu.memory_space<hbm>> -> memref<1x100096x16xf32, #tpu.memory_space<hbm>>
      %dma_wait3A_582 = tpu.memref_squeeze %dma_wait3A_581 : memref<1x100096x16xf32, #tpu.memory_space<hbm>> -> memref<100096x16xf32, #tpu.memory_space<hbm>>
      %dma_wait3A_583 = arith.constant 0 : i32
      %dma_wait3A_584 = tpu.memref_slice %dma_wait3A_582[%mul3A_0, %dma_wait3A_583] : memref<100096x16xf32, #tpu.memory_space<hbm>> -> memref<6256x16xf32, #tpu.memory_space<hbm>>
      %dma_wait3A_585 = arith.constant 0 : i32
      %dma_wait3A_586 = tpu.memref_slice %arg13[%mul3A_0, %dma_wait3A_585] : memref<100096x16xf32, #tpu.memory_space<vmem_shared>> -> memref<6256x16xf32, #tpu.memory_space<vmem_shared>>
      tpu.wait_dma2 semaphore(%run_scoped3A : memref<!tpu.dma_semaphore, #tpu.memory_space<semaphore_mem>>) src(%dma_wait3A_586 : memref<6256x16xf32, #tpu.memory_space<vmem_shared>>) dst(%dma_wait3A_584 : memref<6256x16xf32, #tpu.memory_space<hbm>>)
      tpu.yield
    }) : () -> ()
    %barrier3A_328 = arith.constant 0 : index
    tpu.barrier barrier_id(%barrier3A_328)
    %mul3A_329 = arith.constant 512 : i32
    %mul3A_330 = arith.muli %arg1, %mul3A_329 : i32
    %add3A_331 = arith.constant 0 : i32
    %add3A_332 = arith.addi %mul3A_330, %add3A_331 : i32
    %lt3A = arith.constant 8 : i32
    %lt3A_333 = arith.cmpi slt, %arg1, %lt3A : i32
    %convert_element_type3A = arith.extui %lt3A_333 : i1 to i32
    %cond3A = arith.constant 0 : i32
    %cond3A_334 = arith.cmpi ne, %convert_element_type3A, %cond3A : i32
    scf.if %cond3A_334 {
      "tpu.region"() ({
        %run_scoped3A = tpu.sem_alloc : memref<!tpu.dma_semaphore, #tpu.memory_space<semaphore_mem>>
        %dma_start3A_571 = arith.constant 0 : i32
        %dma_start3A_572 = tpu.memref_slice %arg14[%dma_start3A_571] : memref<400xi32, #tpu.memory_space<vmem>> -> memref<256xi32, #tpu.memory_space<vmem>>
        %dma_start3A_573 = tpu.memref_slice %arg6[%add3A_332] : memref<4096xi32, #tpu.memory_space<hbm>> -> memref<256xi32, #tpu.memory_space<hbm>>
        %dma_start3A_574 = arith.constant 0 : i32
        %dma_start3A_575 = tpu.memref_slice %arg14[%dma_start3A_574] : memref<400xi32, #tpu.memory_space<vmem>> -> memref<256xi32, #tpu.memory_space<vmem>>
        %dma_start3A_576 = tpu.memref_slice %arg6[%add3A_332] : memref<4096xi32, #tpu.memory_space<hbm>> -> memref<256xi32, #tpu.memory_space<hbm>>
        tpu.enqueue_dma source(%dma_start3A_576 : memref<256xi32, #tpu.memory_space<hbm>>) target(%dma_start3A_575 : memref<256xi32, #tpu.memory_space<vmem>>) target_semaphore(%run_scoped3A : memref<!tpu.dma_semaphore, #tpu.memory_space<semaphore_mem>>)
        %dma_wait3A_577 = arith.constant 0 : i32
        %dma_wait3A_578 = tpu.memref_slice %arg14[%dma_wait3A_577] : memref<400xi32, #tpu.memory_space<vmem>> -> memref<256xi32, #tpu.memory_space<vmem>>
        %dma_wait3A_579 = tpu.memref_slice %arg6[%add3A_332] : memref<4096xi32, #tpu.memory_space<hbm>> -> memref<256xi32, #tpu.memory_space<hbm>>
        %dma_wait3A_580 = arith.constant 0 : i32
        %dma_wait3A_581 = tpu.memref_slice %arg14[%dma_wait3A_580] : memref<400xi32, #tpu.memory_space<vmem>> -> memref<256xi32, #tpu.memory_space<vmem>>
        %dma_wait3A_582 = tpu.memref_slice %arg6[%add3A_332] : memref<4096xi32, #tpu.memory_space<hbm>> -> memref<256xi32, #tpu.memory_space<hbm>>
        tpu.wait_dma2 semaphore(%run_scoped3A : memref<!tpu.dma_semaphore, #tpu.memory_space<semaphore_mem>>) src(%dma_wait3A_582 : memref<256xi32, #tpu.memory_space<hbm>>) dst(%dma_wait3A_581 : memref<256xi32, #tpu.memory_space<vmem>>)
        tpu.yield
      }) : () -> ()
    } else {
    }
    %ge3A = arith.constant 8 : i32
    %ge3A_335 = arith.cmpi sge, %arg1, %ge3A : i32
    %convert_element_type3A_336 = arith.extui %ge3A_335 : i1 to i32
    %cond3A_337 = arith.constant 0 : i32
    %cond3A_338 = arith.cmpi ne, %convert_element_type3A_336, %cond3A_337 : i32
    scf.if %cond3A_338 {
      %sub3A = arith.constant 4096 : i32
      %sub3A_571 = arith.subi %add3A_332, %sub3A : i32
      "tpu.region"() ({
        %run_scoped3A = tpu.sem_alloc : memref<!tpu.dma_semaphore, #tpu.memory_space<semaphore_mem>>
        %dma_start3A_575 = arith.constant 0 : i32
        %dma_start3A_576 = tpu.memref_slice %arg14[%dma_start3A_575] : memref<400xi32, #tpu.memory_space<vmem>> -> memref<256xi32, #tpu.memory_space<vmem>>
        %dma_start3A_577 = tpu.memref_slice %arg7[%sub3A_571] : memref<4096xi32, #tpu.memory_space<hbm>> -> memref<256xi32, #tpu.memory_space<hbm>>
        %dma_start3A_578 = arith.constant 0 : i32
        %dma_start3A_579 = tpu.memref_slice %arg14[%dma_start3A_578] : memref<400xi32, #tpu.memory_space<vmem>> -> memref<256xi32, #tpu.memory_space<vmem>>
        %dma_start3A_580 = tpu.memref_slice %arg7[%sub3A_571] : memref<4096xi32, #tpu.memory_space<hbm>> -> memref<256xi32, #tpu.memory_space<hbm>>
        tpu.enqueue_dma source(%dma_start3A_580 : memref<256xi32, #tpu.memory_space<hbm>>) target(%dma_start3A_579 : memref<256xi32, #tpu.memory_space<vmem>>) target_semaphore(%run_scoped3A : memref<!tpu.dma_semaphore, #tpu.memory_space<semaphore_mem>>)
        %dma_wait3A_581 = arith.constant 0 : i32
        %dma_wait3A_582 = tpu.memref_slice %arg14[%dma_wait3A_581] : memref<400xi32, #tpu.memory_space<vmem>> -> memref<256xi32, #tpu.memory_space<vmem>>
        %dma_wait3A_583 = tpu.memref_slice %arg7[%sub3A_571] : memref<4096xi32, #tpu.memory_space<hbm>> -> memref<256xi32, #tpu.memory_space<hbm>>
        %dma_wait3A_584 = arith.constant 0 : i32
        %dma_wait3A_585 = tpu.memref_slice %arg14[%dma_wait3A_584] : memref<400xi32, #tpu.memory_space<vmem>> -> memref<256xi32, #tpu.memory_space<vmem>>
        %dma_wait3A_586 = tpu.memref_slice %arg7[%sub3A_571] : memref<4096xi32, #tpu.memory_space<hbm>> -> memref<256xi32, #tpu.memory_space<hbm>>
        tpu.wait_dma2 semaphore(%run_scoped3A : memref<!tpu.dma_semaphore, #tpu.memory_space<semaphore_mem>>) src(%dma_wait3A_586 : memref<256xi32, #tpu.memory_space<hbm>>) dst(%dma_wait3A_585 : memref<256xi32, #tpu.memory_space<vmem>>)
        tpu.yield
      }) : () -> ()
      %parallel_loop3A_572 = arith.constant 0 : i32
      %parallel_loop3A_573 = arith.constant 16 : i32
      %parallel_loop3A_574 = arith.constant 1 : i32
      scf.for %parallel_loop3A_575 = %parallel_loop3A_572 to %parallel_loop3A_573 step %parallel_loop3A_574  : i32 {
        %parallel_loop3A_576 = arith.constant 16 : i32
        %parallel_loop3A_577 = arith.muli %parallel_loop3A_575, %parallel_loop3A_576 : i32
        %parallel_loop3A_578 = arith.index_cast %parallel_loop3A_577 : i32 to index
        %parallel_loop3A_579 = tpu.vector_load %arg14[%parallel_loop3A_578] {strides = array<i32>} : memref<400xi32, #tpu.memory_space<vmem>>, vector<16xi32>,
        %parallel_loop3A_580 = arith.constant 50000 : i32
        %parallel_loop3A_581 = vector.broadcast %parallel_loop3A_580 : i32 to vector<16xi32>
        %parallel_loop3A_582 = arith.addi %parallel_loop3A_579, %parallel_loop3A_581 : vector<16xi32>
        %parallel_loop3A_583 = arith.constant 16 : i32
        %parallel_loop3A_584 = arith.muli %parallel_loop3A_575, %parallel_loop3A_583 : i32
        %parallel_loop3A_585 = arith.index_cast %parallel_loop3A_584 : i32 to index
        %parallel_loop3A_586 = tpu.vector_load %arg14[%parallel_loop3A_585] {strides = array<i32>} : memref<400xi32, #tpu.memory_space<vmem>>, vector<16xi32>,
        tpu.vector_store %arg14[%parallel_loop3A_585], %parallel_loop3A_582 {strides = array<i32>} : memref<400xi32, #tpu.memory_space<vmem>>, vector<16xi32>,
      } {sc.loop_unroll_factor = 1 : i64, sc.parallel_access}
    } else {
    }
    %dma_start3A_339 = arith.constant 0 : i32
    %dma_start3A_340 = arith.constant 0 : i32
    %dma_start3A_341 = tpu.memref_slice %arg20[%dma_start3A_339, %dma_start3A_340] : memref<400x16xf32, #tpu.memory_space<vmem>> -> memref<256x16xf32, #tpu.memory_space<vmem>>
    %dma_start3A_342 = arith.constant 0 : i32
    %dma_start3A_343 = tpu.memref_slice %arg14[%dma_start3A_342] : memref<400xi32, #tpu.memory_space<vmem>> -> memref<256xi32, #tpu.memory_space<vmem>>
    %dma_start3A_344 = arith.constant 0 : i32
    %dma_start3A_345 = arith.constant 0 : i32
    %dma_start3A_346 = tpu.memref_slice %arg2[%arg0, %dma_start3A_344, %dma_start3A_345] : memref<2x100000x16xf32, #tpu.memory_space<hbm>> -> memref<1x100000x16xf32, #tpu.memory_space<hbm>>
    %dma_start3A_347 = tpu.memref_squeeze %dma_start3A_346 : memref<1x100000x16xf32, #tpu.memory_space<hbm>> -> memref<100000x16xf32, #tpu.memory_space<hbm>>
    %dma_start3A_348 = arith.constant 0 : i32
    %dma_start3A_349 = arith.constant 0 : i32
    %dma_start3A_350 = tpu.memref_slice %dma_start3A_347[%dma_start3A_348, %dma_start3A_349] : memref<100000x16xf32, #tpu.memory_space<hbm>> -> memref<100000x16xf32, #tpu.memory_space<hbm>>
    tpu.enqueue_indirect_dma source(%dma_start3A_350 : memref<100000x16xf32, #tpu.memory_space<hbm>>) target(%dma_start3A_341 : memref<256x16xf32, #tpu.memory_space<vmem>>) offsets(%dma_start3A_343 : memref<256xi32, #tpu.memory_space<vmem>>) semaphore(%arg23 : memref<!tpu.dma_semaphore, #tpu.memory_space<semaphore_mem>>)
    %dma_wait3A_351 = arith.constant 0 : i32
    %dma_wait3A_352 = arith.constant 0 : i32
    %dma_wait3A_353 = tpu.memref_slice %arg20[%dma_wait3A_351, %dma_wait3A_352] : memref<400x16xf32, #tpu.memory_space<vmem>> -> memref<256x16xf32, #tpu.memory_space<vmem>>
    %dma_wait3A_354 = arith.constant 0 : i32
    %dma_wait3A_355 = tpu.memref_slice %arg14[%dma_wait3A_354] : memref<400xi32, #tpu.memory_space<vmem>> -> memref<256xi32, #tpu.memory_space<vmem>>
    %dma_wait3A_356 = arith.constant 0 : i32
    %dma_wait3A_357 = arith.constant 0 : i32
    %dma_wait3A_358 = tpu.memref_slice %arg2[%arg0, %dma_wait3A_356, %dma_wait3A_357] : memref<2x100000x16xf32, #tpu.memory_space<hbm>> -> memref<1x100000x16xf32, #tpu.memory_space<hbm>>
    %dma_wait3A_359 = tpu.memref_squeeze %dma_wait3A_358 : memref<1x100000x16xf32, #tpu.memory_space<hbm>> -> memref<100000x16xf32, #tpu.memory_space<hbm>>
    %dma_wait3A_360 = arith.constant 0 : i32
    %dma_wait3A_361 = arith.constant 0 : i32
    %dma_wait3A_362 = tpu.memref_slice %dma_wait3A_359[%dma_wait3A_360, %dma_wait3A_361] : memref<100000x16xf32, #tpu.memory_space<hbm>> -> memref<100000x16xf32, #tpu.memory_space<hbm>>
    tpu.wait_indirect_dma semaphore(%arg23 : memref<!tpu.dma_semaphore, #tpu.memory_space<semaphore_mem>>) src(%dma_wait3A_362 : memref<100000x16xf32, #tpu.memory_space<hbm>>) dst(%dma_wait3A_353 : memref<256x16xf32, #tpu.memory_space<vmem>>)
    %dma_start3A_363 = arith.constant 0 : i32
    %dma_start3A_364 = arith.constant 0 : i32
    %dma_start3A_365 = tpu.memref_slice %arg19[%dma_start3A_363, %dma_start3A_364] : memref<400x16xf32, #tpu.memory_space<vmem>> -> memref<256x16xf32, #tpu.memory_space<vmem>>
    %dma_start3A_366 = arith.constant 0 : i32
    %dma_start3A_367 = tpu.memref_slice %arg14[%dma_start3A_366] : memref<400xi32, #tpu.memory_space<vmem>> -> memref<256xi32, #tpu.memory_space<vmem>>
    %dma_start3A_368 = arith.constant 0 : i32
    %dma_start3A_369 = arith.constant 0 : i32
    %dma_start3A_370 = tpu.memref_slice %arg9[%arg0, %dma_start3A_368, %dma_start3A_369] : memref<2x100096x16xf32, #tpu.memory_space<hbm>> -> memref<1x100096x16xf32, #tpu.memory_space<hbm>>
    %dma_start3A_371 = tpu.memref_squeeze %dma_start3A_370 : memref<1x100096x16xf32, #tpu.memory_space<hbm>> -> memref<100096x16xf32, #tpu.memory_space<hbm>>
    %dma_start3A_372 = arith.constant 0 : i32
    %dma_start3A_373 = arith.constant 0 : i32
    %dma_start3A_374 = tpu.memref_slice %dma_start3A_371[%dma_start3A_372, %dma_start3A_373] : memref<100096x16xf32, #tpu.memory_space<hbm>> -> memref<100096x16xf32, #tpu.memory_space<hbm>>
    tpu.enqueue_indirect_dma source(%dma_start3A_374 : memref<100096x16xf32, #tpu.memory_space<hbm>>) target(%dma_start3A_365 : memref<256x16xf32, #tpu.memory_space<vmem>>) offsets(%dma_start3A_367 : memref<256xi32, #tpu.memory_space<vmem>>) semaphore(%arg23 : memref<!tpu.dma_semaphore, #tpu.memory_space<semaphore_mem>>)
    %dma_wait3A_375 = arith.constant 0 : i32
    %dma_wait3A_376 = arith.constant 0 : i32
    %dma_wait3A_377 = tpu.memref_slice %arg19[%dma_wait3A_375, %dma_wait3A_376] : memref<400x16xf32, #tpu.memory_space<vmem>> -> memref<256x16xf32, #tpu.memory_space<vmem>>
    %dma_wait3A_378 = arith.constant 0 : i32
    %dma_wait3A_379 = tpu.memref_slice %arg14[%dma_wait3A_378] : memref<400xi32, #tpu.memory_space<vmem>> -> memref<256xi32, #tpu.memory_space<vmem>>
    %dma_wait3A_380 = arith.constant 0 : i32
    %dma_wait3A_381 = arith.constant 0 : i32
    %dma_wait3A_382 = tpu.memref_slice %arg9[%arg0, %dma_wait3A_380, %dma_wait3A_381] : memref<2x100096x16xf32, #tpu.memory_space<hbm>> -> memref<1x100096x16xf32, #tpu.memory_space<hbm>>
    %dma_wait3A_383 = tpu.memref_squeeze %dma_wait3A_382 : memref<1x100096x16xf32, #tpu.memory_space<hbm>> -> memref<100096x16xf32, #tpu.memory_space<hbm>>
    %dma_wait3A_384 = arith.constant 0 : i32
    %dma_wait3A_385 = arith.constant 0 : i32
    %dma_wait3A_386 = tpu.memref_slice %dma_wait3A_383[%dma_wait3A_384, %dma_wait3A_385] : memref<100096x16xf32, #tpu.memory_space<hbm>> -> memref<100096x16xf32, #tpu.memory_space<hbm>>
    tpu.wait_indirect_dma semaphore(%arg23 : memref<!tpu.dma_semaphore, #tpu.memory_space<semaphore_mem>>) src(%dma_wait3A_386 : memref<100096x16xf32, #tpu.memory_space<hbm>>) dst(%dma_wait3A_377 : memref<256x16xf32, #tpu.memory_space<vmem>>)
    %parallel_loop3A = arith.constant 0 : i32
    %parallel_loop3A_387 = arith.constant 256 : i32
    %parallel_loop3A_388 = arith.constant 1 : i32
    scf.for %parallel_loop3A_571 = %parallel_loop3A to %parallel_loop3A_387 step %parallel_loop3A_388  : i32 {
      %parallel_loop3A_572 = arith.index_cast %parallel_loop3A_571 : i32 to index
      %parallel_loop3A_573 = arith.constant 0 : index
      %parallel_loop3A_574 = tpu.vector_load %arg20[%parallel_loop3A_572, %parallel_loop3A_573] {strides = array<i32>} : memref<400x16xf32, #tpu.memory_space<vmem>>, vector<16xf32>,
      %parallel_loop3A_575 = arith.index_cast %parallel_loop3A_571 : i32 to index
      %parallel_loop3A_576 = arith.constant 0 : index
      %parallel_loop3A_577 = tpu.vector_load %arg19[%parallel_loop3A_575, %parallel_loop3A_576] {strides = array<i32>} : memref<400x16xf32, #tpu.memory_space<vmem>>, vector<16xf32>,
      %parallel_loop3A_578 = arith.addf %parallel_loop3A_574, %parallel_loop3A_577 : vector<16xf32>
      %parallel_loop3A_579 = arith.index_cast %parallel_loop3A_571 : i32 to index
      %parallel_loop3A_580 = arith.constant 0 : index
      %parallel_loop3A_581 = tpu.vector_load %arg20[%parallel_loop3A_579, %parallel_loop3A_580] {strides = array<i32>} : memref<400x16xf32, #tpu.memory_space<vmem>>, vector<16xf32>,
      tpu.vector_store %arg20[%parallel_loop3A_579, %parallel_loop3A_580], %parallel_loop3A_578 {strides = array<i32>} : memref<400x16xf32, #tpu.memory_space<vmem>>, vector<16xf32>,
    } {sc.loop_unroll_factor = 1 : i64, sc.parallel_access}
    %dma_start3A_389 = arith.constant 0 : i32
    %dma_start3A_390 = arith.constant 0 : i32
    %dma_start3A_391 = tpu.memref_slice %arg19[%dma_start3A_389, %dma_start3A_390] : memref<400x16xf32, #tpu.memory_space<vmem>> -> memref<256x16xf32, #tpu.memory_space<vmem>>
    %dma_start3A_392 = arith.constant 0 : i32
    %dma_start3A_393 = tpu.memref_slice %arg14[%dma_start3A_392] : memref<400xi32, #tpu.memory_space<vmem>> -> memref<256xi32, #tpu.memory_space<vmem>>
    %dma_start3A_394 = arith.constant 0 : i32
    %dma_start3A_395 = arith.constant 0 : i32
    %dma_start3A_396 = tpu.memref_slice %arg10[%arg0, %dma_start3A_394, %dma_start3A_395] : memref<2x100096x16xf32, #tpu.memory_space<hbm>> -> memref<1x100096x16xf32, #tpu.memory_space<hbm>>
    %dma_start3A_397 = tpu.memref_squeeze %dma_start3A_396 : memref<1x100096x16xf32, #tpu.memory_space<hbm>> -> memref<100096x16xf32, #tpu.memory_space<hbm>>
    %dma_start3A_398 = arith.constant 0 : i32
    %dma_start3A_399 = arith.constant 0 : i32
    %dma_start3A_400 = tpu.memref_slice %dma_start3A_397[%dma_start3A_398, %dma_start3A_399] : memref<100096x16xf32, #tpu.memory_space<hbm>> -> memref<100096x16xf32, #tpu.memory_space<hbm>>
    tpu.enqueue_indirect_dma source(%dma_start3A_400 : memref<100096x16xf32, #tpu.memory_space<hbm>>) target(%dma_start3A_391 : memref<256x16xf32, #tpu.memory_space<vmem>>) offsets(%dma_start3A_393 : memref<256xi32, #tpu.memory_space<vmem>>) semaphore(%arg23 : memref<!tpu.dma_semaphore, #tpu.memory_space<semaphore_mem>>)
    %dma_wait3A_401 = arith.constant 0 : i32
    %dma_wait3A_402 = arith.constant 0 : i32
    %dma_wait3A_403 = tpu.memref_slice %arg19[%dma_wait3A_401, %dma_wait3A_402] : memref<400x16xf32, #tpu.memory_space<vmem>> -> memref<256x16xf32, #tpu.memory_space<vmem>>
    %dma_wait3A_404 = arith.constant 0 : i32
    %dma_wait3A_405 = tpu.memref_slice %arg14[%dma_wait3A_404] : memref<400xi32, #tpu.memory_space<vmem>> -> memref<256xi32, #tpu.memory_space<vmem>>
    %dma_wait3A_406 = arith.constant 0 : i32
    %dma_wait3A_407 = arith.constant 0 : i32
    %dma_wait3A_408 = tpu.memref_slice %arg10[%arg0, %dma_wait3A_406, %dma_wait3A_407] : memref<2x100096x16xf32, #tpu.memory_space<hbm>> -> memref<1x100096x16xf32, #tpu.memory_space<hbm>>
    %dma_wait3A_409 = tpu.memref_squeeze %dma_wait3A_408 : memref<1x100096x16xf32, #tpu.memory_space<hbm>> -> memref<100096x16xf32, #tpu.memory_space<hbm>>
    %dma_wait3A_410 = arith.constant 0 : i32
    %dma_wait3A_411 = arith.constant 0 : i32
    %dma_wait3A_412 = tpu.memref_slice %dma_wait3A_409[%dma_wait3A_410, %dma_wait3A_411] : memref<100096x16xf32, #tpu.memory_space<hbm>> -> memref<100096x16xf32, #tpu.memory_space<hbm>>
    tpu.wait_indirect_dma semaphore(%arg23 : memref<!tpu.dma_semaphore, #tpu.memory_space<semaphore_mem>>) src(%dma_wait3A_412 : memref<100096x16xf32, #tpu.memory_space<hbm>>) dst(%dma_wait3A_403 : memref<256x16xf32, #tpu.memory_space<vmem>>)
    %parallel_loop3A_413 = arith.constant 0 : i32
    %parallel_loop3A_414 = arith.constant 256 : i32
    %parallel_loop3A_415 = arith.constant 1 : i32
    scf.for %parallel_loop3A_571 = %parallel_loop3A_413 to %parallel_loop3A_414 step %parallel_loop3A_415  : i32 {
      %parallel_loop3A_572 = arith.index_cast %parallel_loop3A_571 : i32 to index
      %parallel_loop3A_573 = arith.constant 0 : index
      %parallel_loop3A_574 = tpu.vector_load %arg20[%parallel_loop3A_572, %parallel_loop3A_573] {strides = array<i32>} : memref<400x16xf32, #tpu.memory_space<vmem>>, vector<16xf32>,
      %parallel_loop3A_575 = arith.index_cast %parallel_loop3A_571 : i32 to index
      %parallel_loop3A_576 = arith.constant 0 : index
      %parallel_loop3A_577 = tpu.vector_load %arg19[%parallel_loop3A_575, %parallel_loop3A_576] {strides = array<i32>} : memref<400x16xf32, #tpu.memory_space<vmem>>, vector<16xf32>,
      %parallel_loop3A_578 = arith.addf %parallel_loop3A_574, %parallel_loop3A_577 : vector<16xf32>
      %parallel_loop3A_579 = arith.index_cast %parallel_loop3A_571 : i32 to index
      %parallel_loop3A_580 = arith.constant 0 : index
      %parallel_loop3A_581 = tpu.vector_load %arg20[%parallel_loop3A_579, %parallel_loop3A_580] {strides = array<i32>} : memref<400x16xf32, #tpu.memory_space<vmem>>, vector<16xf32>,
      tpu.vector_store %arg20[%parallel_loop3A_579, %parallel_loop3A_580], %parallel_loop3A_578 {strides = array<i32>} : memref<400x16xf32, #tpu.memory_space<vmem>>, vector<16xf32>,
    } {sc.loop_unroll_factor = 1 : i64, sc.parallel_access}
    %dma_start3A_416 = arith.constant 0 : i32
    %dma_start3A_417 = arith.constant 0 : i32
    %dma_start3A_418 = tpu.memref_slice %arg19[%dma_start3A_416, %dma_start3A_417] : memref<400x16xf32, #tpu.memory_space<vmem>> -> memref<256x16xf32, #tpu.memory_space<vmem>>
    %dma_start3A_419 = arith.constant 0 : i32
    %dma_start3A_420 = tpu.memref_slice %arg14[%dma_start3A_419] : memref<400xi32, #tpu.memory_space<vmem>> -> memref<256xi32, #tpu.memory_space<vmem>>
    %dma_start3A_421 = arith.constant 0 : i32
    %dma_start3A_422 = arith.constant 0 : i32
    %dma_start3A_423 = tpu.memref_slice %arg11[%arg0, %dma_start3A_421, %dma_start3A_422] : memref<2x100096x16xf32, #tpu.memory_space<hbm>> -> memref<1x100096x16xf32, #tpu.memory_space<hbm>>
    %dma_start3A_424 = tpu.memref_squeeze %dma_start3A_423 : memref<1x100096x16xf32, #tpu.memory_space<hbm>> -> memref<100096x16xf32, #tpu.memory_space<hbm>>
    %dma_start3A_425 = arith.constant 0 : i32
    %dma_start3A_426 = arith.constant 0 : i32
    %dma_start3A_427 = tpu.memref_slice %dma_start3A_424[%dma_start3A_425, %dma_start3A_426] : memref<100096x16xf32, #tpu.memory_space<hbm>> -> memref<100096x16xf32, #tpu.memory_space<hbm>>
    tpu.enqueue_indirect_dma source(%dma_start3A_427 : memref<100096x16xf32, #tpu.memory_space<hbm>>) target(%dma_start3A_418 : memref<256x16xf32, #tpu.memory_space<vmem>>) offsets(%dma_start3A_420 : memref<256xi32, #tpu.memory_space<vmem>>) semaphore(%arg23 : memref<!tpu.dma_semaphore, #tpu.memory_space<semaphore_mem>>)
    %dma_wait3A_428 = arith.constant 0 : i32
    %dma_wait3A_429 = arith.constant 0 : i32
    %dma_wait3A_430 = tpu.memref_slice %arg19[%dma_wait3A_428, %dma_wait3A_429] : memref<400x16xf32, #tpu.memory_space<vmem>> -> memref<256x16xf32, #tpu.memory_space<vmem>>
    %dma_wait3A_431 = arith.constant 0 : i32
    %dma_wait3A_432 = tpu.memref_slice %arg14[%dma_wait3A_431] : memref<400xi32, #tpu.memory_space<vmem>> -> memref<256xi32, #tpu.memory_space<vmem>>
    %dma_wait3A_433 = arith.constant 0 : i32
    %dma_wait3A_434 = arith.constant 0 : i32
    %dma_wait3A_435 = tpu.memref_slice %arg11[%arg0, %dma_wait3A_433, %dma_wait3A_434] : memref<2x100096x16xf32, #tpu.memory_space<hbm>> -> memref<1x100096x16xf32, #tpu.memory_space<hbm>>
    %dma_wait3A_436 = tpu.memref_squeeze %dma_wait3A_435 : memref<1x100096x16xf32, #tpu.memory_space<hbm>> -> memref<100096x16xf32, #tpu.memory_space<hbm>>
    %dma_wait3A_437 = arith.constant 0 : i32
    %dma_wait3A_438 = arith.constant 0 : i32
    %dma_wait3A_439 = tpu.memref_slice %dma_wait3A_436[%dma_wait3A_437, %dma_wait3A_438] : memref<100096x16xf32, #tpu.memory_space<hbm>> -> memref<100096x16xf32, #tpu.memory_space<hbm>>
    tpu.wait_indirect_dma semaphore(%arg23 : memref<!tpu.dma_semaphore, #tpu.memory_space<semaphore_mem>>) src(%dma_wait3A_439 : memref<100096x16xf32, #tpu.memory_space<hbm>>) dst(%dma_wait3A_430 : memref<256x16xf32, #tpu.memory_space<vmem>>)
    %parallel_loop3A_440 = arith.constant 0 : i32
    %parallel_loop3A_441 = arith.constant 256 : i32
    %parallel_loop3A_442 = arith.constant 1 : i32
    scf.for %parallel_loop3A_571 = %parallel_loop3A_440 to %parallel_loop3A_441 step %parallel_loop3A_442  : i32 {
      %parallel_loop3A_572 = arith.index_cast %parallel_loop3A_571 : i32 to index
      %parallel_loop3A_573 = arith.constant 0 : index
      %parallel_loop3A_574 = tpu.vector_load %arg20[%parallel_loop3A_572, %parallel_loop3A_573] {strides = array<i32>} : memref<400x16xf32, #tpu.memory_space<vmem>>, vector<16xf32>,
      %parallel_loop3A_575 = arith.index_cast %parallel_loop3A_571 : i32 to index
      %parallel_loop3A_576 = arith.constant 0 : index
      %parallel_loop3A_577 = tpu.vector_load %arg19[%parallel_loop3A_575, %parallel_loop3A_576] {strides = array<i32>} : memref<400x16xf32, #tpu.memory_space<vmem>>, vector<16xf32>,
      %parallel_loop3A_578 = arith.addf %parallel_loop3A_574, %parallel_loop3A_577 : vector<16xf32>
      %parallel_loop3A_579 = arith.index_cast %parallel_loop3A_571 : i32 to index
      %parallel_loop3A_580 = arith.constant 0 : index
      %parallel_loop3A_581 = tpu.vector_load %arg20[%parallel_loop3A_579, %parallel_loop3A_580] {strides = array<i32>} : memref<400x16xf32, #tpu.memory_space<vmem>>, vector<16xf32>,
      tpu.vector_store %arg20[%parallel_loop3A_579, %parallel_loop3A_580], %parallel_loop3A_578 {strides = array<i32>} : memref<400x16xf32, #tpu.memory_space<vmem>>, vector<16xf32>,
    } {sc.loop_unroll_factor = 1 : i64, sc.parallel_access}
    %broadcast_in_dim3A = arith.constant 2.500000e-01 : f32
    %broadcast_in_dim3A_443 = vector.broadcast %broadcast_in_dim3A : f32 to vector<16xf32>
    %parallel_loop3A_444 = arith.constant 0 : i32
    %parallel_loop3A_445 = arith.constant 256 : i32
    %parallel_loop3A_446 = arith.constant 1 : i32
    scf.for %parallel_loop3A_571 = %parallel_loop3A_444 to %parallel_loop3A_445 step %parallel_loop3A_446  : i32 {
      %parallel_loop3A_572 = arith.index_cast %parallel_loop3A_571 : i32 to index
      %parallel_loop3A_573 = arith.constant 0 : index
      %parallel_loop3A_574 = tpu.vector_load %arg20[%parallel_loop3A_572, %parallel_loop3A_573] {strides = array<i32>} : memref<400x16xf32, #tpu.memory_space<vmem>>, vector<16xf32>,
      %parallel_loop3A_575 = arith.mulf %parallel_loop3A_574, %broadcast_in_dim3A_443 : vector<16xf32>
      %parallel_loop3A_576 = arith.index_cast %parallel_loop3A_571 : i32 to index
      %parallel_loop3A_577 = arith.constant 0 : index
      %parallel_loop3A_578 = tpu.vector_load %arg20[%parallel_loop3A_576, %parallel_loop3A_577] {strides = array<i32>} : memref<400x16xf32, #tpu.memory_space<vmem>>, vector<16xf32>,
      tpu.vector_store %arg20[%parallel_loop3A_576, %parallel_loop3A_577], %parallel_loop3A_575 {strides = array<i32>} : memref<400x16xf32, #tpu.memory_space<vmem>>, vector<16xf32>,
    } {sc.loop_unroll_factor = 1 : i64, sc.parallel_access}
    "tpu.region"() ({
      %run_scoped3A = tpu.sem_alloc : memref<!tpu.dma_semaphore, #tpu.memory_space<semaphore_mem>>
      %dma_start3A_571 = arith.constant 0 : i32
      %dma_start3A_572 = arith.constant 0 : i32
      %dma_start3A_573 = tpu.memref_slice %arg20[%dma_start3A_571, %dma_start3A_572] : memref<400x16xf32, #tpu.memory_space<vmem>> -> memref<256x16xf32, #tpu.memory_space<vmem>>
      %dma_start3A_574 = arith.constant 0 : i32
      %dma_start3A_575 = arith.constant 0 : i32
      %dma_start3A_576 = tpu.memref_slice %arg12[%arg0, %dma_start3A_574, %dma_start3A_575] : memref<2x8192x16xf32, #tpu.memory_space<hbm>> -> memref<1x8192x16xf32, #tpu.memory_space<hbm>>
      %dma_start3A_577 = tpu.memref_squeeze %dma_start3A_576 : memref<1x8192x16xf32, #tpu.memory_space<hbm>> -> memref<8192x16xf32, #tpu.memory_space<hbm>>
      %dma_start3A_578 = arith.constant 0 : i32
      %dma_start3A_579 = tpu.memref_slice %dma_start3A_577[%add3A_332, %dma_start3A_578] : memref<8192x16xf32, #tpu.memory_space<hbm>> -> memref<256x16xf32, #tpu.memory_space<hbm>>
      %dma_start3A_580 = arith.constant 0 : i32
      %dma_start3A_581 = arith.constant 0 : i32
      %dma_start3A_582 = tpu.memref_slice %arg12[%arg0, %dma_start3A_580, %dma_start3A_581] : memref<2x8192x16xf32, #tpu.memory_space<hbm>> -> memref<1x8192x16xf32, #tpu.memory_space<hbm>>
      %dma_start3A_583 = tpu.memref_squeeze %dma_start3A_582 : memref<1x8192x16xf32, #tpu.memory_space<hbm>> -> memref<8192x16xf32, #tpu.memory_space<hbm>>
      %dma_start3A_584 = arith.constant 0 : i32
      %dma_start3A_585 = tpu.memref_slice %dma_start3A_583[%add3A_332, %dma_start3A_584] : memref<8192x16xf32, #tpu.memory_space<hbm>> -> memref<256x16xf32, #tpu.memory_space<hbm>>
      %dma_start3A_586 = arith.constant 0 : i32
      %dma_start3A_587 = arith.constant 0 : i32
      %dma_start3A_588 = tpu.memref_slice %arg20[%dma_start3A_586, %dma_start3A_587] : memref<400x16xf32, #tpu.memory_space<vmem>> -> memref<256x16xf32, #tpu.memory_space<vmem>>
      tpu.enqueue_dma source(%dma_start3A_588 : memref<256x16xf32, #tpu.memory_space<vmem>>) target(%dma_start3A_585 : memref<256x16xf32, #tpu.memory_space<hbm>>) target_semaphore(%run_scoped3A : memref<!tpu.dma_semaphore, #tpu.memory_space<semaphore_mem>>)
      %dma_wait3A_589 = arith.constant 0 : i32
      %dma_wait3A_590 = arith.constant 0 : i32
      %dma_wait3A_591 = tpu.memref_slice %arg20[%dma_wait3A_589, %dma_wait3A_590] : memref<400x16xf32, #tpu.memory_space<vmem>> -> memref<256x16xf32, #tpu.memory_space<vmem>>
      %dma_wait3A_592 = arith.constant 0 : i32
      %dma_wait3A_593 = arith.constant 0 : i32
      %dma_wait3A_594 = tpu.memref_slice %arg12[%arg0, %dma_wait3A_592, %dma_wait3A_593] : memref<2x8192x16xf32, #tpu.memory_space<hbm>> -> memref<1x8192x16xf32, #tpu.memory_space<hbm>>
      %dma_wait3A_595 = tpu.memref_squeeze %dma_wait3A_594 : memref<1x8192x16xf32, #tpu.memory_space<hbm>> -> memref<8192x16xf32, #tpu.memory_space<hbm>>
      %dma_wait3A_596 = arith.constant 0 : i32
      %dma_wait3A_597 = tpu.memref_slice %dma_wait3A_595[%add3A_332, %dma_wait3A_596] : memref<8192x16xf32, #tpu.memory_space<hbm>> -> memref<256x16xf32, #tpu.memory_space<hbm>>
      %dma_wait3A_598 = arith.constant 0 : i32
      %dma_wait3A_599 = arith.constant 0 : i32
      %dma_wait3A_600 = tpu.memref_slice %arg12[%arg0, %dma_wait3A_598, %dma_wait3A_599] : memref<2x8192x16xf32, #tpu.memory_space<hbm>> -> memref<1x8192x16xf32, #tpu.memory_space<hbm>>
      %dma_wait3A_601 = tpu.memref_squeeze %dma_wait3A_600 : memref<1x8192x16xf32, #tpu.memory_space<hbm>> -> memref<8192x16xf32, #tpu.memory_space<hbm>>
      %dma_wait3A_602 = arith.constant 0 : i32
      %dma_wait3A_603 = tpu.memref_slice %dma_wait3A_601[%add3A_332, %dma_wait3A_602] : memref<8192x16xf32, #tpu.memory_space<hbm>> -> memref<256x16xf32, #tpu.memory_space<hbm>>
      %dma_wait3A_604 = arith.constant 0 : i32
      %dma_wait3A_605 = arith.constant 0 : i32
      %dma_wait3A_606 = tpu.memref_slice %arg20[%dma_wait3A_604, %dma_wait3A_605] : memref<400x16xf32, #tpu.memory_space<vmem>> -> memref<256x16xf32, #tpu.memory_space<vmem>>
      tpu.wait_dma2 semaphore(%run_scoped3A : memref<!tpu.dma_semaphore, #tpu.memory_space<semaphore_mem>>) src(%dma_wait3A_606 : memref<256x16xf32, #tpu.memory_space<vmem>>) dst(%dma_wait3A_603 : memref<256x16xf32, #tpu.memory_space<hbm>>)
      tpu.yield
    }) : () -> ()
    %mul3A_447 = arith.constant 512 : i32
    %mul3A_448 = arith.muli %arg1, %mul3A_447 : i32
    %add3A_449 = arith.constant 256 : i32
    %add3A_450 = arith.addi %mul3A_448, %add3A_449 : i32
    %lt3A_451 = arith.constant 8 : i32
    %lt3A_452 = arith.cmpi slt, %arg1, %lt3A_451 : i32
    %convert_element_type3A_453 = arith.extui %lt3A_452 : i1 to i32
    %cond3A_454 = arith.constant 0 : i32
    %cond3A_455 = arith.cmpi ne, %convert_element_type3A_453, %cond3A_454 : i32
    scf.if %cond3A_455 {
      "tpu.region"() ({
        %run_scoped3A = tpu.sem_alloc : memref<!tpu.dma_semaphore, #tpu.memory_space<semaphore_mem>>
        %dma_start3A_571 = arith.constant 0 : i32
        %dma_start3A_572 = tpu.memref_slice %arg14[%dma_start3A_571] : memref<400xi32, #tpu.memory_space<vmem>> -> memref<256xi32, #tpu.memory_space<vmem>>
        %dma_start3A_573 = tpu.memref_slice %arg6[%add3A_450] : memref<4096xi32, #tpu.memory_space<hbm>> -> memref<256xi32, #tpu.memory_space<hbm>>
        %dma_start3A_574 = arith.constant 0 : i32
        %dma_start3A_575 = tpu.memref_slice %arg14[%dma_start3A_574] : memref<400xi32, #tpu.memory_space<vmem>> -> memref<256xi32, #tpu.memory_space<vmem>>
        %dma_start3A_576 = tpu.memref_slice %arg6[%add3A_450] : memref<4096xi32, #tpu.memory_space<hbm>> -> memref<256xi32, #tpu.memory_space<hbm>>
        tpu.enqueue_dma source(%dma_start3A_576 : memref<256xi32, #tpu.memory_space<hbm>>) target(%dma_start3A_575 : memref<256xi32, #tpu.memory_space<vmem>>) target_semaphore(%run_scoped3A : memref<!tpu.dma_semaphore, #tpu.memory_space<semaphore_mem>>)
        %dma_wait3A_577 = arith.constant 0 : i32
        %dma_wait3A_578 = tpu.memref_slice %arg14[%dma_wait3A_577] : memref<400xi32, #tpu.memory_space<vmem>> -> memref<256xi32, #tpu.memory_space<vmem>>
        %dma_wait3A_579 = tpu.memref_slice %arg6[%add3A_450] : memref<4096xi32, #tpu.memory_space<hbm>> -> memref<256xi32, #tpu.memory_space<hbm>>
        %dma_wait3A_580 = arith.constant 0 : i32
        %dma_wait3A_581 = tpu.memref_slice %arg14[%dma_wait3A_580] : memref<400xi32, #tpu.memory_space<vmem>> -> memref<256xi32, #tpu.memory_space<vmem>>
        %dma_wait3A_582 = tpu.memref_slice %arg6[%add3A_450] : memref<4096xi32, #tpu.memory_space<hbm>> -> memref<256xi32, #tpu.memory_space<hbm>>
        tpu.wait_dma2 semaphore(%run_scoped3A : memref<!tpu.dma_semaphore, #tpu.memory_space<semaphore_mem>>) src(%dma_wait3A_582 : memref<256xi32, #tpu.memory_space<hbm>>) dst(%dma_wait3A_581 : memref<256xi32, #tpu.memory_space<vmem>>)
        tpu.yield
      }) : () -> ()
    } else {
    }
    %ge3A_456 = arith.constant 8 : i32
    %ge3A_457 = arith.cmpi sge, %arg1, %ge3A_456 : i32
    %convert_element_type3A_458 = arith.extui %ge3A_457 : i1 to i32
    %cond3A_459 = arith.constant 0 : i32
    %cond3A_460 = arith.cmpi ne, %convert_element_type3A_458, %cond3A_459 : i32
    scf.if %cond3A_460 {
      %sub3A = arith.constant 4096 : i32
      %sub3A_571 = arith.subi %add3A_450, %sub3A : i32
      "tpu.region"() ({
        %run_scoped3A = tpu.sem_alloc : memref<!tpu.dma_semaphore, #tpu.memory_space<semaphore_mem>>
        %dma_start3A_575 = arith.constant 0 : i32
        %dma_start3A_576 = tpu.memref_slice %arg14[%dma_start3A_575] : memref<400xi32, #tpu.memory_space<vmem>> -> memref<256xi32, #tpu.memory_space<vmem>>
        %dma_start3A_577 = tpu.memref_slice %arg7[%sub3A_571] : memref<4096xi32, #tpu.memory_space<hbm>> -> memref<256xi32, #tpu.memory_space<hbm>>
        %dma_start3A_578 = arith.constant 0 : i32
        %dma_start3A_579 = tpu.memref_slice %arg14[%dma_start3A_578] : memref<400xi32, #tpu.memory_space<vmem>> -> memref<256xi32, #tpu.memory_space<vmem>>
        %dma_start3A_580 = tpu.memref_slice %arg7[%sub3A_571] : memref<4096xi32, #tpu.memory_space<hbm>> -> memref<256xi32, #tpu.memory_space<hbm>>
        tpu.enqueue_dma source(%dma_start3A_580 : memref<256xi32, #tpu.memory_space<hbm>>) target(%dma_start3A_579 : memref<256xi32, #tpu.memory_space<vmem>>) target_semaphore(%run_scoped3A : memref<!tpu.dma_semaphore, #tpu.memory_space<semaphore_mem>>)
        %dma_wait3A_581 = arith.constant 0 : i32
        %dma_wait3A_582 = tpu.memref_slice %arg14[%dma_wait3A_581] : memref<400xi32, #tpu.memory_space<vmem>> -> memref<256xi32, #tpu.memory_space<vmem>>
        %dma_wait3A_583 = tpu.memref_slice %arg7[%sub3A_571] : memref<4096xi32, #tpu.memory_space<hbm>> -> memref<256xi32, #tpu.memory_space<hbm>>
        %dma_wait3A_584 = arith.constant 0 : i32
        %dma_wait3A_585 = tpu.memref_slice %arg14[%dma_wait3A_584] : memref<400xi32, #tpu.memory_space<vmem>> -> memref<256xi32, #tpu.memory_space<vmem>>
        %dma_wait3A_586 = tpu.memref_slice %arg7[%sub3A_571] : memref<4096xi32, #tpu.memory_space<hbm>> -> memref<256xi32, #tpu.memory_space<hbm>>
        tpu.wait_dma2 semaphore(%run_scoped3A : memref<!tpu.dma_semaphore, #tpu.memory_space<semaphore_mem>>) src(%dma_wait3A_586 : memref<256xi32, #tpu.memory_space<hbm>>) dst(%dma_wait3A_585 : memref<256xi32, #tpu.memory_space<vmem>>)
        tpu.yield
      }) : () -> ()
      %parallel_loop3A_572 = arith.constant 0 : i32
      %parallel_loop3A_573 = arith.constant 16 : i32
      %parallel_loop3A_574 = arith.constant 1 : i32
      scf.for %parallel_loop3A_575 = %parallel_loop3A_572 to %parallel_loop3A_573 step %parallel_loop3A_574  : i32 {
        %parallel_loop3A_576 = arith.constant 16 : i32
        %parallel_loop3A_577 = arith.muli %parallel_loop3A_575, %parallel_loop3A_576 : i32
        %parallel_loop3A_578 = arith.index_cast %parallel_loop3A_577 : i32 to index
        %parallel_loop3A_579 = tpu.vector_load %arg14[%parallel_loop3A_578] {strides = array<i32>} : memref<400xi32, #tpu.memory_space<vmem>>, vector<16xi32>,
        %parallel_loop3A_580 = arith.constant 50000 : i32
        %parallel_loop3A_581 = vector.broadcast %parallel_loop3A_580 : i32 to vector<16xi32>
        %parallel_loop3A_582 = arith.addi %parallel_loop3A_579, %parallel_loop3A_581 : vector<16xi32>
        %parallel_loop3A_583 = arith.constant 16 : i32
        %parallel_loop3A_584 = arith.muli %parallel_loop3A_575, %parallel_loop3A_583 : i32
        %parallel_loop3A_585 = arith.index_cast %parallel_loop3A_584 : i32 to index
        %parallel_loop3A_586 = tpu.vector_load %arg14[%parallel_loop3A_585] {strides = array<i32>} : memref<400xi32, #tpu.memory_space<vmem>>, vector<16xi32>,
        tpu.vector_store %arg14[%parallel_loop3A_585], %parallel_loop3A_582 {strides = array<i32>} : memref<400xi32, #tpu.memory_space<vmem>>, vector<16xi32>,
      } {sc.loop_unroll_factor = 1 : i64, sc.parallel_access}
    } else {
    }
    %dma_start3A_461 = arith.constant 0 : i32
    %dma_start3A_462 = arith.constant 0 : i32
    %dma_start3A_463 = tpu.memref_slice %arg20[%dma_start3A_461, %dma_start3A_462] : memref<400x16xf32, #tpu.memory_space<vmem>> -> memref<256x16xf32, #tpu.memory_space<vmem>>
    %dma_start3A_464 = arith.constant 0 : i32
    %dma_start3A_465 = tpu.memref_slice %arg14[%dma_start3A_464] : memref<400xi32, #tpu.memory_space<vmem>> -> memref<256xi32, #tpu.memory_space<vmem>>
    %dma_start3A_466 = arith.constant 0 : i32
    %dma_start3A_467 = arith.constant 0 : i32
    %dma_start3A_468 = tpu.memref_slice %arg2[%arg0, %dma_start3A_466, %dma_start3A_467] : memref<2x100000x16xf32, #tpu.memory_space<hbm>> -> memref<1x100000x16xf32, #tpu.memory_space<hbm>>
    %dma_start3A_469 = tpu.memref_squeeze %dma_start3A_468 : memref<1x100000x16xf32, #tpu.memory_space<hbm>> -> memref<100000x16xf32, #tpu.memory_space<hbm>>
    %dma_start3A_470 = arith.constant 0 : i32
    %dma_start3A_471 = arith.constant 0 : i32
    %dma_start3A_472 = tpu.memref_slice %dma_start3A_469[%dma_start3A_470, %dma_start3A_471] : memref<100000x16xf32, #tpu.memory_space<hbm>> -> memref<100000x16xf32, #tpu.memory_space<hbm>>
    tpu.enqueue_indirect_dma source(%dma_start3A_472 : memref<100000x16xf32, #tpu.memory_space<hbm>>) target(%dma_start3A_463 : memref<256x16xf32, #tpu.memory_space<vmem>>) offsets(%dma_start3A_465 : memref<256xi32, #tpu.memory_space<vmem>>) semaphore(%arg23 : memref<!tpu.dma_semaphore, #tpu.memory_space<semaphore_mem>>)
    %dma_wait3A_473 = arith.constant 0 : i32
    %dma_wait3A_474 = arith.constant 0 : i32
    %dma_wait3A_475 = tpu.memref_slice %arg20[%dma_wait3A_473, %dma_wait3A_474] : memref<400x16xf32, #tpu.memory_space<vmem>> -> memref<256x16xf32, #tpu.memory_space<vmem>>
    %dma_wait3A_476 = arith.constant 0 : i32
    %dma_wait3A_477 = tpu.memref_slice %arg14[%dma_wait3A_476] : memref<400xi32, #tpu.memory_space<vmem>> -> memref<256xi32, #tpu.memory_space<vmem>>
    %dma_wait3A_478 = arith.constant 0 : i32
    %dma_wait3A_479 = arith.constant 0 : i32
    %dma_wait3A_480 = tpu.memref_slice %arg2[%arg0, %dma_wait3A_478, %dma_wait3A_479] : memref<2x100000x16xf32, #tpu.memory_space<hbm>> -> memref<1x100000x16xf32, #tpu.memory_space<hbm>>
    %dma_wait3A_481 = tpu.memref_squeeze %dma_wait3A_480 : memref<1x100000x16xf32, #tpu.memory_space<hbm>> -> memref<100000x16xf32, #tpu.memory_space<hbm>>
    %dma_wait3A_482 = arith.constant 0 : i32
    %dma_wait3A_483 = arith.constant 0 : i32
    %dma_wait3A_484 = tpu.memref_slice %dma_wait3A_481[%dma_wait3A_482, %dma_wait3A_483] : memref<100000x16xf32, #tpu.memory_space<hbm>> -> memref<100000x16xf32, #tpu.memory_space<hbm>>
    tpu.wait_indirect_dma semaphore(%arg23 : memref<!tpu.dma_semaphore, #tpu.memory_space<semaphore_mem>>) src(%dma_wait3A_484 : memref<100000x16xf32, #tpu.memory_space<hbm>>) dst(%dma_wait3A_475 : memref<256x16xf32, #tpu.memory_space<vmem>>)
    %dma_start3A_485 = arith.constant 0 : i32
    %dma_start3A_486 = arith.constant 0 : i32
    %dma_start3A_487 = tpu.memref_slice %arg19[%dma_start3A_485, %dma_start3A_486] : memref<400x16xf32, #tpu.memory_space<vmem>> -> memref<256x16xf32, #tpu.memory_space<vmem>>
    %dma_start3A_488 = arith.constant 0 : i32
    %dma_start3A_489 = tpu.memref_slice %arg14[%dma_start3A_488] : memref<400xi32, #tpu.memory_space<vmem>> -> memref<256xi32, #tpu.memory_space<vmem>>
    %dma_start3A_490 = arith.constant 0 : i32
    %dma_start3A_491 = arith.constant 0 : i32
    %dma_start3A_492 = tpu.memref_slice %arg9[%arg0, %dma_start3A_490, %dma_start3A_491] : memref<2x100096x16xf32, #tpu.memory_space<hbm>> -> memref<1x100096x16xf32, #tpu.memory_space<hbm>>
    %dma_start3A_493 = tpu.memref_squeeze %dma_start3A_492 : memref<1x100096x16xf32, #tpu.memory_space<hbm>> -> memref<100096x16xf32, #tpu.memory_space<hbm>>
    %dma_start3A_494 = arith.constant 0 : i32
    %dma_start3A_495 = arith.constant 0 : i32
    %dma_start3A_496 = tpu.memref_slice %dma_start3A_493[%dma_start3A_494, %dma_start3A_495] : memref<100096x16xf32, #tpu.memory_space<hbm>> -> memref<100096x16xf32, #tpu.memory_space<hbm>>
    tpu.enqueue_indirect_dma source(%dma_start3A_496 : memref<100096x16xf32, #tpu.memory_space<hbm>>) target(%dma_start3A_487 : memref<256x16xf32, #tpu.memory_space<vmem>>) offsets(%dma_start3A_489 : memref<256xi32, #tpu.memory_space<vmem>>) semaphore(%arg23 : memref<!tpu.dma_semaphore, #tpu.memory_space<semaphore_mem>>)
    %dma_wait3A_497 = arith.constant 0 : i32
    %dma_wait3A_498 = arith.constant 0 : i32
    %dma_wait3A_499 = tpu.memref_slice %arg19[%dma_wait3A_497, %dma_wait3A_498] : memref<400x16xf32, #tpu.memory_space<vmem>> -> memref<256x16xf32, #tpu.memory_space<vmem>>
    %dma_wait3A_500 = arith.constant 0 : i32
    %dma_wait3A_501 = tpu.memref_slice %arg14[%dma_wait3A_500] : memref<400xi32, #tpu.memory_space<vmem>> -> memref<256xi32, #tpu.memory_space<vmem>>
    %dma_wait3A_502 = arith.constant 0 : i32
    %dma_wait3A_503 = arith.constant 0 : i32
    %dma_wait3A_504 = tpu.memref_slice %arg9[%arg0, %dma_wait3A_502, %dma_wait3A_503] : memref<2x100096x16xf32, #tpu.memory_space<hbm>> -> memref<1x100096x16xf32, #tpu.memory_space<hbm>>
    %dma_wait3A_505 = tpu.memref_squeeze %dma_wait3A_504 : memref<1x100096x16xf32, #tpu.memory_space<hbm>> -> memref<100096x16xf32, #tpu.memory_space<hbm>>
    %dma_wait3A_506 = arith.constant 0 : i32
    %dma_wait3A_507 = arith.constant 0 : i32
    %dma_wait3A_508 = tpu.memref_slice %dma_wait3A_505[%dma_wait3A_506, %dma_wait3A_507] : memref<100096x16xf32, #tpu.memory_space<hbm>> -> memref<100096x16xf32, #tpu.memory_space<hbm>>
    tpu.wait_indirect_dma semaphore(%arg23 : memref<!tpu.dma_semaphore, #tpu.memory_space<semaphore_mem>>) src(%dma_wait3A_508 : memref<100096x16xf32, #tpu.memory_space<hbm>>) dst(%dma_wait3A_499 : memref<256x16xf32, #tpu.memory_space<vmem>>)
    %parallel_loop3A_509 = arith.constant 0 : i32
    %parallel_loop3A_510 = arith.constant 256 : i32
    %parallel_loop3A_511 = arith.constant 1 : i32
    scf.for %parallel_loop3A_571 = %parallel_loop3A_509 to %parallel_loop3A_510 step %parallel_loop3A_511  : i32 {
      %parallel_loop3A_572 = arith.index_cast %parallel_loop3A_571 : i32 to index
      %parallel_loop3A_573 = arith.constant 0 : index
      %parallel_loop3A_574 = tpu.vector_load %arg20[%parallel_loop3A_572, %parallel_loop3A_573] {strides = array<i32>} : memref<400x16xf32, #tpu.memory_space<vmem>>, vector<16xf32>,
      %parallel_loop3A_575 = arith.index_cast %parallel_loop3A_571 : i32 to index
      %parallel_loop3A_576 = arith.constant 0 : index
      %parallel_loop3A_577 = tpu.vector_load %arg19[%parallel_loop3A_575, %parallel_loop3A_576] {strides = array<i32>} : memref<400x16xf32, #tpu.memory_space<vmem>>, vector<16xf32>,
      %parallel_loop3A_578 = arith.addf %parallel_loop3A_574, %parallel_loop3A_577 : vector<16xf32>
      %parallel_loop3A_579 = arith.index_cast %parallel_loop3A_571 : i32 to index
      %parallel_loop3A_580 = arith.constant 0 : index
      %parallel_loop3A_581 = tpu.vector_load %arg20[%parallel_loop3A_579, %parallel_loop3A_580] {strides = array<i32>} : memref<400x16xf32, #tpu.memory_space<vmem>>, vector<16xf32>,
      tpu.vector_store %arg20[%parallel_loop3A_579, %parallel_loop3A_580], %parallel_loop3A_578 {strides = array<i32>} : memref<400x16xf32, #tpu.memory_space<vmem>>, vector<16xf32>,
    } {sc.loop_unroll_factor = 1 : i64, sc.parallel_access}
    %dma_start3A_512 = arith.constant 0 : i32
    %dma_start3A_513 = arith.constant 0 : i32
    %dma_start3A_514 = tpu.memref_slice %arg19[%dma_start3A_512, %dma_start3A_513] : memref<400x16xf32, #tpu.memory_space<vmem>> -> memref<256x16xf32, #tpu.memory_space<vmem>>
    %dma_start3A_515 = arith.constant 0 : i32
    %dma_start3A_516 = tpu.memref_slice %arg14[%dma_start3A_515] : memref<400xi32, #tpu.memory_space<vmem>> -> memref<256xi32, #tpu.memory_space<vmem>>
    %dma_start3A_517 = arith.constant 0 : i32
    %dma_start3A_518 = arith.constant 0 : i32
    %dma_start3A_519 = tpu.memref_slice %arg10[%arg0, %dma_start3A_517, %dma_start3A_518] : memref<2x100096x16xf32, #tpu.memory_space<hbm>> -> memref<1x100096x16xf32, #tpu.memory_space<hbm>>
    %dma_start3A_520 = tpu.memref_squeeze %dma_start3A_519 : memref<1x100096x16xf32, #tpu.memory_space<hbm>> -> memref<100096x16xf32, #tpu.memory_space<hbm>>
    %dma_start3A_521 = arith.constant 0 : i32
    %dma_start3A_522 = arith.constant 0 : i32
    %dma_start3A_523 = tpu.memref_slice %dma_start3A_520[%dma_start3A_521, %dma_start3A_522] : memref<100096x16xf32, #tpu.memory_space<hbm>> -> memref<100096x16xf32, #tpu.memory_space<hbm>>
    tpu.enqueue_indirect_dma source(%dma_start3A_523 : memref<100096x16xf32, #tpu.memory_space<hbm>>) target(%dma_start3A_514 : memref<256x16xf32, #tpu.memory_space<vmem>>) offsets(%dma_start3A_516 : memref<256xi32, #tpu.memory_space<vmem>>) semaphore(%arg23 : memref<!tpu.dma_semaphore, #tpu.memory_space<semaphore_mem>>)
    %dma_wait3A_524 = arith.constant 0 : i32
    %dma_wait3A_525 = arith.constant 0 : i32
    %dma_wait3A_526 = tpu.memref_slice %arg19[%dma_wait3A_524, %dma_wait3A_525] : memref<400x16xf32, #tpu.memory_space<vmem>> -> memref<256x16xf32, #tpu.memory_space<vmem>>
    %dma_wait3A_527 = arith.constant 0 : i32
    %dma_wait3A_528 = tpu.memref_slice %arg14[%dma_wait3A_527] : memref<400xi32, #tpu.memory_space<vmem>> -> memref<256xi32, #tpu.memory_space<vmem>>
    %dma_wait3A_529 = arith.constant 0 : i32
    %dma_wait3A_530 = arith.constant 0 : i32
    %dma_wait3A_531 = tpu.memref_slice %arg10[%arg0, %dma_wait3A_529, %dma_wait3A_530] : memref<2x100096x16xf32, #tpu.memory_space<hbm>> -> memref<1x100096x16xf32, #tpu.memory_space<hbm>>
    %dma_wait3A_532 = tpu.memref_squeeze %dma_wait3A_531 : memref<1x100096x16xf32, #tpu.memory_space<hbm>> -> memref<100096x16xf32, #tpu.memory_space<hbm>>
    %dma_wait3A_533 = arith.constant 0 : i32
    %dma_wait3A_534 = arith.constant 0 : i32
    %dma_wait3A_535 = tpu.memref_slice %dma_wait3A_532[%dma_wait3A_533, %dma_wait3A_534] : memref<100096x16xf32, #tpu.memory_space<hbm>> -> memref<100096x16xf32, #tpu.memory_space<hbm>>
    tpu.wait_indirect_dma semaphore(%arg23 : memref<!tpu.dma_semaphore, #tpu.memory_space<semaphore_mem>>) src(%dma_wait3A_535 : memref<100096x16xf32, #tpu.memory_space<hbm>>) dst(%dma_wait3A_526 : memref<256x16xf32, #tpu.memory_space<vmem>>)
    %parallel_loop3A_536 = arith.constant 0 : i32
    %parallel_loop3A_537 = arith.constant 256 : i32
    %parallel_loop3A_538 = arith.constant 1 : i32
    scf.for %parallel_loop3A_571 = %parallel_loop3A_536 to %parallel_loop3A_537 step %parallel_loop3A_538  : i32 {
      %parallel_loop3A_572 = arith.index_cast %parallel_loop3A_571 : i32 to index
      %parallel_loop3A_573 = arith.constant 0 : index
      %parallel_loop3A_574 = tpu.vector_load %arg20[%parallel_loop3A_572, %parallel_loop3A_573] {strides = array<i32>} : memref<400x16xf32, #tpu.memory_space<vmem>>, vector<16xf32>,
      %parallel_loop3A_575 = arith.index_cast %parallel_loop3A_571 : i32 to index
      %parallel_loop3A_576 = arith.constant 0 : index
      %parallel_loop3A_577 = tpu.vector_load %arg19[%parallel_loop3A_575, %parallel_loop3A_576] {strides = array<i32>} : memref<400x16xf32, #tpu.memory_space<vmem>>, vector<16xf32>,
      %parallel_loop3A_578 = arith.addf %parallel_loop3A_574, %parallel_loop3A_577 : vector<16xf32>
      %parallel_loop3A_579 = arith.index_cast %parallel_loop3A_571 : i32 to index
      %parallel_loop3A_580 = arith.constant 0 : index
      %parallel_loop3A_581 = tpu.vector_load %arg20[%parallel_loop3A_579, %parallel_loop3A_580] {strides = array<i32>} : memref<400x16xf32, #tpu.memory_space<vmem>>, vector<16xf32>,
      tpu.vector_store %arg20[%parallel_loop3A_579, %parallel_loop3A_580], %parallel_loop3A_578 {strides = array<i32>} : memref<400x16xf32, #tpu.memory_space<vmem>>, vector<16xf32>,
    } {sc.loop_unroll_factor = 1 : i64, sc.parallel_access}
    %dma_start3A_539 = arith.constant 0 : i32
    %dma_start3A_540 = arith.constant 0 : i32
    %dma_start3A_541 = tpu.memref_slice %arg19[%dma_start3A_539, %dma_start3A_540] : memref<400x16xf32, #tpu.memory_space<vmem>> -> memref<256x16xf32, #tpu.memory_space<vmem>>
    %dma_start3A_542 = arith.constant 0 : i32
    %dma_start3A_543 = tpu.memref_slice %arg14[%dma_start3A_542] : memref<400xi32, #tpu.memory_space<vmem>> -> memref<256xi32, #tpu.memory_space<vmem>>
    %dma_start3A_544 = arith.constant 0 : i32
    %dma_start3A_545 = arith.constant 0 : i32
    %dma_start3A_546 = tpu.memref_slice %arg11[%arg0, %dma_start3A_544, %dma_start3A_545] : memref<2x100096x16xf32, #tpu.memory_space<hbm>> -> memref<1x100096x16xf32, #tpu.memory_space<hbm>>
    %dma_start3A_547 = tpu.memref_squeeze %dma_start3A_546 : memref<1x100096x16xf32, #tpu.memory_space<hbm>> -> memref<100096x16xf32, #tpu.memory_space<hbm>>
    %dma_start3A_548 = arith.constant 0 : i32
    %dma_start3A_549 = arith.constant 0 : i32
    %dma_start3A_550 = tpu.memref_slice %dma_start3A_547[%dma_start3A_548, %dma_start3A_549] : memref<100096x16xf32, #tpu.memory_space<hbm>> -> memref<100096x16xf32, #tpu.memory_space<hbm>>
    tpu.enqueue_indirect_dma source(%dma_start3A_550 : memref<100096x16xf32, #tpu.memory_space<hbm>>) target(%dma_start3A_541 : memref<256x16xf32, #tpu.memory_space<vmem>>) offsets(%dma_start3A_543 : memref<256xi32, #tpu.memory_space<vmem>>) semaphore(%arg23 : memref<!tpu.dma_semaphore, #tpu.memory_space<semaphore_mem>>)
    %dma_wait3A_551 = arith.constant 0 : i32
    %dma_wait3A_552 = arith.constant 0 : i32
    %dma_wait3A_553 = tpu.memref_slice %arg19[%dma_wait3A_551, %dma_wait3A_552] : memref<400x16xf32, #tpu.memory_space<vmem>> -> memref<256x16xf32, #tpu.memory_space<vmem>>
    %dma_wait3A_554 = arith.constant 0 : i32
    %dma_wait3A_555 = tpu.memref_slice %arg14[%dma_wait3A_554] : memref<400xi32, #tpu.memory_space<vmem>> -> memref<256xi32, #tpu.memory_space<vmem>>
    %dma_wait3A_556 = arith.constant 0 : i32
    %dma_wait3A_557 = arith.constant 0 : i32
    %dma_wait3A_558 = tpu.memref_slice %arg11[%arg0, %dma_wait3A_556, %dma_wait3A_557] : memref<2x100096x16xf32, #tpu.memory_space<hbm>> -> memref<1x100096x16xf32, #tpu.memory_space<hbm>>
    %dma_wait3A_559 = tpu.memref_squeeze %dma_wait3A_558 : memref<1x100096x16xf32, #tpu.memory_space<hbm>> -> memref<100096x16xf32, #tpu.memory_space<hbm>>
    %dma_wait3A_560 = arith.constant 0 : i32
    %dma_wait3A_561 = arith.constant 0 : i32
    %dma_wait3A_562 = tpu.memref_slice %dma_wait3A_559[%dma_wait3A_560, %dma_wait3A_561] : memref<100096x16xf32, #tpu.memory_space<hbm>> -> memref<100096x16xf32, #tpu.memory_space<hbm>>
    tpu.wait_indirect_dma semaphore(%arg23 : memref<!tpu.dma_semaphore, #tpu.memory_space<semaphore_mem>>) src(%dma_wait3A_562 : memref<100096x16xf32, #tpu.memory_space<hbm>>) dst(%dma_wait3A_553 : memref<256x16xf32, #tpu.memory_space<vmem>>)
    %parallel_loop3A_563 = arith.constant 0 : i32
    %parallel_loop3A_564 = arith.constant 256 : i32
    %parallel_loop3A_565 = arith.constant 1 : i32
    scf.for %parallel_loop3A_571 = %parallel_loop3A_563 to %parallel_loop3A_564 step %parallel_loop3A_565  : i32 {
      %parallel_loop3A_572 = arith.index_cast %parallel_loop3A_571 : i32 to index
      %parallel_loop3A_573 = arith.constant 0 : index
      %parallel_loop3A_574 = tpu.vector_load %arg20[%parallel_loop3A_572, %parallel_loop3A_573] {strides = array<i32>} : memref<400x16xf32, #tpu.memory_space<vmem>>, vector<16xf32>,
      %parallel_loop3A_575 = arith.index_cast %parallel_loop3A_571 : i32 to index
      %parallel_loop3A_576 = arith.constant 0 : index
      %parallel_loop3A_577 = tpu.vector_load %arg19[%parallel_loop3A_575, %parallel_loop3A_576] {strides = array<i32>} : memref<400x16xf32, #tpu.memory_space<vmem>>, vector<16xf32>,
      %parallel_loop3A_578 = arith.addf %parallel_loop3A_574, %parallel_loop3A_577 : vector<16xf32>
      %parallel_loop3A_579 = arith.index_cast %parallel_loop3A_571 : i32 to index
      %parallel_loop3A_580 = arith.constant 0 : index
      %parallel_loop3A_581 = tpu.vector_load %arg20[%parallel_loop3A_579, %parallel_loop3A_580] {strides = array<i32>} : memref<400x16xf32, #tpu.memory_space<vmem>>, vector<16xf32>,
      tpu.vector_store %arg20[%parallel_loop3A_579, %parallel_loop3A_580], %parallel_loop3A_578 {strides = array<i32>} : memref<400x16xf32, #tpu.memory_space<vmem>>, vector<16xf32>,
    } {sc.loop_unroll_factor = 1 : i64, sc.parallel_access}
    %broadcast_in_dim3A_566 = arith.constant 2.500000e-01 : f32
    %broadcast_in_dim3A_567 = vector.broadcast %broadcast_in_dim3A_566 : f32 to vector<16xf32>
    %parallel_loop3A_568 = arith.constant 0 : i32
    %parallel_loop3A_569 = arith.constant 256 : i32
    %parallel_loop3A_570 = arith.constant 1 : i32
    scf.for %parallel_loop3A_571 = %parallel_loop3A_568 to %parallel_loop3A_569 step %parallel_loop3A_570  : i32 {
      %parallel_loop3A_572 = arith.index_cast %parallel_loop3A_571 : i32 to index
      %parallel_loop3A_573 = arith.constant 0 : index
      %parallel_loop3A_574 = tpu.vector_load %arg20[%parallel_loop3A_572, %parallel_loop3A_573] {strides = array<i32>} : memref<400x16xf32, #tpu.memory_space<vmem>>, vector<16xf32>,
      %parallel_loop3A_575 = arith.mulf %parallel_loop3A_574, %broadcast_in_dim3A_567 : vector<16xf32>
      %parallel_loop3A_576 = arith.index_cast %parallel_loop3A_571 : i32 to index
      %parallel_loop3A_577 = arith.constant 0 : index
      %parallel_loop3A_578 = tpu.vector_load %arg20[%parallel_loop3A_576, %parallel_loop3A_577] {strides = array<i32>} : memref<400x16xf32, #tpu.memory_space<vmem>>, vector<16xf32>,
      tpu.vector_store %arg20[%parallel_loop3A_576, %parallel_loop3A_577], %parallel_loop3A_575 {strides = array<i32>} : memref<400x16xf32, #tpu.memory_space<vmem>>, vector<16xf32>,
    } {sc.loop_unroll_factor = 1 : i64, sc.parallel_access}
    "tpu.region"() ({
      %run_scoped3A = tpu.sem_alloc : memref<!tpu.dma_semaphore, #tpu.memory_space<semaphore_mem>>
      %dma_start3A_571 = arith.constant 0 : i32
      %dma_start3A_572 = arith.constant 0 : i32
      %dma_start3A_573 = tpu.memref_slice %arg20[%dma_start3A_571, %dma_start3A_572] : memref<400x16xf32, #tpu.memory_space<vmem>> -> memref<256x16xf32, #tpu.memory_space<vmem>>
      %dma_start3A_574 = arith.constant 0 : i32
      %dma_start3A_575 = arith.constant 0 : i32
      %dma_start3A_576 = tpu.memref_slice %arg12[%arg0, %dma_start3A_574, %dma_start3A_575] : memref<2x8192x16xf32, #tpu.memory_space<hbm>> -> memref<1x8192x16xf32, #tpu.memory_space<hbm>>
      %dma_start3A_577 = tpu.memref_squeeze %dma_start3A_576 : memref<1x8192x16xf32, #tpu.memory_space<hbm>> -> memref<8192x16xf32, #tpu.memory_space<hbm>>
      %dma_start3A_578 = arith.constant 0 : i32
      %dma_start3A_579 = tpu.memref_slice %dma_start3A_577[%add3A_450, %dma_start3A_578] : memref<8192x16xf32, #tpu.memory_space<hbm>> -> memref<256x16xf32, #tpu.memory_space<hbm>>
      %dma_start3A_580 = arith.constant 0 : i32
      %dma_start3A_581 = arith.constant 0 : i32
      %dma_start3A_582 = tpu.memref_slice %arg12[%arg0, %dma_start3A_580, %dma_start3A_581] : memref<2x8192x16xf32, #tpu.memory_space<hbm>> -> memref<1x8192x16xf32, #tpu.memory_space<hbm>>
      %dma_start3A_583 = tpu.memref_squeeze %dma_start3A_582 : memref<1x8192x16xf32, #tpu.memory_space<hbm>> -> memref<8192x16xf32, #tpu.memory_space<hbm>>
      %dma_start3A_584 = arith.constant 0 : i32
      %dma_start3A_585 = tpu.memref_slice %dma_start3A_583[%add3A_450, %dma_start3A_584] : memref<8192x16xf32, #tpu.memory_space<hbm>> -> memref<256x16xf32, #tpu.memory_space<hbm>>
      %dma_start3A_586 = arith.constant 0 : i32
      %dma_start3A_587 = arith.constant 0 : i32
      %dma_start3A_588 = tpu.memref_slice %arg20[%dma_start3A_586, %dma_start3A_587] : memref<400x16xf32, #tpu.memory_space<vmem>> -> memref<256x16xf32, #tpu.memory_space<vmem>>
      tpu.enqueue_dma source(%dma_start3A_588 : memref<256x16xf32, #tpu.memory_space<vmem>>) target(%dma_start3A_585 : memref<256x16xf32, #tpu.memory_space<hbm>>) target_semaphore(%run_scoped3A : memref<!tpu.dma_semaphore, #tpu.memory_space<semaphore_mem>>)
      %dma_wait3A_589 = arith.constant 0 : i32
      %dma_wait3A_590 = arith.constant 0 : i32
      %dma_wait3A_591 = tpu.memref_slice %arg20[%dma_wait3A_589, %dma_wait3A_590] : memref<400x16xf32, #tpu.memory_space<vmem>> -> memref<256x16xf32, #tpu.memory_space<vmem>>
      %dma_wait3A_592 = arith.constant 0 : i32
      %dma_wait3A_593 = arith.constant 0 : i32
      %dma_wait3A_594 = tpu.memref_slice %arg12[%arg0, %dma_wait3A_592, %dma_wait3A_593] : memref<2x8192x16xf32, #tpu.memory_space<hbm>> -> memref<1x8192x16xf32, #tpu.memory_space<hbm>>
      %dma_wait3A_595 = tpu.memref_squeeze %dma_wait3A_594 : memref<1x8192x16xf32, #tpu.memory_space<hbm>> -> memref<8192x16xf32, #tpu.memory_space<hbm>>
      %dma_wait3A_596 = arith.constant 0 : i32
      %dma_wait3A_597 = tpu.memref_slice %dma_wait3A_595[%add3A_450, %dma_wait3A_596] : memref<8192x16xf32, #tpu.memory_space<hbm>> -> memref<256x16xf32, #tpu.memory_space<hbm>>
      %dma_wait3A_598 = arith.constant 0 : i32
      %dma_wait3A_599 = arith.constant 0 : i32
      %dma_wait3A_600 = tpu.memref_slice %arg12[%arg0, %dma_wait3A_598, %dma_wait3A_599] : memref<2x8192x16xf32, #tpu.memory_space<hbm>> -> memref<1x8192x16xf32, #tpu.memory_space<hbm>>
      %dma_wait3A_601 = tpu.memref_squeeze %dma_wait3A_600 : memref<1x8192x16xf32, #tpu.memory_space<hbm>> -> memref<8192x16xf32, #tpu.memory_space<hbm>>
      %dma_wait3A_602 = arith.constant 0 : i32
      %dma_wait3A_603 = tpu.memref_slice %dma_wait3A_601[%add3A_450, %dma_wait3A_602] : memref<8192x16xf32, #tpu.memory_space<hbm>> -> memref<256x16xf32, #tpu.memory_space<hbm>>
      %dma_wait3A_604 = arith.constant 0 : i32
      %dma_wait3A_605 = arith.constant 0 : i32
      %dma_wait3A_606 = tpu.memref_slice %arg20[%dma_wait3A_604, %dma_wait3A_605] : memref<400x16xf32, #tpu.memory_space<vmem>> -> memref<256x16xf32, #tpu.memory_space<vmem>>
      tpu.wait_dma2 semaphore(%run_scoped3A : memref<!tpu.dma_semaphore, #tpu.memory_space<semaphore_mem>>) src(%dma_wait3A_606 : memref<256x16xf32, #tpu.memory_space<vmem>>) dst(%dma_wait3A_603 : memref<256x16xf32, #tpu.memory_space<hbm>>)
      tpu.yield
    }) : () -> ()
    return
  }
}

module attributes {stable_mosaic.version = 14 : i64} {
  func.func @_mlp_body(%arg0: memref<4096x64xf32, #tpu.memory_space<vmem>>, %arg1: memref<64x32xf32, #tpu.memory_space<vmem>>, %arg2: memref<1x32xf32, #tpu.memory_space<vmem>>, %arg3: memref<32x16xf32, #tpu.memory_space<vmem>>, %arg4: memref<1x16xf32, #tpu.memory_space<vmem>>, %arg5: memref<16xf32, #tpu.memory_space<vmem>>, %arg6: memref<1x1xf32, #tpu.memory_space<vmem>>, %arg7: memref<4096x1xf32, #tpu.memory_space<vmem>>) attributes {dimension_semantics = [], scalar_prefetch = 0 : i64, scratch_operands = 0 : i64, tpu.core_type = #tpu.core_type<tc>} {
    %get3A = arith.constant 0 : index
    %get3A_0 = arith.constant 0 : index
    %get3A_1 = vector.load %arg0[%get3A, %get3A_0] : memref<4096x64xf32, #tpu.memory_space<vmem>>, vector<4096x64xf32>
    %get3A_2 = arith.constant 0 : index
    %get3A_3 = arith.constant 0 : index
    %get3A_4 = vector.load %arg1[%get3A_2, %get3A_3] : memref<64x32xf32, #tpu.memory_space<vmem>>, vector<64x32xf32>
    %dot_general3A = arith.constant dense<0.000000e+00> : vector<4096x32xf32>
    %dot_general3A_5 = tpu.matmul %get3A_1, %get3A_4, %dot_general3A {dimension_numbers = #tpu.dot_dimension_numbers<[1], [0], [0], [1], [0, 0, 1, 1], [], []>, transpose_lhs_hint = false} : vector<4096x64xf32>, vector<64x32xf32>, vector<4096x32xf32> -> vector<4096x32xf32>
    %get3A_6 = arith.constant 0 : index
    %get3A_7 = arith.constant 0 : index
    %get3A_8 = vector.load %arg2[%get3A_6, %get3A_7] : memref<1x32xf32, #tpu.memory_space<vmem>>, vector<1x32xf32>
    %add3A = vector.broadcast %get3A_8 : vector<1x32xf32> to vector<4096x32xf32>
    %add3A_9 = arith.addf %dot_general3A_5, %add3A : vector<4096x32xf32>
    %max3A = arith.constant 0.000000e+00 : f32
    %max3A_10 = vector.broadcast %max3A : f32 to vector<4096x32xf32>
    %max3A_11 = arith.maximumf %add3A_9, %max3A_10 : vector<4096x32xf32>
    %get3A_12 = arith.constant 0 : index
    %get3A_13 = arith.constant 0 : index
    %get3A_14 = vector.load %arg3[%get3A_12, %get3A_13] : memref<32x16xf32, #tpu.memory_space<vmem>>, vector<32x16xf32>
    %dot_general3A_15 = arith.constant dense<0.000000e+00> : vector<4096x16xf32>
    %dot_general3A_16 = tpu.matmul %max3A_11, %get3A_14, %dot_general3A_15 {dimension_numbers = #tpu.dot_dimension_numbers<[1], [0], [0], [1], [0, 0, 1, 1], [], []>, transpose_lhs_hint = false} : vector<4096x32xf32>, vector<32x16xf32>, vector<4096x16xf32> -> vector<4096x16xf32>
    %get3A_17 = arith.constant 0 : index
    %get3A_18 = arith.constant 0 : index
    %get3A_19 = vector.load %arg4[%get3A_17, %get3A_18] : memref<1x16xf32, #tpu.memory_space<vmem>>, vector<1x16xf32>
    %add3A_20 = vector.broadcast %get3A_19 : vector<1x16xf32> to vector<4096x16xf32>
    %add3A_21 = arith.addf %dot_general3A_16, %add3A_20 : vector<4096x16xf32>
    %max3A_22 = arith.constant 0.000000e+00 : f32
    %max3A_23 = vector.broadcast %max3A_22 : f32 to vector<4096x16xf32>
    %max3A_24 = arith.maximumf %add3A_21, %max3A_23 : vector<4096x16xf32>
    %get3A_25 = arith.constant 0 : index
    %get3A_26 = vector.load %arg5[%get3A_25] : memref<16xf32, #tpu.memory_space<vmem>>, vector<16xf32>
    %reshape3A = vector.shape_cast %get3A_26 : vector<16xf32> to vector<1x16xf32>
    %mul3A = vector.broadcast %reshape3A : vector<1x16xf32> to vector<4096x16xf32>
    %mul3A_27 = arith.mulf %max3A_24, %mul3A : vector<4096x16xf32>
    %reduce_sum3A = arith.constant dense<0.000000e+00> : vector<4096xf32>
    %reduce_sum3A_28 = vector.multi_reduction <add>, %mul3A_27, %reduce_sum3A [1] : vector<4096x16xf32> to vector<4096xf32>
    %broadcast_in_dim3A = vector.shape_cast %reduce_sum3A_28 : vector<4096xf32> to vector<4096x1xf32>
    %get3A_29 = arith.constant 0 : index
    %get3A_30 = arith.constant 0 : index
    %get3A_31 = vector.load %arg6[%get3A_29, %get3A_30] : memref<1x1xf32, #tpu.memory_space<vmem>>, vector<1x1xf32>
    %add3A_32 = vector.broadcast %get3A_31 : vector<1x1xf32> to vector<4096x1xf32>
    %add3A_33 = arith.addf %broadcast_in_dim3A, %add3A_32 : vector<4096x1xf32>
    %logistic3A = arith.negf %add3A_33 : vector<4096x1xf32>
    %logistic3A_34 = math.exp %logistic3A : vector<4096x1xf32>
    %logistic3A_35 = arith.constant 1.000000e+00 : f32
    %logistic3A_36 = vector.broadcast %logistic3A_35 : f32 to vector<4096x1xf32>
    %logistic3A_37 = arith.addf %logistic3A_36, %logistic3A_34 : vector<4096x1xf32>
    %logistic3A_38 = arith.divf %logistic3A_36, %logistic3A_37 : vector<4096x1xf32>
    %swap3A = arith.constant 0 : index
    %swap3A_39 = arith.constant 0 : index
    %swap3A_40 = vector.load %arg7[%swap3A, %swap3A_39] : memref<4096x1xf32, #tpu.memory_space<vmem>>, vector<4096x1xf32>
    tpu.vector_store %arg7[%swap3A, %swap3A_39], %logistic3A_38 {strides = array<i32>} : memref<4096x1xf32, #tpu.memory_space<vmem>>, vector<4096x1xf32>,
    return
  }
}

</mosaic_0001>

<sc_bundles>
// kernel: kernel.4.cloned.1.call-start
scs
__scs_entry_jumppad:
0x0: {  	(pc) =	sbr.rel $0x88, $3  }
0x1: {  	(tag) =	ssettag $0x0;
	lr =	simm.s32 $0x1  }
0x2: {  	[smem:$0x3F95] =	sst lr;
	_ =	strace $0xD0000000  }
0x3: {  	_ = 	snop  }
0x4: {  	_ = 	snop  }
0x5: {  	_ = 	snop  }
0x6: {  	_ = 	snop  }
0x7: {  	_ = 	snop  }
__scs_overlays_trampoline_lowered:
0x8: {  	[smem:$0x3FA4] =	sst s0  }
0x9: {  	[smem:$0x3FA5] =	sst s1  }
0xa: {  	[smem:$0x3FA6] =	sst s2  }
0xb: {  	[smem:$0x3FA7] =	sst s3  }
0xc: {  	[smem:$0x3FA8] =	sst s4  }
0xd: {  	[smem:$0x3FA9] =	sst s5  }
0xe: {  	[smem:$0x3FAA] =	sst s6  }
0xf: {  	[smem:$0x3FAB] =	sst s7  }
0x10: {  	[smem:$0x3FAC] =	sst s8  }
0x11: {  	[smem:$0x3FAD] =	sst s9;
	s0 =	simm.s32 @!p0 $0x0  }
0x12: {  	s1 =	sld [smem:$0x3F93];
	s0 =	simm.s32 @p0 $0x1  }
0x13: {  	[smem:$0x3FAE] =	sst s0;
	s0 =	simm.s32 @!p1 $0x0  }
0x14: {  	s2 =	sld [smem:$0x3F92];
	s0 =	simm.s32 @p1 $0x1  }
0x15: {  	[smem:$0x3FAF] =	sst s0;
	s0 =	simm.s32 @!p2 $0x0  }
0x16: {  	s3 =	sld [smem:$0x3FDB];
	s0 =	simm.s32 @p2 $0x1  }
0x17: {  	s4 =	simm.s32 $0x1BF5;
	[smem:$0x3FB1] =	sst s0  }
0x18: {  	s0 =	sld [smem:$0x3F94];
	_ =	swait.ge [sflag:s4], $0x0  }
0x19: {  	s7 =	sld [smem:$0x3F95]  }
0x1a: {  	s8 =	sadd.s32 $0xFFFFE003, lr  }
0x1b: {  	s9 =	sadd.s32 $0xFFFFFEF7, lr;
	s5 =	simm.s32 $0xFFFFFFFF;
	p2 =	slt.u32 s8, $0xFFFFF086  }
0x1c: {  	p1 =	slt.u32 s9, $0xF7A;
	s5 =	simm.s32 @!p2 $0x0  }
0x1d: {  	s5 =	simm.s32 @p1 $0x1;
	p0 =	seq.s32 s7, s2  }
0x1e: {  	s7 =	smul.u32 @!p0 $0xF7A, s2;
	p2 =	seq.s32 @!p0 s5, $0x0  }
0x1f: {  	s9 =	smul.u32 $0xF7A, s1;
	s8 =	simm.s32 @!p0 $0x1BF5;
	p2 =	por !p2, p0  }
0x20: {  	[sflag:s8] =	ssyncset.s32 @!p0 $0xFFFFF086;
	s6 =	sadd.s32 @!p0 s3, s7;
	s7 =	simm.s32 @!p0 $0x108  }
0x21: {  	s3 =	sadd.s32 s3, s9;
	s6 =	sadd.s32 @!p0 $0x88, s6;
	s7 =	simm.s32 @p2 $0x1082  }
0x22: {  	[simem:s7], [sflag:s8] =	dma.local @!p0 [hbm:s6], $0xF7A  }
0x23: {  	s9 =	sor.u32 $0xD0000000, s2;
	s6 =	simm.s32 $0x108;
	_ =	swait.ge @!p0 [sflag:s8], $0x0  }
0x24: {  	s3 =	sadd.s32 $0x88, s3;
	s6 =	simm.s32 @!p1 $0x1082;
	[sflag:s4] =	ssyncset.s32 $0xFFFFF086  }
0x25: {  	[simem:s6], [sflag:s4] =	dma.local [hbm:s3], $0xF7A  }
0x26: {  	[smem:$0x3F95] =	sst s1;
	(tag) =	ssettag s2;
	_ =	strace s9  }
0x27: {  	s1 =	sld [smem:$0x3FA5]  }
0x28: {  	s2 =	sld [smem:$0x3FA6]  }
0x29: {  	s4 =	sld [smem:$0x3FA8]  }
0x2a: {  	p0 =	seq.s32 s5, $0x0;
	s5 =	sld [smem:$0x3FA9]  }
0x2b: {  	s6 =	sld [smem:$0x3FAA]  }
0x2c: {  	s7 =	sld [smem:$0x3FAB]  }
0x2d: {  	s3 =	simm.s32 $0x108;
	s8 =	sld [smem:$0x3FAC]  }
0x2e: {  	s3 =	simm.s32 @!p0 $0x1082;
	s9 =	sld [smem:$0x3FAD]  }
0x2f: {  	lr =	sadd.s32 s0, s3;
	s0 =	sld [smem:$0x3FA4]  }
0x30: {  	s3 =	sld [smem:$0x3FA7]  }
0x31: {  	[smem:$0x3FB0] =	sst s10  }
0x32: {  	s10 =	sld [smem:$0x3FAE];
	_ =	sdelay $0x3  }
0x33: {  	p0 =	seq.s32 s10, $0x1;
	s10 =	sld [smem:$0x3FB0];
	_ =	sdelay $0x3  }
0x34: {  	[smem:$0x3FB0] =	sst s10  }
0x35: {  	s10 =	sld [smem:$0x3FAF];
	_ =	sdelay $0x3  }
0x36: {  	p1 =	seq.s32 s10, $0x1;
	s10 =	sld [smem:$0x3FB0];
	_ =	sdelay $0x3  }
0x37: {  	[smem:$0x3FB0] =	sst s10  }
0x38: {  	s10 =	sld [smem:$0x3FB1]  }
0x39: {  	_ = 	snop;
	(pc) =	sbr.ind lr, $3  }
0x3a: {  	_ = 	snop  }
0x3b: {  	_ = 	snop  }
0x3c: {  	p2 =	seq.s32 s10, $0x1;
	s10 =	sld [smem:$0x3FB0]  }
0x3d: {  	_ =	shalt  }
0x3e: {  	_ =	shalt  }
0x3f: {  	_ =	shalt  }
0x40: {  	_ =	shalt  }
0x41: {  	_ =	shalt  }
0x42: {  	_ =	shalt  }
0x43: {  	_ =	shalt  }
0x44: {  	_ =	shalt  }
0x45: {  	_ =	shalt  }
0x46: {  	_ =	shalt  }
0x47: {  	_ =	shalt  }
0x48: {  	_ =	shalt  }
0x49: {  	_ =	shalt  }
0x4a: {  	_ =	shalt  }
0x4b: {  	_ =	shalt  }
0x4c: {  	_ =	shalt  }
0x4d: {  	_ =	shalt  }
0x4e: {  	_ =	shalt  }
0x4f: {  	_ =	shalt  }
0x50: {  	_ =	shalt  }
0x51: {  	_ =	shalt  }
0x52: {  	_ =	shalt  }
0x53: {  	_ =	shalt  }
0x54: {  	_ =	shalt  }
0x55: {  	_ =	shalt  }
0x56: {  	_ =	shalt  }
0x57: {  	_ =	shalt  }
0x58: {  	_ =	shalt  }
0x59: {  	_ =	shalt  }
0x5a: {  	_ =	shalt  }
0x5b: {  	_ =	shalt  }
0x5c: {  	_ =	shalt  }
0x5d: {  	_ =	shalt  }
0x5e: {  	_ =	shalt  }
0x5f: {  	_ =	shalt  }
0x60: {  	_ =	shalt  }
0x61: {  	_ =	shalt  }
0x62: {  	_ =	shalt  }
0x63: {  	_ =	shalt  }
0x64: {  	_ =	shalt  }
0x65: {  	_ =	shalt  }
0x66: {  	_ =	shalt  }
0x67: {  	_ =	shalt  }
0x68: {  	_ =	shalt  }
0x69: {  	_ =	shalt  }
0x6a: {  	_ =	shalt  }
0x6b: {  	_ =	shalt  }
0x6c: {  	_ =	shalt  }
0x6d: {  	_ =	shalt  }
0x6e: {  	_ =	shalt  }
0x6f: {  	_ =	shalt  }
0x70: {  	_ =	shalt  }
0x71: {  	_ =	shalt  }
0x72: {  	_ =	shalt  }
0x73: {  	_ =	shalt  }
0x74: {  	_ =	shalt  }
0x75: {  	_ =	shalt  }
0x76: {  	_ =	shalt  }
0x77: {  	_ =	shalt  }
0x78: {  	_ =	shalt  }
0x79: {  	_ =	shalt  }
0x7a: {  	_ =	shalt  }
0x7b: {  	_ =	shalt  }
0x7c: {  	_ =	shalt  }
0x7d: {  	_ =	shalt  }
0x7e: {  	_ =	shalt  }
0x7f: {  	_ =	shalt  }
0x80: {  	_ =	shalt  }
0x81: {  	_ =	shalt  }
0x82: {  	_ =	shalt  }
0x83: {  	_ =	shalt  }
0x84: {  	_ =	shalt  }
0x85: {  	_ =	shalt  }
0x86: {  	_ =	shalt  }
0x87: {  	_ =	shalt  }
.Lfunc_end0:
.L_simem_size_0:
called_computation_lowered:
.L_overlay_start_0:
0x88: {  	s2 =	sld [smem:$0x3FD9]  }
0x89: {  	s3 =	sld [smem:$0x3FFE];
	_ =	sdelay $0x1  }
0x8a: {  	s1 =	srdreg.scid  }
0x8b: {  	s0 =	sand.u32 $0x1, s1  }
0x8c: {  	s17 =	sshll.u32 s0, $0xA;
	s2 =	sadd.s32 s3, s2  }
0x8d: {  	s2 =	sadd.s32 s2, s17  }
0x8e: {  	[smem:$0x3FBC] =	sst s2  }
0x8f: {  	_ = 	snop  }
0x90: {  	s2 =	sld [smem:$0x3FC9]  }
0x91: {  	s18 =	sld [smem:$0x3FC8]  }
0x92: {  	s4 =	sld [smem:$0x3FC6];
	(tm) =	ssettm $0x1  }
0x93: {  	s5 =	sld [smem:$0x3FFB];
	_ =	sdelay $0x3  }
0x94: {  	_ =	strace s5  }
0x95: {  	s5 =	sld [smem:$0x3FFC];
	_ =	sdelay $0x3  }
0x96: {  	_ =	strace s5  }
0x97: {  	s5 =	sld [smem:$0x3FFD];
	_ =	sdelay $0x3  }
0x98: {  	_ =	strace s5  }
0x99: {  	_ =	strace $0x8FFFFFFF  }
0x9a: {  	s19 =	sld [smem:$0x3FDB];
	_ =	sdelay $0x1  }
0x9b: {  	s6 =	simm.s32 $_scs_section_size  }
0x9c: {  	s7 =	simm.s32 $_size__tile_overlayer_lowered;
	s8 =	simm.s32 $_tile_overlayer_lowered  }
0x9d: {  	s22 =	simm.s32 $0x1BFF;
	s21 =	sshll.u32 s8, $0x1;
	s5 =	sadd.s32 s6, s19  }
0x9e: {  	s9 =	simm.s32 $0x0;
	s20 =	sshll.u32 s7, $0x1;
	s7 =	sadd.s32 s21, s5  }
0x9f: {  	[timem:s9], [sflag:s22] =	dma.local [hbm:s7], s20  }
0xa0: {  	_ =	swait.ge [sflag:s22], s20  }
0xa1: {  	s6 =	ssub.s32 $0x0, s20;
	[sflag:s22] =	ssyncset.done $0x0  }
0xa2: {  	[sflag:s22] =	ssyncadd.s32 s6;
	_ =	sdelay $0x1  }
0xa3: {  	s23 =	simm.s32 $0x1B8B  }
0xa4: {  	_ =	swait.ge [sflag:s23], $0x1  }
0xa5: {  	[sflag:s23] =	ssyncset.done $0x0  }
0xa6: {  	s25 =	simm.s32 $0x1B8E;
	s24 =	sld [smem:$0x3FFE];
	[sflag:s23] =	ssyncadd.s32 $0xFFFFFFFF  }
0xa7: {  	s26 =	simm.s32 $execute0_lowered;
	[smem:$0x3FD2] =	sst s25  }
0xa8: {  	s7 =	sshll.u32 s26, $0x1;
	_ =	strace $0x80000046;
	[dreg:$0x1] =	wrdreg $0xFFFFFFFF  }
0xa9: {  	s28 =	simm.s32 $_size_execute0_lowered;
	s5 =	sadd.s32 s5, s7;
	[dreg:$0x0] =	wrdreg $0x0  }
0xaa: {  	s7 =	sshll.u32 s28, $0x1;
	[dreg:$0x2] =	wrdreg s5  }
0xab: {  	[dreg:$0x3] =	wrdreg s7  }
0xac: {  	[dreg:$0x4] =	wrdreg $0xC0  }
0xad: {  	_ =	task [dreg:s9], $0x5FFFF  }
0xae: {  	[dreg:$0x1] =	wrdreg $0xFFFFFFFF  }
0xaf: {  	[dreg:$0x0] =	wrdreg $0x60  }
0xb0: {  	[dreg:$0x2] =	wrdreg s24  }
0xb1: {  	[dreg:$0x3] =	wrdreg s4  }
0xb2: {  	[dreg:$0x4] =	wrdreg s2  }
0xb3: {  	[dreg:$0x5] =	wrdreg s18  }
0xb4: {  	[dreg:$0x6] =	wrdreg $0x0  }
0xb5: {  	[dreg:$0x7] =	wrdreg $0x9  }
0xb6: {  	_ =	task.clear_ibuf [dreg:s9], $0x8FFFF;
	_ =	strace $0x90000046  }
0xb7: {  	s29 =	simm.s32 $0x9;
	_ =	strace $0x80000048  }
0xb8: {  	_ =	swait.ge [sflag:s29], $0x1  }
0xb9: {  	[sflag:s29] =	ssyncadd.s32 $0xFFFFFFFF  }
0xba: {  	_ =	strace $0x90000048  }
0xbb: {  	_ =	sfence  }
0xbc: {  	s30 =	sld [smem:$0x0];
	_ =	sdelay $0x2  }
0xbd: {  	s31 =	sshll.u32 s1, $0xD;
	s1 =	sshrl.u32 s1, $0x2  }
0xbe: {  	s3 =	sand.u32 $0x4000, s31;
	s1 =	sadd.s32 s1, s30  }
0xbf: {  	s0 =	sor.u32 s3, s0;
	s1 =	sshll.u32 s1, $0x11  }
0xc0: {  	s0 =	sor.u32 s1, s0  }
0xc1: {  	s0 =	sadd.s32 $0x8F2B, s0  }
0xc2: {  	[sflag:s0] =	ssyncadd.remote.s32 $0x1  }
0xc3: {  	_ =	sfence.sel $0xFFFF  }
0xc4: {  	[dreg:$0x0] =	wrdreg $0xFFFFFFFF;
	(pc) =	sbr.abs _section_cstart, $3  }
0xc5: {  	[dreg:$0x1] =	wrdreg $0xFFFFFFFF  }
0xc6: {  	_ =	task.clear_ibuf [dreg:s9], $0x2FFFF;
	_ =	strace $0x9FFFFFFF  }
0xc7: {  	(tm) =	ssettm $0x7FFFFFFF  }
tec
execute0_lowered:
.L_overlay_start_1:
0x0: {  	(tag) =	ssettag $0x1  }
0x1: {  	s0 =	rddreg [dreg:$0x0]  }
0x2: {  	s1 =	rddreg [dreg:$0x1]  }
0x3: {  	s5 =	rddreg [dreg:$0x2]  }
0x4: {  	s7 =	rddreg [dreg:$0x3];
	s3 =	srdreg.scid  }
0x5: {  	s2 =	rddreg [dreg:$0x4];
	s18 =	stileid.u32  }
0x6: {  	s30 =	simm.s32 $0x7;
	s31 =	simm.s32 $0x18700;
	s29 =	simm.s32 $0x1B920  }
0x7: {  	s8 =	sand.u32 $0x1, s3;
	s3 =	simm.s32 $0x0;
	s6 =	sadd.s32 $0x1C00, s0  }
0x8: {  	s11 =	sadd.s32 $0x63800, s0;
	s13 =	sshll.u32 s18, $0x6;
	s15 =	sshll.u32 s18, $0x9  }
0x9: {  	p0 =	sgt.u32 s18, $0x7;
	s4 =	smul.u32 $0x30D40, s8;
	[smem:$0x7FF] =	sst s3  }
0xa: {  	s9 =	smul.u32 $0x30E00, s8;
	s20 =	sshll.u32 s8, $0xE;
	s12 =	ssub.s32 $0x2, s8  }
0xb: {  	s8 =	smul.u32 $0x186A0, s18;
	s14 =	sor.u32 $0x1C07, s13;
	s24 =	sor.u32 $0x100, s15  }
0xc: {  	s13 =	sadd.s32 s5, s13;
	_ =	strace $0x80000047;
	[dreg:$0x6] =	wrdreg s11  }
0xd: {  	s26 =	sadd.s32 $0xFFFFF000, s15;
	s19 =	sadd.s32 $0xFFFFF100, s15;
	[dreg:$0x7] =	wrdreg s14  }
0xe: {  	s21 =	sshrl.u32 s12, $0x1;
	s25 =	sshrl.u32 s24, $0x3;
	[dreg:$0xb] =	wrdreg s13  }
0xf: {  	s13 =	simm.s32 $0x18890;
	s10 =	sadd.s32 s4, s0;
	s4 =	sadd.s32 $0x32A00, s0  }
0x10: {  	s9 =	sadd.s32 s9, s0;
	s0 =	sadd.s32 s20, s0;
	s11 =	ssub.s32 s12, s21  }
0x11: {  	s12 =	smul.u32 $0x18700, s18;
	s22 =	sshrl.u32 s8, $0x3;
	s5 =	sadd.s32 s5, s25  }
0x12: {  	s20 =	sshrl.u32 s19, $0x3;
	s21 =	sshll.u32 s18, $0xA;
	s18 =	simm.s32 $0xC8  }
0x13: {  	s19 =	simm.s32 $0x193A0;
	s16 =	sadd.s32 s4, s22;
	[dreg:$0xc] =	wrdreg s5  }
0x14: {  	s23 =	sadd.s32 s6, s22;
	s17 =	sadd.s32 s1, s22;
	[dreg:$0x8] =	wrdreg s16  }
0x15: {  	s14 =	sadd.s32 $0x32, s22;
	s0 =	sadd.s32 $0x18BE00, s0;
	[dreg:$0x9] =	wrdreg s23  }
0x16: {  	s22 =	sshll.u32 s24, $0x1;
	[dreg:$0xa] =	wrdreg s17;
	s28 =	sadd.s32 s4, s14  }
0x17: {  	s17 =	sshrl.u32 s26, $0x3;
	s23 =	sadd.s32 s6, s14;
	[dreg:$0xd] =	wrdreg s28  }
0x18: {  	s24 =	sadd.s32 s1, s14;
	s25 =	sadd.s32 s12, s2;
	[dreg:$0x12] =	wrdreg s23  }
0x19: {  	s26 =	sshrl.u32 s12, $0x3;
	s16 =	simm.s32 $0x19200;
	[dreg:$0x13] =	wrdreg s24  }
0x1a: {  	s14 =	simm.s32 $0x1ACA0;
	s5 =	sadd.s32 s7, s17;
	[dreg:$0x14] =	wrdreg s25  }
0x1b: {  	[dreg:$0x15] =	wrdreg s26;
	s25 =	sadd.s32 $0x66A00, s9;
	s26 =	sadd.s32 $0xC8600, s9  }
0x1c: {  	s28 =	smax.u32 s11, $0x1;
	s17 =	simm.s32 $0x1;
	[dreg:$0xe] =	wrdreg s5  }
0x1d: {  	s23 =	simm.s32 $0x18958;
	s5 =	sadd.s32 s7, s20;
	[dreg:$0x17] =	wrdreg s28  }
0x1e: {  	s20 =	sadd.s32 $0x12A200, s9;
	s7 =	simm.s32 $0x190;
	[dreg:$0xf] =	wrdreg s5  }
0x1f: {  	s5 =	sadd.s32 s21, s0;
	s0 =	sadd.s32 s22, s0;
	[dreg:$0x16] =	wrdreg s20  }
0x20: {  	s22 =	sadd.s32 $0x30F000, s10;
	s10 =	simm.s32 $0x0;
	[dreg:$0x10] =	wrdreg s5  }
0x21: {  	[dreg:$0x11] =	wrdreg s0;
	s0 =	simm.s32 $0x3;
	s5 =	simm.s32 $0x2  }
.LBB2_1:
0x22: {  	[dreg:$0x18] =	wrdreg s10  }
0x23: {  	s9 =	rddreg [dreg:$0x14]  }
0x24: {  	s10 =	rddreg [dreg:$0x6]  }
0x25: {  	s11 =	rddreg [dreg:$0x7];
	s15 =	sshrl.u32 s9, $0x3  }
0x26: {  	[spmem:s15], [sflag:s11] =	dma.local [hbm:s10], $0x30E0  }
0x27: {  	_ =	swait.ge [sflag:s30], $0x30E0  }
0x28: {  	[sflag:s30] =	ssyncset.done $0x0  }
0x29: {  	[sflag:s30] =	ssyncadd.s32 $0xFFFFCF20  }
0x2a: {  	[bflag:$0x0] =	sbarrier.arrive $0xFFFF  }
0x2b: {  	s12 =	rddreg [dreg:$0x8]  }
0x2c: {  	[tilespmem:s31], [sflag:$0x1] =	stream.linear.gather [hbm4b:s12+s3], $0x190, $0x38;
	[tilespmem:$0x1C5A0] =	vst v63  }
0x2d: {  	s21 =	simm.s32 $0x18A20;
	s20 =	rddreg [dreg:$0x9]  }
0x2e: {  	[tilespmem:s21], [sflag:$0x1] =	stream.linear.gather [hbm4b:s20+s3], $0x190, $0x38;
	[tilespmem:$0x1C5A0] =	vst v63  }
0x2f: {  	s28 =	simm.s32 $0x19060;
	s24 =	rddreg [dreg:$0xa]  }
0x30: {  	[tilespmem:s28], [sflag:$0x1] =	stream.linear.gather [hbm4b:s24+s3], $0x190, $0x38;
	[tilespmem:$0x1C5A0] =	vst v63  }
0x31: {  	s11 =	rddreg [dreg:$0xd]  }
0x32: {  	[tilespmem:s13], [sflag:$0x2] =	stream.linear.gather [hbm4b:s11+s3], $0x190, $0x38;
	[tilespmem:$0x1C5A0] =	vst v63  }
0x33: {  	s12 =	rddreg [dreg:$0x12];
	s20 =	simm.s32 $0x18BB0  }
0x34: {  	[tilespmem:s20], [sflag:$0x2] =	stream.linear.gather [hbm4b:s12+s3], $0x190, $0x38;
	[tilespmem:$0x1C5A0] =	vst v63  }
0x35: {  	s21 =	rddreg [dreg:$0x13]  }
0x36: {  	[tilespmem:s16], [sflag:$0x2] =	stream.linear.gather [hbm4b:s21+s3], $0x190, $0x38;
	[tilespmem:$0x1C5A0] =	vst v63  }
0x37: {  	_ =	swait.ge [sflag:s17], $0x190  }
0x38: {  	[sflag:s17] =	ssyncset.done $0x0  }
0x39: {  	[sflag:s17] =	ssyncadd.s32 $0xFFFFFE70  }
0x3a: {  	_ =	swait.ge [sflag:s17], $0x190  }
0x3b: {  	[sflag:s17] =	ssyncset.done $0x0  }
0x3c: {  	[sflag:s17] =	ssyncadd.s32 $0xFFFFFE70  }
0x3d: {  	_ =	swait.ge [sflag:s17], $0x190  }
0x3e: {  	[sflag:s17] =	ssyncset.done $0x0  }
0x3f: {  	[sflag:s17] =	ssyncadd.s32 $0xFFFFFE70  }
0x40: {  	[tilespmem:s19], [sflag:$0x3] =	stream.indirect.gather [hbm4b:s22+s18], $0x10, s31, s18, $0xb8;
	[tilespmem:$0x1C5A0] =	vst v63  }
0x41: {  	s24 =	simm.s32 $0x187C8;
	s28 =	simm.s32 $0x1A020;
	s20 =	simm.s32 $0x0  }
0x42: {  	[tilespmem:s28], [sflag:$0x3] =	stream.indirect.gather [hbm4b:s22+s18], $0x10, s24, s18, $0xb8;
	[tilespmem:$0x1C5A0] =	vst v63  }
.LBB2_2:
0x43: {  	_ =	swait.ge [sflag:s0], $0xC80  }
0x44: {  	[sflag:s0] =	ssyncset.done $0x0  }
0x45: {  	[sflag:s0] =	ssyncadd.s32 $0xFFFFF380  }
0x46: {  	_ =	swait.ge [sflag:s0], $0xC80  }
0x47: {  	p1 =	seq.s32 s20, $0x0;
	[sflag:s0] =	ssyncset.done $0x0  }
0x48: {  	s9 =	simm.s32 @!p1 $0x6;
	[sflag:s0] =	ssyncadd.s32 $0xFFFFF380  }
0x49: {  	_ =	swait.ge @!p1 [sflag:s9], $0x1900  }
0x4a: {  	[sflag:s9] =	ssyncset.done @!p1 $0x0  }
0x4b: {  	[sflag:s9] =	ssyncadd.s32 @!p1 $0xFFFFE700  }
0x4c: {  	_ =	swait.ge [sflag:s5], $0x190  }
0x4d: {  	[sflag:s5] =	ssyncset.done $0x0  }
0x4e: {  	[sflag:s5] =	ssyncadd.s32 $0xFFFFFE70  }
0x4f: {  	_ =	swait.ge [sflag:s5], $0x190  }
0x50: {  	[sflag:s5] =	ssyncset.done $0x0  }
0x51: {  	[sflag:s5] =	ssyncadd.s32 $0xFFFFFE70  }
0x52: {  	_ =	swait.ge [sflag:s5], $0x190  }
0x53: {  	[sflag:s5] =	ssyncset.done $0x0  }
0x54: {  	[sflag:s5] =	ssyncadd.s32 $0xFFFFFE70  }
0x55: {  	[tilespmem:s14], [sflag:$0x4] =	stream.indirect.gather [hbm4b:s22+s18], $0x10, s13, s18, $0xb8;
	[tilespmem:$0x1C5A0] =	vst v63  }
0x56: {  	s12 =	simm.s32 $0x0  }
0x57: {  	[tilespmem:s29], [sflag:$0x4] =	stream.indirect.gather [hbm4b:s22+s18], $0x10, s23, s18, $0xb8;
	[tilespmem:$0x1C5A0] =	vst v63  }
0x58: {  	s24 =	simm.s32 $0x19420;
	v0 =	vld [tilespmem:s12+$0x19060]  }
0x59: {  	v1 =	vld [tilespmem:s24+$0x70]  }
0x5a: {  	v2 =	vld [tilespmem:s24+$0xFFFFFF80]  }
0x5b: {  	v3 =	vld [tilespmem:s24+$0xFFFFFF90]  }
0x5c: {  	s21 =	simm.s32 $0x10;
	v4 =	vld [tilespmem:s24+$0xFFFFFFA0]  }
0x5d: {  	v19 =	vld [tilespmem:s21+$0x19060];
	v5 =	vbroadcast v0, $0xF  }
0x5e: {  	v6 =	vld [tilespmem:s24+$0xFFFFFFB0];
	v12 =	vbroadcast v0, $0x1;
	v14 =	vbroadcast v0, $0x2  }
0x5f: {  	v7 =	vld [tilespmem:s24+$0xFFFFFFC0];
	v16 =	vbroadcast v0, $0x5;
	v17 =	vbroadcast v0, $0x8  }
0x60: {  	v8 =	vld [tilespmem:s24+$0xFFFFFFE0];
	v18 =	vbroadcast v0, $0xA;
	v20 =	vbroadcast v0, $0xB  }
0x61: {  	v13 =	vld [tilespmem:s24+$0x30];
	v21 =	vbroadcast v0, $0xC;
	v22 =	vbroadcast v0, $0xD  }
0x62: {  	v15 =	vld [tilespmem:s24+$0x40];
	v26 =	vbroadcast v19, $0x2;
	v27 =	vbroadcast v19, $0x3  }
0x63: {  	v9 =	vld [tilespmem:s24+$0xFFFFFFF0];
	v28 =	vbroadcast v19, $0x4;
	v29 =	vbroadcast v19, $0x5  }
0x64: {  	v10 =	vld [tilespmem:s24+$0x0];
	v30 =	vbroadcast v19, $0x6;
	v1 =	vmul.f32 v1, v5  }
0x65: {  	s11 =	simm.s32 $0x19520;
	v11 =	vld [tilespmem:s24+$0x10];
	v3 =	vmul.f32 v3, v12;
	v12 =	vbroadcast v0, $0x4  }
0x66: {  	v23 =	vld [tilespmem:s11+$0x70];
	v4 =	vmul.f32 v4, v14;
	v14 =	vbroadcast v0, $0x7  }
0x67: {  	v24 =	vld [tilespmem:s11+$0xFFFFFFC0];
	v20 =	vmul.f32 v13, v20;
	v15 =	vmul.f32 v15, v21;
	[tilespmem:s24+$0x70] =	vst v1  }
0x68: {  	v5 =	vld [tilespmem:s24+$0xFFFFFFD0];
	v21 =	vbroadcast v19, $0x1;
	v1 =	vbroadcast v0, $0x0;
	[tilespmem:s24+$0xFFFFFF90] =	vst v3  }
0x69: {  	v25 =	vld [tilespmem:s11+$0xFFFFFFE0];
	v3 =	vbroadcast v0, $0x6;
	[tilespmem:s24+$0xFFFFFFA0] =	vst v4;
	v7 =	vmul.f32 v7, v12  }
0x6a: {  	v13 =	vld [tilespmem:s11+$0x20];
	v4 =	vbroadcast v0, $0x9;
	[tilespmem:s24+$0x30] =	vst v20;
	v1 =	vmul.f32 v1, v2  }
0x6b: {  	v12 =	vld [tilespmem:s11+$0x10];
	v3 =	vmul.f32 v8, v3;
	v8 =	vmul.f32 v9, v14;
	[tilespmem:s24+$0xFFFFFFC0] =	vst v7  }
0x6c: {  	v2 =	vld [tilespmem:s24+$0x20];
	v9 =	vmul.f32 v10, v17;
	v4 =	vmul.f32 v11, v4;
	[tilespmem:s24+$0xFFFFFF80] =	vst v1  }
0x6d: {  	v14 =	vld [tilespmem:s11+$0xFFFFFF90];
	v10 =	vbroadcast v19, $0xF;
	v5 =	vmul.f32 v5, v16;
	[tilespmem:s24+$0xFFFFFFE0] =	vst v3  }
0x6e: {  	v17 =	vld [tilespmem:s11+$0xFFFFFFA0];
	v1 =	vbroadcast v0, $0x3;
	v0 =	vbroadcast v0, $0xE;
	[tilespmem:s24+$0xFFFFFFF0] =	vst v8  }
0x6f: {  	v16 =	vld [tilespmem:s11+$0xFFFFFF80];
	v3 =	vbroadcast v19, $0x0;
	[tilespmem:s24+$0x0] =	vst v9;
	v9 =	vbroadcast v19, $0x8  }
0x70: {  	v7 =	vld [tilespmem:s11+$0xFFFFFFF0];
	[tilespmem:s24+$0x10] =	vst v4;
	v8 =	vbroadcast v19, $0x9;
	v4 =	vbroadcast v19, $0xC  }
0x71: {  	[tilespmem:s24+$0xFFFFFFD0] =	vst v5;
	v5 =	vmul.f32 v23, v10;
	v1 =	vmul.f32 v6, v1;
	v6 =	vld [tilespmem:s24+$0x50]  }
0x72: {  	[tilespmem:s24+$0x40] =	vst v15;
	v23 =	vld [tilespmem:s11+$0xFFFFFFD0];
	v10 =	vbroadcast v19, $0xA;
	v2 =	vmul.f32 v2, v18  }
0x73: {  	v18 =	vld [tilespmem:s11+$0xFFFFFFB0];
	[tilespmem:s11+$0x70] =	vst v5;
	v5 =	vbroadcast v19, $0xB;
	v20 =	vmul.f32 v17, v26  }
0x74: {  	v11 =	vld [tilespmem:s11+$0x0];
	v17 =	vmul.f32 v25, v30;
	[tilespmem:s24+$0x20] =	vst v2;
	v2 =	vmul.f32 v3, v16  }
0x75: {  	[tilespmem:s24+$0xFFFFFFB0] =	vst v1;
	v1 =	vld [tilespmem:s24+$0x60];
	v16 =	vmul.f32 v14, v21;
	v3 =	vbroadcast v19, $0xD  }
0x76: {  	v14 =	vld [tilespmem:s11+$0x30];
	v22 =	vmul.f32 v6, v22;
	v6 =	vbroadcast v19, $0x7;
	[tilespmem:s11+$0xFFFFFF80] =	vst v2  }
0x77: {  	s10 =	simm.s32 $0xC0;
	v15 =	vld [tilespmem:s11+$0x40];
	v2 =	vbroadcast v19, $0xE;
	[tilespmem:s11+$0xFFFFFF90] =	vst v16;
	v19 =	vmul.f32 v23, v29  }
0x78: {  	s28 =	simm.s32 $0x19520;
	s9 =	simm.s32 $0x20;
	s21 =	sshll.u32 s20, $0x1;
	v16 =	vld [tilespmem:s11+$0x50];
	v21 =	vmul.f32 v18, v27;
	v18 =	vmul.f32 v24, v28;
	[tilespmem:s24+$0x50] =	vst v22  }
.LBB2_3:
0x79: {  	p1 =	sne.s32 s10, $0x600;
	v22 =	vld [tilespmem:s9+$0x19060];
	[tilespmem:s11+$0xFFFFFFA0] =	vst v20;
	v6 =	vmul.f32 v7, v6;
	v7 =	vmul.f32 v11, v9  }
0x7a: {  	v8 =	vmul.f32 v12, v8;
	s11 =	sadd.s32 $0x100, s11;
	[tilespmem:s28+$0xFFFFFFB0] =	vst v21;
	v9 =	vmul.f32 v13, v10;
	v10 =	vld [tilespmem:s28+$0x60]  }
0x7b: {  	v11 =	vld [tilespmem:s11+$0x70];
	[tilespmem:s28+$0xFFFFFFC0] =	vst v18;
	v5 =	vmul.f32 v14, v5;
	v14 =	vmul.f32 v1, v0;
	v0 =	vmov v2  }
0x7c: {  	v2 =	vld [tilespmem:s11+$0xFFFFFF80];
	[tilespmem:s28+$0xFFFFFFD0] =	vst v19;
	v4 =	vmul.f32 v15, v4  }
0x7d: {  	v15 =	vld [tilespmem:s11+$0xFFFFFF90];
	[tilespmem:s28+$0xFFFFFFE0] =	vst v17;
	v13 =	vmul.f32 v16, v3  }
0x7e: {  	v16 =	vbroadcast v22, $0x0;
	v17 =	vld [tilespmem:s11+$0xFFFFFFA0];
	v3 =	vbroadcast v22, $0xF;
	[tilespmem:s28+$0xFFFFFFF0] =	vst v6  }
0x7f: {  	v18 =	vbroadcast v22, $0x1;
	v19 =	vbroadcast v22, $0x2;
	v21 =	vld [tilespmem:s11+$0xFFFFFFB0];
	[tilespmem:s28+$0x0] =	vst v7;
	v1 =	vmov v10  }
0x80: {  	v23 =	vbroadcast v22, $0x3;
	v24 =	vld [tilespmem:s11+$0xFFFFFFC0];
	v3 =	vmul.f32 v11, v3;
	[tilespmem:s28+$0x10] =	vst v8  }
0x81: {  	v25 =	vbroadcast v22, $0x4;
	v27 =	vbroadcast v22, $0x5;
	v26 =	vld [tilespmem:s11+$0xFFFFFFD0];
	[tilespmem:s28+$0x20] =	vst v9  }
0x82: {  	v29 =	vbroadcast v22, $0x6;
	v6 =	vbroadcast v22, $0x7;
	v28 =	vld [tilespmem:s11+$0xFFFFFFE0];
	[tilespmem:s11+$0x70] =	vst v3  }
0x83: {  	v8 =	vbroadcast v22, $0x9;
	v9 =	vbroadcast v22, $0x8;
	v7 =	vld [tilespmem:s11+$0xFFFFFFF0];
	[tilespmem:s28+$0x30] =	vst v5  }
0x84: {  	v10 =	vbroadcast v22, $0xA;
	v5 =	vbroadcast v22, $0xB;
	v11 =	vld [tilespmem:s11+$0x0];
	[tilespmem:s28+$0x40] =	vst v4  }
.Ltmp0:
0x85: {  	v3 =	vbroadcast v22, $0xD;
	v4 =	vbroadcast v22, $0xC;
	v12 =	vld [tilespmem:s11+$0x10];
	[tilespmem:s28+$0x50] =	vst v13;
	(pc) =	sbr.rel @p1 .LBB2_3-.Ltmp0, $4  }
0x86: {  	v16 =	vmul.f32 v16, v2;
	v2 =	vbroadcast v22, $0xE;
	v13 =	vld [tilespmem:s11+$0x20];
	[tilespmem:s24+$0x60] =	vst v14;
	s24 =	smov.u32 s28;
	s28 =	smov.u32 s11  }
0x87: {  	v20 =	vmul.f32 v17, v19;
	v22 =	vmul.f32 v15, v18;
	v14 =	vld [tilespmem:s11+$0x30]  }
0x88: {  	v21 =	vmul.f32 v21, v23;
	v18 =	vmul.f32 v24, v25;
	[tilespmem:s11+$0xFFFFFF80] =	vst v16;
	v15 =	vld [tilespmem:s11+$0x40]  }
0x89: {  	s9 =	sshra.s32 s10, $0x2;
	s10 =	sadd.s32 $0x40, s10;
	v19 =	vmul.f32 v26, v27;
	v17 =	vmul.f32 v28, v29;
	[tilespmem:s11+$0xFFFFFF90] =	vst v22;
	v16 =	vld [tilespmem:s11+$0x50]  }
0x8a: {  	[tilespmem:s11+$0xFFFFFFA0] =	vst v20  }
0x8b: {  	[tilespmem:s28+$0xFFFFFFB0] =	vst v21  }
0x8c: {  	[tilespmem:s28+$0xFFFFFFC0] =	vst v18  }
0x8d: {  	v20 =	vld [tilespmem:s9+$0x19060];
	v6 =	vmul.f32 v7, v6;
	[tilespmem:s28+$0xFFFFFFD0] =	vst v19  }
0x8e: {  	s12 =	sadd.s32 $0x100, s11;
	v7 =	vmul.f32 v11, v9;
	[tilespmem:s28+$0xFFFFFFE0] =	vst v17  }
0x8f: {  	v8 =	vmul.f32 v12, v8;
	v22 =	vld [tilespmem:s12+$0x70];
	[tilespmem:s28+$0xFFFFFFF0] =	vst v6  }
0x90: {  	v6 =	vmul.f32 v13, v10;
	[tilespmem:s28+$0x0] =	vst v7  }
0x91: {  	v0 =	vmul.f32 v1, v0;
	[tilespmem:s28+$0x10] =	vst v8;
	v8 =	vld [tilespmem:s12+$0xFFFFFF90]  }
0x92: {  	v5 =	vmul.f32 v14, v5;
	[tilespmem:s28+$0x20] =	vst v6;
	v6 =	vld [tilespmem:s12+$0xFFFFFFA0];
	v9 =	vbroadcast v20, $0xF  }
0x93: {  	v7 =	vld [tilespmem:s12+$0xFFFFFF80];
	[tilespmem:s24+$0x60] =	vst v0;
	v4 =	vmul.f32 v15, v4  }
0x94: {  	[tilespmem:s28+$0x30] =	vst v5;
	v5 =	vld [tilespmem:s12+$0xFFFFFFC0];
	v1 =	vbroadcast v20, $0x1;
	v9 =	vmul.f32 v22, v9  }
0x95: {  	v10 =	vld [tilespmem:s12+$0xFFFFFFB0];
	v3 =	vmul.f32 v16, v3;
	[tilespmem:s28+$0x40] =	vst v4;
	v4 =	vbroadcast v20, $0x2  }
0x96: {  	v0 =	vmul.f32 v8, v1;
	v8 =	vld [tilespmem:s12+$0xFFFFFFF0];
	[tilespmem:s12+$0x70] =	vst v9;
	v9 =	vbroadcast v20, $0x0  }
0x97: {  	v11 =	vld [tilespmem:s12+$0xFFFFFFD0];
	[tilespmem:s28+$0x50] =	vst v3;
	v1 =	vbroadcast v20, $0x4;
	v4 =	vmul.f32 v6, v4  }
0x98: {  	[tilespmem:s12+$0xFFFFFF90] =	vst v0;
	v3 =	vmul.f32 v9, v7;
	v7 =	vbroadcast v20, $0x3;
	v9 =	vld [tilespmem:s12+$0xFFFFFFE0]  }
0x99: {  	v6 =	vld [tilespmem:s12+$0x0];
	v1 =	vmul.f32 v5, v1;
	[tilespmem:s12+$0xFFFFFFA0] =	vst v4;
	v4 =	vbroadcast v20, $0x7  }
0x9a: {  	[tilespmem:s12+$0xFFFFFF80] =	vst v3;
	v3 =	vbroadcast v20, $0x5;
	v7 =	vmul.f32 v10, v7;
	v10 =	vld [tilespmem:s12+$0x10]  }
0x9b: {  	v0 =	vbroadcast v20, $0x6;
	v5 =	vld [tilespmem:s12+$0x20];
	[tilespmem:s12+$0xFFFFFFC0] =	vst v1;
	v4 =	vmul.f32 v8, v4  }
0x9c: {  	v3 =	vmul.f32 v11, v3;
	[tilespmem:s12+$0xFFFFFFB0] =	vst v7;
	v7 =	vbroadcast v20, $0x8;
	v11 =	vld [tilespmem:s12+$0x30]  }
0x9d: {  	v1 =	vbroadcast v20, $0x9;
	[tilespmem:s12+$0xFFFFFFF0] =	vst v4;
	v0 =	vmul.f32 v9, v0;
	v9 =	vld [tilespmem:s12+$0x40]  }
0x9e: {  	v8 =	vld [tilespmem:s12+$0x50];
	[tilespmem:s12+$0xFFFFFFD0] =	vst v3;
	v3 =	vbroadcast v20, $0xA;
	v6 =	vmul.f32 v6, v7  }
0x9f: {  	v21 =	vld [tilespmem:s28+$0x60];
	[tilespmem:s12+$0xFFFFFFE0] =	vst v0;
	v0 =	vbroadcast v20, $0xB;
	v1 =	vmul.f32 v10, v1  }
0xa0: {  	v4 =	vbroadcast v20, $0xC;
	v3 =	vmul.f32 v5, v3;
	v5 =	vld [tilespmem:s12+$0x60];
	[tilespmem:s12+$0x0] =	vst v6  }
0xa1: {  	v6 =	vbroadcast v20, $0xD;
	v0 =	vmul.f32 v11, v0;
	[tilespmem:s12+$0x10] =	vst v1  }
0xa2: {  	v1 =	vmul.f32 v9, v4;
	[tilespmem:s12+$0x20] =	vst v3  }
0xa3: {  	s10 =	sand.u32 $0x2, s21;
	v3 =	vbroadcast v20, $0xE;
	v4 =	vmul.f32 v8, v6;
	[tilespmem:s12+$0x30] =	vst v0  }
0xa4: {  	s10 =	smul.u32 $0x640, s10;
	v0 =	vmul.f32 v21, v2;
	[tilespmem:s12+$0x40] =	vst v1  }
0xa5: {  	[tilespmem:s12+$0x50] =	vst v4;
	v1 =	vmul.f32 v5, v3  }
0xa6: {  	p1 =	seq.s32 s20, $0x7C;
	s11 =	sshrl.u32 s10, $0x2;
	[tilespmem:s28+$0x60] =	vst v0  }
0xa7: {  	s9 =	simm.s32 @p1 $0x4;
	s24 =	sadd.s32 $0x18A20, s11;
	[tilespmem:s12+$0x60] =	vst v1  }
0xa8: {  	[spmem:s2] =	stream.indirect.scatter.add.f32 [tilespmem:s19], [sflag:$0x5], $0x10, s24, s7, $0xb8;
	[tilespmem:$0x1C5A0] =	vst v63  }
0xa9: {  	_ =	swait.ge @p1 [sflag:s9], $0xC80  }
0xaa: {  	[sflag:s9] =	ssyncset.done @p1 $0x0  }
0xab: {  	[sflag:s9] =	ssyncadd.s32 @p1 $0xFFFFF380  }
0xac: {  	s10 =	sadd.s32 @!p1 $0x2, s21;
	_ =	swait.ge @p1 [sflag:s9], $0xC80  }
0xad: {  	s12 =	smul.u32 @!p1 $0x190, s10;
	[sflag:s9] =	ssyncset.done @p1 $0x0  }
0xae: {  	s28 =	simm.s32 @!p1 $0x18700;
	[sflag:s9] =	ssyncadd.s32 @p1 $0xFFFFF380;
	s9 =	simm.s32 @p1 $0x5  }
0xaf: {  	s10 =	sand.u32 @!p1 $0x2, s10;
	s12 =	sadd.s32 @!p1 s8, s12;
	_ =	swait.ge @p1 [sflag:s9], $0x1900  }
0xb0: {  	s24 =	simm.s32 @!p1 $0x0;
	s12 =	sshrl.u32 @!p1 s12, $0x3;
	[sflag:s9] =	ssyncset.done @p1 $0x0  }
0xb1: {  	s10 =	smul.u32 @!p1 $0x640, s10;
	[sflag:s9] =	ssyncadd.s32 @p1 $0xFFFFE700;
	s9 =	sadd.s32 @!p1 s4, s12  }
0xb2: {  	[tilespmem:s28], [sflag:$0x1] =	stream.linear.gather @!p1 [hbm4b:s9+s24], $0x190, $0x38;
	[tilespmem:$0x1C5A0] =	vst v63  }
0xb3: {  	s9 =	sshrl.u32 @!p1 s10, $0x2  }
0xb4: {  	s10 =	sadd.s32 @!p1 s6, s12;
	s9 =	sadd.s32 @!p1 $0x18A20, s9  }
0xb5: {  	[tilespmem:s9], [sflag:$0x1] =	stream.linear.gather @!p1 [hbm4b:s10+s24], $0x190, $0x38;
	[tilespmem:$0x1C5A0] =	vst v63  }
0xb6: {  	s9 =	sadd.s32 @!p1 s1, s12;
	s10 =	simm.s32 @!p1 $0x19060  }
0xb7: {  	[tilespmem:s10], [sflag:$0x1] =	stream.linear.gather @!p1 [hbm4b:s9+s24], $0x190, $0x38;
	[tilespmem:$0x1C5A0] =	vst v63  }
0xb8: {  	s9 =	simm.s32 @!p1 $0x4  }
0xb9: {  	_ =	swait.ge @!p1 [sflag:s9], $0xC80  }
0xba: {  	[sflag:s9] =	ssyncset.done @!p1 $0x0  }
0xbb: {  	[sflag:s9] =	ssyncadd.s32 @!p1 $0xFFFFF380  }
0xbc: {  	_ =	swait.ge @!p1 [sflag:s9], $0xC80  }
0xbd: {  	[sflag:s9] =	ssyncset.done @!p1 $0x0  }
0xbe: {  	[sflag:s9] =	ssyncadd.s32 @!p1 $0xFFFFF380;
	s9 =	simm.s32 @!p1 $0x5  }
0xbf: {  	_ =	swait.ge @!p1 [sflag:s9], $0x1900  }
0xc0: {  	[sflag:s9] =	ssyncset.done @!p1 $0x0  }
0xc1: {  	[sflag:s9] =	ssyncadd.s32 @!p1 $0xFFFFE700;
	s9 =	simm.s32 @!p1 $0x1  }
0xc2: {  	_ =	swait.ge @!p1 [sflag:s9], $0x190  }
0xc3: {  	[sflag:s9] =	ssyncset.done @!p1 $0x0  }
0xc4: {  	[sflag:s9] =	ssyncadd.s32 @!p1 $0xFFFFFE70  }
0xc5: {  	_ =	swait.ge @!p1 [sflag:s9], $0x190  }
0xc6: {  	[sflag:s9] =	ssyncset.done @!p1 $0x0  }
0xc7: {  	[sflag:s9] =	ssyncadd.s32 @!p1 $0xFFFFFE70  }
0xc8: {  	_ =	swait.ge @!p1 [sflag:s9], $0x190  }
0xc9: {  	[sflag:s9] =	ssyncset.done @!p1 $0x0  }
0xca: {  	s10 =	simm.s32 @!p1 $0x193A0;
	[sflag:s9] =	ssyncadd.s32 @!p1 $0xFFFFFE70;
	s9 =	simm.s32 @!p1 $0xC8  }
0xcb: {  	[tilespmem:s10], [sflag:$0x3] =	stream.indirect.gather @!p1 [hbm4b:s22+s9], $0x10, s28, s9, $0xb8;
	[tilespmem:$0x1C5A0] =	vst v63  }
0xcc: {  	s12 =	simm.s32 @!p1 $0x1A020;
	s10 =	simm.s32 @!p1 $0x187C8  }
0xcd: {  	[tilespmem:s12], [sflag:$0x3] =	stream.indirect.gather @!p1 [hbm4b:s22+s9], $0x10, s10, s9, $0xb8;
	[tilespmem:$0x1C5A0] =	vst v63  }
0xce: {  	s10 =	simm.s32 $0x0  }
0xcf: {  	s24 =	simm.s32 $0x1AD20;
	v0 =	vld [tilespmem:s10+$0x19200]  }
0xd0: {  	v1 =	vld [tilespmem:s24+$0x70]  }
0xd1: {  	v2 =	vld [tilespmem:s24+$0xFFFFFF80]  }
0xd2: {  	v3 =	vld [tilespmem:s24+$0xFFFFFF90]  }
0xd3: {  	s12 =	simm.s32 $0x10;
	v4 =	vld [tilespmem:s24+$0xFFFFFFA0]  }
0xd4: {  	v19 =	vld [tilespmem:s12+$0x19200];
	v5 =	vbroadcast v0, $0xF  }
0xd5: {  	v6 =	vld [tilespmem:s24+$0xFFFFFFB0];
	v12 =	vbroadcast v0, $0x1;
	v14 =	vbroadcast v0, $0x2  }
0xd6: {  	v7 =	vld [tilespmem:s24+$0xFFFFFFC0];
	v16 =	vbroadcast v0, $0x5;
	v17 =	vbroadcast v0, $0x8  }
0xd7: {  	v8 =	vld [tilespmem:s24+$0xFFFFFFE0];
	v18 =	vbroadcast v0, $0xA;
	v20 =	vbroadcast v0, $0xB  }
0xd8: {  	v15 =	vld [tilespmem:s24+$0x40];
	v21 =	vbroadcast v0, $0xC;
	v22 =	vbroadcast v0, $0xD  }
0xd9: {  	v9 =	vld [tilespmem:s24+$0xFFFFFFF0];
	v27 =	vbroadcast v19, $0x3;
	v28 =	vbroadcast v19, $0x4  }
0xda: {  	v10 =	vld [tilespmem:s24+$0x0];
	v29 =	vbroadcast v19, $0x5;
	v30 =	vbroadcast v19, $0x6  }
0xdb: {  	v11 =	vld [tilespmem:s24+$0x10];
	v1 =	vmul.f32 v1, v5;
	v3 =	vmul.f32 v3, v12  }
0xdc: {  	v13 =	vld [tilespmem:s24+$0x30];
	s10 =	simm.s32 $0x1AE20;
	v12 =	vbroadcast v0, $0x4;
	v4 =	vmul.f32 v4, v14  }
0xdd: {  	v23 =	vld [tilespmem:s10+$0x70];
	v14 =	vbroadcast v0, $0x7;
	v15 =	vmul.f32 v15, v21;
	[tilespmem:s24+$0x70] =	vst v1  }
0xde: {  	v24 =	vld [tilespmem:s10+$0xFFFFFF90];
	v21 =	vbroadcast v19, $0x2;
	v1 =	vbroadcast v0, $0x0;
	[tilespmem:s24+$0xFFFFFF90] =	vst v3  }
0xdf: {  	v5 =	vld [tilespmem:s24+$0xFFFFFFD0];
	v3 =	vbroadcast v0, $0x6;
	[tilespmem:s24+$0xFFFFFFA0] =	vst v4;
	v4 =	vbroadcast v0, $0x9  }
0xe0: {  	v25 =	vld [tilespmem:s10+$0xFFFFFFC0];
	v7 =	vmul.f32 v7, v12;
	v1 =	vmul.f32 v1, v2  }
0xe1: {  	v26 =	vld [tilespmem:s10+$0xFFFFFFE0];
	[tilespmem:s24+$0x40] =	vst v15;
	v3 =	vmul.f32 v8, v3;
	v8 =	vmul.f32 v9, v14  }
0xe2: {  	v12 =	vld [tilespmem:s10+$0x10];
	v9 =	vmul.f32 v10, v17;
	v4 =	vmul.f32 v11, v4;
	[tilespmem:s24+$0xFFFFFFC0] =	vst v7  }
0xe3: {  	v2 =	vld [tilespmem:s24+$0x20];
	v10 =	vbroadcast v19, $0xF;
	v14 =	vmul.f32 v13, v20;
	[tilespmem:s24+$0xFFFFFF80] =	vst v1  }
0xe4: {  	v17 =	vld [tilespmem:s10+$0xFFFFFFA0];
	v20 =	vbroadcast v19, $0x1;
	v5 =	vmul.f32 v5, v16;
	[tilespmem:s24+$0xFFFFFFE0] =	vst v3  }
0xe5: {  	v16 =	vld [tilespmem:s10+$0xFFFFFF80];
	v1 =	vbroadcast v0, $0x3;
	v0 =	vbroadcast v0, $0xE;
	[tilespmem:s24+$0xFFFFFFF0] =	vst v8  }
0xe6: {  	v7 =	vld [tilespmem:s10+$0xFFFFFFF0];
	v3 =	vbroadcast v19, $0x0;
	[tilespmem:s24+$0x0] =	vst v9;
	v9 =	vbroadcast v19, $0x8  }
0xe7: {  	v11 =	vld [tilespmem:s10+$0x0];
	v8 =	vbroadcast v19, $0x9;
	[tilespmem:s24+$0xFFFFFFD0] =	vst v5;
	v5 =	vmul.f32 v23, v10  }
0xe8: {  	[tilespmem:s24+$0x10] =	vst v4;
	v1 =	vmul.f32 v6, v1;
	v6 =	vld [tilespmem:s24+$0x50];
	v2 =	vmul.f32 v2, v18  }
0xe9: {  	v4 =	vbroadcast v19, $0xC;
	v23 =	vld [tilespmem:s10+$0xFFFFFFD0];
	v10 =	vbroadcast v19, $0xA;
	[tilespmem:s10+$0x70] =	vst v5  }
0xea: {  	v18 =	vld [tilespmem:s10+$0xFFFFFFB0];
	v5 =	vbroadcast v19, $0xB;
	[tilespmem:s24+$0x20] =	vst v2;
	v2 =	vmul.f32 v3, v16  }
0xeb: {  	v13 =	vld [tilespmem:s10+$0x20];
	[tilespmem:s24+$0x30] =	vst v14;
	v16 =	vmul.f32 v24, v20;
	v3 =	vbroadcast v19, $0xD  }
0xec: {  	v14 =	vld [tilespmem:s10+$0x30];
	[tilespmem:s24+$0xFFFFFFB0] =	vst v1;
	v20 =	vmul.f32 v17, v21;
	v17 =	vmul.f32 v26, v30  }
0xed: {  	v1 =	vld [tilespmem:s24+$0x60];
	v22 =	vmul.f32 v6, v22;
	v6 =	vbroadcast v19, $0x7;
	[tilespmem:s10+$0xFFFFFF80] =	vst v2  }
0xee: {  	s28 =	sadd.s32 $0x18BB0, s11;
	v15 =	vld [tilespmem:s10+$0x40];
	v2 =	vbroadcast v19, $0xE;
	[tilespmem:s10+$0xFFFFFF90] =	vst v16;
	v19 =	vmul.f32 v23, v29  }
0xef: {  	s11 =	simm.s32 $0x1AE20;
	s9 =	simm.s32 $0xC0;
	s12 =	simm.s32 $0x20;
	v16 =	vld [tilespmem:s10+$0x50];
	v21 =	vmul.f32 v18, v27;
	v18 =	vmul.f32 v25, v28;
	[tilespmem:s24+$0x50] =	vst v22  }
.LBB2_5:
0xf0: {  	p2 =	sne.s32 s9, $0x600;
	v22 =	vld [tilespmem:s12+$0x19200];
	[tilespmem:s10+$0xFFFFFFA0] =	vst v20;
	v6 =	vmul.f32 v7, v6;
	v7 =	vmul.f32 v11, v9  }
0xf1: {  	v8 =	vmul.f32 v12, v8;
	s10 =	sadd.s32 $0x100, s10;
	[tilespmem:s11+$0xFFFFFFB0] =	vst v21;
	v9 =	vmul.f32 v13, v10;
	v10 =	vld [tilespmem:s11+$0x60]  }
0xf2: {  	v11 =	vld [tilespmem:s10+$0x70];
	[tilespmem:s11+$0xFFFFFFC0] =	vst v18;
	v5 =	vmul.f32 v14, v5;
	v14 =	vmul.f32 v1, v0;
	v0 =	vmov v2  }
0xf3: {  	v2 =	vld [tilespmem:s10+$0xFFFFFF80];
	[tilespmem:s11+$0xFFFFFFD0] =	vst v19;
	v4 =	vmul.f32 v15, v4  }
0xf4: {  	v15 =	vld [tilespmem:s10+$0xFFFFFF90];
	[tilespmem:s11+$0xFFFFFFE0] =	vst v17;
	v13 =	vmul.f32 v16, v3  }
0xf5: {  	v16 =	vbroadcast v22, $0x0;
	v17 =	vld [tilespmem:s10+$0xFFFFFFA0];
	v3 =	vbroadcast v22, $0xF;
	[tilespmem:s11+$0xFFFFFFF0] =	vst v6  }
0xf6: {  	v18 =	vbroadcast v22, $0x1;
	v19 =	vbroadcast v22, $0x2;
	v21 =	vld [tilespmem:s10+$0xFFFFFFB0];
	[tilespmem:s11+$0x0] =	vst v7;
	v1 =	vmov v10  }
0xf7: {  	v23 =	vbroadcast v22, $0x3;
	v24 =	vld [tilespmem:s10+$0xFFFFFFC0];
	v3 =	vmul.f32 v11, v3;
	[tilespmem:s11+$0x10] =	vst v8  }
0xf8: {  	v25 =	vbroadcast v22, $0x4;
	v27 =	vbroadcast v22, $0x5;
	v26 =	vld [tilespmem:s10+$0xFFFFFFD0];
	[tilespmem:s11+$0x20] =	vst v9  }
0xf9: {  	v29 =	vbroadcast v22, $0x6;
	v6 =	vbroadcast v22, $0x7;
	v28 =	vld [tilespmem:s10+$0xFFFFFFE0];
	[tilespmem:s10+$0x70] =	vst v3  }
0xfa: {  	v8 =	vbroadcast v22, $0x9;
	v9 =	vbroadcast v22, $0x8;
	v7 =	vld [tilespmem:s10+$0xFFFFFFF0];
	[tilespmem:s11+$0x30] =	vst v5  }
0xfb: {  	v10 =	vbroadcast v22, $0xA;
	v5 =	vbroadcast v22, $0xB;
	v11 =	vld [tilespmem:s10+$0x0];
	[tilespmem:s11+$0x40] =	vst v4  }
.Ltmp1:
0xfc: {  	v3 =	vbroadcast v22, $0xD;
	v4 =	vbroadcast v22, $0xC;
	v12 =	vld [tilespmem:s10+$0x10];
	[tilespmem:s11+$0x50] =	vst v13;
	(pc) =	sbr.rel @p2 .LBB2_5-.Ltmp1, $4  }
0xfd: {  	v16 =	vmul.f32 v16, v2;
	v2 =	vbroadcast v22, $0xE;
	v13 =	vld [tilespmem:s10+$0x20];
	[tilespmem:s24+$0x60] =	vst v14;
	s24 =	smov.u32 s11;
	s11 =	smov.u32 s10  }
0xfe: {  	v20 =	vmul.f32 v17, v19;
	v22 =	vmul.f32 v15, v18;
	v14 =	vld [tilespmem:s10+$0x30]  }
0xff: {  	v21 =	vmul.f32 v21, v23;
	v18 =	vmul.f32 v24, v25;
	[tilespmem:s10+$0xFFFFFF80] =	vst v16;
	v15 =	vld [tilespmem:s10+$0x40]  }
0x100: {  	s12 =	sshra.s32 s9, $0x2;
	s9 =	sadd.s32 $0x40, s9;
	v19 =	vmul.f32 v26, v27;
	v17 =	vmul.f32 v28, v29;
	[tilespmem:s10+$0xFFFFFF90] =	vst v22;
	v16 =	vld [tilespmem:s10+$0x50]  }
0x101: {  	[tilespmem:s10+$0xFFFFFFA0] =	vst v20  }
0x102: {  	[tilespmem:s11+$0xFFFFFFB0] =	vst v21  }
0x103: {  	[tilespmem:s11+$0xFFFFFFC0] =	vst v18  }
0x104: {  	v6 =	vmul.f32 v7, v6;
	[tilespmem:s11+$0xFFFFFFD0] =	vst v19  }
0x105: {  	v63 =	vld [tilespmem:s12+$0x19200];
	v25 =	vmul.f32 v11, v9;
	[tilespmem:s11+$0xFFFFFFE0] =	vst v17  }
0x106: {  	v8 =	vmul.f32 v12, v8;
	[tilespmem:s11+$0xFFFFFFF0] =	vst v6  }
0x107: {  	s9 =	sadd.s32 $0x100, s10;
	v0 =	vmul.f32 v1, v0;
	v24 =	vld [tilespmem:s11+$0x60];
	[tilespmem:s11+$0x0] =	vst v25  }
0x108: {  	v22 =	vld [tilespmem:s9+$0x70];
	v27 =	vmul.f32 v13, v10;
	[tilespmem:s11+$0x10] =	vst v8  }
0x109: {  	v28 =	vld [tilespmem:s9+$0xFFFFFF80];
	v5 =	vmul.f32 v14, v5;
	[tilespmem:s24+$0x60] =	vst v0;
	v4 =	vmul.f32 v15, v4  }
0x10a: {  	v29 =	vld [tilespmem:s9+$0xFFFFFF90];
	[tilespmem:s11+$0x20] =	vst v27;
	v3 =	vmul.f32 v16, v3;
	v26 =	vbroadcast v63, $0xF  }
0x10b: {  	v30 =	vld [tilespmem:s9+$0xFFFFFFA0];
	[tilespmem:s11+$0x30] =	vst v5;
	v31 =	vbroadcast v63, $0x0;
	v33 =	vbroadcast v63, $0x1  }
0x10c: {  	v32 =	vld [tilespmem:s9+$0xFFFFFFB0];
	[tilespmem:s11+$0x40] =	vst v4;
	v35 =	vbroadcast v63, $0x2;
	v62 =	vmul.f32 v24, v2  }
0x10d: {  	v34 =	vld [tilespmem:s9+$0xFFFFFFC0];
	v38 =	vbroadcast v63, $0x3;
	[tilespmem:s11+$0x50] =	vst v3;
	v9 =	vmul.f32 v22, v26  }
0x10e: {  	v36 =	vld [tilespmem:s9+$0xFFFFFFD0];
	v41 =	vbroadcast v63, $0x4;
	v37 =	vmul.f32 v31, v28;
	[tilespmem:s11+$0x60] =	vst v62  }
0x10f: {  	v39 =	vld [tilespmem:s9+$0xFFFFFFE0];
	v43 =	vbroadcast v63, $0x5;
	v40 =	vmul.f32 v29, v33;
	[tilespmem:s9+$0x70] =	vst v9  }
0x110: {  	v44 =	vld [tilespmem:s9+$0x0];
	v45 =	vbroadcast v63, $0x6;
	v4 =	vmul.f32 v30, v35;
	[tilespmem:s9+$0xFFFFFF80] =	vst v37  }
0x111: {  	v52 =	vld [tilespmem:s9+$0x40];
	v47 =	vbroadcast v63, $0x7;
	v7 =	vmul.f32 v32, v38;
	[tilespmem:s9+$0xFFFFFF90] =	vst v40  }
0x112: {  	v54 =	vld [tilespmem:s9+$0x50];
	v49 =	vbroadcast v63, $0x8;
	v1 =	vmul.f32 v34, v41;
	[tilespmem:s9+$0xFFFFFFA0] =	vst v4  }
0x113: {  	v57 =	vld [tilespmem:s9+$0x60];
	v51 =	vbroadcast v63, $0x9;
	v3 =	vmul.f32 v36, v43;
	[tilespmem:s9+$0xFFFFFFB0] =	vst v7  }
0x114: {  	v42 =	vld [tilespmem:s9+$0xFFFFFFF0];
	v56 =	vbroadcast v63, $0xC;
	v0 =	vmul.f32 v39, v45;
	[tilespmem:s9+$0xFFFFFFC0] =	vst v1  }
0x115: {  	v46 =	vld [tilespmem:s9+$0x10];
	v58 =	vbroadcast v63, $0xD;
	v6 =	vmul.f32 v44, v49;
	[tilespmem:s9+$0xFFFFFFD0] =	vst v3  }
0x116: {  	v48 =	vld [tilespmem:s9+$0x20];
	v60 =	vbroadcast v63, $0xE;
	v59 =	vmul.f32 v52, v56;
	[tilespmem:s9+$0xFFFFFFE0] =	vst v0  }
0x117: {  	v50 =	vld [tilespmem:s9+$0x30];
	v53 =	vbroadcast v63, $0xA;
	v61 =	vmul.f32 v54, v58;
	[tilespmem:s9+$0x0] =	vst v6  }
0x118: {  	v55 =	vbroadcast v63, $0xB;
	v63 =	vmul.f32 v57, v60;
	[tilespmem:s9+$0x40] =	vst v59  }
0x119: {  	v4 =	vmul.f32 v42, v47;
	[tilespmem:s9+$0x50] =	vst v61  }
0x11a: {  	v1 =	vmul.f32 v46, v51;
	[tilespmem:s9+$0x60] =	vst v63  }
.Ltmp2:
0x11b: {  	v3 =	vmul.f32 v48, v53;
	[tilespmem:s9+$0xFFFFFFF0] =	vst v4;
	(pc) =	sbr.rel @p1 .LBB2_8-.Ltmp2, $4  }
0x11c: {  	v0 =	vmul.f32 v50, v55;
	[tilespmem:s9+$0x10] =	vst v1  }
0x11d: {  	[tilespmem:s9+$0x20] =	vst v3  }
0x11e: {  	[tilespmem:s9+$0x30] =	vst v0  }
0x11f: {  	[spmem:s2] =	stream.indirect.scatter.add.f32 [tilespmem:s14], [sflag:$0x6], $0x10, s28, s7, $0xb8;
	[tilespmem:$0x1C5A0] =	vst v63  }
0x120: {  	s9 =	sadd.s32 $0x3, s21  }
0x121: {  	s10 =	smul.u32 $0x190, s9;
	_ =	sdelay $0x1  }
0x122: {  	s10 =	sadd.s32 s8, s10  }
0x123: {  	s9 =	sand.u32 $0x3, s9;
	s10 =	sshrl.u32 s10, $0x3  }
0x124: {  	s9 =	smul.u32 $0x640, s9;
	s11 =	sadd.s32 s4, s10  }
0x125: {  	[tilespmem:s13], [sflag:$0x2] =	stream.linear.gather [hbm4b:s11+s3], $0x190, $0x38;
	[tilespmem:$0x1C5A0] =	vst v63  }
.Ltmp3:
0x126: {  	s9 =	sshrl.u32 s9, $0x2;
	(pc) =	sbr.rel .LBB2_2-.Ltmp3, $4  }
0x127: {  	s9 =	sadd.s32 $0x18A20, s9;
	s24 =	sadd.s32 s6, s10  }
0x128: {  	[tilespmem:s9], [sflag:$0x2] =	stream.linear.gather [hbm4b:s24+s3], $0x190, $0x38;
	[tilespmem:$0x1C5A0] =	vst v63  }
0x129: {  	s20 =	sadd.s32 $0x1, s20;
	s28 =	sadd.s32 s1, s10  }
0x12a: {  	[tilespmem:s16], [sflag:$0x2] =	stream.linear.gather [hbm4b:s28+s3], $0x190, $0x38;
	[tilespmem:$0x1C5A0] =	vst v63  }
.LBB2_8:
0x12b: {  	s9 =	simm.s32 $0x6  }
0x12c: {  	_ =	swait.ge [sflag:s9], $0x1900  }
0x12d: {  	[sflag:s9] =	ssyncset.done $0x0  }
0x12e: {  	[sflag:s9] =	ssyncadd.s32 $0xFFFFE700  }
0x12f: {  	[bflag:$0x0] =	sbarrier.arrive $0xFFFF  }
0x130: {  	s24 =	rddreg [dreg:$0x15]  }
0x131: {  	s10 =	rddreg [dreg:$0x7];
	s9 =	sadd.s32 s24, s25  }
0x132: {  	[hbm:s9], [sflag:s10] =	dma.local [spmem:s15], $0x30E0  }
0x133: {  	_ =	swait.ge [sflag:s30], $0x30E0  }
0x134: {  	[sflag:s30] =	ssyncset.done $0x0  }
0x135: {  	s28 =	rddreg [dreg:$0x6];
	[sflag:s30] =	ssyncadd.s32 $0xFFFFCF20  }
0x136: {  	[spmem:s15], [sflag:s10] =	dma.local [hbm:s28], $0x30E0  }
0x137: {  	_ =	swait.ge [sflag:s30], $0x30E0  }
0x138: {  	[sflag:s30] =	ssyncset.done $0x0  }
0x139: {  	[sflag:s30] =	ssyncadd.s32 $0xFFFFCF20  }
0x13a: {  	[bflag:$0x0] =	sbarrier.arrive $0xFFFF  }
0x13b: {  	s20 =	simm.s32 $0x0;
	s11 =	rddreg [dreg:$0x8]  }
0x13c: {  	[tilespmem:s31], [sflag:$0x1] =	stream.linear.gather [hbm4b:s11+s20], $0x190, $0x38;
	[tilespmem:$0x1C5A0] =	vst v63  }
0x13d: {  	s21 =	simm.s32 $0x18A20;
	s12 =	rddreg [dreg:$0x9]  }
0x13e: {  	[tilespmem:s21], [sflag:$0x1] =	stream.linear.gather [hbm4b:s12+s20], $0x190, $0x38;
	[tilespmem:$0x1C5A0] =	vst v63  }
0x13f: {  	s28 =	simm.s32 $0x19060;
	s24 =	rddreg [dreg:$0xa]  }
0x140: {  	[tilespmem:s28], [sflag:$0x1] =	stream.linear.gather [hbm4b:s24+s20], $0x190, $0x38;
	[tilespmem:$0x1C5A0] =	vst v63  }
0x141: {  	s10 =	rddreg [dreg:$0xd]  }
0x142: {  	[tilespmem:s13], [sflag:$0x2] =	stream.linear.gather [hbm4b:s10+s20], $0x190, $0x38;
	[tilespmem:$0x1C5A0] =	vst v63  }
0x143: {  	s11 =	rddreg [dreg:$0x12];
	s12 =	simm.s32 $0x18BB0  }
0x144: {  	[tilespmem:s12], [sflag:$0x2] =	stream.linear.gather [hbm4b:s11+s20], $0x190, $0x38;
	[tilespmem:$0x1C5A0] =	vst v63  }
0x145: {  	s21 =	rddreg [dreg:$0x13]  }
0x146: {  	[tilespmem:s16], [sflag:$0x2] =	stream.linear.gather [hbm4b:s21+s20], $0x190, $0x38;
	[tilespmem:$0x1C5A0] =	vst v63  }
0x147: {  	_ =	swait.ge [sflag:s17], $0x190  }
0x148: {  	[sflag:s17] =	ssyncset.done $0x0  }
0x149: {  	[sflag:s17] =	ssyncadd.s32 $0xFFFFFE70  }
0x14a: {  	_ =	swait.ge [sflag:s17], $0x190  }
0x14b: {  	[sflag:s17] =	ssyncset.done $0x0  }
0x14c: {  	[sflag:s17] =	ssyncadd.s32 $0xFFFFFE70  }
0x14d: {  	_ =	swait.ge [sflag:s17], $0x190  }
0x14e: {  	[sflag:s17] =	ssyncset.done $0x0  }
0x14f: {  	[sflag:s17] =	ssyncadd.s32 $0xFFFFFE70  }
0x150: {  	[tilespmem:s19], [sflag:$0x3] =	stream.indirect.gather [hbm4b:s25+s18], $0x10, s31, s18, $0xb8;
	[tilespmem:$0x1C5A0] =	vst v63  }
0x151: {  	s24 =	simm.s32 $0x187C8;
	s28 =	simm.s32 $0x1A020  }
0x152: {  	[tilespmem:s28], [sflag:$0x3] =	stream.indirect.gather [hbm4b:s25+s18], $0x10, s24, s18, $0xb8;
	[tilespmem:$0x1C5A0] =	vst v63  }
.LBB2_9:
0x153: {  	_ =	swait.ge [sflag:s0], $0xC80  }
0x154: {  	[sflag:s0] =	ssyncset.done $0x0  }
0x155: {  	[sflag:s0] =	ssyncadd.s32 $0xFFFFF380  }
0x156: {  	_ =	swait.ge [sflag:s0], $0xC80  }
0x157: {  	p1 =	seq.s32 s20, $0x0;
	[sflag:s0] =	ssyncset.done $0x0  }
0x158: {  	s9 =	simm.s32 @!p1 $0x6;
	[sflag:s0] =	ssyncadd.s32 $0xFFFFF380  }
0x159: {  	_ =	swait.ge @!p1 [sflag:s9], $0x1900  }
0x15a: {  	[sflag:s9] =	ssyncset.done @!p1 $0x0  }
0x15b: {  	[sflag:s9] =	ssyncadd.s32 @!p1 $0xFFFFE700  }
0x15c: {  	_ =	swait.ge [sflag:s5], $0x190  }
0x15d: {  	[sflag:s5] =	ssyncset.done $0x0  }
0x15e: {  	[sflag:s5] =	ssyncadd.s32 $0xFFFFFE70  }
0x15f: {  	_ =	swait.ge [sflag:s5], $0x190  }
0x160: {  	[sflag:s5] =	ssyncset.done $0x0  }
0x161: {  	[sflag:s5] =	ssyncadd.s32 $0xFFFFFE70  }
0x162: {  	_ =	swait.ge [sflag:s5], $0x190  }
0x163: {  	[sflag:s5] =	ssyncset.done $0x0  }
0x164: {  	[sflag:s5] =	ssyncadd.s32 $0xFFFFFE70  }
0x165: {  	[tilespmem:s14], [sflag:$0x4] =	stream.indirect.gather [hbm4b:s25+s18], $0x10, s13, s18, $0xb8;
	[tilespmem:$0x1C5A0] =	vst v63  }
0x166: {  	s12 =	simm.s32 $0x0  }
0x167: {  	[tilespmem:s29], [sflag:$0x4] =	stream.indirect.gather [hbm4b:s25+s18], $0x10, s23, s18, $0xb8;
	[tilespmem:$0x1C5A0] =	vst v63  }
0x168: {  	s24 =	simm.s32 $0x19420;
	v0 =	vld [tilespmem:s12+$0x19060]  }
0x169: {  	v1 =	vld [tilespmem:s24+$0x70]  }
0x16a: {  	v2 =	vld [tilespmem:s24+$0xFFFFFF80]  }
0x16b: {  	v3 =	vld [tilespmem:s24+$0xFFFFFF90]  }
0x16c: {  	s21 =	simm.s32 $0x10;
	v4 =	vld [tilespmem:s24+$0xFFFFFFA0]  }
0x16d: {  	v19 =	vld [tilespmem:s21+$0x19060];
	v5 =	vbroadcast v0, $0xF  }
0x16e: {  	v6 =	vld [tilespmem:s24+$0xFFFFFFB0];
	v12 =	vbroadcast v0, $0x1;
	v14 =	vbroadcast v0, $0x2  }
0x16f: {  	v7 =	vld [tilespmem:s24+$0xFFFFFFC0];
	v16 =	vbroadcast v0, $0x5;
	v17 =	vbroadcast v0, $0x8  }
0x170: {  	v8 =	vld [tilespmem:s24+$0xFFFFFFE0];
	v18 =	vbroadcast v0, $0xA;
	v20 =	vbroadcast v0, $0xB  }
0x171: {  	v13 =	vld [tilespmem:s24+$0x30];
	v21 =	vbroadcast v0, $0xC;
	v22 =	vbroadcast v0, $0xD  }
0x172: {  	v15 =	vld [tilespmem:s24+$0x40];
	v26 =	vbroadcast v19, $0x2;
	v27 =	vbroadcast v19, $0x3  }
0x173: {  	v9 =	vld [tilespmem:s24+$0xFFFFFFF0];
	v28 =	vbroadcast v19, $0x4;
	v29 =	vbroadcast v19, $0x5  }
0x174: {  	v10 =	vld [tilespmem:s24+$0x0];
	v30 =	vbroadcast v19, $0x6;
	v1 =	vmul.f32 v1, v5  }
0x175: {  	s10 =	simm.s32 $0x19520;
	v11 =	vld [tilespmem:s24+$0x10];
	v3 =	vmul.f32 v3, v12;
	v12 =	vbroadcast v0, $0x4  }
0x176: {  	v23 =	vld [tilespmem:s10+$0x70];
	v4 =	vmul.f32 v4, v14;
	v14 =	vbroadcast v0, $0x7  }
0x177: {  	v24 =	vld [tilespmem:s10+$0xFFFFFFC0];
	v20 =	vmul.f32 v13, v20;
	v15 =	vmul.f32 v15, v21;
	[tilespmem:s24+$0x70] =	vst v1  }
0x178: {  	v5 =	vld [tilespmem:s24+$0xFFFFFFD0];
	v21 =	vbroadcast v19, $0x1;
	v1 =	vbroadcast v0, $0x0;
	[tilespmem:s24+$0xFFFFFF90] =	vst v3  }
0x179: {  	v25 =	vld [tilespmem:s10+$0xFFFFFFE0];
	v3 =	vbroadcast v0, $0x6;
	[tilespmem:s24+$0xFFFFFFA0] =	vst v4;
	v7 =	vmul.f32 v7, v12  }
0x17a: {  	v13 =	vld [tilespmem:s10+$0x20];
	v4 =	vbroadcast v0, $0x9;
	[tilespmem:s24+$0x30] =	vst v20;
	v1 =	vmul.f32 v1, v2  }
0x17b: {  	v12 =	vld [tilespmem:s10+$0x10];
	v3 =	vmul.f32 v8, v3;
	v8 =	vmul.f32 v9, v14;
	[tilespmem:s24+$0xFFFFFFC0] =	vst v7  }
0x17c: {  	v2 =	vld [tilespmem:s24+$0x20];
	v9 =	vmul.f32 v10, v17;
	v4 =	vmul.f32 v11, v4;
	[tilespmem:s24+$0xFFFFFF80] =	vst v1  }
0x17d: {  	v14 =	vld [tilespmem:s10+$0xFFFFFF90];
	v10 =	vbroadcast v19, $0xF;
	v5 =	vmul.f32 v5, v16;
	[tilespmem:s24+$0xFFFFFFE0] =	vst v3  }
0x17e: {  	v17 =	vld [tilespmem:s10+$0xFFFFFFA0];
	v1 =	vbroadcast v0, $0x3;
	v0 =	vbroadcast v0, $0xE;
	[tilespmem:s24+$0xFFFFFFF0] =	vst v8  }
0x17f: {  	v16 =	vld [tilespmem:s10+$0xFFFFFF80];
	v3 =	vbroadcast v19, $0x0;
	[tilespmem:s24+$0x0] =	vst v9;
	v9 =	vbroadcast v19, $0x8  }
0x180: {  	v7 =	vld [tilespmem:s10+$0xFFFFFFF0];
	[tilespmem:s24+$0x10] =	vst v4;
	v8 =	vbroadcast v19, $0x9;
	v4 =	vbroadcast v19, $0xC  }
0x181: {  	[tilespmem:s24+$0xFFFFFFD0] =	vst v5;
	v5 =	vmul.f32 v23, v10;
	v1 =	vmul.f32 v6, v1;
	v6 =	vld [tilespmem:s24+$0x50]  }
0x182: {  	[tilespmem:s24+$0x40] =	vst v15;
	v23 =	vld [tilespmem:s10+$0xFFFFFFD0];
	v10 =	vbroadcast v19, $0xA;
	v2 =	vmul.f32 v2, v18  }
0x183: {  	v18 =	vld [tilespmem:s10+$0xFFFFFFB0];
	[tilespmem:s10+$0x70] =	vst v5;
	v5 =	vbroadcast v19, $0xB;
	v20 =	vmul.f32 v17, v26  }
0x184: {  	v11 =	vld [tilespmem:s10+$0x0];
	v17 =	vmul.f32 v25, v30;
	[tilespmem:s24+$0x20] =	vst v2;
	v2 =	vmul.f32 v3, v16  }
0x185: {  	[tilespmem:s24+$0xFFFFFFB0] =	vst v1;
	v1 =	vld [tilespmem:s24+$0x60];
	v16 =	vmul.f32 v14, v21;
	v3 =	vbroadcast v19, $0xD  }
0x186: {  	v14 =	vld [tilespmem:s10+$0x30];
	v22 =	vmul.f32 v6, v22;
	v6 =	vbroadcast v19, $0x7;
	[tilespmem:s10+$0xFFFFFF80] =	vst v2  }
0x187: {  	s11 =	simm.s32 $0x20;
	v15 =	vld [tilespmem:s10+$0x40];
	v2 =	vbroadcast v19, $0xE;
	[tilespmem:s10+$0xFFFFFF90] =	vst v16;
	v19 =	vmul.f32 v23, v29  }
0x188: {  	s28 =	simm.s32 $0x19520;
	s9 =	simm.s32 $0xC0;
	s21 =	sshll.u32 s20, $0x1;
	v16 =	vld [tilespmem:s10+$0x50];
	v21 =	vmul.f32 v18, v27;
	v18 =	vmul.f32 v24, v28;
	[tilespmem:s24+$0x50] =	vst v22  }
.LBB2_10:
0x189: {  	p1 =	sne.s32 s9, $0x600;
	v22 =	vld [tilespmem:s11+$0x19060];
	[tilespmem:s10+$0xFFFFFFA0] =	vst v20;
	v6 =	vmul.f32 v7, v6;
	v7 =	vmul.f32 v11, v9  }
0x18a: {  	v8 =	vmul.f32 v12, v8;
	s10 =	sadd.s32 $0x100, s10;
	[tilespmem:s28+$0xFFFFFFB0] =	vst v21;
	v9 =	vmul.f32 v13, v10;
	v10 =	vld [tilespmem:s28+$0x60]  }
0x18b: {  	v11 =	vld [tilespmem:s10+$0x70];
	[tilespmem:s28+$0xFFFFFFC0] =	vst v18;
	v5 =	vmul.f32 v14, v5;
	v14 =	vmul.f32 v1, v0;
	v0 =	vmov v2  }
0x18c: {  	v2 =	vld [tilespmem:s10+$0xFFFFFF80];
	[tilespmem:s28+$0xFFFFFFD0] =	vst v19;
	v4 =	vmul.f32 v15, v4  }
0x18d: {  	v15 =	vld [tilespmem:s10+$0xFFFFFF90];
	[tilespmem:s28+$0xFFFFFFE0] =	vst v17;
	v13 =	vmul.f32 v16, v3  }
0x18e: {  	v16 =	vbroadcast v22, $0x0;
	v17 =	vld [tilespmem:s10+$0xFFFFFFA0];
	v3 =	vbroadcast v22, $0xF;
	[tilespmem:s28+$0xFFFFFFF0] =	vst v6  }
0x18f: {  	v18 =	vbroadcast v22, $0x1;
	v19 =	vbroadcast v22, $0x2;
	v21 =	vld [tilespmem:s10+$0xFFFFFFB0];
	[tilespmem:s28+$0x0] =	vst v7;
	v1 =	vmov v10  }
0x190: {  	v23 =	vbroadcast v22, $0x3;
	v24 =	vld [tilespmem:s10+$0xFFFFFFC0];
	v3 =	vmul.f32 v11, v3;
	[tilespmem:s28+$0x10] =	vst v8  }
0x191: {  	v25 =	vbroadcast v22, $0x4;
	v27 =	vbroadcast v22, $0x5;
	v26 =	vld [tilespmem:s10+$0xFFFFFFD0];
	[tilespmem:s28+$0x20] =	vst v9  }
0x192: {  	v29 =	vbroadcast v22, $0x6;
	v6 =	vbroadcast v22, $0x7;
	v28 =	vld [tilespmem:s10+$0xFFFFFFE0];
	[tilespmem:s10+$0x70] =	vst v3  }
0x193: {  	v8 =	vbroadcast v22, $0x9;
	v9 =	vbroadcast v22, $0x8;
	v7 =	vld [tilespmem:s10+$0xFFFFFFF0];
	[tilespmem:s28+$0x30] =	vst v5  }
0x194: {  	v10 =	vbroadcast v22, $0xA;
	v5 =	vbroadcast v22, $0xB;
	v11 =	vld [tilespmem:s10+$0x0];
	[tilespmem:s28+$0x40] =	vst v4  }
.Ltmp4:
0x195: {  	v3 =	vbroadcast v22, $0xD;
	v4 =	vbroadcast v22, $0xC;
	v12 =	vld [tilespmem:s10+$0x10];
	[tilespmem:s28+$0x50] =	vst v13;
	(pc) =	sbr.rel @p1 .LBB2_10-.Ltmp4, $4  }
0x196: {  	v16 =	vmul.f32 v16, v2;
	v2 =	vbroadcast v22, $0xE;
	v13 =	vld [tilespmem:s10+$0x20];
	[tilespmem:s24+$0x60] =	vst v14;
	s24 =	smov.u32 s28;
	s28 =	smov.u32 s10  }
0x197: {  	v20 =	vmul.f32 v17, v19;
	v22 =	vmul.f32 v15, v18;
	v14 =	vld [tilespmem:s10+$0x30]  }
0x198: {  	v21 =	vmul.f32 v21, v23;
	v18 =	vmul.f32 v24, v25;
	[tilespmem:s10+$0xFFFFFF80] =	vst v16;
	v15 =	vld [tilespmem:s10+$0x40]  }
0x199: {  	s11 =	sshra.s32 s9, $0x2;
	s9 =	sadd.s32 $0x40, s9;
	v19 =	vmul.f32 v26, v27;
	v17 =	vmul.f32 v28, v29;
	[tilespmem:s10+$0xFFFFFF90] =	vst v22;
	v16 =	vld [tilespmem:s10+$0x50]  }
0x19a: {  	[tilespmem:s10+$0xFFFFFFA0] =	vst v20  }
0x19b: {  	[tilespmem:s28+$0xFFFFFFB0] =	vst v21  }
0x19c: {  	[tilespmem:s28+$0xFFFFFFC0] =	vst v18  }
0x19d: {  	v20 =	vld [tilespmem:s11+$0x19060];
	v6 =	vmul.f32 v7, v6;
	[tilespmem:s28+$0xFFFFFFD0] =	vst v19  }
0x19e: {  	s9 =	sadd.s32 $0x100, s10;
	v7 =	vmul.f32 v11, v9;
	[tilespmem:s28+$0xFFFFFFE0] =	vst v17  }
0x19f: {  	v8 =	vmul.f32 v12, v8;
	v22 =	vld [tilespmem:s9+$0x70];
	[tilespmem:s28+$0xFFFFFFF0] =	vst v6  }
0x1a0: {  	v6 =	vmul.f32 v13, v10;
	[tilespmem:s28+$0x0] =	vst v7  }
0x1a1: {  	v0 =	vmul.f32 v1, v0;
	[tilespmem:s28+$0x10] =	vst v8;
	v8 =	vld [tilespmem:s9+$0xFFFFFF90]  }
0x1a2: {  	v5 =	vmul.f32 v14, v5;
	[tilespmem:s28+$0x20] =	vst v6;
	v6 =	vld [tilespmem:s9+$0xFFFFFFA0];
	v9 =	vbroadcast v20, $0xF  }
0x1a3: {  	v7 =	vld [tilespmem:s9+$0xFFFFFF80];
	[tilespmem:s24+$0x60] =	vst v0;
	v4 =	vmul.f32 v15, v4  }
0x1a4: {  	[tilespmem:s28+$0x30] =	vst v5;
	v5 =	vld [tilespmem:s9+$0xFFFFFFC0];
	v1 =	vbroadcast v20, $0x1;
	v9 =	vmul.f32 v22, v9  }
0x1a5: {  	v10 =	vld [tilespmem:s9+$0xFFFFFFB0];
	v3 =	vmul.f32 v16, v3;
	[tilespmem:s28+$0x40] =	vst v4;
	v4 =	vbroadcast v20, $0x2  }
0x1a6: {  	v0 =	vmul.f32 v8, v1;
	v8 =	vld [tilespmem:s9+$0xFFFFFFF0];
	[tilespmem:s9+$0x70] =	vst v9;
	v9 =	vbroadcast v20, $0x0  }
0x1a7: {  	v11 =	vld [tilespmem:s9+$0xFFFFFFD0];
	[tilespmem:s28+$0x50] =	vst v3;
	v1 =	vbroadcast v20, $0x4;
	v4 =	vmul.f32 v6, v4  }
0x1a8: {  	[tilespmem:s9+$0xFFFFFF90] =	vst v0;
	v3 =	vmul.f32 v9, v7;
	v7 =	vbroadcast v20, $0x3;
	v9 =	vld [tilespmem:s9+$0xFFFFFFE0]  }
0x1a9: {  	v6 =	vld [tilespmem:s9+$0x0];
	v1 =	vmul.f32 v5, v1;
	[tilespmem:s9+$0xFFFFFFA0] =	vst v4;
	v4 =	vbroadcast v20, $0x7  }
0x1aa: {  	[tilespmem:s9+$0xFFFFFF80] =	vst v3;
	v3 =	vbroadcast v20, $0x5;
	v7 =	vmul.f32 v10, v7;
	v10 =	vld [tilespmem:s9+$0x10]  }
0x1ab: {  	v0 =	vbroadcast v20, $0x6;
	v5 =	vld [tilespmem:s9+$0x20];
	[tilespmem:s9+$0xFFFFFFC0] =	vst v1;
	v4 =	vmul.f32 v8, v4  }
0x1ac: {  	v3 =	vmul.f32 v11, v3;
	[tilespmem:s9+$0xFFFFFFB0] =	vst v7;
	v7 =	vbroadcast v20, $0x8;
	v11 =	vld [tilespmem:s9+$0x30]  }
0x1ad: {  	v1 =	vbroadcast v20, $0x9;
	[tilespmem:s9+$0xFFFFFFF0] =	vst v4;
	v0 =	vmul.f32 v9, v0;
	v9 =	vld [tilespmem:s9+$0x40]  }
0x1ae: {  	v8 =	vld [tilespmem:s9+$0x50];
	[tilespmem:s9+$0xFFFFFFD0] =	vst v3;
	v3 =	vbroadcast v20, $0xA;
	v6 =	vmul.f32 v6, v7  }
0x1af: {  	v21 =	vld [tilespmem:s28+$0x60];
	[tilespmem:s9+$0xFFFFFFE0] =	vst v0;
	v0 =	vbroadcast v20, $0xB;
	v1 =	vmul.f32 v10, v1  }
0x1b0: {  	v4 =	vbroadcast v20, $0xC;
	v3 =	vmul.f32 v5, v3;
	v5 =	vld [tilespmem:s9+$0x60];
	[tilespmem:s9+$0x0] =	vst v6  }
0x1b1: {  	v6 =	vbroadcast v20, $0xD;
	v0 =	vmul.f32 v11, v0;
	[tilespmem:s9+$0x10] =	vst v1  }
0x1b2: {  	v1 =	vmul.f32 v9, v4;
	[tilespmem:s9+$0x20] =	vst v3  }
0x1b3: {  	s12 =	sand.u32 $0x2, s21;
	v3 =	vbroadcast v20, $0xE;
	v4 =	vmul.f32 v8, v6;
	[tilespmem:s9+$0x30] =	vst v0  }
0x1b4: {  	s10 =	smul.u32 $0x640, s12;
	v0 =	vmul.f32 v21, v2;
	[tilespmem:s9+$0x40] =	vst v1  }
0x1b5: {  	[tilespmem:s9+$0x50] =	vst v4;
	v1 =	vmul.f32 v5, v3  }
0x1b6: {  	p1 =	seq.s32 s20, $0x7C;
	s11 =	sshrl.u32 s10, $0x2;
	[tilespmem:s28+$0x60] =	vst v0  }
0x1b7: {  	s24 =	sadd.s32 $0x18A20, s11;
	[tilespmem:s9+$0x60] =	vst v1;
	s9 =	simm.s32 @p1 $0x4  }
0x1b8: {  	[spmem:s2] =	stream.indirect.scatter.add.f32 [tilespmem:s19], [sflag:$0x5], $0x10, s24, s7, $0xb8;
	[tilespmem:$0x1C5A0] =	vst v63  }
0x1b9: {  	_ =	swait.ge @p1 [sflag:s9], $0xC80  }
0x1ba: {  	[sflag:s9] =	ssyncset.done @p1 $0x0  }
0x1bb: {  	[sflag:s9] =	ssyncadd.s32 @p1 $0xFFFFF380  }
0x1bc: {  	s10 =	sadd.s32 @!p1 $0x2, s21;
	_ =	swait.ge @p1 [sflag:s9], $0xC80  }
0x1bd: {  	s12 =	smul.u32 @!p1 $0x190, s10;
	[sflag:s9] =	ssyncset.done @p1 $0x0  }
0x1be: {  	s10 =	sand.u32 @!p1 $0x2, s10;
	[sflag:s9] =	ssyncadd.s32 @p1 $0xFFFFF380;
	s9 =	simm.s32 @p1 $0x5  }
0x1bf: {  	s10 =	smul.u32 @!p1 $0x640, s10;
	s12 =	sadd.s32 @!p1 s8, s12;
	_ =	swait.ge @p1 [sflag:s9], $0x1900  }
0x1c0: {  	s12 =	sshrl.u32 @!p1 s12, $0x3;
	s28 =	simm.s32 @!p1 $0x18700;
	[sflag:s9] =	ssyncset.done @p1 $0x0  }
0x1c1: {  	s24 =	simm.s32 @!p1 $0x0;
	[sflag:s9] =	ssyncadd.s32 @p1 $0xFFFFE700;
	s9 =	sadd.s32 @!p1 s4, s12  }
0x1c2: {  	[tilespmem:s28], [sflag:$0x1] =	stream.linear.gather @!p1 [hbm4b:s9+s24], $0x190, $0x38;
	[tilespmem:$0x1C5A0] =	vst v63  }
0x1c3: {  	s9 =	sshrl.u32 @!p1 s10, $0x2  }
0x1c4: {  	s10 =	sadd.s32 @!p1 s6, s12;
	s9 =	sadd.s32 @!p1 $0x18A20, s9  }
0x1c5: {  	[tilespmem:s9], [sflag:$0x1] =	stream.linear.gather @!p1 [hbm4b:s10+s24], $0x190, $0x38;
	[tilespmem:$0x1C5A0] =	vst v63  }
0x1c6: {  	s9 =	sadd.s32 @!p1 s1, s12;
	s10 =	simm.s32 @!p1 $0x19060  }
0x1c7: {  	[tilespmem:s10], [sflag:$0x1] =	stream.linear.gather @!p1 [hbm4b:s9+s24], $0x190, $0x38;
	[tilespmem:$0x1C5A0] =	vst v63  }
0x1c8: {  	s9 =	simm.s32 @!p1 $0x4  }
0x1c9: {  	_ =	swait.ge @!p1 [sflag:s9], $0xC80  }
0x1ca: {  	[sflag:s9] =	ssyncset.done @!p1 $0x0  }
0x1cb: {  	[sflag:s9] =	ssyncadd.s32 @!p1 $0xFFFFF380  }
0x1cc: {  	_ =	swait.ge @!p1 [sflag:s9], $0xC80  }
0x1cd: {  	[sflag:s9] =	ssyncset.done @!p1 $0x0  }
0x1ce: {  	[sflag:s9] =	ssyncadd.s32 @!p1 $0xFFFFF380;
	s9 =	simm.s32 @!p1 $0x5  }
0x1cf: {  	_ =	swait.ge @!p1 [sflag:s9], $0x1900  }
0x1d0: {  	[sflag:s9] =	ssyncset.done @!p1 $0x0  }
0x1d1: {  	[sflag:s9] =	ssyncadd.s32 @!p1 $0xFFFFE700;
	s9 =	simm.s32 @!p1 $0x1  }
0x1d2: {  	_ =	swait.ge @!p1 [sflag:s9], $0x190  }
0x1d3: {  	[sflag:s9] =	ssyncset.done @!p1 $0x0  }
0x1d4: {  	[sflag:s9] =	ssyncadd.s32 @!p1 $0xFFFFFE70  }
0x1d5: {  	_ =	swait.ge @!p1 [sflag:s9], $0x190  }
0x1d6: {  	[sflag:s9] =	ssyncset.done @!p1 $0x0  }
0x1d7: {  	[sflag:s9] =	ssyncadd.s32 @!p1 $0xFFFFFE70  }
0x1d8: {  	_ =	swait.ge @!p1 [sflag:s9], $0x190  }
0x1d9: {  	[sflag:s9] =	ssyncset.done @!p1 $0x0  }
0x1da: {  	s10 =	simm.s32 @!p1 $0x193A0;
	[sflag:s9] =	ssyncadd.s32 @!p1 $0xFFFFFE70;
	s9 =	simm.s32 @!p1 $0xC8  }
0x1db: {  	[tilespmem:s10], [sflag:$0x3] =	stream.indirect.gather @!p1 [hbm4b:s25+s9], $0x10, s28, s9, $0xb8;
	[tilespmem:$0x1C5A0] =	vst v63  }
0x1dc: {  	s12 =	simm.s32 @!p1 $0x1A020;
	s10 =	simm.s32 @!p1 $0x187C8  }
0x1dd: {  	[tilespmem:s12], [sflag:$0x3] =	stream.indirect.gather @!p1 [hbm4b:s25+s9], $0x10, s10, s9, $0xb8;
	[tilespmem:$0x1C5A0] =	vst v63  }
0x1de: {  	s10 =	simm.s32 $0x0  }
0x1df: {  	s24 =	simm.s32 $0x1AD20;
	v0 =	vld [tilespmem:s10+$0x19200]  }
0x1e0: {  	v1 =	vld [tilespmem:s24+$0x70]  }
0x1e1: {  	v2 =	vld [tilespmem:s24+$0xFFFFFF80]  }
0x1e2: {  	v3 =	vld [tilespmem:s24+$0xFFFFFF90]  }
0x1e3: {  	s12 =	simm.s32 $0x10;
	v4 =	vld [tilespmem:s24+$0xFFFFFFA0]  }
0x1e4: {  	v19 =	vld [tilespmem:s12+$0x19200];
	v5 =	vbroadcast v0, $0xF  }
0x1e5: {  	v6 =	vld [tilespmem:s24+$0xFFFFFFB0];
	v12 =	vbroadcast v0, $0x1;
	v14 =	vbroadcast v0, $0x2  }
0x1e6: {  	v7 =	vld [tilespmem:s24+$0xFFFFFFC0];
	v16 =	vbroadcast v0, $0x5;
	v17 =	vbroadcast v0, $0x8  }
0x1e7: {  	v8 =	vld [tilespmem:s24+$0xFFFFFFE0];
	v18 =	vbroadcast v0, $0xA;
	v20 =	vbroadcast v0, $0xB  }
0x1e8: {  	v15 =	vld [tilespmem:s24+$0x40];
	v21 =	vbroadcast v0, $0xC;
	v22 =	vbroadcast v0, $0xD  }
0x1e9: {  	v9 =	vld [tilespmem:s24+$0xFFFFFFF0];
	v27 =	vbroadcast v19, $0x3;
	v28 =	vbroadcast v19, $0x4  }
0x1ea: {  	v10 =	vld [tilespmem:s24+$0x0];
	v29 =	vbroadcast v19, $0x5;
	v30 =	vbroadcast v19, $0x6  }
0x1eb: {  	v11 =	vld [tilespmem:s24+$0x10];
	v1 =	vmul.f32 v1, v5;
	v3 =	vmul.f32 v3, v12  }
0x1ec: {  	v13 =	vld [tilespmem:s24+$0x30];
	s10 =	simm.s32 $0x1AE20;
	v12 =	vbroadcast v0, $0x4;
	v4 =	vmul.f32 v4, v14  }
0x1ed: {  	v23 =	vld [tilespmem:s10+$0x70];
	v14 =	vbroadcast v0, $0x7;
	v15 =	vmul.f32 v15, v21;
	[tilespmem:s24+$0x70] =	vst v1  }
0x1ee: {  	v24 =	vld [tilespmem:s10+$0xFFFFFF90];
	v21 =	vbroadcast v19, $0x2;
	v1 =	vbroadcast v0, $0x0;
	[tilespmem:s24+$0xFFFFFF90] =	vst v3  }
0x1ef: {  	v5 =	vld [tilespmem:s24+$0xFFFFFFD0];
	v3 =	vbroadcast v0, $0x6;
	[tilespmem:s24+$0xFFFFFFA0] =	vst v4;
	v4 =	vbroadcast v0, $0x9  }
0x1f0: {  	v25 =	vld [tilespmem:s10+$0xFFFFFFC0];
	v7 =	vmul.f32 v7, v12;
	v1 =	vmul.f32 v1, v2  }
0x1f1: {  	v26 =	vld [tilespmem:s10+$0xFFFFFFE0];
	[tilespmem:s24+$0x40] =	vst v15;
	v3 =	vmul.f32 v8, v3;
	v8 =	vmul.f32 v9, v14  }
0x1f2: {  	v12 =	vld [tilespmem:s10+$0x10];
	v9 =	vmul.f32 v10, v17;
	v4 =	vmul.f32 v11, v4;
	[tilespmem:s24+$0xFFFFFFC0] =	vst v7  }
0x1f3: {  	v2 =	vld [tilespmem:s24+$0x20];
	v10 =	vbroadcast v19, $0xF;
	v14 =	vmul.f32 v13, v20;
	[tilespmem:s24+$0xFFFFFF80] =	vst v1  }
0x1f4: {  	v17 =	vld [tilespmem:s10+$0xFFFFFFA0];
	v20 =	vbroadcast v19, $0x1;
	v5 =	vmul.f32 v5, v16;
	[tilespmem:s24+$0xFFFFFFE0] =	vst v3  }
0x1f5: {  	v16 =	vld [tilespmem:s10+$0xFFFFFF80];
	v1 =	vbroadcast v0, $0x3;
	v0 =	vbroadcast v0, $0xE;
	[tilespmem:s24+$0xFFFFFFF0] =	vst v8  }
0x1f6: {  	v7 =	vld [tilespmem:s10+$0xFFFFFFF0];
	v3 =	vbroadcast v19, $0x0;
	[tilespmem:s24+$0x0] =	vst v9;
	v9 =	vbroadcast v19, $0x8  }
0x1f7: {  	v11 =	vld [tilespmem:s10+$0x0];
	v8 =	vbroadcast v19, $0x9;
	[tilespmem:s24+$0xFFFFFFD0] =	vst v5;
	v5 =	vmul.f32 v23, v10  }
0x1f8: {  	[tilespmem:s24+$0x10] =	vst v4;
	v1 =	vmul.f32 v6, v1;
	v6 =	vld [tilespmem:s24+$0x50];
	v2 =	vmul.f32 v2, v18  }
0x1f9: {  	v4 =	vbroadcast v19, $0xC;
	v23 =	vld [tilespmem:s10+$0xFFFFFFD0];
	v10 =	vbroadcast v19, $0xA;
	[tilespmem:s10+$0x70] =	vst v5  }
0x1fa: {  	v18 =	vld [tilespmem:s10+$0xFFFFFFB0];
	v5 =	vbroadcast v19, $0xB;
	[tilespmem:s24+$0x20] =	vst v2;
	v2 =	vmul.f32 v3, v16  }
0x1fb: {  	v13 =	vld [tilespmem:s10+$0x20];
	[tilespmem:s24+$0x30] =	vst v14;
	v16 =	vmul.f32 v24, v20;
	v3 =	vbroadcast v19, $0xD  }
0x1fc: {  	v14 =	vld [tilespmem:s10+$0x30];
	[tilespmem:s24+$0xFFFFFFB0] =	vst v1;
	v20 =	vmul.f32 v17, v21;
	v17 =	vmul.f32 v26, v30  }
0x1fd: {  	v1 =	vld [tilespmem:s24+$0x60];
	v22 =	vmul.f32 v6, v22;
	v6 =	vbroadcast v19, $0x7;
	[tilespmem:s10+$0xFFFFFF80] =	vst v2  }
0x1fe: {  	s28 =	sadd.s32 $0x18BB0, s11;
	v15 =	vld [tilespmem:s10+$0x40];
	v2 =	vbroadcast v19, $0xE;
	[tilespmem:s10+$0xFFFFFF90] =	vst v16;
	v19 =	vmul.f32 v23, v29  }
0x1ff: {  	s11 =	simm.s32 $0x1AE20;
	s9 =	simm.s32 $0xC0;
	s12 =	simm.s32 $0x20;
	v16 =	vld [tilespmem:s10+$0x50];
	v21 =	vmul.f32 v18, v27;
	v18 =	vmul.f32 v25, v28;
	[tilespmem:s24+$0x50] =	vst v22  }
.LBB2_12:
0x200: {  	p2 =	sne.s32 s9, $0x600;
	v22 =	vld [tilespmem:s12+$0x19200];
	[tilespmem:s10+$0xFFFFFFA0] =	vst v20;
	v6 =	vmul.f32 v7, v6;
	v7 =	vmul.f32 v11, v9  }
0x201: {  	v8 =	vmul.f32 v12, v8;
	s10 =	sadd.s32 $0x100, s10;
	[tilespmem:s11+$0xFFFFFFB0] =	vst v21;
	v9 =	vmul.f32 v13, v10;
	v10 =	vld [tilespmem:s11+$0x60]  }
0x202: {  	v11 =	vld [tilespmem:s10+$0x70];
	[tilespmem:s11+$0xFFFFFFC0] =	vst v18;
	v5 =	vmul.f32 v14, v5;
	v14 =	vmul.f32 v1, v0;
	v0 =	vmov v2  }
0x203: {  	v2 =	vld [tilespmem:s10+$0xFFFFFF80];
	[tilespmem:s11+$0xFFFFFFD0] =	vst v19;
	v4 =	vmul.f32 v15, v4  }
0x204: {  	v15 =	vld [tilespmem:s10+$0xFFFFFF90];
	[tilespmem:s11+$0xFFFFFFE0] =	vst v17;
	v13 =	vmul.f32 v16, v3  }
0x205: {  	v16 =	vbroadcast v22, $0x0;
	v17 =	vld [tilespmem:s10+$0xFFFFFFA0];
	v3 =	vbroadcast v22, $0xF;
	[tilespmem:s11+$0xFFFFFFF0] =	vst v6  }
0x206: {  	v18 =	vbroadcast v22, $0x1;
	v19 =	vbroadcast v22, $0x2;
	v21 =	vld [tilespmem:s10+$0xFFFFFFB0];
	[tilespmem:s11+$0x0] =	vst v7;
	v1 =	vmov v10  }
0x207: {  	v23 =	vbroadcast v22, $0x3;
	v24 =	vld [tilespmem:s10+$0xFFFFFFC0];
	v3 =	vmul.f32 v11, v3;
	[tilespmem:s11+$0x10] =	vst v8  }
0x208: {  	v25 =	vbroadcast v22, $0x4;
	v27 =	vbroadcast v22, $0x5;
	v26 =	vld [tilespmem:s10+$0xFFFFFFD0];
	[tilespmem:s11+$0x20] =	vst v9  }
0x209: {  	v29 =	vbroadcast v22, $0x6;
	v6 =	vbroadcast v22, $0x7;
	v28 =	vld [tilespmem:s10+$0xFFFFFFE0];
	[tilespmem:s10+$0x70] =	vst v3  }
0x20a: {  	v8 =	vbroadcast v22, $0x9;
	v9 =	vbroadcast v22, $0x8;
	v7 =	vld [tilespmem:s10+$0xFFFFFFF0];
	[tilespmem:s11+$0x30] =	vst v5  }
0x20b: {  	v10 =	vbroadcast v22, $0xA;
	v5 =	vbroadcast v22, $0xB;
	v11 =	vld [tilespmem:s10+$0x0];
	[tilespmem:s11+$0x40] =	vst v4  }
.Ltmp5:
0x20c: {  	v3 =	vbroadcast v22, $0xD;
	v4 =	vbroadcast v22, $0xC;
	v12 =	vld [tilespmem:s10+$0x10];
	[tilespmem:s11+$0x50] =	vst v13;
	(pc) =	sbr.rel @p2 .LBB2_12-.Ltmp5, $4  }
0x20d: {  	v16 =	vmul.f32 v16, v2;
	v2 =	vbroadcast v22, $0xE;
	v13 =	vld [tilespmem:s10+$0x20];
	[tilespmem:s24+$0x60] =	vst v14;
	s24 =	smov.u32 s11;
	s11 =	smov.u32 s10  }
0x20e: {  	v20 =	vmul.f32 v17, v19;
	v22 =	vmul.f32 v15, v18;
	v14 =	vld [tilespmem:s10+$0x30]  }
0x20f: {  	v21 =	vmul.f32 v21, v23;
	v18 =	vmul.f32 v24, v25;
	[tilespmem:s10+$0xFFFFFF80] =	vst v16;
	v15 =	vld [tilespmem:s10+$0x40]  }
0x210: {  	s12 =	sshra.s32 s9, $0x2;
	s9 =	sadd.s32 $0x40, s9;
	v19 =	vmul.f32 v26, v27;
	v17 =	vmul.f32 v28, v29;
	[tilespmem:s10+$0xFFFFFF90] =	vst v22;
	v16 =	vld [tilespmem:s10+$0x50]  }
0x211: {  	[tilespmem:s10+$0xFFFFFFA0] =	vst v20  }
0x212: {  	[tilespmem:s11+$0xFFFFFFB0] =	vst v21  }
0x213: {  	[tilespmem:s11+$0xFFFFFFC0] =	vst v18  }
0x214: {  	v6 =	vmul.f32 v7, v6;
	[tilespmem:s11+$0xFFFFFFD0] =	vst v19  }
0x215: {  	v63 =	vld [tilespmem:s12+$0x19200];
	v25 =	vmul.f32 v11, v9;
	[tilespmem:s11+$0xFFFFFFE0] =	vst v17  }
0x216: {  	v8 =	vmul.f32 v12, v8;
	[tilespmem:s11+$0xFFFFFFF0] =	vst v6  }
0x217: {  	s9 =	sadd.s32 $0x100, s10;
	v0 =	vmul.f32 v1, v0;
	v24 =	vld [tilespmem:s11+$0x60];
	[tilespmem:s11+$0x0] =	vst v25  }
0x218: {  	v22 =	vld [tilespmem:s9+$0x70];
	v27 =	vmul.f32 v13, v10;
	[tilespmem:s11+$0x10] =	vst v8  }
0x219: {  	v28 =	vld [tilespmem:s9+$0xFFFFFF80];
	v5 =	vmul.f32 v14, v5;
	[tilespmem:s24+$0x60] =	vst v0;
	v4 =	vmul.f32 v15, v4  }
0x21a: {  	v29 =	vld [tilespmem:s9+$0xFFFFFF90];
	[tilespmem:s11+$0x20] =	vst v27;
	v3 =	vmul.f32 v16, v3;
	v26 =	vbroadcast v63, $0xF  }
0x21b: {  	v30 =	vld [tilespmem:s9+$0xFFFFFFA0];
	[tilespmem:s11+$0x30] =	vst v5;
	v31 =	vbroadcast v63, $0x0;
	v33 =	vbroadcast v63, $0x1  }
0x21c: {  	v32 =	vld [tilespmem:s9+$0xFFFFFFB0];
	[tilespmem:s11+$0x40] =	vst v4;
	v35 =	vbroadcast v63, $0x2;
	v62 =	vmul.f32 v24, v2  }
0x21d: {  	v34 =	vld [tilespmem:s9+$0xFFFFFFC0];
	v38 =	vbroadcast v63, $0x3;
	[tilespmem:s11+$0x50] =	vst v3;
	v9 =	vmul.f32 v22, v26  }
0x21e: {  	v36 =	vld [tilespmem:s9+$0xFFFFFFD0];
	v41 =	vbroadcast v63, $0x4;
	v37 =	vmul.f32 v31, v28;
	[tilespmem:s11+$0x60] =	vst v62  }
0x21f: {  	v39 =	vld [tilespmem:s9+$0xFFFFFFE0];
	v43 =	vbroadcast v63, $0x5;
	v40 =	vmul.f32 v29, v33;
	[tilespmem:s9+$0x70] =	vst v9  }
0x220: {  	v44 =	vld [tilespmem:s9+$0x0];
	v45 =	vbroadcast v63, $0x6;
	v4 =	vmul.f32 v30, v35;
	[tilespmem:s9+$0xFFFFFF80] =	vst v37  }
0x221: {  	v52 =	vld [tilespmem:s9+$0x40];
	v47 =	vbroadcast v63, $0x7;
	v7 =	vmul.f32 v32, v38;
	[tilespmem:s9+$0xFFFFFF90] =	vst v40  }
0x222: {  	v54 =	vld [tilespmem:s9+$0x50];
	v49 =	vbroadcast v63, $0x8;
	v1 =	vmul.f32 v34, v41;
	[tilespmem:s9+$0xFFFFFFA0] =	vst v4  }
0x223: {  	v57 =	vld [tilespmem:s9+$0x60];
	v51 =	vbroadcast v63, $0x9;
	v3 =	vmul.f32 v36, v43;
	[tilespmem:s9+$0xFFFFFFB0] =	vst v7  }
0x224: {  	v42 =	vld [tilespmem:s9+$0xFFFFFFF0];
	v56 =	vbroadcast v63, $0xC;
	v0 =	vmul.f32 v39, v45;
	[tilespmem:s9+$0xFFFFFFC0] =	vst v1  }
0x225: {  	v46 =	vld [tilespmem:s9+$0x10];
	v58 =	vbroadcast v63, $0xD;
	v6 =	vmul.f32 v44, v49;
	[tilespmem:s9+$0xFFFFFFD0] =	vst v3  }
0x226: {  	v48 =	vld [tilespmem:s9+$0x20];
	v60 =	vbroadcast v63, $0xE;
	v59 =	vmul.f32 v52, v56;
	[tilespmem:s9+$0xFFFFFFE0] =	vst v0  }
0x227: {  	v50 =	vld [tilespmem:s9+$0x30];
	v53 =	vbroadcast v63, $0xA;
	v61 =	vmul.f32 v54, v58;
	[tilespmem:s9+$0x0] =	vst v6  }
0x228: {  	v55 =	vbroadcast v63, $0xB;
	v63 =	vmul.f32 v57, v60;
	[tilespmem:s9+$0x40] =	vst v59  }
0x229: {  	v4 =	vmul.f32 v42, v47;
	[tilespmem:s9+$0x50] =	vst v61  }
0x22a: {  	v1 =	vmul.f32 v46, v51;
	[tilespmem:s9+$0x60] =	vst v63  }
.Ltmp6:
0x22b: {  	v3 =	vmul.f32 v48, v53;
	[tilespmem:s9+$0xFFFFFFF0] =	vst v4;
	(pc) =	sbr.rel @p1 .LBB2_15-.Ltmp6, $4  }
0x22c: {  	v0 =	vmul.f32 v50, v55;
	[tilespmem:s9+$0x10] =	vst v1  }
0x22d: {  	[tilespmem:s9+$0x20] =	vst v3  }
0x22e: {  	[tilespmem:s9+$0x30] =	vst v0  }
0x22f: {  	[spmem:s2] =	stream.indirect.scatter.add.f32 [tilespmem:s14], [sflag:$0x6], $0x10, s28, s7, $0xb8;
	[tilespmem:$0x1C5A0] =	vst v63  }
0x230: {  	s9 =	sadd.s32 $0x3, s21  }
0x231: {  	s10 =	smul.u32 $0x190, s9;
	_ =	sdelay $0x1  }
0x232: {  	s10 =	sadd.s32 s8, s10  }
0x233: {  	s9 =	sand.u32 $0x3, s9;
	s10 =	sshrl.u32 s10, $0x3  }
0x234: {  	s9 =	smul.u32 $0x640, s9;
	s11 =	sadd.s32 s4, s10  }
0x235: {  	[tilespmem:s13], [sflag:$0x2] =	stream.linear.gather [hbm4b:s11+s3], $0x190, $0x38;
	[tilespmem:$0x1C5A0] =	vst v63  }
.Ltmp7:
0x236: {  	s9 =	sshrl.u32 s9, $0x2;
	(pc) =	sbr.rel .LBB2_9-.Ltmp7, $4  }
0x237: {  	s9 =	sadd.s32 $0x18A20, s9;
	s24 =	sadd.s32 s6, s10  }
0x238: {  	[tilespmem:s9], [sflag:$0x2] =	stream.linear.gather [hbm4b:s24+s3], $0x190, $0x38;
	[tilespmem:$0x1C5A0] =	vst v63  }
0x239: {  	s20 =	sadd.s32 $0x1, s20;
	s28 =	sadd.s32 s1, s10  }
0x23a: {  	[tilespmem:s16], [sflag:$0x2] =	stream.linear.gather [hbm4b:s28+s3], $0x190, $0x38;
	[tilespmem:$0x1C5A0] =	vst v63  }
.LBB2_15:
0x23b: {  	s9 =	simm.s32 $0x6  }
0x23c: {  	_ =	swait.ge [sflag:s9], $0x1900  }
0x23d: {  	[sflag:s9] =	ssyncset.done $0x0  }
0x23e: {  	[sflag:s9] =	ssyncadd.s32 $0xFFFFE700  }
0x23f: {  	[bflag:$0x0] =	sbarrier.arrive $0xFFFF  }
0x240: {  	s24 =	rddreg [dreg:$0x15]  }
0x241: {  	s10 =	rddreg [dreg:$0x7];
	s9 =	sadd.s32 s24, s26  }
0x242: {  	[hbm:s9], [sflag:s10] =	dma.local [spmem:s15], $0x30E0  }
0x243: {  	_ =	swait.ge [sflag:s30], $0x30E0  }
0x244: {  	[sflag:s30] =	ssyncset.done $0x0  }
0x245: {  	s28 =	rddreg [dreg:$0x6];
	[sflag:s30] =	ssyncadd.s32 $0xFFFFCF20  }
0x246: {  	[spmem:s15], [sflag:s10] =	dma.local [hbm:s28], $0x30E0  }
0x247: {  	_ =	swait.ge [sflag:s30], $0x30E0  }
0x248: {  	[sflag:s30] =	ssyncset.done $0x0  }
0x249: {  	[sflag:s30] =	ssyncadd.s32 $0xFFFFCF20  }
0x24a: {  	[bflag:$0x0] =	sbarrier.arrive $0xFFFF  }
0x24b: {  	s20 =	simm.s32 $0x0;
	s11 =	rddreg [dreg:$0x8]  }
0x24c: {  	[tilespmem:s31], [sflag:$0x1] =	stream.linear.gather [hbm4b:s11+s20], $0x190, $0x38;
	[tilespmem:$0x1C5A0] =	vst v63  }
0x24d: {  	s21 =	simm.s32 $0x18A20;
	s12 =	rddreg [dreg:$0x9]  }
0x24e: {  	[tilespmem:s21], [sflag:$0x1] =	stream.linear.gather [hbm4b:s12+s20], $0x190, $0x38;
	[tilespmem:$0x1C5A0] =	vst v63  }
0x24f: {  	s28 =	simm.s32 $0x19060;
	s24 =	rddreg [dreg:$0xa]  }
0x250: {  	[tilespmem:s28], [sflag:$0x1] =	stream.linear.gather [hbm4b:s24+s20], $0x190, $0x38;
	[tilespmem:$0x1C5A0] =	vst v63  }
0x251: {  	s10 =	rddreg [dreg:$0xd]  }
0x252: {  	[tilespmem:s13], [sflag:$0x2] =	stream.linear.gather [hbm4b:s10+s20], $0x190, $0x38;
	[tilespmem:$0x1C5A0] =	vst v63  }
0x253: {  	s11 =	rddreg [dreg:$0x12];
	s12 =	simm.s32 $0x18BB0  }
0x254: {  	[tilespmem:s12], [sflag:$0x2] =	stream.linear.gather [hbm4b:s11+s20], $0x190, $0x38;
	[tilespmem:$0x1C5A0] =	vst v63  }
0x255: {  	s21 =	rddreg [dreg:$0x13]  }
0x256: {  	[tilespmem:s16], [sflag:$0x2] =	stream.linear.gather [hbm4b:s21+s20], $0x190, $0x38;
	[tilespmem:$0x1C5A0] =	vst v63  }
0x257: {  	_ =	swait.ge [sflag:s17], $0x190  }
0x258: {  	[sflag:s17] =	ssyncset.done $0x0  }
0x259: {  	[sflag:s17] =	ssyncadd.s32 $0xFFFFFE70  }
0x25a: {  	_ =	swait.ge [sflag:s17], $0x190  }
0x25b: {  	[sflag:s17] =	ssyncset.done $0x0  }
0x25c: {  	[sflag:s17] =	ssyncadd.s32 $0xFFFFFE70  }
0x25d: {  	_ =	swait.ge [sflag:s17], $0x190  }
0x25e: {  	[sflag:s17] =	ssyncset.done $0x0  }
0x25f: {  	[sflag:s17] =	ssyncadd.s32 $0xFFFFFE70  }
0x260: {  	[tilespmem:s19], [sflag:$0x3] =	stream.indirect.gather [hbm4b:s26+s18], $0x10, s31, s18, $0xb8;
	[tilespmem:$0x1C5A0] =	vst v63  }
0x261: {  	s24 =	simm.s32 $0x187C8;
	s28 =	simm.s32 $0x1A020  }
0x262: {  	[tilespmem:s28], [sflag:$0x3] =	stream.indirect.gather [hbm4b:s26+s18], $0x10, s24, s18, $0xb8;
	[tilespmem:$0x1C5A0] =	vst v63  }
.LBB2_16:
0x263: {  	_ =	swait.ge [sflag:s0], $0xC80  }
0x264: {  	[sflag:s0] =	ssyncset.done $0x0  }
0x265: {  	[sflag:s0] =	ssyncadd.s32 $0xFFFFF380  }
0x266: {  	_ =	swait.ge [sflag:s0], $0xC80  }
0x267: {  	p1 =	seq.s32 s20, $0x0;
	[sflag:s0] =	ssyncset.done $0x0  }
0x268: {  	s9 =	simm.s32 @!p1 $0x6;
	[sflag:s0] =	ssyncadd.s32 $0xFFFFF380  }
0x269: {  	_ =	swait.ge @!p1 [sflag:s9], $0x1900  }
0x26a: {  	[sflag:s9] =	ssyncset.done @!p1 $0x0  }
0x26b: {  	[sflag:s9] =	ssyncadd.s32 @!p1 $0xFFFFE700  }
0x26c: {  	_ =	swait.ge [sflag:s5], $0x190  }
0x26d: {  	[sflag:s5] =	ssyncset.done $0x0  }
0x26e: {  	[sflag:s5] =	ssyncadd.s32 $0xFFFFFE70  }
0x26f: {  	_ =	swait.ge [sflag:s5], $0x190  }
0x270: {  	[sflag:s5] =	ssyncset.done $0x0  }
0x271: {  	[sflag:s5] =	ssyncadd.s32 $0xFFFFFE70  }
0x272: {  	_ =	swait.ge [sflag:s5], $0x190  }
0x273: {  	[sflag:s5] =	ssyncset.done $0x0  }
0x274: {  	[sflag:s5] =	ssyncadd.s32 $0xFFFFFE70  }
0x275: {  	[tilespmem:s14], [sflag:$0x4] =	stream.indirect.gather [hbm4b:s26+s18], $0x10, s13, s18, $0xb8;
	[tilespmem:$0x1C5A0] =	vst v63  }
0x276: {  	s12 =	simm.s32 $0x0  }
0x277: {  	[tilespmem:s29], [sflag:$0x4] =	stream.indirect.gather [hbm4b:s26+s18], $0x10, s23, s18, $0xb8;
	[tilespmem:$0x1C5A0] =	vst v63  }
0x278: {  	s24 =	simm.s32 $0x19420;
	v0 =	vld [tilespmem:s12+$0x19060]  }
0x279: {  	v1 =	vld [tilespmem:s24+$0x70]  }
0x27a: {  	v2 =	vld [tilespmem:s24+$0xFFFFFF80]  }
0x27b: {  	v3 =	vld [tilespmem:s24+$0xFFFFFF90]  }
0x27c: {  	s21 =	simm.s32 $0x10;
	v4 =	vld [tilespmem:s24+$0xFFFFFFA0]  }
0x27d: {  	v19 =	vld [tilespmem:s21+$0x19060];
	v5 =	vbroadcast v0, $0xF  }
0x27e: {  	v6 =	vld [tilespmem:s24+$0xFFFFFFB0];
	v12 =	vbroadcast v0, $0x1;
	v14 =	vbroadcast v0, $0x2  }
0x27f: {  	v7 =	vld [tilespmem:s24+$0xFFFFFFC0];
	v16 =	vbroadcast v0, $0x5;
	v17 =	vbroadcast v0, $0x8  }
0x280: {  	v8 =	vld [tilespmem:s24+$0xFFFFFFE0];
	v18 =	vbroadcast v0, $0xA;
	v20 =	vbroadcast v0, $0xB  }
0x281: {  	v13 =	vld [tilespmem:s24+$0x30];
	v21 =	vbroadcast v0, $0xC;
	v22 =	vbroadcast v0, $0xD  }
0x282: {  	v15 =	vld [tilespmem:s24+$0x40];
	v26 =	vbroadcast v19, $0x2;
	v27 =	vbroadcast v19, $0x3  }
0x283: {  	v9 =	vld [tilespmem:s24+$0xFFFFFFF0];
	v28 =	vbroadcast v19, $0x4;
	v29 =	vbroadcast v19, $0x5  }
0x284: {  	v10 =	vld [tilespmem:s24+$0x0];
	v30 =	vbroadcast v19, $0x6;
	v1 =	vmul.f32 v1, v5  }
0x285: {  	s10 =	simm.s32 $0x19520;
	v11 =	vld [tilespmem:s24+$0x10];
	v3 =	vmul.f32 v3, v12;
	v12 =	vbroadcast v0, $0x4  }
0x286: {  	v23 =	vld [tilespmem:s10+$0x70];
	v4 =	vmul.f32 v4, v14;
	v14 =	vbroadcast v0, $0x7  }
0x287: {  	v24 =	vld [tilespmem:s10+$0xFFFFFFC0];
	v20 =	vmul.f32 v13, v20;
	v15 =	vmul.f32 v15, v21;
	[tilespmem:s24+$0x70] =	vst v1  }
0x288: {  	v5 =	vld [tilespmem:s24+$0xFFFFFFD0];
	v21 =	vbroadcast v19, $0x1;
	v1 =	vbroadcast v0, $0x0;
	[tilespmem:s24+$0xFFFFFF90] =	vst v3  }
0x289: {  	v25 =	vld [tilespmem:s10+$0xFFFFFFE0];
	v3 =	vbroadcast v0, $0x6;
	[tilespmem:s24+$0xFFFFFFA0] =	vst v4;
	v7 =	vmul.f32 v7, v12  }
0x28a: {  	v13 =	vld [tilespmem:s10+$0x20];
	v4 =	vbroadcast v0, $0x9;
	[tilespmem:s24+$0x30] =	vst v20;
	v1 =	vmul.f32 v1, v2  }
0x28b: {  	v12 =	vld [tilespmem:s10+$0x10];
	v3 =	vmul.f32 v8, v3;
	v8 =	vmul.f32 v9, v14;
	[tilespmem:s24+$0xFFFFFFC0] =	vst v7  }
0x28c: {  	v2 =	vld [tilespmem:s24+$0x20];
	v9 =	vmul.f32 v10, v17;
	v4 =	vmul.f32 v11, v4;
	[tilespmem:s24+$0xFFFFFF80] =	vst v1  }
0x28d: {  	v14 =	vld [tilespmem:s10+$0xFFFFFF90];
	v10 =	vbroadcast v19, $0xF;
	v5 =	vmul.f32 v5, v16;
	[tilespmem:s24+$0xFFFFFFE0] =	vst v3  }
0x28e: {  	v17 =	vld [tilespmem:s10+$0xFFFFFFA0];
	v1 =	vbroadcast v0, $0x3;
	v0 =	vbroadcast v0, $0xE;
	[tilespmem:s24+$0xFFFFFFF0] =	vst v8  }
0x28f: {  	v16 =	vld [tilespmem:s10+$0xFFFFFF80];
	v3 =	vbroadcast v19, $0x0;
	[tilespmem:s24+$0x0] =	vst v9;
	v9 =	vbroadcast v19, $0x8  }
0x290: {  	v7 =	vld [tilespmem:s10+$0xFFFFFFF0];
	[tilespmem:s24+$0x10] =	vst v4;
	v8 =	vbroadcast v19, $0x9;
	v4 =	vbroadcast v19, $0xC  }
0x291: {  	[tilespmem:s24+$0xFFFFFFD0] =	vst v5;
	v5 =	vmul.f32 v23, v10;
	v1 =	vmul.f32 v6, v1;
	v6 =	vld [tilespmem:s24+$0x50]  }
0x292: {  	[tilespmem:s24+$0x40] =	vst v15;
	v23 =	vld [tilespmem:s10+$0xFFFFFFD0];
	v10 =	vbroadcast v19, $0xA;
	v2 =	vmul.f32 v2, v18  }
0x293: {  	v18 =	vld [tilespmem:s10+$0xFFFFFFB0];
	[tilespmem:s10+$0x70] =	vst v5;
	v5 =	vbroadcast v19, $0xB;
	v20 =	vmul.f32 v17, v26  }
0x294: {  	v11 =	vld [tilespmem:s10+$0x0];
	v17 =	vmul.f32 v25, v30;
	[tilespmem:s24+$0x20] =	vst v2;
	v2 =	vmul.f32 v3, v16  }
0x295: {  	[tilespmem:s24+$0xFFFFFFB0] =	vst v1;
	v1 =	vld [tilespmem:s24+$0x60];
	v16 =	vmul.f32 v14, v21;
	v3 =	vbroadcast v19, $0xD  }
0x296: {  	v14 =	vld [tilespmem:s10+$0x30];
	v22 =	vmul.f32 v6, v22;
	v6 =	vbroadcast v19, $0x7;
	[tilespmem:s10+$0xFFFFFF80] =	vst v2  }
0x297: {  	s11 =	simm.s32 $0x20;
	v15 =	vld [tilespmem:s10+$0x40];
	v2 =	vbroadcast v19, $0xE;
	[tilespmem:s10+$0xFFFFFF90] =	vst v16;
	v19 =	vmul.f32 v23, v29  }
0x298: {  	s28 =	simm.s32 $0x19520;
	s9 =	simm.s32 $0xC0;
	s21 =	sshll.u32 s20, $0x1;
	v16 =	vld [tilespmem:s10+$0x50];
	v21 =	vmul.f32 v18, v27;
	v18 =	vmul.f32 v24, v28;
	[tilespmem:s24+$0x50] =	vst v22  }
.LBB2_17:
0x299: {  	p1 =	sne.s32 s9, $0x600;
	v22 =	vld [tilespmem:s11+$0x19060];
	[tilespmem:s10+$0xFFFFFFA0] =	vst v20;
	v6 =	vmul.f32 v7, v6;
	v7 =	vmul.f32 v11, v9  }
0x29a: {  	v8 =	vmul.f32 v12, v8;
	s10 =	sadd.s32 $0x100, s10;
	[tilespmem:s28+$0xFFFFFFB0] =	vst v21;
	v9 =	vmul.f32 v13, v10;
	v10 =	vld [tilespmem:s28+$0x60]  }
0x29b: {  	v11 =	vld [tilespmem:s10+$0x70];
	[tilespmem:s28+$0xFFFFFFC0] =	vst v18;
	v5 =	vmul.f32 v14, v5;
	v14 =	vmul.f32 v1, v0;
	v0 =	vmov v2  }
0x29c: {  	v2 =	vld [tilespmem:s10+$0xFFFFFF80];
	[tilespmem:s28+$0xFFFFFFD0] =	vst v19;
	v4 =	vmul.f32 v15, v4  }
0x29d: {  	v15 =	vld [tilespmem:s10+$0xFFFFFF90];
	[tilespmem:s28+$0xFFFFFFE0] =	vst v17;
	v13 =	vmul.f32 v16, v3  }
0x29e: {  	v16 =	vbroadcast v22, $0x0;
	v17 =	vld [tilespmem:s10+$0xFFFFFFA0];
	v3 =	vbroadcast v22, $0xF;
	[tilespmem:s28+$0xFFFFFFF0] =	vst v6  }
0x29f: {  	v18 =	vbroadcast v22, $0x1;
	v19 =	vbroadcast v22, $0x2;
	v21 =	vld [tilespmem:s10+$0xFFFFFFB0];
	[tilespmem:s28+$0x0] =	vst v7;
	v1 =	vmov v10  }
0x2a0: {  	v23 =	vbroadcast v22, $0x3;
	v24 =	vld [tilespmem:s10+$0xFFFFFFC0];
	v3 =	vmul.f32 v11, v3;
	[tilespmem:s28+$0x10] =	vst v8  }
0x2a1: {  	v25 =	vbroadcast v22, $0x4;
	v27 =	vbroadcast v22, $0x5;
	v26 =	vld [tilespmem:s10+$0xFFFFFFD0];
	[tilespmem:s28+$0x20] =	vst v9  }
0x2a2: {  	v29 =	vbroadcast v22, $0x6;
	v6 =	vbroadcast v22, $0x7;
	v28 =	vld [tilespmem:s10+$0xFFFFFFE0];
	[tilespmem:s10+$0x70] =	vst v3  }
0x2a3: {  	v8 =	vbroadcast v22, $0x9;
	v9 =	vbroadcast v22, $0x8;
	v7 =	vld [tilespmem:s10+$0xFFFFFFF0];
	[tilespmem:s28+$0x30] =	vst v5  }
0x2a4: {  	v10 =	vbroadcast v22, $0xA;
	v5 =	vbroadcast v22, $0xB;
	v11 =	vld [tilespmem:s10+$0x0];
	[tilespmem:s28+$0x40] =	vst v4  }
.Ltmp8:
0x2a5: {  	v3 =	vbroadcast v22, $0xD;
	v4 =	vbroadcast v22, $0xC;
	v12 =	vld [tilespmem:s10+$0x10];
	[tilespmem:s28+$0x50] =	vst v13;
	(pc) =	sbr.rel @p1 .LBB2_17-.Ltmp8, $4  }
0x2a6: {  	v16 =	vmul.f32 v16, v2;
	v2 =	vbroadcast v22, $0xE;
	v13 =	vld [tilespmem:s10+$0x20];
	[tilespmem:s24+$0x60] =	vst v14;
	s24 =	smov.u32 s28;
	s28 =	smov.u32 s10  }
0x2a7: {  	v20 =	vmul.f32 v17, v19;
	v22 =	vmul.f32 v15, v18;
	v14 =	vld [tilespmem:s10+$0x30]  }
0x2a8: {  	v21 =	vmul.f32 v21, v23;
	v18 =	vmul.f32 v24, v25;
	[tilespmem:s10+$0xFFFFFF80] =	vst v16;
	v15 =	vld [tilespmem:s10+$0x40]  }
0x2a9: {  	s11 =	sshra.s32 s9, $0x2;
	s9 =	sadd.s32 $0x40, s9;
	v19 =	vmul.f32 v26, v27;
	v17 =	vmul.f32 v28, v29;
	[tilespmem:s10+$0xFFFFFF90] =	vst v22;
	v16 =	vld [tilespmem:s10+$0x50]  }
0x2aa: {  	[tilespmem:s10+$0xFFFFFFA0] =	vst v20  }
0x2ab: {  	[tilespmem:s28+$0xFFFFFFB0] =	vst v21  }
0x2ac: {  	[tilespmem:s28+$0xFFFFFFC0] =	vst v18  }
0x2ad: {  	v20 =	vld [tilespmem:s11+$0x19060];
	v6 =	vmul.f32 v7, v6;
	[tilespmem:s28+$0xFFFFFFD0] =	vst v19  }
0x2ae: {  	s9 =	sadd.s32 $0x100, s10;
	v7 =	vmul.f32 v11, v9;
	[tilespmem:s28+$0xFFFFFFE0] =	vst v17  }
0x2af: {  	v8 =	vmul.f32 v12, v8;
	v22 =	vld [tilespmem:s9+$0x70];
	[tilespmem:s28+$0xFFFFFFF0] =	vst v6  }
0x2b0: {  	v6 =	vmul.f32 v13, v10;
	[tilespmem:s28+$0x0] =	vst v7  }
0x2b1: {  	v0 =	vmul.f32 v1, v0;
	[tilespmem:s28+$0x10] =	vst v8;
	v8 =	vld [tilespmem:s9+$0xFFFFFF90]  }
0x2b2: {  	v5 =	vmul.f32 v14, v5;
	[tilespmem:s28+$0x20] =	vst v6;
	v6 =	vld [tilespmem:s9+$0xFFFFFFA0];
	v9 =	vbroadcast v20, $0xF  }
0x2b3: {  	v7 =	vld [tilespmem:s9+$0xFFFFFF80];
	[tilespmem:s24+$0x60] =	vst v0;
	v4 =	vmul.f32 v15, v4  }
0x2b4: {  	[tilespmem:s28+$0x30] =	vst v5;
	v5 =	vld [tilespmem:s9+$0xFFFFFFC0];
	v1 =	vbroadcast v20, $0x1;
	v9 =	vmul.f32 v22, v9  }
0x2b5: {  	v10 =	vld [tilespmem:s9+$0xFFFFFFB0];
	v3 =	vmul.f32 v16, v3;
	[tilespmem:s28+$0x40] =	vst v4;
	v4 =	vbroadcast v20, $0x2  }
0x2b6: {  	v0 =	vmul.f32 v8, v1;
	v8 =	vld [tilespmem:s9+$0xFFFFFFF0];
	[tilespmem:s9+$0x70] =	vst v9;
	v9 =	vbroadcast v20, $0x0  }
0x2b7: {  	v11 =	vld [tilespmem:s9+$0xFFFFFFD0];
	[tilespmem:s28+$0x50] =	vst v3;
	v1 =	vbroadcast v20, $0x4;
	v4 =	vmul.f32 v6, v4  }
0x2b8: {  	[tilespmem:s9+$0xFFFFFF90] =	vst v0;
	v3 =	vmul.f32 v9, v7;
	v7 =	vbroadcast v20, $0x3;
	v9 =	vld [tilespmem:s9+$0xFFFFFFE0]  }
0x2b9: {  	v6 =	vld [tilespmem:s9+$0x0];
	v1 =	vmul.f32 v5, v1;
	[tilespmem:s9+$0xFFFFFFA0] =	vst v4;
	v4 =	vbroadcast v20, $0x7  }
0x2ba: {  	[tilespmem:s9+$0xFFFFFF80] =	vst v3;
	v3 =	vbroadcast v20, $0x5;
	v7 =	vmul.f32 v10, v7;
	v10 =	vld [tilespmem:s9+$0x10]  }
0x2bb: {  	v0 =	vbroadcast v20, $0x6;
	v5 =	vld [tilespmem:s9+$0x20];
	[tilespmem:s9+$0xFFFFFFC0] =	vst v1;
	v4 =	vmul.f32 v8, v4  }
0x2bc: {  	v3 =	vmul.f32 v11, v3;
	[tilespmem:s9+$0xFFFFFFB0] =	vst v7;
	v7 =	vbroadcast v20, $0x8;
	v11 =	vld [tilespmem:s9+$0x30]  }
0x2bd: {  	v1 =	vbroadcast v20, $0x9;
	[tilespmem:s9+$0xFFFFFFF0] =	vst v4;
	v0 =	vmul.f32 v9, v0;
	v9 =	vld [tilespmem:s9+$0x40]  }
0x2be: {  	v8 =	vld [tilespmem:s9+$0x50];
	[tilespmem:s9+$0xFFFFFFD0] =	vst v3;
	v3 =	vbroadcast v20, $0xA;
	v6 =	vmul.f32 v6, v7  }
0x2bf: {  	v21 =	vld [tilespmem:s28+$0x60];
	[tilespmem:s9+$0xFFFFFFE0] =	vst v0;
	v0 =	vbroadcast v20, $0xB;
	v1 =	vmul.f32 v10, v1  }
0x2c0: {  	v4 =	vbroadcast v20, $0xC;
	v3 =	vmul.f32 v5, v3;
	v5 =	vld [tilespmem:s9+$0x60];
	[tilespmem:s9+$0x0] =	vst v6  }
0x2c1: {  	v6 =	vbroadcast v20, $0xD;
	v0 =	vmul.f32 v11, v0;
	[tilespmem:s9+$0x10] =	vst v1  }
0x2c2: {  	v1 =	vmul.f32 v9, v4;
	[tilespmem:s9+$0x20] =	vst v3  }
0x2c3: {  	s12 =	sand.u32 $0x2, s21;
	v3 =	vbroadcast v20, $0xE;
	v4 =	vmul.f32 v8, v6;
	[tilespmem:s9+$0x30] =	vst v0  }
0x2c4: {  	s10 =	smul.u32 $0x640, s12;
	v0 =	vmul.f32 v21, v2;
	[tilespmem:s9+$0x40] =	vst v1  }
0x2c5: {  	[tilespmem:s9+$0x50] =	vst v4;
	v1 =	vmul.f32 v5, v3  }
0x2c6: {  	p1 =	seq.s32 s20, $0x7C;
	s11 =	sshrl.u32 s10, $0x2;
	[tilespmem:s28+$0x60] =	vst v0  }
0x2c7: {  	s24 =	sadd.s32 $0x18A20, s11;
	[tilespmem:s9+$0x60] =	vst v1;
	s9 =	simm.s32 @p1 $0x4  }
0x2c8: {  	[spmem:s2] =	stream.indirect.scatter.add.f32 [tilespmem:s19], [sflag:$0x5], $0x10, s24, s7, $0xb8;
	[tilespmem:$0x1C5A0] =	vst v63  }
0x2c9: {  	_ =	swait.ge @p1 [sflag:s9], $0xC80  }
0x2ca: {  	[sflag:s9] =	ssyncset.done @p1 $0x0  }
0x2cb: {  	[sflag:s9] =	ssyncadd.s32 @p1 $0xFFFFF380  }
0x2cc: {  	s10 =	sadd.s32 @!p1 $0x2, s21;
	_ =	swait.ge @p1 [sflag:s9], $0xC80  }
0x2cd: {  	s12 =	smul.u32 @!p1 $0x190, s10;
	[sflag:s9] =	ssyncset.done @p1 $0x0  }
0x2ce: {  	s10 =	sand.u32 @!p1 $0x2, s10;
	[sflag:s9] =	ssyncadd.s32 @p1 $0xFFFFF380;
	s9 =	simm.s32 @p1 $0x5  }
0x2cf: {  	s10 =	smul.u32 @!p1 $0x640, s10;
	s12 =	sadd.s32 @!p1 s8, s12;
	_ =	swait.ge @p1 [sflag:s9], $0x1900  }
0x2d0: {  	s12 =	sshrl.u32 @!p1 s12, $0x3;
	s28 =	simm.s32 @!p1 $0x18700;
	[sflag:s9] =	ssyncset.done @p1 $0x0  }
0x2d1: {  	s24 =	simm.s32 @!p1 $0x0;
	[sflag:s9] =	ssyncadd.s32 @p1 $0xFFFFE700;
	s9 =	sadd.s32 @!p1 s4, s12  }
0x2d2: {  	[tilespmem:s28], [sflag:$0x1] =	stream.linear.gather @!p1 [hbm4b:s9+s24], $0x190, $0x38;
	[tilespmem:$0x1C5A0] =	vst v63  }
0x2d3: {  	s9 =	sshrl.u32 @!p1 s10, $0x2  }
0x2d4: {  	s10 =	sadd.s32 @!p1 s6, s12;
	s9 =	sadd.s32 @!p1 $0x18A20, s9  }
0x2d5: {  	[tilespmem:s9], [sflag:$0x1] =	stream.linear.gather @!p1 [hbm4b:s10+s24], $0x190, $0x38;
	[tilespmem:$0x1C5A0] =	vst v63  }
0x2d6: {  	s9 =	sadd.s32 @!p1 s1, s12;
	s10 =	simm.s32 @!p1 $0x19060  }
0x2d7: {  	[tilespmem:s10], [sflag:$0x1] =	stream.linear.gather @!p1 [hbm4b:s9+s24], $0x190, $0x38;
	[tilespmem:$0x1C5A0] =	vst v63  }
0x2d8: {  	s9 =	simm.s32 @!p1 $0x4  }
0x2d9: {  	_ =	swait.ge @!p1 [sflag:s9], $0xC80  }
0x2da: {  	[sflag:s9] =	ssyncset.done @!p1 $0x0  }
0x2db: {  	[sflag:s9] =	ssyncadd.s32 @!p1 $0xFFFFF380  }
0x2dc: {  	_ =	swait.ge @!p1 [sflag:s9], $0xC80  }
0x2dd: {  	[sflag:s9] =	ssyncset.done @!p1 $0x0  }
0x2de: {  	[sflag:s9] =	ssyncadd.s32 @!p1 $0xFFFFF380;
	s9 =	simm.s32 @!p1 $0x5  }
0x2df: {  	_ =	swait.ge @!p1 [sflag:s9], $0x1900  }
0x2e0: {  	[sflag:s9] =	ssyncset.done @!p1 $0x0  }
0x2e1: {  	[sflag:s9] =	ssyncadd.s32 @!p1 $0xFFFFE700;
	s9 =	simm.s32 @!p1 $0x1  }
0x2e2: {  	_ =	swait.ge @!p1 [sflag:s9], $0x190  }
0x2e3: {  	[sflag:s9] =	ssyncset.done @!p1 $0x0  }
0x2e4: {  	[sflag:s9] =	ssyncadd.s32 @!p1 $0xFFFFFE70  }
0x2e5: {  	_ =	swait.ge @!p1 [sflag:s9], $0x190  }
0x2e6: {  	[sflag:s9] =	ssyncset.done @!p1 $0x0  }
0x2e7: {  	[sflag:s9] =	ssyncadd.s32 @!p1 $0xFFFFFE70  }
0x2e8: {  	_ =	swait.ge @!p1 [sflag:s9], $0x190  }
0x2e9: {  	[sflag:s9] =	ssyncset.done @!p1 $0x0  }
0x2ea: {  	s10 =	simm.s32 @!p1 $0x193A0;
	[sflag:s9] =	ssyncadd.s32 @!p1 $0xFFFFFE70;
	s9 =	simm.s32 @!p1 $0xC8  }
0x2eb: {  	[tilespmem:s10], [sflag:$0x3] =	stream.indirect.gather @!p1 [hbm4b:s26+s9], $0x10, s28, s9, $0xb8;
	[tilespmem:$0x1C5A0] =	vst v63  }
0x2ec: {  	s12 =	simm.s32 @!p1 $0x1A020;
	s10 =	simm.s32 @!p1 $0x187C8  }
0x2ed: {  	[tilespmem:s12], [sflag:$0x3] =	stream.indirect.gather @!p1 [hbm4b:s26+s9], $0x10, s10, s9, $0xb8;
	[tilespmem:$0x1C5A0] =	vst v63  }
0x2ee: {  	s10 =	simm.s32 $0x0  }
0x2ef: {  	s24 =	simm.s32 $0x1AD20;
	v0 =	vld [tilespmem:s10+$0x19200]  }
0x2f0: {  	v1 =	vld [tilespmem:s24+$0x70]  }
0x2f1: {  	v2 =	vld [tilespmem:s24+$0xFFFFFF80]  }
0x2f2: {  	v3 =	vld [tilespmem:s24+$0xFFFFFF90]  }
0x2f3: {  	s12 =	simm.s32 $0x10;
	v4 =	vld [tilespmem:s24+$0xFFFFFFA0]  }
0x2f4: {  	v19 =	vld [tilespmem:s12+$0x19200];
	v5 =	vbroadcast v0, $0xF  }
0x2f5: {  	v6 =	vld [tilespmem:s24+$0xFFFFFFB0];
	v12 =	vbroadcast v0, $0x1;
	v14 =	vbroadcast v0, $0x2  }
0x2f6: {  	v7 =	vld [tilespmem:s24+$0xFFFFFFC0];
	v16 =	vbroadcast v0, $0x5;
	v17 =	vbroadcast v0, $0x8  }
0x2f7: {  	v8 =	vld [tilespmem:s24+$0xFFFFFFE0];
	v18 =	vbroadcast v0, $0xA;
	v20 =	vbroadcast v0, $0xB  }
0x2f8: {  	v15 =	vld [tilespmem:s24+$0x40];
	v21 =	vbroadcast v0, $0xC;
	v22 =	vbroadcast v0, $0xD  }
0x2f9: {  	v9 =	vld [tilespmem:s24+$0xFFFFFFF0];
	v27 =	vbroadcast v19, $0x3;
	v28 =	vbroadcast v19, $0x4  }
0x2fa: {  	v10 =	vld [tilespmem:s24+$0x0];
	v29 =	vbroadcast v19, $0x5;
	v30 =	vbroadcast v19, $0x6  }
0x2fb: {  	v11 =	vld [tilespmem:s24+$0x10];
	v1 =	vmul.f32 v1, v5;
	v3 =	vmul.f32 v3, v12  }
0x2fc: {  	v13 =	vld [tilespmem:s24+$0x30];
	s10 =	simm.s32 $0x1AE20;
	v12 =	vbroadcast v0, $0x4;
	v4 =	vmul.f32 v4, v14  }
0x2fd: {  	v23 =	vld [tilespmem:s10+$0x70];
	v14 =	vbroadcast v0, $0x7;
	v15 =	vmul.f32 v15, v21;
	[tilespmem:s24+$0x70] =	vst v1  }
0x2fe: {  	v24 =	vld [tilespmem:s10+$0xFFFFFF90];
	v21 =	vbroadcast v19, $0x2;
	v1 =	vbroadcast v0, $0x0;
	[tilespmem:s24+$0xFFFFFF90] =	vst v3  }
0x2ff: {  	v5 =	vld [tilespmem:s24+$0xFFFFFFD0];
	v3 =	vbroadcast v0, $0x6;
	[tilespmem:s24+$0xFFFFFFA0] =	vst v4;
	v4 =	vbroadcast v0, $0x9  }
0x300: {  	v25 =	vld [tilespmem:s10+$0xFFFFFFC0];
	v7 =	vmul.f32 v7, v12;
	v1 =	vmul.f32 v1, v2  }
0x301: {  	v26 =	vld [tilespmem:s10+$0xFFFFFFE0];
	[tilespmem:s24+$0x40] =	vst v15;
	v3 =	vmul.f32 v8, v3;
	v8 =	vmul.f32 v9, v14  }
0x302: {  	v12 =	vld [tilespmem:s10+$0x10];
	v9 =	vmul.f32 v10, v17;
	v4 =	vmul.f32 v11, v4;
	[tilespmem:s24+$0xFFFFFFC0] =	vst v7  }
0x303: {  	v2 =	vld [tilespmem:s24+$0x20];
	v10 =	vbroadcast v19, $0xF;
	v14 =	vmul.f32 v13, v20;
	[tilespmem:s24+$0xFFFFFF80] =	vst v1  }
0x304: {  	v17 =	vld [tilespmem:s10+$0xFFFFFFA0];
	v20 =	vbroadcast v19, $0x1;
	v5 =	vmul.f32 v5, v16;
	[tilespmem:s24+$0xFFFFFFE0] =	vst v3  }
0x305: {  	v16 =	vld [tilespmem:s10+$0xFFFFFF80];
	v1 =	vbroadcast v0, $0x3;
	v0 =	vbroadcast v0, $0xE;
	[tilespmem:s24+$0xFFFFFFF0] =	vst v8  }
0x306: {  	v7 =	vld [tilespmem:s10+$0xFFFFFFF0];
	v3 =	vbroadcast v19, $0x0;
	[tilespmem:s24+$0x0] =	vst v9;
	v9 =	vbroadcast v19, $0x8  }
0x307: {  	v11 =	vld [tilespmem:s10+$0x0];
	v8 =	vbroadcast v19, $0x9;
	[tilespmem:s24+$0xFFFFFFD0] =	vst v5;
	v5 =	vmul.f32 v23, v10  }
0x308: {  	[tilespmem:s24+$0x10] =	vst v4;
	v1 =	vmul.f32 v6, v1;
	v6 =	vld [tilespmem:s24+$0x50];
	v2 =	vmul.f32 v2, v18  }
0x309: {  	v4 =	vbroadcast v19, $0xC;
	v23 =	vld [tilespmem:s10+$0xFFFFFFD0];
	v10 =	vbroadcast v19, $0xA;
	[tilespmem:s10+$0x70] =	vst v5  }
0x30a: {  	v18 =	vld [tilespmem:s10+$0xFFFFFFB0];
	v5 =	vbroadcast v19, $0xB;
	[tilespmem:s24+$0x20] =	vst v2;
	v2 =	vmul.f32 v3, v16  }
0x30b: {  	v13 =	vld [tilespmem:s10+$0x20];
	[tilespmem:s24+$0x30] =	vst v14;
	v16 =	vmul.f32 v24, v20;
	v3 =	vbroadcast v19, $0xD  }
0x30c: {  	v14 =	vld [tilespmem:s10+$0x30];
	[tilespmem:s24+$0xFFFFFFB0] =	vst v1;
	v20 =	vmul.f32 v17, v21;
	v17 =	vmul.f32 v26, v30  }
0x30d: {  	v1 =	vld [tilespmem:s24+$0x60];
	v22 =	vmul.f32 v6, v22;
	v6 =	vbroadcast v19, $0x7;
	[tilespmem:s10+$0xFFFFFF80] =	vst v2  }
0x30e: {  	s28 =	sadd.s32 $0x18BB0, s11;
	v15 =	vld [tilespmem:s10+$0x40];
	v2 =	vbroadcast v19, $0xE;
	[tilespmem:s10+$0xFFFFFF90] =	vst v16;
	v19 =	vmul.f32 v23, v29  }
0x30f: {  	s11 =	simm.s32 $0x1AE20;
	s9 =	simm.s32 $0xC0;
	s12 =	simm.s32 $0x20;
	v16 =	vld [tilespmem:s10+$0x50];
	v21 =	vmul.f32 v18, v27;
	v18 =	vmul.f32 v25, v28;
	[tilespmem:s24+$0x50] =	vst v22  }
.LBB2_19:
0x310: {  	p2 =	sne.s32 s9, $0x600;
	v22 =	vld [tilespmem:s12+$0x19200];
	[tilespmem:s10+$0xFFFFFFA0] =	vst v20;
	v6 =	vmul.f32 v7, v6;
	v7 =	vmul.f32 v11, v9  }
0x311: {  	v8 =	vmul.f32 v12, v8;
	s10 =	sadd.s32 $0x100, s10;
	[tilespmem:s11+$0xFFFFFFB0] =	vst v21;
	v9 =	vmul.f32 v13, v10;
	v10 =	vld [tilespmem:s11+$0x60]  }
0x312: {  	v11 =	vld [tilespmem:s10+$0x70];
	[tilespmem:s11+$0xFFFFFFC0] =	vst v18;
	v5 =	vmul.f32 v14, v5;
	v14 =	vmul.f32 v1, v0;
	v0 =	vmov v2  }
0x313: {  	v2 =	vld [tilespmem:s10+$0xFFFFFF80];
	[tilespmem:s11+$0xFFFFFFD0] =	vst v19;
	v4 =	vmul.f32 v15, v4  }
0x314: {  	v15 =	vld [tilespmem:s10+$0xFFFFFF90];
	[tilespmem:s11+$0xFFFFFFE0] =	vst v17;
	v13 =	vmul.f32 v16, v3  }
0x315: {  	v16 =	vbroadcast v22, $0x0;
	v17 =	vld [tilespmem:s10+$0xFFFFFFA0];
	v3 =	vbroadcast v22, $0xF;
	[tilespmem:s11+$0xFFFFFFF0] =	vst v6  }
0x316: {  	v18 =	vbroadcast v22, $0x1;
	v19 =	vbroadcast v22, $0x2;
	v21 =	vld [tilespmem:s10+$0xFFFFFFB0];
	[tilespmem:s11+$0x0] =	vst v7;
	v1 =	vmov v10  }
0x317: {  	v23 =	vbroadcast v22, $0x3;
	v24 =	vld [tilespmem:s10+$0xFFFFFFC0];
	v3 =	vmul.f32 v11, v3;
	[tilespmem:s11+$0x10] =	vst v8  }
0x318: {  	v25 =	vbroadcast v22, $0x4;
	v27 =	vbroadcast v22, $0x5;
	v26 =	vld [tilespmem:s10+$0xFFFFFFD0];
	[tilespmem:s11+$0x20] =	vst v9  }
0x319: {  	v29 =	vbroadcast v22, $0x6;
	v6 =	vbroadcast v22, $0x7;
	v28 =	vld [tilespmem:s10+$0xFFFFFFE0];
	[tilespmem:s10+$0x70] =	vst v3  }
0x31a: {  	v8 =	vbroadcast v22, $0x9;
	v9 =	vbroadcast v22, $0x8;
	v7 =	vld [tilespmem:s10+$0xFFFFFFF0];
	[tilespmem:s11+$0x30] =	vst v5  }
0x31b: {  	v10 =	vbroadcast v22, $0xA;
	v5 =	vbroadcast v22, $0xB;
	v11 =	vld [tilespmem:s10+$0x0];
	[tilespmem:s11+$0x40] =	vst v4  }
.Ltmp9:
0x31c: {  	v3 =	vbroadcast v22, $0xD;
	v4 =	vbroadcast v22, $0xC;
	v12 =	vld [tilespmem:s10+$0x10];
	[tilespmem:s11+$0x50] =	vst v13;
	(pc) =	sbr.rel @p2 .LBB2_19-.Ltmp9, $4  }
0x31d: {  	v16 =	vmul.f32 v16, v2;
	v2 =	vbroadcast v22, $0xE;
	v13 =	vld [tilespmem:s10+$0x20];
	[tilespmem:s24+$0x60] =	vst v14;
	s24 =	smov.u32 s11;
	s11 =	smov.u32 s10  }
0x31e: {  	v20 =	vmul.f32 v17, v19;
	v22 =	vmul.f32 v15, v18;
	v14 =	vld [tilespmem:s10+$0x30]  }
0x31f: {  	v21 =	vmul.f32 v21, v23;
	v18 =	vmul.f32 v24, v25;
	[tilespmem:s10+$0xFFFFFF80] =	vst v16;
	v15 =	vld [tilespmem:s10+$0x40]  }
0x320: {  	s12 =	sshra.s32 s9, $0x2;
	s9 =	sadd.s32 $0x40, s9;
	v19 =	vmul.f32 v26, v27;
	v17 =	vmul.f32 v28, v29;
	[tilespmem:s10+$0xFFFFFF90] =	vst v22;
	v16 =	vld [tilespmem:s10+$0x50]  }
0x321: {  	[tilespmem:s10+$0xFFFFFFA0] =	vst v20  }
0x322: {  	[tilespmem:s11+$0xFFFFFFB0] =	vst v21  }
0x323: {  	[tilespmem:s11+$0xFFFFFFC0] =	vst v18  }
0x324: {  	v6 =	vmul.f32 v7, v6;
	[tilespmem:s11+$0xFFFFFFD0] =	vst v19  }
0x325: {  	v63 =	vld [tilespmem:s12+$0x19200];
	v25 =	vmul.f32 v11, v9;
	[tilespmem:s11+$0xFFFFFFE0] =	vst v17  }
0x326: {  	v8 =	vmul.f32 v12, v8;
	[tilespmem:s11+$0xFFFFFFF0] =	vst v6  }
0x327: {  	s9 =	sadd.s32 $0x100, s10;
	v0 =	vmul.f32 v1, v0;
	v24 =	vld [tilespmem:s11+$0x60];
	[tilespmem:s11+$0x0] =	vst v25  }
0x328: {  	v22 =	vld [tilespmem:s9+$0x70];
	v27 =	vmul.f32 v13, v10;
	[tilespmem:s11+$0x10] =	vst v8  }
0x329: {  	v28 =	vld [tilespmem:s9+$0xFFFFFF80];
	v5 =	vmul.f32 v14, v5;
	[tilespmem:s24+$0x60] =	vst v0;
	v4 =	vmul.f32 v15, v4  }
0x32a: {  	v29 =	vld [tilespmem:s9+$0xFFFFFF90];
	[tilespmem:s11+$0x20] =	vst v27;
	v3 =	vmul.f32 v16, v3;
	v26 =	vbroadcast v63, $0xF  }
0x32b: {  	v30 =	vld [tilespmem:s9+$0xFFFFFFA0];
	[tilespmem:s11+$0x30] =	vst v5;
	v31 =	vbroadcast v63, $0x0;
	v33 =	vbroadcast v63, $0x1  }
0x32c: {  	v32 =	vld [tilespmem:s9+$0xFFFFFFB0];
	[tilespmem:s11+$0x40] =	vst v4;
	v35 =	vbroadcast v63, $0x2;
	v62 =	vmul.f32 v24, v2  }
0x32d: {  	v34 =	vld [tilespmem:s9+$0xFFFFFFC0];
	v38 =	vbroadcast v63, $0x3;
	[tilespmem:s11+$0x50] =	vst v3;
	v9 =	vmul.f32 v22, v26  }
0x32e: {  	v36 =	vld [tilespmem:s9+$0xFFFFFFD0];
	v41 =	vbroadcast v63, $0x4;
	v37 =	vmul.f32 v31, v28;
	[tilespmem:s11+$0x60] =	vst v62  }
0x32f: {  	v39 =	vld [tilespmem:s9+$0xFFFFFFE0];
	v43 =	vbroadcast v63, $0x5;
	v40 =	vmul.f32 v29, v33;
	[tilespmem:s9+$0x70] =	vst v9  }
0x330: {  	v44 =	vld [tilespmem:s9+$0x0];
	v45 =	vbroadcast v63, $0x6;
	v4 =	vmul.f32 v30, v35;
	[tilespmem:s9+$0xFFFFFF80] =	vst v37  }
0x331: {  	v52 =	vld [tilespmem:s9+$0x40];
	v47 =	vbroadcast v63, $0x7;
	v7 =	vmul.f32 v32, v38;
	[tilespmem:s9+$0xFFFFFF90] =	vst v40  }
0x332: {  	v54 =	vld [tilespmem:s9+$0x50];
	v49 =	vbroadcast v63, $0x8;
	v1 =	vmul.f32 v34, v41;
	[tilespmem:s9+$0xFFFFFFA0] =	vst v4  }
0x333: {  	v57 =	vld [tilespmem:s9+$0x60];
	v51 =	vbroadcast v63, $0x9;
	v3 =	vmul.f32 v36, v43;
	[tilespmem:s9+$0xFFFFFFB0] =	vst v7  }
0x334: {  	v42 =	vld [tilespmem:s9+$0xFFFFFFF0];
	v56 =	vbroadcast v63, $0xC;
	v0 =	vmul.f32 v39, v45;
	[tilespmem:s9+$0xFFFFFFC0] =	vst v1  }
0x335: {  	v46 =	vld [tilespmem:s9+$0x10];
	v58 =	vbroadcast v63, $0xD;
	v6 =	vmul.f32 v44, v49;
	[tilespmem:s9+$0xFFFFFFD0] =	vst v3  }
0x336: {  	v48 =	vld [tilespmem:s9+$0x20];
	v60 =	vbroadcast v63, $0xE;
	v59 =	vmul.f32 v52, v56;
	[tilespmem:s9+$0xFFFFFFE0] =	vst v0  }
0x337: {  	v50 =	vld [tilespmem:s9+$0x30];
	v53 =	vbroadcast v63, $0xA;
	v61 =	vmul.f32 v54, v58;
	[tilespmem:s9+$0x0] =	vst v6  }
0x338: {  	v55 =	vbroadcast v63, $0xB;
	v63 =	vmul.f32 v57, v60;
	[tilespmem:s9+$0x40] =	vst v59  }
0x339: {  	v4 =	vmul.f32 v42, v47;
	[tilespmem:s9+$0x50] =	vst v61  }
0x33a: {  	v1 =	vmul.f32 v46, v51;
	[tilespmem:s9+$0x60] =	vst v63  }
.Ltmp10:
0x33b: {  	v3 =	vmul.f32 v48, v53;
	[tilespmem:s9+$0xFFFFFFF0] =	vst v4;
	(pc) =	sbr.rel @p1 .LBB2_22-.Ltmp10, $4  }
0x33c: {  	v0 =	vmul.f32 v50, v55;
	[tilespmem:s9+$0x10] =	vst v1  }
0x33d: {  	[tilespmem:s9+$0x20] =	vst v3  }
0x33e: {  	[tilespmem:s9+$0x30] =	vst v0  }
0x33f: {  	[spmem:s2] =	stream.indirect.scatter.add.f32 [tilespmem:s14], [sflag:$0x6], $0x10, s28, s7, $0xb8;
	[tilespmem:$0x1C5A0] =	vst v63  }
0x340: {  	s9 =	sadd.s32 $0x3, s21  }
0x341: {  	s10 =	smul.u32 $0x190, s9;
	_ =	sdelay $0x1  }
0x342: {  	s10 =	sadd.s32 s8, s10  }
0x343: {  	s9 =	sand.u32 $0x3, s9;
	s10 =	sshrl.u32 s10, $0x3  }
0x344: {  	s9 =	smul.u32 $0x640, s9;
	s11 =	sadd.s32 s4, s10  }
0x345: {  	[tilespmem:s13], [sflag:$0x2] =	stream.linear.gather [hbm4b:s11+s3], $0x190, $0x38;
	[tilespmem:$0x1C5A0] =	vst v63  }
.Ltmp11:
0x346: {  	s9 =	sshrl.u32 s9, $0x2;
	(pc) =	sbr.rel .LBB2_16-.Ltmp11, $4  }
0x347: {  	s9 =	sadd.s32 $0x18A20, s9;
	s24 =	sadd.s32 s6, s10  }
0x348: {  	[tilespmem:s9], [sflag:$0x2] =	stream.linear.gather [hbm4b:s24+s3], $0x190, $0x38;
	[tilespmem:$0x1C5A0] =	vst v63  }
0x349: {  	s20 =	sadd.s32 $0x1, s20;
	s28 =	sadd.s32 s1, s10  }
0x34a: {  	[tilespmem:s16], [sflag:$0x2] =	stream.linear.gather [hbm4b:s28+s3], $0x190, $0x38;
	[tilespmem:$0x1C5A0] =	vst v63  }
.LBB2_22:
0x34b: {  	s9 =	simm.s32 $0x6  }
0x34c: {  	_ =	swait.ge [sflag:s9], $0x1900  }
0x34d: {  	[sflag:s9] =	ssyncset.done $0x0  }
0x34e: {  	[sflag:s9] =	ssyncadd.s32 $0xFFFFE700  }
0x34f: {  	[bflag:$0x0] =	sbarrier.arrive $0xFFFF  }
0x350: {  	s28 =	rddreg [dreg:$0x15]  }
0x351: {  	s20 =	rddreg [dreg:$0x16]  }
0x352: {  	s10 =	rddreg [dreg:$0x7];
	s9 =	sadd.s32 s28, s20  }
0x353: {  	[hbm:s9], [sflag:s10] =	dma.local [spmem:s15], $0x30E0  }
.Ltmp12:
0x354: {  	_ =	swait.ge [sflag:s30], $0x30E0;
	(pc) =	sbr.rel @!p0 .LBB2_23-.Ltmp12, $3  }
0x355: {  	[sflag:s30] =	ssyncset.done $0x0  }
0x356: {  	[sflag:s30] =	ssyncadd.s32 $0xFFFFCF20  }
0x357: {  	[bflag:$0x0] =	sbarrier.arrive $0xFFFF;
	_ =	sdelay $0x1  }
0x358: {  	s9 =	simm.s32 $0x0;
	s10 =	rddreg [dreg:$0xe]  }
0x359: {  	[tilespmem:s31], [sflag:$0x7] =	stream.linear.gather [hbm4b:s10+s9], $0x100, $0x38;
	[tilespmem:$0x1C5A0] =	vst v63  }
0x35a: {  	_ =	swait.ge [sflag:s30], $0x100  }
0x35b: {  	[sflag:s30] =	ssyncset.done $0x0  }
0x35c: {  	s9 =	simm.s32 $0x0;
	[sflag:s30] =	ssyncadd.s32 $0xFFFFFF00  }
0x35d: {  	s15 =	simm.s32 $0x100;
	s10 =	simm.s32 $0x40;
	v0 =	vld [tilespmem:s9+$0x18700]  }
.LBB2_25:
0x35e: {  	p1 =	sne.s32 s10, $0x3C0  }
.Ltmp13:
0x35f: {  	_ = 	snop;
	(pc) =	sbr.rel @p1 .LBB2_25-.Ltmp13, $3  }
0x360: {  	_ =	sdelay $0x1  }
0x361: {  	s11 =	sshra.s32 s10, $0x2;
	s10 =	sadd.s32 $0x40, s10;
	v1 =	vadd.s32 $0xC350, v0  }
0x362: {  	v0 =	vld [tilespmem:s11+$0x18700];
	[tilespmem:s9+$0x18700] =	vst v1;
	s9 =	smov.u32 s11  }
0x363: {  	_ = 	snop  }
.Ltmp14:
0x364: {  	_ = 	snop;
	(pc) =	sbr.rel .LBB2_27-.Ltmp14, $3  }
0x365: {  	_ =	sdelay $0x1  }
0x366: {  	v0 =	vadd.s32 $0xC350, v0  }
0x367: {  	[tilespmem:s9+$0x18700] =	vst v0  }
.LBB2_23:
0x368: {  	s9 =	rddreg [dreg:$0xb]  }
0x369: {  	[tilespmem:s31], [sflag:$0x7] =	stream.linear.gather [hbm4b:s9+s3], $0x100, $0x38;
	[tilespmem:$0x1C5A0] =	vst v63  }
0x36a: {  	_ =	swait.ge [sflag:s30], $0x100  }
0x36b: {  	[sflag:s30] =	ssyncset.done $0x0  }
0x36c: {  	s15 =	simm.s32 $0x100;
	[sflag:s30] =	ssyncadd.s32 $0xFFFFFF00  }
.LBB2_27:
0x36d: {  	[tilespmem:s14], [sflag:$0x3] =	stream.indirect.gather [hbm4b:s22+s15], $0x10, s31, s15, $0xb8;
	[tilespmem:$0x1C5A0] =	vst v63  }
0x36e: {  	_ =	swait.ge [sflag:s0], $0x1000  }
0x36f: {  	[sflag:s0] =	ssyncset.done $0x0  }
0x370: {  	[sflag:s0] =	ssyncadd.s32 $0xFFFFF000  }
0x371: {  	[tilespmem:s19], [sflag:$0x3] =	stream.indirect.gather [hbm4b:s25+s15], $0x10, s31, s15, $0xb8;
	[tilespmem:$0x1C5A0] =	vst v63  }
0x372: {  	_ =	swait.ge [sflag:s0], $0x1000  }
0x373: {  	[sflag:s0] =	ssyncset.done $0x0  }
0x374: {  	s9 =	simm.s32 $0x0;
	[sflag:s0] =	ssyncadd.s32 $0xFFFFF000  }
0x375: {  	v0 =	vld [tilespmem:s9+$0x1ACA0]  }
0x376: {  	s10 =	simm.s32 $0x40;
	v1 =	vld [tilespmem:s9+$0x193A0]  }
.LBB2_28:
0x377: {  	_ = 	snop  }
0x378: {  	p1 =	sne.s32 s10, $0x3FC0  }
.Ltmp15:
0x379: {  	_ = 	snop;
	(pc) =	sbr.rel @p1 .LBB2_28-.Ltmp15, $4  }
0x37a: {  	_ = 	snop  }
0x37b: {  	s11 =	sshra.s32 s10, $0x2;
	v2 =	vadd.f32 v1, v0  }
0x37c: {  	v0 =	vld [tilespmem:s11+$0x1ACA0]  }
0x37d: {  	s10 =	sadd.s32 $0x40, s10;
	v1 =	vld [tilespmem:s11+$0x193A0];
	[tilespmem:s9+$0x1ACA0] =	vst v2;
	s9 =	smov.u32 s11  }
0x37e: {  	_ =	sdelay $0x3  }
0x37f: {  	v0 =	vadd.f32 v1, v0;
	_ =	sdelay $0x1  }
0x380: {  	[tilespmem:s9+$0x1ACA0] =	vst v0  }
0x381: {  	[tilespmem:s19], [sflag:$0x3] =	stream.indirect.gather [hbm4b:s26+s15], $0x10, s31, s15, $0xb8;
	[tilespmem:$0x1C5A0] =	vst v63  }
0x382: {  	_ =	swait.ge [sflag:s0], $0x1000  }
0x383: {  	[sflag:s0] =	ssyncset.done $0x0  }
0x384: {  	s9 =	simm.s32 $0x0;
	[sflag:s0] =	ssyncadd.s32 $0xFFFFF000  }
0x385: {  	v0 =	vld [tilespmem:s9+$0x1ACA0]  }
0x386: {  	s10 =	simm.s32 $0x40;
	v1 =	vld [tilespmem:s9+$0x193A0]  }
.LBB2_30:
0x387: {  	_ = 	snop  }
0x388: {  	p1 =	sne.s32 s10, $0x3FC0  }
.Ltmp16:
0x389: {  	_ = 	snop;
	(pc) =	sbr.rel @p1 .LBB2_30-.Ltmp16, $4  }
0x38a: {  	_ = 	snop  }
0x38b: {  	s11 =	sshra.s32 s10, $0x2;
	v2 =	vadd.f32 v1, v0  }
0x38c: {  	v0 =	vld [tilespmem:s11+$0x1ACA0]  }
0x38d: {  	s10 =	sadd.s32 $0x40, s10;
	v1 =	vld [tilespmem:s11+$0x193A0];
	[tilespmem:s9+$0x1ACA0] =	vst v2;
	s9 =	smov.u32 s11  }
0x38e: {  	_ =	sdelay $0x3  }
0x38f: {  	v0 =	vadd.f32 v1, v0;
	_ =	sdelay $0x1  }
0x390: {  	[tilespmem:s9+$0x1ACA0] =	vst v0  }
0x391: {  	[tilespmem:s19], [sflag:$0x3] =	stream.indirect.gather [hbm4b:s20+s15], $0x10, s31, s15, $0xb8;
	[tilespmem:$0x1C5A0] =	vst v63  }
0x392: {  	_ =	swait.ge [sflag:s0], $0x1000  }
0x393: {  	[sflag:s0] =	ssyncset.done $0x0  }
0x394: {  	s9 =	simm.s32 $0x0;
	[sflag:s0] =	ssyncadd.s32 $0xFFFFF000  }
0x395: {  	v0 =	vld [tilespmem:s9+$0x1ACA0]  }
0x396: {  	s10 =	simm.s32 $0x40;
	s11 =	simm.s32 $0x0;
	v1 =	vld [tilespmem:s9+$0x193A0]  }
.LBB2_32:
0x397: {  	_ = 	snop  }
0x398: {  	p1 =	sne.s32 s10, $0x3FC0  }
.Ltmp17:
0x399: {  	_ = 	snop;
	(pc) =	sbr.rel @p1 .LBB2_32-.Ltmp17, $4  }
0x39a: {  	_ = 	snop  }
0x39b: {  	s12 =	sshra.s32 s10, $0x2;
	v2 =	vadd.f32 v1, v0  }
0x39c: {  	v0 =	vld [tilespmem:s12+$0x1ACA0]  }
0x39d: {  	s10 =	sadd.s32 $0x40, s10;
	v1 =	vld [tilespmem:s12+$0x193A0];
	[tilespmem:s11+$0x1ACA0] =	vst v2;
	s11 =	smov.u32 s12  }
0x39e: {  	_ =	sdelay $0x3  }
0x39f: {  	v0 =	vadd.f32 v1, v0;
	_ =	sdelay $0x1  }
0x3a0: {  	[tilespmem:s11+$0x1ACA0] =	vst v0  }
0x3a1: {  	v0 =	vld [tilespmem:s9+$0x1ACA0]  }
0x3a2: {  	s10 =	simm.s32 $0x40  }
.LBB2_34:
0x3a3: {  	p1 =	sne.s32 s10, $0x3FC0  }
.Ltmp18:
0x3a4: {  	_ = 	snop;
	(pc) =	sbr.rel @p1 .LBB2_34-.Ltmp18, $4  }
0x3a5: {  	_ = 	snop  }
0x3a6: {  	s11 =	sshra.s32 s10, $0x2;
	s10 =	sadd.s32 $0x40, s10;
	v1 =	vmul.f32 $2.500000000e-01, v0  }
0x3a7: {  	v0 =	vld [tilespmem:s11+$0x1ACA0]  }
0x3a8: {  	[tilespmem:s9+$0x1ACA0] =	vst v1;
	s9 =	smov.u32 s11  }
0x3a9: {  	_ =	sdelay $0x2  }
0x3aa: {  	v0 =	vmul.f32 $2.500000000e-01, v0;
	_ =	sdelay $0x1  }
0x3ab: {  	[tilespmem:s9+$0x1ACA0] =	vst v0  }
.Ltmp19:
0x3ac: {  	s9 =	rddreg [dreg:$0x10];
	(pc) =	sbr.rel @!p0 .LBB2_36-.Ltmp19, $4  }
0x3ad: {  	[hbm4b:s9+s3] =	stream.linear.scatter [tilespmem:s14], [sflag:$0x7], $0x1000, $0x38;
	[tilespmem:$0x1C5A0] =	vst v63  }
0x3ae: {  	_ =	swait.ge [sflag:s30], $0x1000  }
0x3af: {  	[sflag:s30] =	ssyncset.done $0x0  }
0x3b0: {  	[sflag:s30] =	ssyncadd.s32 $0xFFFFF000  }
0x3b1: {  	s9 =	simm.s32 $0x0;
	s10 =	rddreg [dreg:$0xf]  }
0x3b2: {  	[tilespmem:s31], [sflag:$0x7] =	stream.linear.gather [hbm4b:s10+s9], $0x100, $0x38;
	[tilespmem:$0x1C5A0] =	vst v63  }
0x3b3: {  	_ =	swait.ge [sflag:s30], $0x100  }
0x3b4: {  	[sflag:s30] =	ssyncset.done $0x0  }
0x3b5: {  	s9 =	simm.s32 $0x0;
	[sflag:s30] =	ssyncadd.s32 $0xFFFFFF00  }
0x3b6: {  	s10 =	simm.s32 $0x40;
	v0 =	vld [tilespmem:s9+$0x18700]  }
.LBB2_38:
0x3b7: {  	p1 =	sne.s32 s10, $0x3C0  }
.Ltmp20:
0x3b8: {  	_ = 	snop;
	(pc) =	sbr.rel @p1 .LBB2_38-.Ltmp20, $3  }
0x3b9: {  	_ =	sdelay $0x1  }
0x3ba: {  	s11 =	sshra.s32 s10, $0x2;
	s10 =	sadd.s32 $0x40, s10;
	v1 =	vadd.s32 $0xC350, v0  }
0x3bb: {  	v0 =	vld [tilespmem:s11+$0x18700];
	[tilespmem:s9+$0x18700] =	vst v1;
	s9 =	smov.u32 s11  }
0x3bc: {  	_ = 	snop  }
.Ltmp21:
0x3bd: {  	_ = 	snop;
	(pc) =	sbr.rel .LBB2_40-.Ltmp21, $3  }
0x3be: {  	_ =	sdelay $0x1  }
0x3bf: {  	v0 =	vadd.s32 $0xC350, v0  }
0x3c0: {  	[tilespmem:s9+$0x18700] =	vst v0  }
.LBB2_36:
0x3c1: {  	s9 =	rddreg [dreg:$0xc]  }
0x3c2: {  	[tilespmem:s31], [sflag:$0x7] =	stream.linear.gather [hbm4b:s9+s3], $0x100, $0x38;
	[tilespmem:$0x1C5A0] =	vst v63  }
0x3c3: {  	_ =	swait.ge [sflag:s30], $0x100  }
0x3c4: {  	[sflag:s30] =	ssyncset.done $0x0  }
0x3c5: {  	[sflag:s30] =	ssyncadd.s32 $0xFFFFFF00  }
.LBB2_40:
0x3c6: {  	[tilespmem:s14], [sflag:$0x3] =	stream.indirect.gather [hbm4b:s22+s15], $0x10, s31, s15, $0xb8;
	[tilespmem:$0x1C5A0] =	vst v63  }
0x3c7: {  	_ =	swait.ge [sflag:s0], $0x1000  }
0x3c8: {  	[sflag:s0] =	ssyncset.done $0x0  }
0x3c9: {  	[sflag:s0] =	ssyncadd.s32 $0xFFFFF000  }
0x3ca: {  	[tilespmem:s19], [sflag:$0x3] =	stream.indirect.gather [hbm4b:s25+s15], $0x10, s31, s15, $0xb8;
	[tilespmem:$0x1C5A0] =	vst v63  }
0x3cb: {  	_ =	swait.ge [sflag:s0], $0x1000  }
0x3cc: {  	[sflag:s0] =	ssyncset.done $0x0  }
0x3cd: {  	s9 =	simm.s32 $0x0;
	[sflag:s0] =	ssyncadd.s32 $0xFFFFF000  }
0x3ce: {  	v0 =	vld [tilespmem:s9+$0x1ACA0]  }
0x3cf: {  	s10 =	simm.s32 $0x40;
	v1 =	vld [tilespmem:s9+$0x193A0]  }
.LBB2_41:
0x3d0: {  	_ = 	snop  }
0x3d1: {  	p1 =	sne.s32 s10, $0x3FC0  }
.Ltmp22:
0x3d2: {  	_ = 	snop;
	(pc) =	sbr.rel @p1 .LBB2_41-.Ltmp22, $4  }
0x3d3: {  	_ = 	snop  }
0x3d4: {  	s11 =	sshra.s32 s10, $0x2;
	v2 =	vadd.f32 v1, v0  }
0x3d5: {  	v0 =	vld [tilespmem:s11+$0x1ACA0]  }
0x3d6: {  	s10 =	sadd.s32 $0x40, s10;
	v1 =	vld [tilespmem:s11+$0x193A0];
	[tilespmem:s9+$0x1ACA0] =	vst v2;
	s9 =	smov.u32 s11  }
0x3d7: {  	_ =	sdelay $0x3  }
0x3d8: {  	v0 =	vadd.f32 v1, v0;
	_ =	sdelay $0x1  }
0x3d9: {  	[tilespmem:s9+$0x1ACA0] =	vst v0  }
0x3da: {  	[tilespmem:s19], [sflag:$0x3] =	stream.indirect.gather [hbm4b:s26+s15], $0x10, s31, s15, $0xb8;
	[tilespmem:$0x1C5A0] =	vst v63  }
0x3db: {  	_ =	swait.ge [sflag:s0], $0x1000  }
0x3dc: {  	[sflag:s0] =	ssyncset.done $0x0  }
0x3dd: {  	s9 =	simm.s32 $0x0;
	[sflag:s0] =	ssyncadd.s32 $0xFFFFF000  }
0x3de: {  	v0 =	vld [tilespmem:s9+$0x1ACA0]  }
0x3df: {  	s10 =	simm.s32 $0x40;
	v1 =	vld [tilespmem:s9+$0x193A0]  }
.LBB2_43:
0x3e0: {  	_ = 	snop  }
0x3e1: {  	p1 =	sne.s32 s10, $0x3FC0  }
.Ltmp23:
0x3e2: {  	_ = 	snop;
	(pc) =	sbr.rel @p1 .LBB2_43-.Ltmp23, $4  }
0x3e3: {  	_ = 	snop  }
0x3e4: {  	s11 =	sshra.s32 s10, $0x2;
	v2 =	vadd.f32 v1, v0  }
0x3e5: {  	v0 =	vld [tilespmem:s11+$0x1ACA0]  }
0x3e6: {  	s10 =	sadd.s32 $0x40, s10;
	v1 =	vld [tilespmem:s11+$0x193A0];
	[tilespmem:s9+$0x1ACA0] =	vst v2;
	s9 =	smov.u32 s11  }
0x3e7: {  	_ =	sdelay $0x3  }
0x3e8: {  	v0 =	vadd.f32 v1, v0;
	_ =	sdelay $0x1  }
0x3e9: {  	[tilespmem:s9+$0x1ACA0] =	vst v0  }
0x3ea: {  	[tilespmem:s19], [sflag:$0x3] =	stream.indirect.gather [hbm4b:s20+s15], $0x10, s31, s15, $0xb8;
	[tilespmem:$0x1C5A0] =	vst v63  }
0x3eb: {  	_ =	swait.ge [sflag:s0], $0x1000  }
0x3ec: {  	[sflag:s0] =	ssyncset.done $0x0  }
0x3ed: {  	s9 =	simm.s32 $0x0;
	[sflag:s0] =	ssyncadd.s32 $0xFFFFF000  }
0x3ee: {  	v0 =	vld [tilespmem:s9+$0x1ACA0]  }
0x3ef: {  	s10 =	simm.s32 $0x40;
	s11 =	simm.s32 $0x0;
	v1 =	vld [tilespmem:s9+$0x193A0]  }
.LBB2_45:
0x3f0: {  	_ = 	snop  }
0x3f1: {  	p1 =	sne.s32 s10, $0x3FC0  }
.Ltmp24:
0x3f2: {  	_ = 	snop;
	(pc) =	sbr.rel @p1 .LBB2_45-.Ltmp24, $4  }
0x3f3: {  	_ = 	snop  }
0x3f4: {  	s12 =	sshra.s32 s10, $0x2;
	v2 =	vadd.f32 v1, v0  }
0x3f5: {  	v0 =	vld [tilespmem:s12+$0x1ACA0]  }
0x3f6: {  	s10 =	sadd.s32 $0x40, s10;
	v1 =	vld [tilespmem:s12+$0x193A0];
	[tilespmem:s11+$0x1ACA0] =	vst v2;
	s11 =	smov.u32 s12  }
0x3f7: {  	_ =	sdelay $0x3  }
0x3f8: {  	v0 =	vadd.f32 v1, v0;
	_ =	sdelay $0x1  }
0x3f9: {  	[tilespmem:s11+$0x1ACA0] =	vst v0  }
0x3fa: {  	v0 =	vld [tilespmem:s9+$0x1ACA0]  }
0x3fb: {  	s10 =	simm.s32 $0x40  }
.LBB2_47:
0x3fc: {  	p1 =	sne.s32 s10, $0x3FC0  }
.Ltmp25:
0x3fd: {  	_ = 	snop;
	(pc) =	sbr.rel @p1 .LBB2_47-.Ltmp25, $4  }
0x3fe: {  	_ = 	snop  }
0x3ff: {  	s11 =	sshra.s32 s10, $0x2;
	s10 =	sadd.s32 $0x40, s10;
	v1 =	vmul.f32 $2.500000000e-01, v0  }
0x400: {  	v0 =	vld [tilespmem:s11+$0x1ACA0]  }
0x401: {  	[tilespmem:s9+$0x1ACA0] =	vst v1;
	s9 =	smov.u32 s11  }
0x402: {  	_ =	sdelay $0x2  }
0x403: {  	v0 =	vmul.f32 $2.500000000e-01, v0;
	_ =	sdelay $0x1  }
0x404: {  	[tilespmem:s9+$0x1ACA0] =	vst v0  }
0x405: {  	s9 =	rddreg [dreg:$0x11]  }
0x406: {  	[hbm4b:s9+s3] =	stream.linear.scatter [tilespmem:s14], [sflag:$0x7], $0x1000, $0x38;
	[tilespmem:$0x1C5A0] =	vst v63  }
0x407: {  	_ =	swait.ge [sflag:s30], $0x1000  }
0x408: {  	s10 =	rddreg [dreg:$0x18]  }
0x409: {  	s28 =	rddreg [dreg:$0x17];
	s10 =	sadd.s32 $0x1, s10  }
0x40a: {  	p1 =	sne.s32 s10, s28  }
.Ltmp26:
0x40b: {  	_ = 	snop;
	(pc) =	sbr.rel @p1 .LBB2_1-.Ltmp26, $3  }
0x40c: {  	_ =	sdelay $0x1  }
0x40d: {  	[sflag:s30] =	ssyncset.done $0x0  }
0x40e: {  	[sflag:s30] =	ssyncadd.s32 $0xFFFFF000  }
0x40f: {  	_ =	sfence.sel $0x180000  }
0x410: {  	[bflag:$0x0] =	sbarrier.arrive $0xFFFF  }
0x411: {  	_ =	strace $0x90000047  }
0x412: {  	s0 =	stileid.u32;
	[bflag:$0x2] =	sbarrier.arrive $0xFFFF  }
0x413: {  	p0 =	sne.s32 s0, $0x0;
	s0 =	rddreg [dreg:$0x5]  }
0x414: {  	s0 =	sadd.s32 @!p0 $0x100000, s0  }
0x415: {  	[sflag:s0] =	ssyncadd.tile.s32 @!p0 $0x1;
	_ =	shalt  }
.Lfunc_end2:
_tile_overlayer_lowered:
.L_overlay_start_2:
0x416: {  	(tag) =	ssettag $0x2  }
0x417: {  	s0 =	rddreg [dreg:$0x0];
	s2 =	stileid.u32  }
0x418: {  	s1 =	rddreg [dreg:$0x1];
	p0 =	sne.s32 s2, $0x0  }
0x419: {  	s3 =	rddreg [dreg:$0x2];
	[bflag:$0x3] =	sbarrier.arrive $0xFFFF;
	s2 =	simm.s32 @!p0 $0x1C07  }
0x41a: {  	[timem:s3], [sflag:s2] =	dma.local @!p0 [hbm:s0], s1  }
0x41b: {  	s0 =	simm.s32 @!p0 $0x7  }
0x41c: {  	_ =	swait.ge @!p0 [sflag:s0], s1  }
0x41d: {  	s1 =	ssub.s32 @!p0 $0x0, s1;
	[sflag:s0] =	ssyncset.done @!p0 $0x0  }
0x41e: {  	[sflag:s0] =	ssyncadd.s32 @!p0 s1  }
0x41f: {  	[bflag:$0x3] =	sbarrier.arrive $0xFFFF  }
0x420: {  	_ =	shalt  }

</sc_bundles>
